<compile_context>
chip_gen: v7x
topology: tpu7x:2x2x1
jax: 0.10.2.dev20260603
libtpu: 0.0.44.dev20260713+nightly
codegen_flags: <defaults>
</compile_context>

<pallas_src>
import functools
import jax
import jax.numpy as jnp
from jax import lax
from jax.experimental import pallas as pl
from jax.experimental.pallas import tpu as pltpu
from jax.experimental.pallas import tpu_sc as plsc

N = 10000
NP = 10240
TRASH = 10000
E = 320000
EP = 327680
EBLK = 128
NBLK = EP // EBLK
NTILES = 32
BLK_T = NBLK // NTILES
EDG_T = EP // NTILES
PADLIN = N * N
WE = 144
RB = 512
GRID = NP // RB
STRIPE = NP // 16

_mesh = plsc.VectorSubcoreMesh(
    core_axis_name="c", subcore_axis_name="s", num_cores=2, num_subcores=16)


def _zero_rows(ref, nrows, width):
    z = jnp.zeros((16,), jnp.float32)

    def body(r, _):
        for kk in range(width // 16):
            ref[r, pl.ds(kk * 16, 16)] = z
        return 0

    lax.fori_loop(0, nrows, body, 0)


def _k0_body(slinp, ssrc_o, sdst_o, mdst_o, degtab_o, indtab_o,
             slin_v, ssrc_v, sdst_v, mdst_v, sdeg_v, ones_v, zbuf_v,
             degacc, indacc):
    cid = lax.axis_index("c")
    sid = lax.axis_index("s")
    wid = cid * 16 + sid

    pltpu.sync_copy(slinp.at[pl.ds(wid * EDG_T, EDG_T + 16)], slin_v)

    io = lax.iota(jnp.int32, 16)
    onerow = jnp.where(io == 0, 1.0, 0.0).astype(jnp.float32)
    zrow = jnp.zeros((16,), jnp.float32)

    def initrows(r, _):
        ones_v[r, :] = onerow
        return 0
    lax.fori_loop(0, EBLK, initrows, 0)

    def initz(r, _):
        zbuf_v[r, :] = zrow
        return 0
    lax.fori_loop(0, STRIPE, initz, 0)

    degacc_st = degacc.at[pl.ds(sid * STRIPE, STRIPE)]
    indacc_st = indacc.at[pl.ds(sid * STRIPE, STRIPE)]
    pltpu.sync_copy(zbuf_v, degacc_st)
    pltpu.sync_copy(zbuf_v, indacc_st)
    plsc.subcore_barrier()

    def blk(j, _):
        for k in range(8):
            off = 16 + j * EBLK + k * 16
            v = slin_v[pl.ds(off, 16)]
            prev = slin_v[pl.ds(off - 1, 16)]
            s = lax.rem(v, N)
            d = lax.div(v, N)
            head = v != prev
            mm = head & (s != d)
            md = jnp.where(mm, d, TRASH)
            sd = jnp.where(v != PADLIN, s, TRASH)
            ssrc_v[j, pl.ds(k * 16, 16)] = s
            sdst_v[j, pl.ds(k * 16, 16)] = jnp.where(v != PADLIN, d, TRASH)
            mdst_v[j, pl.ds(k * 16, 16)] = md
            sdeg_v[j, pl.ds(k * 16, 16)] = sd
        pltpu.sync_copy(ones_v, degacc.at[sdeg_v.at[j]], add=True)
        pltpu.sync_copy(ones_v, indacc.at[mdst_v.at[j]], add=True)
        return 0

    lax.fori_loop(0, BLK_T, blk, 0)

    rows = pl.ds(wid * BLK_T, BLK_T)
    pltpu.sync_copy(ssrc_v, ssrc_o.at[rows])
    pltpu.sync_copy(sdst_v, sdst_o.at[rows])
    pltpu.sync_copy(mdst_v, mdst_o.at[rows])

    plsc.subcore_barrier()
    st = pl.ds(sid * STRIPE, STRIPE)
    pltpu.sync_copy(degacc.at[st], degtab_o.at[cid, st])
    pltpu.sync_copy(indacc.at[st], indtab_o.at[cid, st])


_sc_params = pltpu.CompilerParams(use_tc_tiling_on_sc=False)

_k0 = pl.kernel(
    _k0_body,
    compiler_params=_sc_params,
    out_type=(
        jax.ShapeDtypeStruct((NBLK, EBLK), jnp.int32),
        jax.ShapeDtypeStruct((NBLK, EBLK), jnp.int32),
        jax.ShapeDtypeStruct((NBLK, EBLK), jnp.int32),
        jax.ShapeDtypeStruct((2, NP, 16), jnp.float32),
        jax.ShapeDtypeStruct((2, NP, 16), jnp.float32),
    ),
    mesh=_mesh,
    scratch_types=(
        pltpu.VMEM((EDG_T + 16,), jnp.int32),
        pltpu.VMEM((BLK_T, EBLK), jnp.int32),
        pltpu.VMEM((BLK_T, EBLK), jnp.int32),
        pltpu.VMEM((BLK_T, EBLK), jnp.int32),
        pltpu.VMEM((BLK_T, EBLK), jnp.int32),
        pltpu.VMEM((EBLK, 16), jnp.float32),
        pltpu.VMEM((STRIPE, 16), jnp.float32),
        pltpu.VMEM_SHARED((NP, 16), jnp.float32),
        pltpu.VMEM_SHARED((NP, 16), jnp.float32),
    ),
)


def _rowpass_body(width, tab, gidx, sidx, outpart,
                  gidx_v, sidx_v, rows_v, acc, sem):
    cid = lax.axis_index("c")
    sid = lax.axis_index("s")
    wid = cid * 16 + sid

    rows = pl.ds(wid * BLK_T, BLK_T)
    pltpu.sync_copy(gidx.at[rows], gidx_v)
    pltpu.sync_copy(sidx.at[rows], sidx_v)

    _zero_rows(rows_v, EBLK, width)
    for q in range(STRIPE // EBLK):
        pltpu.sync_copy(rows_v, acc.at[pl.ds(sid * STRIPE + q * EBLK, EBLK)])
    plsc.subcore_barrier()

    def blk(j, _):
        pltpu.async_copy(tab.at[gidx_v.at[j]], rows_v, sem).wait()
        pltpu.sync_copy(rows_v, acc.at[sidx_v.at[j]], add=True)
        return 0

    lax.fori_loop(0, BLK_T, blk, 0)

    plsc.subcore_barrier()
    st = pl.ds(sid * STRIPE, STRIPE)
    pltpu.sync_copy(acc.at[st], outpart.at[cid, st])


def _make_rowpass(width):
    return pl.kernel(
        functools.partial(_rowpass_body, width),
        compiler_params=_sc_params,
        out_type=jax.ShapeDtypeStruct((2, NP, width), jnp.float32),
        mesh=_mesh,
        scratch_types=(
            pltpu.VMEM((BLK_T, EBLK), jnp.int32),
            pltpu.VMEM((BLK_T, EBLK), jnp.int32),
            pltpu.VMEM((EBLK, width), jnp.float32),
            pltpu.VMEM_SHARED((NP, width), jnp.float32),
            pltpu.SemaphoreType.DMA,
        ),
    )


_agg_pass = _make_rowpass(128)
_eng_pass = _make_rowpass(WE)



def _valid_mask(b):
    rid = b * RB + lax.broadcasted_iota(jnp.int32, (RB, 1), 0)
    return rid < N


def _t1_body(xp, encw, encb, degtab, indtab,
             h0_o, hhat_o, dinv_o, dinv2_o, invdeg_o):
    b = pl.program_id(0)
    valid = _valid_mask(b)
    deg_rw = (degtab[0] + degtab[1])[:, 0:1]
    indeg = (indtab[0] + indtab[1])[:, 0:1]
    deg_gcn = indeg + 1.0
    dinv = jnp.where(valid, lax.rsqrt(deg_gcn), 0.0)
    dinv2 = jnp.where(valid, 1.0 / deg_gcn, 0.0)
    invdeg = jnp.where(valid, 1.0 / jnp.maximum(deg_rw, 1.0), 0.0)
    h0 = lax.dot_general(xp[...], encw[...], (((1,), (1,)), ((), ())),
                         preferred_element_type=jnp.float32) + encb[...]
    h0 = jnp.where(valid, h0, 0.0)
    h0_o[...] = h0
    hhat_o[...] = dinv * h0
    dinv_o[...] = jnp.broadcast_to(dinv, (RB, 128))
    dinv2_o[...] = jnp.broadcast_to(dinv2, (RB, 128))
    invdeg_o[...] = jnp.broadcast_to(invdeg, (RB, 128))


_t1 = pl.pallas_call(
    _t1_body,
    grid=(GRID,),
    in_specs=[
        pl.BlockSpec((RB, 128), lambda b: (b, 0)),
        pl.BlockSpec((128, 128), lambda b: (0, 0)),
        pl.BlockSpec((1, 128), lambda b: (0, 0)),
        pl.BlockSpec((2, RB, 16), lambda b: (0, b, 0)),
        pl.BlockSpec((2, RB, 16), lambda b: (0, b, 0)),
    ],
    out_specs=[pl.BlockSpec((RB, 128), lambda b: (b, 0))] * 5,
    out_shape=[jax.ShapeDtypeStruct((NP, 128), jnp.float32)] * 5,
)


def _energy_from_g(hprev, gsum, valid):
    g = gsum[:, :128]
    win = gsum[:, 128:129]
    rv = gsum[:, 129:130]
    sprev = jnp.sum(hprev * hprev, axis=1, keepdims=True)
    vf = valid.astype(jnp.float32)
    return (0.5 * (jnp.sum(rv * vf) + jnp.sum(sprev * win * vf))
            - jnp.sum(hprev * g))


def _t2_body(has_g, *refs):
    if has_g:
        (hprev, apart, dinv, dinv2, invdeg, w, gpart,
         h_o, hhat_o, e_tab_o, n_o, e_o) = refs
    else:
        (hprev, apart, dinv, dinv2, invdeg, w,
         h_o, hhat_o, e_tab_o, n_o) = refs
    b = pl.program_id(0)
    valid = _valid_mask(b)
    a = apart[0] + apart[1]
    u = dinv[...] * a + dinv2[...] * hprev[...]
    hl = lax.dot_general(u, w[...], (((1,), (1,)), ((), ())),
                         preferred_element_type=jnp.float32)
    hl = jnp.where(valid, jnp.maximum(hl, 0.0), 0.0)
    h_o[...] = hl
    hhat_o[...] = dinv[...] * hl
    sl = jnp.sum(hl * hl, axis=1, keepdims=True)
    ic = invdeg[:, 0:1]
    e_tab_o[...] = jnp.concatenate(
        [invdeg[...] * hl, ic, ic * sl, jnp.zeros((RB, WE - 130), jnp.float32)],
        axis=1)

    @pl.when(b == 0)
    def _():
        n_o[...] = jnp.zeros((1, 1), jnp.float32)
        if has_g:
            e_o[...] = jnp.zeros((1, 1), jnp.float32)

    n_o[...] += jnp.sum(hl * hl).reshape(1, 1)
    if has_g:
        e_o[...] += _energy_from_g(
            hprev[...], gpart[0] + gpart[1], valid).reshape(1, 1)


def _make_t2(has_g):
    in_specs = [
        pl.BlockSpec((RB, 128), lambda b: (b, 0)),
        pl.BlockSpec((2, RB, 128), lambda b: (0, b, 0)),
        pl.BlockSpec((RB, 128), lambda b: (b, 0)),
        pl.BlockSpec((RB, 128), lambda b: (b, 0)),
        pl.BlockSpec((RB, 128), lambda b: (b, 0)),
        pl.BlockSpec((128, 128), lambda b: (0, 0)),
    ]
    out_specs = [
        pl.BlockSpec((RB, 128), lambda b: (b, 0)),
        pl.BlockSpec((RB, 128), lambda b: (b, 0)),
        pl.BlockSpec((RB, WE), lambda b: (b, 0)),
        pl.BlockSpec((1, 1), lambda b: (0, 0)),
    ]
    out_shape = [
        jax.ShapeDtypeStruct((NP, 128), jnp.float32),
        jax.ShapeDtypeStruct((NP, 128), jnp.float32),
        jax.ShapeDtypeStruct((NP, WE), jnp.float32),
        jax.ShapeDtypeStruct((1, 1), jnp.float32),
    ]
    if has_g:
        in_specs.append(pl.BlockSpec((2, RB, WE), lambda b: (0, b, 0)))
        out_specs.append(pl.BlockSpec((1, 1), lambda b: (0, 0)))
        out_shape.append(jax.ShapeDtypeStruct((1, 1), jnp.float32))
    return pl.pallas_call(
        functools.partial(_t2_body, has_g),
        grid=(GRID,),
        in_specs=in_specs,
        out_specs=out_specs,
        out_shape=out_shape,
    )


_t2_first = _make_t2(False)
_t2_rest = _make_t2(True)


def _t3_body(hprev, gpart, e_o):
    b = pl.program_id(0)
    valid = _valid_mask(b)

    @pl.when(b == 0)
    def _():
        e_o[...] = jnp.zeros((1, 1), jnp.float32)

    e_o[...] += _energy_from_g(
        hprev[...], gpart[0] + gpart[1], valid).reshape(1, 1)


_t3 = pl.pallas_call(
    _t3_body,
    grid=(GRID,),
    in_specs=[
        pl.BlockSpec((RB, 128), lambda b: (b, 0)),
        pl.BlockSpec((2, RB, WE), lambda b: (0, b, 0)),
    ],
    out_specs=pl.BlockSpec((1, 1), lambda b: (0, 0)),
    out_shape=jax.ShapeDtypeStruct((1, 1), jnp.float32),
)


def kernel(x, edge_index, enc_W, enc_b, W0, W1, W2):
    src = edge_index[0].astype(jnp.int32)
    dst = edge_index[1].astype(jnp.int32)
    lin = dst * N + src
    linp = jnp.concatenate([lin, jnp.full((EP - E,), PADLIN, jnp.int32)])
    slin = jnp.sort(linp)
    slinp = jnp.concatenate([jnp.full((16,), -1, jnp.int32), slin])
    xp = jnp.pad(x, ((0, NP - N), (0, 0)))

    ssrc, sdst, mdst, degtab, indtab = _k0(slinp)
    h0, hhat0, dinvB, dinv2B, invdegB = _t1(
        xp, enc_W, enc_b.reshape(1, 128), degtab, indtab)

    ap1 = _agg_pass(hhat0, ssrc, mdst)
    h1, hhat1, et1, n1 = _t2_first(h0, ap1, dinvB, dinv2B, invdegB, W0)

    gp1 = _eng_pass(et1, ssrc, sdst)
    ap2 = _agg_pass(hhat1, ssrc, mdst)
    h2, hhat2, et2, n2, e1 = _t2_rest(
        h1, ap2, dinvB, dinv2B, invdegB, W1, gp1)

    gp2 = _eng_pass(et2, ssrc, sdst)
    ap3 = _agg_pass(hhat2, ssrc, mdst)
    h3, _, et3, n3, e2 = _t2_rest(
        h2, ap3, dinvB, dinv2B, invdegB, W2, gp2)

    gp3 = _eng_pass(et3, ssrc, sdst)
    e3 = _t3(h3, gp3)

    energies = jnp.stack([e1[0, 0], e2[0, 0], e3[0, 0]])
    norms = jnp.stack([n1[0, 0], n2[0, 0], n3[0, 0]])
    return energies, norms

# --- scband reference (transcript-rebuilt; emitter-appended) ---
"""Pipeline reference for scband-simple-model-13357348291070 (READ-ONLY COPY).

The authoritative reference and input builder live on the scoring server;
editing this copy changes nothing except your own understanding.
"""

import jax, jax.numpy as jnp
import numpy as np

N_NODES = 10000
E_EDGES = 320000
IN_DIM = 128
H_DIM = 128
NUM_LAYERS = 3


def _model(x, edge_index, enc_W, enc_b, Ws):
    # Emulates: A = to_dense_adj(edge_index)[0]; D_inv = diag(1/rowsum(A)); A_rw = D_inv @ A;
    # edge_index_u, edge_weights = dense_to_sparse(A_rw)  -- i.e. deduplicated edges with
    # weight = multiplicity / out_degree(src).  GCNConv layers then use the deduplicated
    # edge structure with add_self_loops=True, bias=False.
    N = x.shape[0]
    src = edge_index[0].astype(jnp.int32)
    dst = edge_index[1].astype(jnp.int32)
    E = src.shape[0]
    lin = src * N + dst
    uniq, counts = jnp.unique(lin, size=E, fill_value=0, return_counts=True)
    valid = counts > 0
    usrc = uniq // N
    udst = uniq % N
    # random-walk edge weights from dense_to_sparse(D_inv @ A)
    deg_rw = jnp.zeros((N,), jnp.float32).at[src].add(1.0)
    denom = jnp.where(deg_rw[usrc] > 0, deg_rw[usrc], 1.0)
    w_rw = jnp.where(valid, counts.astype(jnp.float32) / denom, 0.0)
    # GCN normalization (add_remaining_self_loops with weight 1, sym norm)
    nonself = valid & (usrc != udst)
    indeg = jnp.zeros((N,), jnp.float32).at[udst].add(nonself.astype(jnp.float32))
    deg_gcn = indeg + 1.0
    dinv = 1.0 / jnp.sqrt(deg_gcn)
    norm_e = jnp.where(nonself, dinv[usrc] * dinv[udst], 0.0)
    h = x @ enc_W.T + enc_b
    energies = []
    norms = []
    for W in Ws:
        m = h @ W.T
        agg = jnp.zeros_like(m).at[udst].add(norm_e[:, None] * m[usrc])
        h = agg + m * (1.0 / deg_gcn)[:, None]
        h = jax.nn.relu(h)
        diff = h[usrc] - h[udst]
        e = jnp.sum(w_rw * jnp.sum(diff * diff, axis=1)) / 2.0
        energies.append(e)
        norms.append(jnp.sum(h * h))
    return jnp.stack(energies), jnp.stack(norms)


def setup_inputs(seed: int = 0):
    key = jax.random.key(seed)
    ks = jax.random.split(key, 7)
    x = jax.random.normal(ks[0], (N_NODES, IN_DIM), dtype=jnp.float32)
    edge_index = jax.random.randint(ks[1], (2, E_EDGES), 0, N_NODES, dtype=jnp.int32)
    enc_W = jax.random.normal(ks[2], (H_DIM, IN_DIM), dtype=jnp.float32) * (1.0 / np.sqrt(IN_DIM))
    enc_b = jax.random.normal(ks[3], (H_DIM,), dtype=jnp.float32) * 0.02
    # scale_weights=2.0 applied to conv weight init
    W0 = jax.random.normal(ks[4], (H_DIM, H_DIM), dtype=jnp.float32) * (2.0 / np.sqrt(H_DIM))
    W1 = jax.random.normal(ks[5], (H_DIM, H_DIM), dtype=jnp.float32) * (2.0 / np.sqrt(H_DIM))
    W2 = jax.random.normal(ks[6], (H_DIM, H_DIM), dtype=jnp.float32) * (2.0 / np.sqrt(H_DIM))
    return {"x": x, "edge_index": edge_index, "enc_W": enc_W, "enc_b": enc_b, "W0": W0, "W1": W1, "W2": W2}


def reference(x, edge_index, enc_W, enc_b, W0, W1, W2):
    return _model(x, edge_index, enc_W, enc_b, (W0, W1, W2))

if __name__ == "__main__":
    import jax
    _d = setup_inputs()
    print(jax.jit(kernel)(*tuple(_d.values())))

</pallas_src>

<mosaic_0001>
#map = affine_map<(d0, d1) -> (0, 0)>
#map1 = affine_map<(d0, d1) -> (0, 0, 0)>
module attributes {stable_mosaic.version = 14 : i64} {
  func.func @_rowpass_body(%arg0: i32, %arg1: i32, %arg2: memref<10240x128xf32, #tpu.memory_space<hbm>>, %arg3: memref<2560x128xi32, #tpu.memory_space<hbm>>, %arg4: memref<2560x128xi32, #tpu.memory_space<hbm>>, %arg5: memref<2x10240x128xf32, #tpu.memory_space<hbm>>, %arg6: memref<80x128xi32, #tpu.memory_space<vmem>>, %arg7: memref<80x128xi32, #tpu.memory_space<vmem>>, %arg8: memref<128x128xf32, #tpu.memory_space<vmem>>, %arg9: memref<10240x128xf32, #tpu.memory_space<vmem_shared>>, %arg10: memref<!tpu.dma_semaphore, #tpu.memory_space<semaphore_mem>>) attributes {dimension_semantics = [#tpu.dimension_semantics<core_parallel>, #tpu.dimension_semantics<subcore_parallel>], iteration_bounds = array<i64: 2, 16>, scalar_prefetch = 0 : i64, scratch_operands = 5 : i64, tpu.core_type = #tpu.core_type<sc_vector_subcore>, window_params = [{transform_indices = #map}, {transform_indices = #map}, {transform_indices = #map}, {transform_indices = #map1}]} {
    %mul3A = arith.constant 16 : i32
    %mul3A_0 = arith.muli %arg0, %mul3A : i32
    %add3A = arith.addi %mul3A_0, %arg1 : i32
    %mul3A_1 = arith.constant 80 : i32
    %mul3A_2 = arith.muli %add3A, %mul3A_1 : i32
    "tpu.region"() ({
      %run_scoped3A = tpu.sem_alloc : memref<!tpu.dma_semaphore, #tpu.memory_space<semaphore_mem>>
      %dma_start3A = arith.constant 0 : i32
      %dma_start3A_40 = tpu.memref_slice %arg3[%mul3A_2, %dma_start3A] : memref<2560x128xi32, #tpu.memory_space<hbm>> -> memref<80x128xi32, #tpu.memory_space<hbm>>
      %dma_start3A_41 = arith.constant 0 : i32
      %dma_start3A_42 = tpu.memref_slice %arg3[%mul3A_2, %dma_start3A_41] : memref<2560x128xi32, #tpu.memory_space<hbm>> -> memref<80x128xi32, #tpu.memory_space<hbm>>
      tpu.enqueue_dma source(%dma_start3A_42 : memref<80x128xi32, #tpu.memory_space<hbm>>) target(%arg6 : memref<80x128xi32, #tpu.memory_space<vmem>>) target_semaphore(%run_scoped3A : memref<!tpu.dma_semaphore, #tpu.memory_space<semaphore_mem>>)
      %dma_wait3A = arith.constant 0 : i32
      %dma_wait3A_43 = tpu.memref_slice %arg3[%mul3A_2, %dma_wait3A] : memref<2560x128xi32, #tpu.memory_space<hbm>> -> memref<80x128xi32, #tpu.memory_space<hbm>>
      %dma_wait3A_44 = arith.constant 0 : i32
      %dma_wait3A_45 = tpu.memref_slice %arg3[%mul3A_2, %dma_wait3A_44] : memref<2560x128xi32, #tpu.memory_space<hbm>> -> memref<80x128xi32, #tpu.memory_space<hbm>>
      tpu.wait_dma2 semaphore(%run_scoped3A : memref<!tpu.dma_semaphore, #tpu.memory_space<semaphore_mem>>) src(%dma_wait3A_45 : memref<80x128xi32, #tpu.memory_space<hbm>>) dst(%arg6 : memref<80x128xi32, #tpu.memory_space<vmem>>)
      tpu.yield
    }) : () -> ()
    "tpu.region"() ({
      %run_scoped3A = tpu.sem_alloc : memref<!tpu.dma_semaphore, #tpu.memory_space<semaphore_mem>>
      %dma_start3A = arith.constant 0 : i32
      %dma_start3A_40 = tpu.memref_slice %arg4[%mul3A_2, %dma_start3A] : memref<2560x128xi32, #tpu.memory_space<hbm>> -> memref<80x128xi32, #tpu.memory_space<hbm>>
      %dma_start3A_41 = arith.constant 0 : i32
      %dma_start3A_42 = tpu.memref_slice %arg4[%mul3A_2, %dma_start3A_41] : memref<2560x128xi32, #tpu.memory_space<hbm>> -> memref<80x128xi32, #tpu.memory_space<hbm>>
      tpu.enqueue_dma source(%dma_start3A_42 : memref<80x128xi32, #tpu.memory_space<hbm>>) target(%arg7 : memref<80x128xi32, #tpu.memory_space<vmem>>) target_semaphore(%run_scoped3A : memref<!tpu.dma_semaphore, #tpu.memory_space<semaphore_mem>>)
      %dma_wait3A = arith.constant 0 : i32
      %dma_wait3A_43 = tpu.memref_slice %arg4[%mul3A_2, %dma_wait3A] : memref<2560x128xi32, #tpu.memory_space<hbm>> -> memref<80x128xi32, #tpu.memory_space<hbm>>
      %dma_wait3A_44 = arith.constant 0 : i32
      %dma_wait3A_45 = tpu.memref_slice %arg4[%mul3A_2, %dma_wait3A_44] : memref<2560x128xi32, #tpu.memory_space<hbm>> -> memref<80x128xi32, #tpu.memory_space<hbm>>
      tpu.wait_dma2 semaphore(%run_scoped3A : memref<!tpu.dma_semaphore, #tpu.memory_space<semaphore_mem>>) src(%dma_wait3A_45 : memref<80x128xi32, #tpu.memory_space<hbm>>) dst(%arg7 : memref<80x128xi32, #tpu.memory_space<vmem>>)
      tpu.yield
    }) : () -> ()
    %broadcast_in_dim3A = arith.constant 0.000000e+00 : f32
    %broadcast_in_dim3A_3 = vector.broadcast %broadcast_in_dim3A : f32 to vector<16xf32>
    %scan3A = arith.constant 0 : i32
    %scan3A_4 = arith.constant 0 : i32
    %scan3A_5 = arith.constant 128 : i32
    %scan3A_6 = arith.addi %scan3A_4, %scan3A_5 : i32
    %scan3A_7 = arith.constant 1 : i32
    %scan3A_8 = scf.for %scan3A_40 = %scan3A_4 to %scan3A_6 step %scan3A_7 iter_args(%scan3A_41 = %scan3A) -> (i32)  : i32 {
      %swap3A = arith.index_cast %scan3A_40 : i32 to index
      %swap3A_42 = arith.constant 0 : index
      %swap3A_43 = tpu.vector_load %arg8[%swap3A, %swap3A_42] {strides = array<i32>} : memref<128x128xf32, #tpu.memory_space<vmem>>, vector<1x16xf32>,
      %swap3A_44 = vector.shape_cast %swap3A_43 : vector<1x16xf32> to vector<16xf32>
      %swap3A_45 = vector.shape_cast %broadcast_in_dim3A_3 : vector<16xf32> to vector<1x16xf32>
      tpu.vector_store %arg8[%swap3A, %swap3A_42], %swap3A_45 {strides = array<i32>} : memref<128x128xf32, #tpu.memory_space<vmem>>, vector<1x16xf32>,
      %swap3A_46 = arith.index_cast %scan3A_40 : i32 to index
      %swap3A_47 = arith.constant 16 : index
      %swap3A_48 = tpu.vector_load %arg8[%swap3A_46, %swap3A_47] {strides = array<i32>} : memref<128x128xf32, #tpu.memory_space<vmem>>, vector<1x16xf32>,
      %swap3A_49 = vector.shape_cast %swap3A_48 : vector<1x16xf32> to vector<16xf32>
      %swap3A_50 = vector.shape_cast %broadcast_in_dim3A_3 : vector<16xf32> to vector<1x16xf32>
      tpu.vector_store %arg8[%swap3A_46, %swap3A_47], %swap3A_50 {strides = array<i32>} : memref<128x128xf32, #tpu.memory_space<vmem>>, vector<1x16xf32>,
      %swap3A_51 = arith.index_cast %scan3A_40 : i32 to index
      %swap3A_52 = arith.constant 32 : index
      %swap3A_53 = tpu.vector_load %arg8[%swap3A_51, %swap3A_52] {strides = array<i32>} : memref<128x128xf32, #tpu.memory_space<vmem>>, vector<1x16xf32>,
      %swap3A_54 = vector.shape_cast %swap3A_53 : vector<1x16xf32> to vector<16xf32>
      %swap3A_55 = vector.shape_cast %broadcast_in_dim3A_3 : vector<16xf32> to vector<1x16xf32>
      tpu.vector_store %arg8[%swap3A_51, %swap3A_52], %swap3A_55 {strides = array<i32>} : memref<128x128xf32, #tpu.memory_space<vmem>>, vector<1x16xf32>,
      %swap3A_56 = arith.index_cast %scan3A_40 : i32 to index
      %swap3A_57 = arith.constant 48 : index
      %swap3A_58 = tpu.vector_load %arg8[%swap3A_56, %swap3A_57] {strides = array<i32>} : memref<128x128xf32, #tpu.memory_space<vmem>>, vector<1x16xf32>,
      %swap3A_59 = vector.shape_cast %swap3A_58 : vector<1x16xf32> to vector<16xf32>
      %swap3A_60 = vector.shape_cast %broadcast_in_dim3A_3 : vector<16xf32> to vector<1x16xf32>
      tpu.vector_store %arg8[%swap3A_56, %swap3A_57], %swap3A_60 {strides = array<i32>} : memref<128x128xf32, #tpu.memory_space<vmem>>, vector<1x16xf32>,
      %swap3A_61 = arith.index_cast %scan3A_40 : i32 to index
      %swap3A_62 = arith.constant 64 : index
      %swap3A_63 = tpu.vector_load %arg8[%swap3A_61, %swap3A_62] {strides = array<i32>} : memref<128x128xf32, #tpu.memory_space<vmem>>, vector<1x16xf32>,
      %swap3A_64 = vector.shape_cast %swap3A_63 : vector<1x16xf32> to vector<16xf32>
      %swap3A_65 = vector.shape_cast %broadcast_in_dim3A_3 : vector<16xf32> to vector<1x16xf32>
      tpu.vector_store %arg8[%swap3A_61, %swap3A_62], %swap3A_65 {strides = array<i32>} : memref<128x128xf32, #tpu.memory_space<vmem>>, vector<1x16xf32>,
      %swap3A_66 = arith.index_cast %scan3A_40 : i32 to index
      %swap3A_67 = arith.constant 80 : index
      %swap3A_68 = tpu.vector_load %arg8[%swap3A_66, %swap3A_67] {strides = array<i32>} : memref<128x128xf32, #tpu.memory_space<vmem>>, vector<1x16xf32>,
      %swap3A_69 = vector.shape_cast %swap3A_68 : vector<1x16xf32> to vector<16xf32>
      %swap3A_70 = vector.shape_cast %broadcast_in_dim3A_3 : vector<16xf32> to vector<1x16xf32>
      tpu.vector_store %arg8[%swap3A_66, %swap3A_67], %swap3A_70 {strides = array<i32>} : memref<128x128xf32, #tpu.memory_space<vmem>>, vector<1x16xf32>,
      %swap3A_71 = arith.index_cast %scan3A_40 : i32 to index
      %swap3A_72 = arith.constant 96 : index
      %swap3A_73 = tpu.vector_load %arg8[%swap3A_71, %swap3A_72] {strides = array<i32>} : memref<128x128xf32, #tpu.memory_space<vmem>>, vector<1x16xf32>,
      %swap3A_74 = vector.shape_cast %swap3A_73 : vector<1x16xf32> to vector<16xf32>
      %swap3A_75 = vector.shape_cast %broadcast_in_dim3A_3 : vector<16xf32> to vector<1x16xf32>
      tpu.vector_store %arg8[%swap3A_71, %swap3A_72], %swap3A_75 {strides = array<i32>} : memref<128x128xf32, #tpu.memory_space<vmem>>, vector<1x16xf32>,
      %swap3A_76 = arith.index_cast %scan3A_40 : i32 to index
      %swap3A_77 = arith.constant 112 : index
      %swap3A_78 = tpu.vector_load %arg8[%swap3A_76, %swap3A_77] {strides = array<i32>} : memref<128x128xf32, #tpu.memory_space<vmem>>, vector<1x16xf32>,
      %swap3A_79 = vector.shape_cast %swap3A_78 : vector<1x16xf32> to vector<16xf32>
      %swap3A_80 = vector.shape_cast %broadcast_in_dim3A_3 : vector<16xf32> to vector<1x16xf32>
      tpu.vector_store %arg8[%swap3A_76, %swap3A_77], %swap3A_80 {strides = array<i32>} : memref<128x128xf32, #tpu.memory_space<vmem>>, vector<1x16xf32>,
      %scan3A_81 = arith.constant 0 : i32
      scf.yield %scan3A_81 : i32
    }
    %scan3A_9 = arith.constant 128 : i32
    %mul3A_10 = arith.constant 640 : i32
    %mul3A_11 = arith.muli %arg1, %mul3A_10 : i32
    %add3A_12 = arith.constant 0 : i32
    %add3A_13 = arith.addi %mul3A_11, %add3A_12 : i32
    "tpu.region"() ({
      %run_scoped3A = tpu.sem_alloc : memref<!tpu.dma_semaphore, #tpu.memory_space<semaphore_mem>>
      %dma_start3A = arith.constant 0 : i32
      %dma_start3A_40 = tpu.memref_slice %arg9[%add3A_13, %dma_start3A] : memref<10240x128xf32, #tpu.memory_space<vmem_shared>> -> memref<128x128xf32, #tpu.memory_space<vmem_shared>>
      %dma_start3A_41 = arith.constant 0 : i32
      %dma_start3A_42 = tpu.memref_slice %arg9[%add3A_13, %dma_start3A_41] : memref<10240x128xf32, #tpu.memory_space<vmem_shared>> -> memref<128x128xf32, #tpu.memory_space<vmem_shared>>
      tpu.enqueue_dma source(%arg8 : memref<128x128xf32, #tpu.memory_space<vmem>>) target(%dma_start3A_42 : memref<128x128xf32, #tpu.memory_space<vmem_shared>>) target_semaphore(%run_scoped3A : memref<!tpu.dma_semaphore, #tpu.memory_space<semaphore_mem>>)
      %dma_wait3A = arith.constant 0 : i32
      %dma_wait3A_43 = tpu.memref_slice %arg9[%add3A_13, %dma_wait3A] : memref<10240x128xf32, #tpu.memory_space<vmem_shared>> -> memref<128x128xf32, #tpu.memory_space<vmem_shared>>
      %dma_wait3A_44 = arith.constant 0 : i32
      %dma_wait3A_45 = tpu.memref_slice %arg9[%add3A_13, %dma_wait3A_44] : memref<10240x128xf32, #tpu.memory_space<vmem_shared>> -> memref<128x128xf32, #tpu.memory_space<vmem_shared>>
      tpu.wait_dma2 semaphore(%run_scoped3A : memref<!tpu.dma_semaphore, #tpu.memory_space<semaphore_mem>>) src(%arg8 : memref<128x128xf32, #tpu.memory_space<vmem>>) dst(%dma_wait3A_45 : memref<128x128xf32, #tpu.memory_space<vmem_shared>>)
      tpu.yield
    }) : () -> ()
    %mul3A_14 = arith.constant 640 : i32
    %mul3A_15 = arith.muli %arg1, %mul3A_14 : i32
    %add3A_16 = arith.constant 128 : i32
    %add3A_17 = arith.addi %mul3A_15, %add3A_16 : i32
    "tpu.region"() ({
      %run_scoped3A = tpu.sem_alloc : memref<!tpu.dma_semaphore, #tpu.memory_space<semaphore_mem>>
      %dma_start3A = arith.constant 0 : i32
      %dma_start3A_40 = tpu.memref_slice %arg9[%add3A_17, %dma_start3A] : memref<10240x128xf32, #tpu.memory_space<vmem_shared>> -> memref<128x128xf32, #tpu.memory_space<vmem_shared>>
      %dma_start3A_41 = arith.constant 0 : i32
      %dma_start3A_42 = tpu.memref_slice %arg9[%add3A_17, %dma_start3A_41] : memref<10240x128xf32, #tpu.memory_space<vmem_shared>> -> memref<128x128xf32, #tpu.memory_space<vmem_shared>>
      tpu.enqueue_dma source(%arg8 : memref<128x128xf32, #tpu.memory_space<vmem>>) target(%dma_start3A_42 : memref<128x128xf32, #tpu.memory_space<vmem_shared>>) target_semaphore(%run_scoped3A : memref<!tpu.dma_semaphore, #tpu.memory_space<semaphore_mem>>)
      %dma_wait3A = arith.constant 0 : i32
      %dma_wait3A_43 = tpu.memref_slice %arg9[%add3A_17, %dma_wait3A] : memref<10240x128xf32, #tpu.memory_space<vmem_shared>> -> memref<128x128xf32, #tpu.memory_space<vmem_shared>>
      %dma_wait3A_44 = arith.constant 0 : i32
      %dma_wait3A_45 = tpu.memref_slice %arg9[%add3A_17, %dma_wait3A_44] : memref<10240x128xf32, #tpu.memory_space<vmem_shared>> -> memref<128x128xf32, #tpu.memory_space<vmem_shared>>
      tpu.wait_dma2 semaphore(%run_scoped3A : memref<!tpu.dma_semaphore, #tpu.memory_space<semaphore_mem>>) src(%arg8 : memref<128x128xf32, #tpu.memory_space<vmem>>) dst(%dma_wait3A_45 : memref<128x128xf32, #tpu.memory_space<vmem_shared>>)
      tpu.yield
    }) : () -> ()
    %mul3A_18 = arith.constant 640 : i32
    %mul3A_19 = arith.muli %arg1, %mul3A_18 : i32
    %add3A_20 = arith.constant 256 : i32
    %add3A_21 = arith.addi %mul3A_19, %add3A_20 : i32
    "tpu.region"() ({
      %run_scoped3A = tpu.sem_alloc : memref<!tpu.dma_semaphore, #tpu.memory_space<semaphore_mem>>
      %dma_start3A = arith.constant 0 : i32
      %dma_start3A_40 = tpu.memref_slice %arg9[%add3A_21, %dma_start3A] : memref<10240x128xf32, #tpu.memory_space<vmem_shared>> -> memref<128x128xf32, #tpu.memory_space<vmem_shared>>
      %dma_start3A_41 = arith.constant 0 : i32
      %dma_start3A_42 = tpu.memref_slice %arg9[%add3A_21, %dma_start3A_41] : memref<10240x128xf32, #tpu.memory_space<vmem_shared>> -> memref<128x128xf32, #tpu.memory_space<vmem_shared>>
      tpu.enqueue_dma source(%arg8 : memref<128x128xf32, #tpu.memory_space<vmem>>) target(%dma_start3A_42 : memref<128x128xf32, #tpu.memory_space<vmem_shared>>) target_semaphore(%run_scoped3A : memref<!tpu.dma_semaphore, #tpu.memory_space<semaphore_mem>>)
      %dma_wait3A = arith.constant 0 : i32
      %dma_wait3A_43 = tpu.memref_slice %arg9[%add3A_21, %dma_wait3A] : memref<10240x128xf32, #tpu.memory_space<vmem_shared>> -> memref<128x128xf32, #tpu.memory_space<vmem_shared>>
      %dma_wait3A_44 = arith.constant 0 : i32
      %dma_wait3A_45 = tpu.memref_slice %arg9[%add3A_21, %dma_wait3A_44] : memref<10240x128xf32, #tpu.memory_space<vmem_shared>> -> memref<128x128xf32, #tpu.memory_space<vmem_shared>>
      tpu.wait_dma2 semaphore(%run_scoped3A : memref<!tpu.dma_semaphore, #tpu.memory_space<semaphore_mem>>) src(%arg8 : memref<128x128xf32, #tpu.memory_space<vmem>>) dst(%dma_wait3A_45 : memref<128x128xf32, #tpu.memory_space<vmem_shared>>)
      tpu.yield
    }) : () -> ()
    %mul3A_22 = arith.constant 640 : i32
    %mul3A_23 = arith.muli %arg1, %mul3A_22 : i32
    %add3A_24 = arith.constant 384 : i32
    %add3A_25 = arith.addi %mul3A_23, %add3A_24 : i32
    "tpu.region"() ({
      %run_scoped3A = tpu.sem_alloc : memref<!tpu.dma_semaphore, #tpu.memory_space<semaphore_mem>>
      %dma_start3A = arith.constant 0 : i32
      %dma_start3A_40 = tpu.memref_slice %arg9[%add3A_25, %dma_start3A] : memref<10240x128xf32, #tpu.memory_space<vmem_shared>> -> memref<128x128xf32, #tpu.memory_space<vmem_shared>>
      %dma_start3A_41 = arith.constant 0 : i32
      %dma_start3A_42 = tpu.memref_slice %arg9[%add3A_25, %dma_start3A_41] : memref<10240x128xf32, #tpu.memory_space<vmem_shared>> -> memref<128x128xf32, #tpu.memory_space<vmem_shared>>
      tpu.enqueue_dma source(%arg8 : memref<128x128xf32, #tpu.memory_space<vmem>>) target(%dma_start3A_42 : memref<128x128xf32, #tpu.memory_space<vmem_shared>>) target_semaphore(%run_scoped3A : memref<!tpu.dma_semaphore, #tpu.memory_space<semaphore_mem>>)
      %dma_wait3A = arith.constant 0 : i32
      %dma_wait3A_43 = tpu.memref_slice %arg9[%add3A_25, %dma_wait3A] : memref<10240x128xf32, #tpu.memory_space<vmem_shared>> -> memref<128x128xf32, #tpu.memory_space<vmem_shared>>
      %dma_wait3A_44 = arith.constant 0 : i32
      %dma_wait3A_45 = tpu.memref_slice %arg9[%add3A_25, %dma_wait3A_44] : memref<10240x128xf32, #tpu.memory_space<vmem_shared>> -> memref<128x128xf32, #tpu.memory_space<vmem_shared>>
      tpu.wait_dma2 semaphore(%run_scoped3A : memref<!tpu.dma_semaphore, #tpu.memory_space<semaphore_mem>>) src(%arg8 : memref<128x128xf32, #tpu.memory_space<vmem>>) dst(%dma_wait3A_45 : memref<128x128xf32, #tpu.memory_space<vmem_shared>>)
      tpu.yield
    }) : () -> ()
    %mul3A_26 = arith.constant 640 : i32
    %mul3A_27 = arith.muli %arg1, %mul3A_26 : i32
    %add3A_28 = arith.constant 512 : i32
    %add3A_29 = arith.addi %mul3A_27, %add3A_28 : i32
    "tpu.region"() ({
      %run_scoped3A = tpu.sem_alloc : memref<!tpu.dma_semaphore, #tpu.memory_space<semaphore_mem>>
      %dma_start3A = arith.constant 0 : i32
      %dma_start3A_40 = tpu.memref_slice %arg9[%add3A_29, %dma_start3A] : memref<10240x128xf32, #tpu.memory_space<vmem_shared>> -> memref<128x128xf32, #tpu.memory_space<vmem_shared>>
      %dma_start3A_41 = arith.constant 0 : i32
      %dma_start3A_42 = tpu.memref_slice %arg9[%add3A_29, %dma_start3A_41] : memref<10240x128xf32, #tpu.memory_space<vmem_shared>> -> memref<128x128xf32, #tpu.memory_space<vmem_shared>>
      tpu.enqueue_dma source(%arg8 : memref<128x128xf32, #tpu.memory_space<vmem>>) target(%dma_start3A_42 : memref<128x128xf32, #tpu.memory_space<vmem_shared>>) target_semaphore(%run_scoped3A : memref<!tpu.dma_semaphore, #tpu.memory_space<semaphore_mem>>)
      %dma_wait3A = arith.constant 0 : i32
      %dma_wait3A_43 = tpu.memref_slice %arg9[%add3A_29, %dma_wait3A] : memref<10240x128xf32, #tpu.memory_space<vmem_shared>> -> memref<128x128xf32, #tpu.memory_space<vmem_shared>>
      %dma_wait3A_44 = arith.constant 0 : i32
      %dma_wait3A_45 = tpu.memref_slice %arg9[%add3A_29, %dma_wait3A_44] : memref<10240x128xf32, #tpu.memory_space<vmem_shared>> -> memref<128x128xf32, #tpu.memory_space<vmem_shared>>
      tpu.wait_dma2 semaphore(%run_scoped3A : memref<!tpu.dma_semaphore, #tpu.memory_space<semaphore_mem>>) src(%arg8 : memref<128x128xf32, #tpu.memory_space<vmem>>) dst(%dma_wait3A_45 : memref<128x128xf32, #tpu.memory_space<vmem_shared>>)
      tpu.yield
    }) : () -> ()
    %barrier3A = arith.constant 0 : index
    tpu.barrier barrier_id(%barrier3A)
    %scan3A_30 = arith.constant 0 : i32
    %scan3A_31 = arith.constant 0 : i32
    %scan3A_32 = arith.constant 80 : i32
    %scan3A_33 = arith.addi %scan3A_31, %scan3A_32 : i32
    %scan3A_34 = arith.constant 1 : i32
    %scan3A_35 = scf.for %scan3A_40 = %scan3A_31 to %scan3A_33 step %scan3A_34 iter_args(%scan3A_41 = %scan3A_30) -> (i32)  : i32 {
      %dma_start3A = arith.constant 0 : i32
      %dma_start3A_42 = tpu.memref_slice %arg6[%scan3A_40, %dma_start3A] : memref<80x128xi32, #tpu.memory_space<vmem>> -> memref<1x128xi32, #tpu.memory_space<vmem>>
      %dma_start3A_43 = tpu.memref_squeeze %dma_start3A_42 : memref<1x128xi32, #tpu.memory_space<vmem>> -> memref<128xi32, #tpu.memory_space<vmem>>
      %dma_start3A_44 = arith.constant 0 : i32
      %dma_start3A_45 = arith.constant 0 : i32
      %dma_start3A_46 = tpu.memref_slice %arg2[%dma_start3A_44, %dma_start3A_45] : memref<10240x128xf32, #tpu.memory_space<hbm>> -> memref<10240x128xf32, #tpu.memory_space<hbm>>
      tpu.enqueue_indirect_dma source(%dma_start3A_46 : memref<10240x128xf32, #tpu.memory_space<hbm>>) target(%arg8 : memref<128x128xf32, #tpu.memory_space<vmem>>) offsets(%dma_start3A_43 : memref<128xi32, #tpu.memory_space<vmem>>) semaphore(%arg10 : memref<!tpu.dma_semaphore, #tpu.memory_space<semaphore_mem>>)
      %dma_wait3A = arith.constant 0 : i32
      %dma_wait3A_47 = tpu.memref_slice %arg6[%scan3A_40, %dma_wait3A] : memref<80x128xi32, #tpu.memory_space<vmem>> -> memref<1x128xi32, #tpu.memory_space<vmem>>
      %dma_wait3A_48 = tpu.memref_squeeze %dma_wait3A_47 : memref<1x128xi32, #tpu.memory_space<vmem>> -> memref<128xi32, #tpu.memory_space<vmem>>
      %dma_wait3A_49 = arith.constant 0 : i32
      %dma_wait3A_50 = arith.constant 0 : i32
      %dma_wait3A_51 = tpu.memref_slice %arg2[%dma_wait3A_49, %dma_wait3A_50] : memref<10240x128xf32, #tpu.memory_space<hbm>> -> memref<10240x128xf32, #tpu.memory_space<hbm>>
      tpu.wait_indirect_dma semaphore(%arg10 : memref<!tpu.dma_semaphore, #tpu.memory_space<semaphore_mem>>) src(%dma_wait3A_51 : memref<10240x128xf32, #tpu.memory_space<hbm>>) dst(%arg8 : memref<128x128xf32, #tpu.memory_space<vmem>>)
      "tpu.region"() ({
        %run_scoped3A = tpu.sem_alloc : memref<!tpu.dma_semaphore, #tpu.memory_space<semaphore_mem>>
        %dma_start3A_53 = arith.constant 0 : i32
        %dma_start3A_54 = tpu.memref_slice %arg7[%scan3A_40, %dma_start3A_53] : memref<80x128xi32, #tpu.memory_space<vmem>> -> memref<1x128xi32, #tpu.memory_space<vmem>>
        %dma_start3A_55 = tpu.memref_squeeze %dma_start3A_54 : memref<1x128xi32, #tpu.memory_space<vmem>> -> memref<128xi32, #tpu.memory_space<vmem>>
        %dma_start3A_56 = arith.constant 0 : i32
        %dma_start3A_57 = arith.constant 0 : i32
        %dma_start3A_58 = tpu.memref_slice %arg9[%dma_start3A_56, %dma_start3A_57] : memref<10240x128xf32, #tpu.memory_space<vmem_shared>> -> memref<10240x128xf32, #tpu.memory_space<vmem_shared>>
        tpu.enqueue_indirect_dma source(%arg8 : memref<128x128xf32, #tpu.memory_space<vmem>>) target(%dma_start3A_58 : memref<10240x128xf32, #tpu.memory_space<vmem_shared>>) offsets(%dma_start3A_55 : memref<128xi32, #tpu.memory_space<vmem>>) semaphore(%run_scoped3A : memref<!tpu.dma_semaphore, #tpu.memory_space<semaphore_mem>>) {add = true}
        %dma_wait3A_59 = arith.constant 0 : i32
        %dma_wait3A_60 = tpu.memref_slice %arg7[%scan3A_40, %dma_wait3A_59] : memref<80x128xi32, #tpu.memory_space<vmem>> -> memref<1x128xi32, #tpu.memory_space<vmem>>
        %dma_wait3A_61 = tpu.memref_squeeze %dma_wait3A_60 : memref<1x128xi32, #tpu.memory_space<vmem>> -> memref<128xi32, #tpu.memory_space<vmem>>
        %dma_wait3A_62 = arith.constant 0 : i32
        %dma_wait3A_63 = arith.constant 0 : i32
        %dma_wait3A_64 = tpu.memref_slice %arg9[%dma_wait3A_62, %dma_wait3A_63] : memref<10240x128xf32, #tpu.memory_space<vmem_shared>> -> memref<10240x128xf32, #tpu.memory_space<vmem_shared>>
        tpu.wait_indirect_dma semaphore(%run_scoped3A : memref<!tpu.dma_semaphore, #tpu.memory_space<semaphore_mem>>) src(%arg8 : memref<128x128xf32, #tpu.memory_space<vmem>>) dst(%dma_wait3A_64 : memref<10240x128xf32, #tpu.memory_space<vmem_shared>>)
        tpu.yield
      }) : () -> ()
      %scan3A_52 = arith.constant 0 : i32
      scf.yield %scan3A_52 : i32
    }
    %scan3A_36 = arith.constant 80 : i32
    %barrier3A_37 = arith.constant 0 : index
    tpu.barrier barrier_id(%barrier3A_37)
    %mul3A_38 = arith.constant 640 : i32
    %mul3A_39 = arith.muli %arg1, %mul3A_38 : i32
    "tpu.region"() ({
      %run_scoped3A = tpu.sem_alloc : memref<!tpu.dma_semaphore, #tpu.memory_space<semaphore_mem>>
      %dma_start3A = arith.constant 0 : i32
      %dma_start3A_40 = tpu.memref_slice %arg5[%arg0, %mul3A_39, %dma_start3A] : memref<2x10240x128xf32, #tpu.memory_space<hbm>> -> memref<1x640x128xf32, #tpu.memory_space<hbm>>
      %dma_start3A_41 = tpu.memref_squeeze %dma_start3A_40 : memref<1x640x128xf32, #tpu.memory_space<hbm>> -> memref<640x128xf32, #tpu.memory_space<hbm>>
      %dma_start3A_42 = arith.constant 0 : i32
      %dma_start3A_43 = tpu.memref_slice %arg9[%mul3A_39, %dma_start3A_42] : memref<10240x128xf32, #tpu.memory_space<vmem_shared>> -> memref<640x128xf32, #tpu.memory_space<vmem_shared>>
      tpu.enqueue_dma source(%dma_start3A_43 : memref<640x128xf32, #tpu.memory_space<vmem_shared>>) target(%dma_start3A_41 : memref<640x128xf32, #tpu.memory_space<hbm>>) target_semaphore(%run_scoped3A : memref<!tpu.dma_semaphore, #tpu.memory_space<semaphore_mem>>)
      %dma_wait3A = arith.constant 0 : i32
      %dma_wait3A_44 = tpu.memref_slice %arg5[%arg0, %mul3A_39, %dma_wait3A] : memref<2x10240x128xf32, #tpu.memory_space<hbm>> -> memref<1x640x128xf32, #tpu.memory_space<hbm>>
      %dma_wait3A_45 = tpu.memref_squeeze %dma_wait3A_44 : memref<1x640x128xf32, #tpu.memory_space<hbm>> -> memref<640x128xf32, #tpu.memory_space<hbm>>
      %dma_wait3A_46 = arith.constant 0 : i32
      %dma_wait3A_47 = tpu.memref_slice %arg9[%mul3A_39, %dma_wait3A_46] : memref<10240x128xf32, #tpu.memory_space<vmem_shared>> -> memref<640x128xf32, #tpu.memory_space<vmem_shared>>
      tpu.wait_dma2 semaphore(%run_scoped3A : memref<!tpu.dma_semaphore, #tpu.memory_space<semaphore_mem>>) src(%dma_wait3A_47 : memref<640x128xf32, #tpu.memory_space<vmem_shared>>) dst(%dma_wait3A_45 : memref<640x128xf32, #tpu.memory_space<hbm>>)
      tpu.yield
    }) : () -> ()
    return
  }
}

#map = affine_map<(d0, d1) -> (0)>
#map1 = affine_map<(d0, d1) -> (0, 0)>
#map2 = affine_map<(d0, d1) -> (0, 0, 0)>
module attributes {stable_mosaic.version = 14 : i64} {
  func.func @_k0_body(%arg0: i32, %arg1: i32, %arg2: memref<327696xi32, #tpu.memory_space<hbm>>, %arg3: memref<2560x128xi32, #tpu.memory_space<hbm>>, %arg4: memref<2560x128xi32, #tpu.memory_space<hbm>>, %arg5: memref<2560x128xi32, #tpu.memory_space<hbm>>, %arg6: memref<2x10240x16xf32, #tpu.memory_space<hbm>>, %arg7: memref<2x10240x16xf32, #tpu.memory_space<hbm>>, %arg8: memref<10256xi32, #tpu.memory_space<vmem>>, %arg9: memref<80x128xi32, #tpu.memory_space<vmem>>, %arg10: memref<80x128xi32, #tpu.memory_space<vmem>>, %arg11: memref<80x128xi32, #tpu.memory_space<vmem>>, %arg12: memref<80x128xi32, #tpu.memory_space<vmem>>, %arg13: memref<128x16xf32, #tpu.memory_space<vmem>>, %arg14: memref<640x16xf32, #tpu.memory_space<vmem>>, %arg15: memref<10240x16xf32, #tpu.memory_space<vmem_shared>>, %arg16: memref<10240x16xf32, #tpu.memory_space<vmem_shared>>) attributes {dimension_semantics = [#tpu.dimension_semantics<core_parallel>, #tpu.dimension_semantics<subcore_parallel>], iteration_bounds = array<i64: 2, 16>, scalar_prefetch = 0 : i64, scratch_operands = 9 : i64, tpu.core_type = #tpu.core_type<sc_vector_subcore>, window_params = [{transform_indices = #map}, {transform_indices = #map1}, {transform_indices = #map1}, {transform_indices = #map1}, {transform_indices = #map2}, {transform_indices = #map2}]} {
    %mul3A = arith.constant 16 : i32
    %mul3A_0 = arith.muli %arg0, %mul3A : i32
    %add3A = arith.addi %mul3A_0, %arg1 : i32
    %mul3A_1 = arith.constant 10240 : i32
    %mul3A_2 = arith.muli %add3A, %mul3A_1 : i32
    "tpu.region"() ({
      %run_scoped3A = tpu.sem_alloc : memref<!tpu.dma_semaphore, #tpu.memory_space<semaphore_mem>>
      %dma_start3A = tpu.memref_slice %arg2[%mul3A_2] : memref<327696xi32, #tpu.memory_space<hbm>> -> memref<10256xi32, #tpu.memory_space<hbm>>
      %dma_start3A_38 = tpu.memref_slice %arg2[%mul3A_2] : memref<327696xi32, #tpu.memory_space<hbm>> -> memref<10256xi32, #tpu.memory_space<hbm>>
      tpu.enqueue_dma source(%dma_start3A_38 : memref<10256xi32, #tpu.memory_space<hbm>>) target(%arg8 : memref<10256xi32, #tpu.memory_space<vmem>>) target_semaphore(%run_scoped3A : memref<!tpu.dma_semaphore, #tpu.memory_space<semaphore_mem>>)
      %dma_wait3A = tpu.memref_slice %arg2[%mul3A_2] : memref<327696xi32, #tpu.memory_space<hbm>> -> memref<10256xi32, #tpu.memory_space<hbm>>
      %dma_wait3A_39 = tpu.memref_slice %arg2[%mul3A_2] : memref<327696xi32, #tpu.memory_space<hbm>> -> memref<10256xi32, #tpu.memory_space<hbm>>
      tpu.wait_dma2 semaphore(%run_scoped3A : memref<!tpu.dma_semaphore, #tpu.memory_space<semaphore_mem>>) src(%dma_wait3A_39 : memref<10256xi32, #tpu.memory_space<hbm>>) dst(%arg8 : memref<10256xi32, #tpu.memory_space<vmem>>)
      tpu.yield
    }) : () -> ()
    %iota3A = tpu.iota {dimensions = array<i32: 0>} : vector<16xi32>
    %eq3A = arith.constant 0 : i32
    %eq3A_3 = vector.broadcast %eq3A : i32 to vector<16xi32>
    %eq3A_4 = arith.cmpi eq, %iota3A, %eq3A_3 : vector<16xi32>
    %jit3A = arith.constant 1.000000e+00 : f32
    %jit3A_5 = arith.constant 0.000000e+00 : f32
    %broadcast_in_dim3A = vector.broadcast %jit3A : f32 to vector<16xf32>
    %broadcast_in_dim3A_6 = vector.broadcast %jit3A_5 : f32 to vector<16xf32>
    %select_n3A = arith.select %eq3A_4, %broadcast_in_dim3A, %broadcast_in_dim3A_6 : vector<16xi1>, vector<16xf32>
    %broadcast_in_dim3A_7 = arith.constant 0.000000e+00 : f32
    %broadcast_in_dim3A_8 = vector.broadcast %broadcast_in_dim3A_7 : f32 to vector<16xf32>
    %scan3A = arith.constant 0 : i32
    %scan3A_9 = arith.constant 0 : i32
    %scan3A_10 = arith.constant 128 : i32
    %scan3A_11 = arith.addi %scan3A_9, %scan3A_10 : i32
    %scan3A_12 = arith.constant 1 : i32
    %scan3A_13 = scf.for %scan3A_38 = %scan3A_9 to %scan3A_11 step %scan3A_12 iter_args(%scan3A_39 = %scan3A) -> (i32)  : i32 {
      %swap3A = arith.index_cast %scan3A_38 : i32 to index
      %swap3A_40 = arith.constant 0 : index
      %swap3A_41 = tpu.vector_load %arg13[%swap3A, %swap3A_40] {strides = array<i32>} : memref<128x16xf32, #tpu.memory_space<vmem>>, vector<1x16xf32>,
      %swap3A_42 = vector.shape_cast %swap3A_41 : vector<1x16xf32> to vector<16xf32>
      %swap3A_43 = vector.shape_cast %select_n3A : vector<16xf32> to vector<1x16xf32>
      tpu.vector_store %arg13[%swap3A, %swap3A_40], %swap3A_43 {strides = array<i32>} : memref<128x16xf32, #tpu.memory_space<vmem>>, vector<1x16xf32>,
      %scan3A_44 = arith.constant 0 : i32
      scf.yield %scan3A_44 : i32
    }
    %scan3A_14 = arith.constant 128 : i32
    %scan3A_15 = arith.constant 0 : i32
    %scan3A_16 = arith.constant 0 : i32
    %scan3A_17 = arith.constant 640 : i32
    %scan3A_18 = arith.addi %scan3A_16, %scan3A_17 : i32
    %scan3A_19 = arith.constant 1 : i32
    %scan3A_20 = scf.for %scan3A_38 = %scan3A_16 to %scan3A_18 step %scan3A_19 iter_args(%scan3A_39 = %scan3A_15) -> (i32)  : i32 {
      %swap3A = arith.index_cast %scan3A_38 : i32 to index
      %swap3A_40 = arith.constant 0 : index
      %swap3A_41 = tpu.vector_load %arg14[%swap3A, %swap3A_40] {strides = array<i32>} : memref<640x16xf32, #tpu.memory_space<vmem>>, vector<1x16xf32>,
      %swap3A_42 = vector.shape_cast %swap3A_41 : vector<1x16xf32> to vector<16xf32>
      %swap3A_43 = vector.shape_cast %broadcast_in_dim3A_8 : vector<16xf32> to vector<1x16xf32>
      tpu.vector_store %arg14[%swap3A, %swap3A_40], %swap3A_43 {strides = array<i32>} : memref<640x16xf32, #tpu.memory_space<vmem>>, vector<1x16xf32>,
      %scan3A_44 = arith.constant 0 : i32
      scf.yield %scan3A_44 : i32
    }
    %scan3A_21 = arith.constant 640 : i32
    %mul3A_22 = arith.constant 640 : i32
    %mul3A_23 = arith.muli %arg1, %mul3A_22 : i32
    %mul3A_24 = arith.constant 640 : i32
    %mul3A_25 = arith.muli %arg1, %mul3A_24 : i32
    "tpu.region"() ({
      %run_scoped3A = tpu.sem_alloc : memref<!tpu.dma_semaphore, #tpu.memory_space<semaphore_mem>>
      %dma_start3A = arith.constant 0 : i32
      %dma_start3A_38 = tpu.memref_slice %arg15[%mul3A_23, %dma_start3A] : memref<10240x16xf32, #tpu.memory_space<vmem_shared>> -> memref<640x16xf32, #tpu.memory_space<vmem_shared>>
      %dma_start3A_39 = arith.constant 0 : i32
      %dma_start3A_40 = tpu.memref_slice %arg15[%mul3A_23, %dma_start3A_39] : memref<10240x16xf32, #tpu.memory_space<vmem_shared>> -> memref<640x16xf32, #tpu.memory_space<vmem_shared>>
      tpu.enqueue_dma source(%arg14 : memref<640x16xf32, #tpu.memory_space<vmem>>) target(%dma_start3A_40 : memref<640x16xf32, #tpu.memory_space<vmem_shared>>) target_semaphore(%run_scoped3A : memref<!tpu.dma_semaphore, #tpu.memory_space<semaphore_mem>>)
      %dma_wait3A = arith.constant 0 : i32
      %dma_wait3A_41 = tpu.memref_slice %arg15[%mul3A_23, %dma_wait3A] : memref<10240x16xf32, #tpu.memory_space<vmem_shared>> -> memref<640x16xf32, #tpu.memory_space<vmem_shared>>
      %dma_wait3A_42 = arith.constant 0 : i32
      %dma_wait3A_43 = tpu.memref_slice %arg15[%mul3A_23, %dma_wait3A_42] : memref<10240x16xf32, #tpu.memory_space<vmem_shared>> -> memref<640x16xf32, #tpu.memory_space<vmem_shared>>
      tpu.wait_dma2 semaphore(%run_scoped3A : memref<!tpu.dma_semaphore, #tpu.memory_space<semaphore_mem>>) src(%arg14 : memref<640x16xf32, #tpu.memory_space<vmem>>) dst(%dma_wait3A_43 : memref<640x16xf32, #tpu.memory_space<vmem_shared>>)
      tpu.yield
    }) : () -> ()
    "tpu.region"() ({
      %run_scoped3A = tpu.sem_alloc : memref<!tpu.dma_semaphore, #tpu.memory_space<semaphore_mem>>
      %dma_start3A = arith.constant 0 : i32
      %dma_start3A_38 = tpu.memref_slice %arg16[%mul3A_25, %dma_start3A] : memref<10240x16xf32, #tpu.memory_space<vmem_shared>> -> memref<640x16xf32, #tpu.memory_space<vmem_shared>>
      %dma_start3A_39 = arith.constant 0 : i32
      %dma_start3A_40 = tpu.memref_slice %arg16[%mul3A_25, %dma_start3A_39] : memref<10240x16xf32, #tpu.memory_space<vmem_shared>> -> memref<640x16xf32, #tpu.memory_space<vmem_shared>>
      tpu.enqueue_dma source(%arg14 : memref<640x16xf32, #tpu.memory_space<vmem>>) target(%dma_start3A_40 : memref<640x16xf32, #tpu.memory_space<vmem_shared>>) target_semaphore(%run_scoped3A : memref<!tpu.dma_semaphore, #tpu.memory_space<semaphore_mem>>)
      %dma_wait3A = arith.constant 0 : i32
      %dma_wait3A_41 = tpu.memref_slice %arg16[%mul3A_25, %dma_wait3A] : memref<10240x16xf32, #tpu.memory_space<vmem_shared>> -> memref<640x16xf32, #tpu.memory_space<vmem_shared>>
      %dma_wait3A_42 = arith.constant 0 : i32
      %dma_wait3A_43 = tpu.memref_slice %arg16[%mul3A_25, %dma_wait3A_42] : memref<10240x16xf32, #tpu.memory_space<vmem_shared>> -> memref<640x16xf32, #tpu.memory_space<vmem_shared>>
      tpu.wait_dma2 semaphore(%run_scoped3A : memref<!tpu.dma_semaphore, #tpu.memory_space<semaphore_mem>>) src(%arg14 : memref<640x16xf32, #tpu.memory_space<vmem>>) dst(%dma_wait3A_43 : memref<640x16xf32, #tpu.memory_space<vmem_shared>>)
      tpu.yield
    }) : () -> ()
    %barrier3A = arith.constant 0 : index
    tpu.barrier barrier_id(%barrier3A)
    %scan3A_26 = arith.constant 0 : i32
    %scan3A_27 = arith.constant 0 : i32
    %scan3A_28 = arith.constant 80 : i32
    %scan3A_29 = arith.addi %scan3A_27, %scan3A_28 : i32
    %scan3A_30 = arith.constant 1 : i32
    %scan3A_31 = scf.for %scan3A_38 = %scan3A_27 to %scan3A_29 step %scan3A_30 iter_args(%scan3A_39 = %scan3A_26) -> (i32)  : i32 {
      %mul3A_40 = arith.constant 128 : i32
      %mul3A_41 = arith.muli %scan3A_38, %mul3A_40 : i32
      %add3A_42 = arith.constant 16 : i32
      %add3A_43 = arith.addi %add3A_42, %mul3A_41 : i32
      %add3A_44 = arith.constant 0 : i32
      %add3A_45 = arith.addi %add3A_43, %add3A_44 : i32
      %get3A = arith.index_cast %add3A_45 : i32 to index
      %get3A_46 = tpu.vector_load %arg8[%get3A] {strides = array<i32>} : memref<10256xi32, #tpu.memory_space<vmem>>, vector<16xi32>,
      %get3A_47 = vector.shape_cast %get3A_46 : vector<16xi32> to vector<16xi32>
      %sub3A = arith.constant 1 : i32
      %sub3A_48 = arith.subi %add3A_45, %sub3A : i32
      %get3A_49 = arith.index_cast %sub3A_48 : i32 to index
      %get3A_50 = tpu.vector_load %arg8[%get3A_49] {strides = array<i32>} : memref<10256xi32, #tpu.memory_space<vmem>>, vector<16xi32>,
      %get3A_51 = vector.shape_cast %get3A_50 : vector<16xi32> to vector<16xi32>
      %rem3A = arith.constant 10000 : i32
      %rem3A_52 = vector.broadcast %rem3A : i32 to vector<16xi32>
      %rem3A_53 = arith.remsi %get3A_47, %rem3A_52 : vector<16xi32>
      %div3A = arith.constant 10000 : i32
      %div3A_54 = vector.broadcast %div3A : i32 to vector<16xi32>
      %div3A_55 = arith.divsi %get3A_47, %div3A_54 : vector<16xi32>
      %ne3A = arith.cmpi ne, %get3A_47, %get3A_51 : vector<16xi32>
      %ne3A_56 = arith.cmpi ne, %rem3A_53, %div3A_55 : vector<16xi32>
      %and3A = arith.andi %ne3A, %ne3A_56 : vector<16xi1>
      %jit3A_57 = arith.constant 10000 : i32
      %broadcast_in_dim3A_58 = vector.broadcast %jit3A_57 : i32 to vector<16xi32>
      %select_n3A_59 = arith.select %and3A, %div3A_55, %broadcast_in_dim3A_58 : vector<16xi1>, vector<16xi32>
      %ne3A_60 = arith.constant 100000000 : i32
      %ne3A_61 = vector.broadcast %ne3A_60 : i32 to vector<16xi32>
      %ne3A_62 = arith.cmpi ne, %get3A_47, %ne3A_61 : vector<16xi32>
      %jit3A_63 = arith.constant 10000 : i32
      %broadcast_in_dim3A_64 = vector.broadcast %jit3A_63 : i32 to vector<16xi32>
      %select_n3A_65 = arith.select %ne3A_62, %rem3A_53, %broadcast_in_dim3A_64 : vector<16xi1>, vector<16xi32>
      %swap3A = arith.index_cast %scan3A_38 : i32 to index
      %swap3A_66 = arith.constant 0 : index
      %swap3A_67 = tpu.vector_load %arg9[%swap3A, %swap3A_66] {strides = array<i32>} : memref<80x128xi32, #tpu.memory_space<vmem>>, vector<1x16xi32>,
      %swap3A_68 = vector.shape_cast %swap3A_67 : vector<1x16xi32> to vector<16xi32>
      %swap3A_69 = vector.shape_cast %rem3A_53 : vector<16xi32> to vector<1x16xi32>
      tpu.vector_store %arg9[%swap3A, %swap3A_66], %swap3A_69 {strides = array<i32>} : memref<80x128xi32, #tpu.memory_space<vmem>>, vector<1x16xi32>,
      %ne3A_70 = arith.constant 100000000 : i32
      %ne3A_71 = vector.broadcast %ne3A_70 : i32 to vector<16xi32>
      %ne3A_72 = arith.cmpi ne, %get3A_47, %ne3A_71 : vector<16xi32>
      %jit3A_73 = arith.constant 10000 : i32
      %broadcast_in_dim3A_74 = vector.broadcast %jit3A_73 : i32 to vector<16xi32>
      %select_n3A_75 = arith.select %ne3A_72, %div3A_55, %broadcast_in_dim3A_74 : vector<16xi1>, vector<16xi32>
      %swap3A_76 = arith.index_cast %scan3A_38 : i32 to index
      %swap3A_77 = arith.constant 0 : index
      %swap3A_78 = tpu.vector_load %arg10[%swap3A_76, %swap3A_77] {strides = array<i32>} : memref<80x128xi32, #tpu.memory_space<vmem>>, vector<1x16xi32>,
      %swap3A_79 = vector.shape_cast %swap3A_78 : vector<1x16xi32> to vector<16xi32>
      %swap3A_80 = vector.shape_cast %select_n3A_75 : vector<16xi32> to vector<1x16xi32>
      tpu.vector_store %arg10[%swap3A_76, %swap3A_77], %swap3A_80 {strides = array<i32>} : memref<80x128xi32, #tpu.memory_space<vmem>>, vector<1x16xi32>,
      %swap3A_81 = arith.index_cast %scan3A_38 : i32 to index
      %swap3A_82 = arith.constant 0 : index
      %swap3A_83 = tpu.vector_load %arg11[%swap3A_81, %swap3A_82] {strides = array<i32>} : memref<80x128xi32, #tpu.memory_space<vmem>>, vector<1x16xi32>,
      %swap3A_84 = vector.shape_cast %swap3A_83 : vector<1x16xi32> to vector<16xi32>
      %swap3A_85 = vector.shape_cast %select_n3A_59 : vector<16xi32> to vector<1x16xi32>
      tpu.vector_store %arg11[%swap3A_81, %swap3A_82], %swap3A_85 {strides = array<i32>} : memref<80x128xi32, #tpu.memory_space<vmem>>, vector<1x16xi32>,
      %swap3A_86 = arith.index_cast %scan3A_38 : i32 to index
      %swap3A_87 = arith.constant 0 : index
      %swap3A_88 = tpu.vector_load %arg12[%swap3A_86, %swap3A_87] {strides = array<i32>} : memref<80x128xi32, #tpu.memory_space<vmem>>, vector<1x16xi32>,
      %swap3A_89 = vector.shape_cast %swap3A_88 : vector<1x16xi32> to vector<16xi32>
      %swap3A_90 = vector.shape_cast %select_n3A_65 : vector<16xi32> to vector<1x16xi32>
      tpu.vector_store %arg12[%swap3A_86, %swap3A_87], %swap3A_90 {strides = array<i32>} : memref<80x128xi32, #tpu.memory_space<vmem>>, vector<1x16xi32>,
      %mul3A_91 = arith.constant 128 : i32
      %mul3A_92 = arith.muli %scan3A_38, %mul3A_91 : i32
      %add3A_93 = arith.constant 16 : i32
      %add3A_94 = arith.addi %add3A_93, %mul3A_92 : i32
      %add3A_95 = arith.constant 16 : i32
      %add3A_96 = arith.addi %add3A_94, %add3A_95 : i32
      %get3A_97 = arith.index_cast %add3A_96 : i32 to index
      %get3A_98 = tpu.vector_load %arg8[%get3A_97] {strides = array<i32>} : memref<10256xi32, #tpu.memory_space<vmem>>, vector<16xi32>,
      %get3A_99 = vector.shape_cast %get3A_98 : vector<16xi32> to vector<16xi32>
      %sub3A_100 = arith.constant 1 : i32
      %sub3A_101 = arith.subi %add3A_96, %sub3A_100 : i32
      %get3A_102 = arith.index_cast %sub3A_101 : i32 to index
      %get3A_103 = tpu.vector_load %arg8[%get3A_102] {strides = array<i32>} : memref<10256xi32, #tpu.memory_space<vmem>>, vector<16xi32>,
      %get3A_104 = vector.shape_cast %get3A_103 : vector<16xi32> to vector<16xi32>
      %rem3A_105 = arith.constant 10000 : i32
      %rem3A_106 = vector.broadcast %rem3A_105 : i32 to vector<16xi32>
      %rem3A_107 = arith.remsi %get3A_99, %rem3A_106 : vector<16xi32>
      %div3A_108 = arith.constant 10000 : i32
      %div3A_109 = vector.broadcast %div3A_108 : i32 to vector<16xi32>
      %div3A_110 = arith.divsi %get3A_99, %div3A_109 : vector<16xi32>
      %ne3A_111 = arith.cmpi ne, %get3A_99, %get3A_104 : vector<16xi32>
      %ne3A_112 = arith.cmpi ne, %rem3A_107, %div3A_110 : vector<16xi32>
      %and3A_113 = arith.andi %ne3A_111, %ne3A_112 : vector<16xi1>
      %jit3A_114 = arith.constant 10000 : i32
      %broadcast_in_dim3A_115 = vector.broadcast %jit3A_114 : i32 to vector<16xi32>
      %select_n3A_116 = arith.select %and3A_113, %div3A_110, %broadcast_in_dim3A_115 : vector<16xi1>, vector<16xi32>
      %ne3A_117 = arith.constant 100000000 : i32
      %ne3A_118 = vector.broadcast %ne3A_117 : i32 to vector<16xi32>
      %ne3A_119 = arith.cmpi ne, %get3A_99, %ne3A_118 : vector<16xi32>
      %jit3A_120 = arith.constant 10000 : i32
      %broadcast_in_dim3A_121 = vector.broadcast %jit3A_120 : i32 to vector<16xi32>
      %select_n3A_122 = arith.select %ne3A_119, %rem3A_107, %broadcast_in_dim3A_121 : vector<16xi1>, vector<16xi32>
      %swap3A_123 = arith.index_cast %scan3A_38 : i32 to index
      %swap3A_124 = arith.constant 16 : index
      %swap3A_125 = tpu.vector_load %arg9[%swap3A_123, %swap3A_124] {strides = array<i32>} : memref<80x128xi32, #tpu.memory_space<vmem>>, vector<1x16xi32>,
      %swap3A_126 = vector.shape_cast %swap3A_125 : vector<1x16xi32> to vector<16xi32>
      %swap3A_127 = vector.shape_cast %rem3A_107 : vector<16xi32> to vector<1x16xi32>
      tpu.vector_store %arg9[%swap3A_123, %swap3A_124], %swap3A_127 {strides = array<i32>} : memref<80x128xi32, #tpu.memory_space<vmem>>, vector<1x16xi32>,
      %ne3A_128 = arith.constant 100000000 : i32
      %ne3A_129 = vector.broadcast %ne3A_128 : i32 to vector<16xi32>
      %ne3A_130 = arith.cmpi ne, %get3A_99, %ne3A_129 : vector<16xi32>
      %jit3A_131 = arith.constant 10000 : i32
      %broadcast_in_dim3A_132 = vector.broadcast %jit3A_131 : i32 to vector<16xi32>
      %select_n3A_133 = arith.select %ne3A_130, %div3A_110, %broadcast_in_dim3A_132 : vector<16xi1>, vector<16xi32>
      %swap3A_134 = arith.index_cast %scan3A_38 : i32 to index
      %swap3A_135 = arith.constant 16 : index
      %swap3A_136 = tpu.vector_load %arg10[%swap3A_134, %swap3A_135] {strides = array<i32>} : memref<80x128xi32, #tpu.memory_space<vmem>>, vector<1x16xi32>,
      %swap3A_137 = vector.shape_cast %swap3A_136 : vector<1x16xi32> to vector<16xi32>
      %swap3A_138 = vector.shape_cast %select_n3A_133 : vector<16xi32> to vector<1x16xi32>
      tpu.vector_store %arg10[%swap3A_134, %swap3A_135], %swap3A_138 {strides = array<i32>} : memref<80x128xi32, #tpu.memory_space<vmem>>, vector<1x16xi32>,
      %swap3A_139 = arith.index_cast %scan3A_38 : i32 to index
      %swap3A_140 = arith.constant 16 : index
      %swap3A_141 = tpu.vector_load %arg11[%swap3A_139, %swap3A_140] {strides = array<i32>} : memref<80x128xi32, #tpu.memory_space<vmem>>, vector<1x16xi32>,
      %swap3A_142 = vector.shape_cast %swap3A_141 : vector<1x16xi32> to vector<16xi32>
      %swap3A_143 = vector.shape_cast %select_n3A_116 : vector<16xi32> to vector<1x16xi32>
      tpu.vector_store %arg11[%swap3A_139, %swap3A_140], %swap3A_143 {strides = array<i32>} : memref<80x128xi32, #tpu.memory_space<vmem>>, vector<1x16xi32>,
      %swap3A_144 = arith.index_cast %scan3A_38 : i32 to index
      %swap3A_145 = arith.constant 16 : index
      %swap3A_146 = tpu.vector_load %arg12[%swap3A_144, %swap3A_145] {strides = array<i32>} : memref<80x128xi32, #tpu.memory_space<vmem>>, vector<1x16xi32>,
      %swap3A_147 = vector.shape_cast %swap3A_146 : vector<1x16xi32> to vector<16xi32>
      %swap3A_148 = vector.shape_cast %select_n3A_122 : vector<16xi32> to vector<1x16xi32>
      tpu.vector_store %arg12[%swap3A_144, %swap3A_145], %swap3A_148 {strides = array<i32>} : memref<80x128xi32, #tpu.memory_space<vmem>>, vector<1x16xi32>,
      %mul3A_149 = arith.constant 128 : i32
      %mul3A_150 = arith.muli %scan3A_38, %mul3A_149 : i32
      %add3A_151 = arith.constant 16 : i32
      %add3A_152 = arith.addi %add3A_151, %mul3A_150 : i32
      %add3A_153 = arith.constant 32 : i32
      %add3A_154 = arith.addi %add3A_152, %add3A_153 : i32
      %get3A_155 = arith.index_cast %add3A_154 : i32 to index
      %get3A_156 = tpu.vector_load %arg8[%get3A_155] {strides = array<i32>} : memref<10256xi32, #tpu.memory_space<vmem>>, vector<16xi32>,
      %get3A_157 = vector.shape_cast %get3A_156 : vector<16xi32> to vector<16xi32>
      %sub3A_158 = arith.constant 1 : i32
      %sub3A_159 = arith.subi %add3A_154, %sub3A_158 : i32
      %get3A_160 = arith.index_cast %sub3A_159 : i32 to index
      %get3A_161 = tpu.vector_load %arg8[%get3A_160] {strides = array<i32>} : memref<10256xi32, #tpu.memory_space<vmem>>, vector<16xi32>,
      %get3A_162 = vector.shape_cast %get3A_161 : vector<16xi32> to vector<16xi32>
      %rem3A_163 = arith.constant 10000 : i32
      %rem3A_164 = vector.broadcast %rem3A_163 : i32 to vector<16xi32>
      %rem3A_165 = arith.remsi %get3A_157, %rem3A_164 : vector<16xi32>
      %div3A_166 = arith.constant 10000 : i32
      %div3A_167 = vector.broadcast %div3A_166 : i32 to vector<16xi32>
      %div3A_168 = arith.divsi %get3A_157, %div3A_167 : vector<16xi32>
      %ne3A_169 = arith.cmpi ne, %get3A_157, %get3A_162 : vector<16xi32>
      %ne3A_170 = arith.cmpi ne, %rem3A_165, %div3A_168 : vector<16xi32>
      %and3A_171 = arith.andi %ne3A_169, %ne3A_170 : vector<16xi1>
      %jit3A_172 = arith.constant 10000 : i32
      %broadcast_in_dim3A_173 = vector.broadcast %jit3A_172 : i32 to vector<16xi32>
      %select_n3A_174 = arith.select %and3A_171, %div3A_168, %broadcast_in_dim3A_173 : vector<16xi1>, vector<16xi32>
      %ne3A_175 = arith.constant 100000000 : i32
      %ne3A_176 = vector.broadcast %ne3A_175 : i32 to vector<16xi32>
      %ne3A_177 = arith.cmpi ne, %get3A_157, %ne3A_176 : vector<16xi32>
      %jit3A_178 = arith.constant 10000 : i32
      %broadcast_in_dim3A_179 = vector.broadcast %jit3A_178 : i32 to vector<16xi32>
      %select_n3A_180 = arith.select %ne3A_177, %rem3A_165, %broadcast_in_dim3A_179 : vector<16xi1>, vector<16xi32>
      %swap3A_181 = arith.index_cast %scan3A_38 : i32 to index
      %swap3A_182 = arith.constant 32 : index
      %swap3A_183 = tpu.vector_load %arg9[%swap3A_181, %swap3A_182] {strides = array<i32>} : memref<80x128xi32, #tpu.memory_space<vmem>>, vector<1x16xi32>,
      %swap3A_184 = vector.shape_cast %swap3A_183 : vector<1x16xi32> to vector<16xi32>
      %swap3A_185 = vector.shape_cast %rem3A_165 : vector<16xi32> to vector<1x16xi32>
      tpu.vector_store %arg9[%swap3A_181, %swap3A_182], %swap3A_185 {strides = array<i32>} : memref<80x128xi32, #tpu.memory_space<vmem>>, vector<1x16xi32>,
      %ne3A_186 = arith.constant 100000000 : i32
      %ne3A_187 = vector.broadcast %ne3A_186 : i32 to vector<16xi32>
      %ne3A_188 = arith.cmpi ne, %get3A_157, %ne3A_187 : vector<16xi32>
      %jit3A_189 = arith.constant 10000 : i32
      %broadcast_in_dim3A_190 = vector.broadcast %jit3A_189 : i32 to vector<16xi32>
      %select_n3A_191 = arith.select %ne3A_188, %div3A_168, %broadcast_in_dim3A_190 : vector<16xi1>, vector<16xi32>
      %swap3A_192 = arith.index_cast %scan3A_38 : i32 to index
      %swap3A_193 = arith.constant 32 : index
      %swap3A_194 = tpu.vector_load %arg10[%swap3A_192, %swap3A_193] {strides = array<i32>} : memref<80x128xi32, #tpu.memory_space<vmem>>, vector<1x16xi32>,
      %swap3A_195 = vector.shape_cast %swap3A_194 : vector<1x16xi32> to vector<16xi32>
      %swap3A_196 = vector.shape_cast %select_n3A_191 : vector<16xi32> to vector<1x16xi32>
      tpu.vector_store %arg10[%swap3A_192, %swap3A_193], %swap3A_196 {strides = array<i32>} : memref<80x128xi32, #tpu.memory_space<vmem>>, vector<1x16xi32>,
      %swap3A_197 = arith.index_cast %scan3A_38 : i32 to index
      %swap3A_198 = arith.constant 32 : index
      %swap3A_199 = tpu.vector_load %arg11[%swap3A_197, %swap3A_198] {strides = array<i32>} : memref<80x128xi32, #tpu.memory_space<vmem>>, vector<1x16xi32>,
      %swap3A_200 = vector.shape_cast %swap3A_199 : vector<1x16xi32> to vector<16xi32>
      %swap3A_201 = vector.shape_cast %select_n3A_174 : vector<16xi32> to vector<1x16xi32>
      tpu.vector_store %arg11[%swap3A_197, %swap3A_198], %swap3A_201 {strides = array<i32>} : memref<80x128xi32, #tpu.memory_space<vmem>>, vector<1x16xi32>,
      %swap3A_202 = arith.index_cast %scan3A_38 : i32 to index
      %swap3A_203 = arith.constant 32 : index
      %swap3A_204 = tpu.vector_load %arg12[%swap3A_202, %swap3A_203] {strides = array<i32>} : memref<80x128xi32, #tpu.memory_space<vmem>>, vector<1x16xi32>,
      %swap3A_205 = vector.shape_cast %swap3A_204 : vector<1x16xi32> to vector<16xi32>
      %swap3A_206 = vector.shape_cast %select_n3A_180 : vector<16xi32> to vector<1x16xi32>
      tpu.vector_store %arg12[%swap3A_202, %swap3A_203], %swap3A_206 {strides = array<i32>} : memref<80x128xi32, #tpu.memory_space<vmem>>, vector<1x16xi32>,
      %mul3A_207 = arith.constant 128 : i32
      %mul3A_208 = arith.muli %scan3A_38, %mul3A_207 : i32
      %add3A_209 = arith.constant 16 : i32
      %add3A_210 = arith.addi %add3A_209, %mul3A_208 : i32
      %add3A_211 = arith.constant 48 : i32
      %add3A_212 = arith.addi %add3A_210, %add3A_211 : i32
      %get3A_213 = arith.index_cast %add3A_212 : i32 to index
      %get3A_214 = tpu.vector_load %arg8[%get3A_213] {strides = array<i32>} : memref<10256xi32, #tpu.memory_space<vmem>>, vector<16xi32>,
      %get3A_215 = vector.shape_cast %get3A_214 : vector<16xi32> to vector<16xi32>
      %sub3A_216 = arith.constant 1 : i32
      %sub3A_217 = arith.subi %add3A_212, %sub3A_216 : i32
      %get3A_218 = arith.index_cast %sub3A_217 : i32 to index
      %get3A_219 = tpu.vector_load %arg8[%get3A_218] {strides = array<i32>} : memref<10256xi32, #tpu.memory_space<vmem>>, vector<16xi32>,
      %get3A_220 = vector.shape_cast %get3A_219 : vector<16xi32> to vector<16xi32>
      %rem3A_221 = arith.constant 10000 : i32
      %rem3A_222 = vector.broadcast %rem3A_221 : i32 to vector<16xi32>
      %rem3A_223 = arith.remsi %get3A_215, %rem3A_222 : vector<16xi32>
      %div3A_224 = arith.constant 10000 : i32
      %div3A_225 = vector.broadcast %div3A_224 : i32 to vector<16xi32>
      %div3A_226 = arith.divsi %get3A_215, %div3A_225 : vector<16xi32>
      %ne3A_227 = arith.cmpi ne, %get3A_215, %get3A_220 : vector<16xi32>
      %ne3A_228 = arith.cmpi ne, %rem3A_223, %div3A_226 : vector<16xi32>
      %and3A_229 = arith.andi %ne3A_227, %ne3A_228 : vector<16xi1>
      %jit3A_230 = arith.constant 10000 : i32
      %broadcast_in_dim3A_231 = vector.broadcast %jit3A_230 : i32 to vector<16xi32>
      %select_n3A_232 = arith.select %and3A_229, %div3A_226, %broadcast_in_dim3A_231 : vector<16xi1>, vector<16xi32>
      %ne3A_233 = arith.constant 100000000 : i32
      %ne3A_234 = vector.broadcast %ne3A_233 : i32 to vector<16xi32>
      %ne3A_235 = arith.cmpi ne, %get3A_215, %ne3A_234 : vector<16xi32>
      %jit3A_236 = arith.constant 10000 : i32
      %broadcast_in_dim3A_237 = vector.broadcast %jit3A_236 : i32 to vector<16xi32>
      %select_n3A_238 = arith.select %ne3A_235, %rem3A_223, %broadcast_in_dim3A_237 : vector<16xi1>, vector<16xi32>
      %swap3A_239 = arith.index_cast %scan3A_38 : i32 to index
      %swap3A_240 = arith.constant 48 : index
      %swap3A_241 = tpu.vector_load %arg9[%swap3A_239, %swap3A_240] {strides = array<i32>} : memref<80x128xi32, #tpu.memory_space<vmem>>, vector<1x16xi32>,
      %swap3A_242 = vector.shape_cast %swap3A_241 : vector<1x16xi32> to vector<16xi32>
      %swap3A_243 = vector.shape_cast %rem3A_223 : vector<16xi32> to vector<1x16xi32>
      tpu.vector_store %arg9[%swap3A_239, %swap3A_240], %swap3A_243 {strides = array<i32>} : memref<80x128xi32, #tpu.memory_space<vmem>>, vector<1x16xi32>,
      %ne3A_244 = arith.constant 100000000 : i32
      %ne3A_245 = vector.broadcast %ne3A_244 : i32 to vector<16xi32>
      %ne3A_246 = arith.cmpi ne, %get3A_215, %ne3A_245 : vector<16xi32>
      %jit3A_247 = arith.constant 10000 : i32
      %broadcast_in_dim3A_248 = vector.broadcast %jit3A_247 : i32 to vector<16xi32>
      %select_n3A_249 = arith.select %ne3A_246, %div3A_226, %broadcast_in_dim3A_248 : vector<16xi1>, vector<16xi32>
      %swap3A_250 = arith.index_cast %scan3A_38 : i32 to index
      %swap3A_251 = arith.constant 48 : index
      %swap3A_252 = tpu.vector_load %arg10[%swap3A_250, %swap3A_251] {strides = array<i32>} : memref<80x128xi32, #tpu.memory_space<vmem>>, vector<1x16xi32>,
      %swap3A_253 = vector.shape_cast %swap3A_252 : vector<1x16xi32> to vector<16xi32>
      %swap3A_254 = vector.shape_cast %select_n3A_249 : vector<16xi32> to vector<1x16xi32>
      tpu.vector_store %arg10[%swap3A_250, %swap3A_251], %swap3A_254 {strides = array<i32>} : memref<80x128xi32, #tpu.memory_space<vmem>>, vector<1x16xi32>,
      %swap3A_255 = arith.index_cast %scan3A_38 : i32 to index
      %swap3A_256 = arith.constant 48 : index
      %swap3A_257 = tpu.vector_load %arg11[%swap3A_255, %swap3A_256] {strides = array<i32>} : memref<80x128xi32, #tpu.memory_space<vmem>>, vector<1x16xi32>,
      %swap3A_258 = vector.shape_cast %swap3A_257 : vector<1x16xi32> to vector<16xi32>
      %swap3A_259 = vector.shape_cast %select_n3A_232 : vector<16xi32> to vector<1x16xi32>
      tpu.vector_store %arg11[%swap3A_255, %swap3A_256], %swap3A_259 {strides = array<i32>} : memref<80x128xi32, #tpu.memory_space<vmem>>, vector<1x16xi32>,
      %swap3A_260 = arith.index_cast %scan3A_38 : i32 to index
      %swap3A_261 = arith.constant 48 : index
      %swap3A_262 = tpu.vector_load %arg12[%swap3A_260, %swap3A_261] {strides = array<i32>} : memref<80x128xi32, #tpu.memory_space<vmem>>, vector<1x16xi32>,
      %swap3A_263 = vector.shape_cast %swap3A_262 : vector<1x16xi32> to vector<16xi32>
      %swap3A_264 = vector.shape_cast %select_n3A_238 : vector<16xi32> to vector<1x16xi32>
      tpu.vector_store %arg12[%swap3A_260, %swap3A_261], %swap3A_264 {strides = array<i32>} : memref<80x128xi32, #tpu.memory_space<vmem>>, vector<1x16xi32>,
      %mul3A_265 = arith.constant 128 : i32
      %mul3A_266 = arith.muli %scan3A_38, %mul3A_265 : i32
      %add3A_267 = arith.constant 16 : i32
      %add3A_268 = arith.addi %add3A_267, %mul3A_266 : i32
      %add3A_269 = arith.constant 64 : i32
      %add3A_270 = arith.addi %add3A_268, %add3A_269 : i32
      %get3A_271 = arith.index_cast %add3A_270 : i32 to index
      %get3A_272 = tpu.vector_load %arg8[%get3A_271] {strides = array<i32>} : memref<10256xi32, #tpu.memory_space<vmem>>, vector<16xi32>,
      %get3A_273 = vector.shape_cast %get3A_272 : vector<16xi32> to vector<16xi32>
      %sub3A_274 = arith.constant 1 : i32
      %sub3A_275 = arith.subi %add3A_270, %sub3A_274 : i32
      %get3A_276 = arith.index_cast %sub3A_275 : i32 to index
      %get3A_277 = tpu.vector_load %arg8[%get3A_276] {strides = array<i32>} : memref<10256xi32, #tpu.memory_space<vmem>>, vector<16xi32>,
      %get3A_278 = vector.shape_cast %get3A_277 : vector<16xi32> to vector<16xi32>
      %rem3A_279 = arith.constant 10000 : i32
      %rem3A_280 = vector.broadcast %rem3A_279 : i32 to vector<16xi32>
      %rem3A_281 = arith.remsi %get3A_273, %rem3A_280 : vector<16xi32>
      %div3A_282 = arith.constant 10000 : i32
      %div3A_283 = vector.broadcast %div3A_282 : i32 to vector<16xi32>
      %div3A_284 = arith.divsi %get3A_273, %div3A_283 : vector<16xi32>
      %ne3A_285 = arith.cmpi ne, %get3A_273, %get3A_278 : vector<16xi32>
      %ne3A_286 = arith.cmpi ne, %rem3A_281, %div3A_284 : vector<16xi32>
      %and3A_287 = arith.andi %ne3A_285, %ne3A_286 : vector<16xi1>
      %jit3A_288 = arith.constant 10000 : i32
      %broadcast_in_dim3A_289 = vector.broadcast %jit3A_288 : i32 to vector<16xi32>
      %select_n3A_290 = arith.select %and3A_287, %div3A_284, %broadcast_in_dim3A_289 : vector<16xi1>, vector<16xi32>
      %ne3A_291 = arith.constant 100000000 : i32
      %ne3A_292 = vector.broadcast %ne3A_291 : i32 to vector<16xi32>
      %ne3A_293 = arith.cmpi ne, %get3A_273, %ne3A_292 : vector<16xi32>
      %jit3A_294 = arith.constant 10000 : i32
      %broadcast_in_dim3A_295 = vector.broadcast %jit3A_294 : i32 to vector<16xi32>
      %select_n3A_296 = arith.select %ne3A_293, %rem3A_281, %broadcast_in_dim3A_295 : vector<16xi1>, vector<16xi32>
      %swap3A_297 = arith.index_cast %scan3A_38 : i32 to index
      %swap3A_298 = arith.constant 64 : index
      %swap3A_299 = tpu.vector_load %arg9[%swap3A_297, %swap3A_298] {strides = array<i32>} : memref<80x128xi32, #tpu.memory_space<vmem>>, vector<1x16xi32>,
      %swap3A_300 = vector.shape_cast %swap3A_299 : vector<1x16xi32> to vector<16xi32>
      %swap3A_301 = vector.shape_cast %rem3A_281 : vector<16xi32> to vector<1x16xi32>
      tpu.vector_store %arg9[%swap3A_297, %swap3A_298], %swap3A_301 {strides = array<i32>} : memref<80x128xi32, #tpu.memory_space<vmem>>, vector<1x16xi32>,
      %ne3A_302 = arith.constant 100000000 : i32
      %ne3A_303 = vector.broadcast %ne3A_302 : i32 to vector<16xi32>
      %ne3A_304 = arith.cmpi ne, %get3A_273, %ne3A_303 : vector<16xi32>
      %jit3A_305 = arith.constant 10000 : i32
      %broadcast_in_dim3A_306 = vector.broadcast %jit3A_305 : i32 to vector<16xi32>
      %select_n3A_307 = arith.select %ne3A_304, %div3A_284, %broadcast_in_dim3A_306 : vector<16xi1>, vector<16xi32>
      %swap3A_308 = arith.index_cast %scan3A_38 : i32 to index
      %swap3A_309 = arith.constant 64 : index
      %swap3A_310 = tpu.vector_load %arg10[%swap3A_308, %swap3A_309] {strides = array<i32>} : memref<80x128xi32, #tpu.memory_space<vmem>>, vector<1x16xi32>,
      %swap3A_311 = vector.shape_cast %swap3A_310 : vector<1x16xi32> to vector<16xi32>
      %swap3A_312 = vector.shape_cast %select_n3A_307 : vector<16xi32> to vector<1x16xi32>
      tpu.vector_store %arg10[%swap3A_308, %swap3A_309], %swap3A_312 {strides = array<i32>} : memref<80x128xi32, #tpu.memory_space<vmem>>, vector<1x16xi32>,
      %swap3A_313 = arith.index_cast %scan3A_38 : i32 to index
      %swap3A_314 = arith.constant 64 : index
      %swap3A_315 = tpu.vector_load %arg11[%swap3A_313, %swap3A_314] {strides = array<i32>} : memref<80x128xi32, #tpu.memory_space<vmem>>, vector<1x16xi32>,
      %swap3A_316 = vector.shape_cast %swap3A_315 : vector<1x16xi32> to vector<16xi32>
      %swap3A_317 = vector.shape_cast %select_n3A_290 : vector<16xi32> to vector<1x16xi32>
      tpu.vector_store %arg11[%swap3A_313, %swap3A_314], %swap3A_317 {strides = array<i32>} : memref<80x128xi32, #tpu.memory_space<vmem>>, vector<1x16xi32>,
      %swap3A_318 = arith.index_cast %scan3A_38 : i32 to index
      %swap3A_319 = arith.constant 64 : index
      %swap3A_320 = tpu.vector_load %arg12[%swap3A_318, %swap3A_319] {strides = array<i32>} : memref<80x128xi32, #tpu.memory_space<vmem>>, vector<1x16xi32>,
      %swap3A_321 = vector.shape_cast %swap3A_320 : vector<1x16xi32> to vector<16xi32>
      %swap3A_322 = vector.shape_cast %select_n3A_296 : vector<16xi32> to vector<1x16xi32>
      tpu.vector_store %arg12[%swap3A_318, %swap3A_319], %swap3A_322 {strides = array<i32>} : memref<80x128xi32, #tpu.memory_space<vmem>>, vector<1x16xi32>,
      %mul3A_323 = arith.constant 128 : i32
      %mul3A_324 = arith.muli %scan3A_38, %mul3A_323 : i32
      %add3A_325 = arith.constant 16 : i32
      %add3A_326 = arith.addi %add3A_325, %mul3A_324 : i32
      %add3A_327 = arith.constant 80 : i32
      %add3A_328 = arith.addi %add3A_326, %add3A_327 : i32
      %get3A_329 = arith.index_cast %add3A_328 : i32 to index
      %get3A_330 = tpu.vector_load %arg8[%get3A_329] {strides = array<i32>} : memref<10256xi32, #tpu.memory_space<vmem>>, vector<16xi32>,
      %get3A_331 = vector.shape_cast %get3A_330 : vector<16xi32> to vector<16xi32>
      %sub3A_332 = arith.constant 1 : i32
      %sub3A_333 = arith.subi %add3A_328, %sub3A_332 : i32
      %get3A_334 = arith.index_cast %sub3A_333 : i32 to index
      %get3A_335 = tpu.vector_load %arg8[%get3A_334] {strides = array<i32>} : memref<10256xi32, #tpu.memory_space<vmem>>, vector<16xi32>,
      %get3A_336 = vector.shape_cast %get3A_335 : vector<16xi32> to vector<16xi32>
      %rem3A_337 = arith.constant 10000 : i32
      %rem3A_338 = vector.broadcast %rem3A_337 : i32 to vector<16xi32>
      %rem3A_339 = arith.remsi %get3A_331, %rem3A_338 : vector<16xi32>
      %div3A_340 = arith.constant 10000 : i32
      %div3A_341 = vector.broadcast %div3A_340 : i32 to vector<16xi32>
      %div3A_342 = arith.divsi %get3A_331, %div3A_341 : vector<16xi32>
      %ne3A_343 = arith.cmpi ne, %get3A_331, %get3A_336 : vector<16xi32>
      %ne3A_344 = arith.cmpi ne, %rem3A_339, %div3A_342 : vector<16xi32>
      %and3A_345 = arith.andi %ne3A_343, %ne3A_344 : vector<16xi1>
      %jit3A_346 = arith.constant 10000 : i32
      %broadcast_in_dim3A_347 = vector.broadcast %jit3A_346 : i32 to vector<16xi32>
      %select_n3A_348 = arith.select %and3A_345, %div3A_342, %broadcast_in_dim3A_347 : vector<16xi1>, vector<16xi32>
      %ne3A_349 = arith.constant 100000000 : i32
      %ne3A_350 = vector.broadcast %ne3A_349 : i32 to vector<16xi32>
      %ne3A_351 = arith.cmpi ne, %get3A_331, %ne3A_350 : vector<16xi32>
      %jit3A_352 = arith.constant 10000 : i32
      %broadcast_in_dim3A_353 = vector.broadcast %jit3A_352 : i32 to vector<16xi32>
      %select_n3A_354 = arith.select %ne3A_351, %rem3A_339, %broadcast_in_dim3A_353 : vector<16xi1>, vector<16xi32>
      %swap3A_355 = arith.index_cast %scan3A_38 : i32 to index
      %swap3A_356 = arith.constant 80 : index
      %swap3A_357 = tpu.vector_load %arg9[%swap3A_355, %swap3A_356] {strides = array<i32>} : memref<80x128xi32, #tpu.memory_space<vmem>>, vector<1x16xi32>,
      %swap3A_358 = vector.shape_cast %swap3A_357 : vector<1x16xi32> to vector<16xi32>
      %swap3A_359 = vector.shape_cast %rem3A_339 : vector<16xi32> to vector<1x16xi32>
      tpu.vector_store %arg9[%swap3A_355, %swap3A_356], %swap3A_359 {strides = array<i32>} : memref<80x128xi32, #tpu.memory_space<vmem>>, vector<1x16xi32>,
      %ne3A_360 = arith.constant 100000000 : i32
      %ne3A_361 = vector.broadcast %ne3A_360 : i32 to vector<16xi32>
      %ne3A_362 = arith.cmpi ne, %get3A_331, %ne3A_361 : vector<16xi32>
      %jit3A_363 = arith.constant 10000 : i32
      %broadcast_in_dim3A_364 = vector.broadcast %jit3A_363 : i32 to vector<16xi32>
      %select_n3A_365 = arith.select %ne3A_362, %div3A_342, %broadcast_in_dim3A_364 : vector<16xi1>, vector<16xi32>
      %swap3A_366 = arith.index_cast %scan3A_38 : i32 to index
      %swap3A_367 = arith.constant 80 : index
      %swap3A_368 = tpu.vector_load %arg10[%swap3A_366, %swap3A_367] {strides = array<i32>} : memref<80x128xi32, #tpu.memory_space<vmem>>, vector<1x16xi32>,
      %swap3A_369 = vector.shape_cast %swap3A_368 : vector<1x16xi32> to vector<16xi32>
      %swap3A_370 = vector.shape_cast %select_n3A_365 : vector<16xi32> to vector<1x16xi32>
      tpu.vector_store %arg10[%swap3A_366, %swap3A_367], %swap3A_370 {strides = array<i32>} : memref<80x128xi32, #tpu.memory_space<vmem>>, vector<1x16xi32>,
      %swap3A_371 = arith.index_cast %scan3A_38 : i32 to index
      %swap3A_372 = arith.constant 80 : index
      %swap3A_373 = tpu.vector_load %arg11[%swap3A_371, %swap3A_372] {strides = array<i32>} : memref<80x128xi32, #tpu.memory_space<vmem>>, vector<1x16xi32>,
      %swap3A_374 = vector.shape_cast %swap3A_373 : vector<1x16xi32> to vector<16xi32>
      %swap3A_375 = vector.shape_cast %select_n3A_348 : vector<16xi32> to vector<1x16xi32>
      tpu.vector_store %arg11[%swap3A_371, %swap3A_372], %swap3A_375 {strides = array<i32>} : memref<80x128xi32, #tpu.memory_space<vmem>>, vector<1x16xi32>,
      %swap3A_376 = arith.index_cast %scan3A_38 : i32 to index
      %swap3A_377 = arith.constant 80 : index
      %swap3A_378 = tpu.vector_load %arg12[%swap3A_376, %swap3A_377] {strides = array<i32>} : memref<80x128xi32, #tpu.memory_space<vmem>>, vector<1x16xi32>,
      %swap3A_379 = vector.shape_cast %swap3A_378 : vector<1x16xi32> to vector<16xi32>
      %swap3A_380 = vector.shape_cast %select_n3A_354 : vector<16xi32> to vector<1x16xi32>
      tpu.vector_store %arg12[%swap3A_376, %swap3A_377], %swap3A_380 {strides = array<i32>} : memref<80x128xi32, #tpu.memory_space<vmem>>, vector<1x16xi32>,
      %mul3A_381 = arith.constant 128 : i32
      %mul3A_382 = arith.muli %scan3A_38, %mul3A_381 : i32
      %add3A_383 = arith.constant 16 : i32
      %add3A_384 = arith.addi %add3A_383, %mul3A_382 : i32
      %add3A_385 = arith.constant 96 : i32
      %add3A_386 = arith.addi %add3A_384, %add3A_385 : i32
      %get3A_387 = arith.index_cast %add3A_386 : i32 to index
      %get3A_388 = tpu.vector_load %arg8[%get3A_387] {strides = array<i32>} : memref<10256xi32, #tpu.memory_space<vmem>>, vector<16xi32>,
      %get3A_389 = vector.shape_cast %get3A_388 : vector<16xi32> to vector<16xi32>
      %sub3A_390 = arith.constant 1 : i32
      %sub3A_391 = arith.subi %add3A_386, %sub3A_390 : i32
      %get3A_392 = arith.index_cast %sub3A_391 : i32 to index
      %get3A_393 = tpu.vector_load %arg8[%get3A_392] {strides = array<i32>} : memref<10256xi32, #tpu.memory_space<vmem>>, vector<16xi32>,
      %get3A_394 = vector.shape_cast %get3A_393 : vector<16xi32> to vector<16xi32>
      %rem3A_395 = arith.constant 10000 : i32
      %rem3A_396 = vector.broadcast %rem3A_395 : i32 to vector<16xi32>
      %rem3A_397 = arith.remsi %get3A_389, %rem3A_396 : vector<16xi32>
      %div3A_398 = arith.constant 10000 : i32
      %div3A_399 = vector.broadcast %div3A_398 : i32 to vector<16xi32>
      %div3A_400 = arith.divsi %get3A_389, %div3A_399 : vector<16xi32>
      %ne3A_401 = arith.cmpi ne, %get3A_389, %get3A_394 : vector<16xi32>
      %ne3A_402 = arith.cmpi ne, %rem3A_397, %div3A_400 : vector<16xi32>
      %and3A_403 = arith.andi %ne3A_401, %ne3A_402 : vector<16xi1>
      %jit3A_404 = arith.constant 10000 : i32
      %broadcast_in_dim3A_405 = vector.broadcast %jit3A_404 : i32 to vector<16xi32>
      %select_n3A_406 = arith.select %and3A_403, %div3A_400, %broadcast_in_dim3A_405 : vector<16xi1>, vector<16xi32>
      %ne3A_407 = arith.constant 100000000 : i32
      %ne3A_408 = vector.broadcast %ne3A_407 : i32 to vector<16xi32>
      %ne3A_409 = arith.cmpi ne, %get3A_389, %ne3A_408 : vector<16xi32>
      %jit3A_410 = arith.constant 10000 : i32
      %broadcast_in_dim3A_411 = vector.broadcast %jit3A_410 : i32 to vector<16xi32>
      %select_n3A_412 = arith.select %ne3A_409, %rem3A_397, %broadcast_in_dim3A_411 : vector<16xi1>, vector<16xi32>
      %swap3A_413 = arith.index_cast %scan3A_38 : i32 to index
      %swap3A_414 = arith.constant 96 : index
      %swap3A_415 = tpu.vector_load %arg9[%swap3A_413, %swap3A_414] {strides = array<i32>} : memref<80x128xi32, #tpu.memory_space<vmem>>, vector<1x16xi32>,
      %swap3A_416 = vector.shape_cast %swap3A_415 : vector<1x16xi32> to vector<16xi32>
      %swap3A_417 = vector.shape_cast %rem3A_397 : vector<16xi32> to vector<1x16xi32>
      tpu.vector_store %arg9[%swap3A_413, %swap3A_414], %swap3A_417 {strides = array<i32>} : memref<80x128xi32, #tpu.memory_space<vmem>>, vector<1x16xi32>,
      %ne3A_418 = arith.constant 100000000 : i32
      %ne3A_419 = vector.broadcast %ne3A_418 : i32 to vector<16xi32>
      %ne3A_420 = arith.cmpi ne, %get3A_389, %ne3A_419 : vector<16xi32>
      %jit3A_421 = arith.constant 10000 : i32
      %broadcast_in_dim3A_422 = vector.broadcast %jit3A_421 : i32 to vector<16xi32>
      %select_n3A_423 = arith.select %ne3A_420, %div3A_400, %broadcast_in_dim3A_422 : vector<16xi1>, vector<16xi32>
      %swap3A_424 = arith.index_cast %scan3A_38 : i32 to index
      %swap3A_425 = arith.constant 96 : index
      %swap3A_426 = tpu.vector_load %arg10[%swap3A_424, %swap3A_425] {strides = array<i32>} : memref<80x128xi32, #tpu.memory_space<vmem>>, vector<1x16xi32>,
      %swap3A_427 = vector.shape_cast %swap3A_426 : vector<1x16xi32> to vector<16xi32>
      %swap3A_428 = vector.shape_cast %select_n3A_423 : vector<16xi32> to vector<1x16xi32>
      tpu.vector_store %arg10[%swap3A_424, %swap3A_425], %swap3A_428 {strides = array<i32>} : memref<80x128xi32, #tpu.memory_space<vmem>>, vector<1x16xi32>,
      %swap3A_429 = arith.index_cast %scan3A_38 : i32 to index
      %swap3A_430 = arith.constant 96 : index
      %swap3A_431 = tpu.vector_load %arg11[%swap3A_429, %swap3A_430] {strides = array<i32>} : memref<80x128xi32, #tpu.memory_space<vmem>>, vector<1x16xi32>,
      %swap3A_432 = vector.shape_cast %swap3A_431 : vector<1x16xi32> to vector<16xi32>
      %swap3A_433 = vector.shape_cast %select_n3A_406 : vector<16xi32> to vector<1x16xi32>
      tpu.vector_store %arg11[%swap3A_429, %swap3A_430], %swap3A_433 {strides = array<i32>} : memref<80x128xi32, #tpu.memory_space<vmem>>, vector<1x16xi32>,
      %swap3A_434 = arith.index_cast %scan3A_38 : i32 to index
      %swap3A_435 = arith.constant 96 : index
      %swap3A_436 = tpu.vector_load %arg12[%swap3A_434, %swap3A_435] {strides = array<i32>} : memref<80x128xi32, #tpu.memory_space<vmem>>, vector<1x16xi32>,
      %swap3A_437 = vector.shape_cast %swap3A_436 : vector<1x16xi32> to vector<16xi32>
      %swap3A_438 = vector.shape_cast %select_n3A_412 : vector<16xi32> to vector<1x16xi32>
      tpu.vector_store %arg12[%swap3A_434, %swap3A_435], %swap3A_438 {strides = array<i32>} : memref<80x128xi32, #tpu.memory_space<vmem>>, vector<1x16xi32>,
      %mul3A_439 = arith.constant 128 : i32
      %mul3A_440 = arith.muli %scan3A_38, %mul3A_439 : i32
      %add3A_441 = arith.constant 16 : i32
      %add3A_442 = arith.addi %add3A_441, %mul3A_440 : i32
      %add3A_443 = arith.constant 112 : i32
      %add3A_444 = arith.addi %add3A_442, %add3A_443 : i32
      %get3A_445 = arith.index_cast %add3A_444 : i32 to index
      %get3A_446 = tpu.vector_load %arg8[%get3A_445] {strides = array<i32>} : memref<10256xi32, #tpu.memory_space<vmem>>, vector<16xi32>,
      %get3A_447 = vector.shape_cast %get3A_446 : vector<16xi32> to vector<16xi32>
      %sub3A_448 = arith.constant 1 : i32
      %sub3A_449 = arith.subi %add3A_444, %sub3A_448 : i32
      %get3A_450 = arith.index_cast %sub3A_449 : i32 to index
      %get3A_451 = tpu.vector_load %arg8[%get3A_450] {strides = array<i32>} : memref<10256xi32, #tpu.memory_space<vmem>>, vector<16xi32>,
      %get3A_452 = vector.shape_cast %get3A_451 : vector<16xi32> to vector<16xi32>
      %rem3A_453 = arith.constant 10000 : i32
      %rem3A_454 = vector.broadcast %rem3A_453 : i32 to vector<16xi32>
      %rem3A_455 = arith.remsi %get3A_447, %rem3A_454 : vector<16xi32>
      %div3A_456 = arith.constant 10000 : i32
      %div3A_457 = vector.broadcast %div3A_456 : i32 to vector<16xi32>
      %div3A_458 = arith.divsi %get3A_447, %div3A_457 : vector<16xi32>
      %ne3A_459 = arith.cmpi ne, %get3A_447, %get3A_452 : vector<16xi32>
      %ne3A_460 = arith.cmpi ne, %rem3A_455, %div3A_458 : vector<16xi32>
      %and3A_461 = arith.andi %ne3A_459, %ne3A_460 : vector<16xi1>
      %jit3A_462 = arith.constant 10000 : i32
      %broadcast_in_dim3A_463 = vector.broadcast %jit3A_462 : i32 to vector<16xi32>
      %select_n3A_464 = arith.select %and3A_461, %div3A_458, %broadcast_in_dim3A_463 : vector<16xi1>, vector<16xi32>
      %ne3A_465 = arith.constant 100000000 : i32
      %ne3A_466 = vector.broadcast %ne3A_465 : i32 to vector<16xi32>
      %ne3A_467 = arith.cmpi ne, %get3A_447, %ne3A_466 : vector<16xi32>
      %jit3A_468 = arith.constant 10000 : i32
      %broadcast_in_dim3A_469 = vector.broadcast %jit3A_468 : i32 to vector<16xi32>
      %select_n3A_470 = arith.select %ne3A_467, %rem3A_455, %broadcast_in_dim3A_469 : vector<16xi1>, vector<16xi32>
      %swap3A_471 = arith.index_cast %scan3A_38 : i32 to index
      %swap3A_472 = arith.constant 112 : index
      %swap3A_473 = tpu.vector_load %arg9[%swap3A_471, %swap3A_472] {strides = array<i32>} : memref<80x128xi32, #tpu.memory_space<vmem>>, vector<1x16xi32>,
      %swap3A_474 = vector.shape_cast %swap3A_473 : vector<1x16xi32> to vector<16xi32>
      %swap3A_475 = vector.shape_cast %rem3A_455 : vector<16xi32> to vector<1x16xi32>
      tpu.vector_store %arg9[%swap3A_471, %swap3A_472], %swap3A_475 {strides = array<i32>} : memref<80x128xi32, #tpu.memory_space<vmem>>, vector<1x16xi32>,
      %ne3A_476 = arith.constant 100000000 : i32
      %ne3A_477 = vector.broadcast %ne3A_476 : i32 to vector<16xi32>
      %ne3A_478 = arith.cmpi ne, %get3A_447, %ne3A_477 : vector<16xi32>
      %jit3A_479 = arith.constant 10000 : i32
      %broadcast_in_dim3A_480 = vector.broadcast %jit3A_479 : i32 to vector<16xi32>
      %select_n3A_481 = arith.select %ne3A_478, %div3A_458, %broadcast_in_dim3A_480 : vector<16xi1>, vector<16xi32>
      %swap3A_482 = arith.index_cast %scan3A_38 : i32 to index
      %swap3A_483 = arith.constant 112 : index
      %swap3A_484 = tpu.vector_load %arg10[%swap3A_482, %swap3A_483] {strides = array<i32>} : memref<80x128xi32, #tpu.memory_space<vmem>>, vector<1x16xi32>,
      %swap3A_485 = vector.shape_cast %swap3A_484 : vector<1x16xi32> to vector<16xi32>
      %swap3A_486 = vector.shape_cast %select_n3A_481 : vector<16xi32> to vector<1x16xi32>
      tpu.vector_store %arg10[%swap3A_482, %swap3A_483], %swap3A_486 {strides = array<i32>} : memref<80x128xi32, #tpu.memory_space<vmem>>, vector<1x16xi32>,
      %swap3A_487 = arith.index_cast %scan3A_38 : i32 to index
      %swap3A_488 = arith.constant 112 : index
      %swap3A_489 = tpu.vector_load %arg11[%swap3A_487, %swap3A_488] {strides = array<i32>} : memref<80x128xi32, #tpu.memory_space<vmem>>, vector<1x16xi32>,
      %swap3A_490 = vector.shape_cast %swap3A_489 : vector<1x16xi32> to vector<16xi32>
      %swap3A_491 = vector.shape_cast %select_n3A_464 : vector<16xi32> to vector<1x16xi32>
      tpu.vector_store %arg11[%swap3A_487, %swap3A_488], %swap3A_491 {strides = array<i32>} : memref<80x128xi32, #tpu.memory_space<vmem>>, vector<1x16xi32>,
      %swap3A_492 = arith.index_cast %scan3A_38 : i32 to index
      %swap3A_493 = arith.constant 112 : index
      %swap3A_494 = tpu.vector_load %arg12[%swap3A_492, %swap3A_493] {strides = array<i32>} : memref<80x128xi32, #tpu.memory_space<vmem>>, vector<1x16xi32>,
      %swap3A_495 = vector.shape_cast %swap3A_494 : vector<1x16xi32> to vector<16xi32>
      %swap3A_496 = vector.shape_cast %select_n3A_470 : vector<16xi32> to vector<1x16xi32>
      tpu.vector_store %arg12[%swap3A_492, %swap3A_493], %swap3A_496 {strides = array<i32>} : memref<80x128xi32, #tpu.memory_space<vmem>>, vector<1x16xi32>,
      "tpu.region"() ({
        %run_scoped3A = tpu.sem_alloc : memref<!tpu.dma_semaphore, #tpu.memory_space<semaphore_mem>>
        %dma_start3A = arith.constant 0 : i32
        %dma_start3A_498 = tpu.memref_slice %arg12[%scan3A_38, %dma_start3A] : memref<80x128xi32, #tpu.memory_space<vmem>> -> memref<1x128xi32, #tpu.memory_space<vmem>>
        %dma_start3A_499 = tpu.memref_squeeze %dma_start3A_498 : memref<1x128xi32, #tpu.memory_space<vmem>> -> memref<128xi32, #tpu.memory_space<vmem>>
        %dma_start3A_500 = arith.constant 0 : i32
        %dma_start3A_501 = arith.constant 0 : i32
        %dma_start3A_502 = tpu.memref_slice %arg15[%dma_start3A_500, %dma_start3A_501] : memref<10240x16xf32, #tpu.memory_space<vmem_shared>> -> memref<10240x16xf32, #tpu.memory_space<vmem_shared>>
        tpu.enqueue_indirect_dma source(%arg13 : memref<128x16xf32, #tpu.memory_space<vmem>>) target(%dma_start3A_502 : memref<10240x16xf32, #tpu.memory_space<vmem_shared>>) offsets(%dma_start3A_499 : memref<128xi32, #tpu.memory_space<vmem>>) semaphore(%run_scoped3A : memref<!tpu.dma_semaphore, #tpu.memory_space<semaphore_mem>>) {add = true}
        %dma_wait3A = arith.constant 0 : i32
        %dma_wait3A_503 = tpu.memref_slice %arg12[%scan3A_38, %dma_wait3A] : memref<80x128xi32, #tpu.memory_space<vmem>> -> memref<1x128xi32, #tpu.memory_space<vmem>>
        %dma_wait3A_504 = tpu.memref_squeeze %dma_wait3A_503 : memref<1x128xi32, #tpu.memory_space<vmem>> -> memref<128xi32, #tpu.memory_space<vmem>>
        %dma_wait3A_505 = arith.constant 0 : i32
        %dma_wait3A_506 = arith.constant 0 : i32
        %dma_wait3A_507 = tpu.memref_slice %arg15[%dma_wait3A_505, %dma_wait3A_506] : memref<10240x16xf32, #tpu.memory_space<vmem_shared>> -> memref<10240x16xf32, #tpu.memory_space<vmem_shared>>
        tpu.wait_indirect_dma semaphore(%run_scoped3A : memref<!tpu.dma_semaphore, #tpu.memory_space<semaphore_mem>>) src(%arg13 : memref<128x16xf32, #tpu.memory_space<vmem>>) dst(%dma_wait3A_507 : memref<10240x16xf32, #tpu.memory_space<vmem_shared>>)
        tpu.yield
      }) : () -> ()
      "tpu.region"() ({
        %run_scoped3A = tpu.sem_alloc : memref<!tpu.dma_semaphore, #tpu.memory_space<semaphore_mem>>
        %dma_start3A = arith.constant 0 : i32
        %dma_start3A_498 = tpu.memref_slice %arg11[%scan3A_38, %dma_start3A] : memref<80x128xi32, #tpu.memory_space<vmem>> -> memref<1x128xi32, #tpu.memory_space<vmem>>
        %dma_start3A_499 = tpu.memref_squeeze %dma_start3A_498 : memref<1x128xi32, #tpu.memory_space<vmem>> -> memref<128xi32, #tpu.memory_space<vmem>>
        %dma_start3A_500 = arith.constant 0 : i32
        %dma_start3A_501 = arith.constant 0 : i32
        %dma_start3A_502 = tpu.memref_slice %arg16[%dma_start3A_500, %dma_start3A_501] : memref<10240x16xf32, #tpu.memory_space<vmem_shared>> -> memref<10240x16xf32, #tpu.memory_space<vmem_shared>>
        tpu.enqueue_indirect_dma source(%arg13 : memref<128x16xf32, #tpu.memory_space<vmem>>) target(%dma_start3A_502 : memref<10240x16xf32, #tpu.memory_space<vmem_shared>>) offsets(%dma_start3A_499 : memref<128xi32, #tpu.memory_space<vmem>>) semaphore(%run_scoped3A : memref<!tpu.dma_semaphore, #tpu.memory_space<semaphore_mem>>) {add = true}
        %dma_wait3A = arith.constant 0 : i32
        %dma_wait3A_503 = tpu.memref_slice %arg11[%scan3A_38, %dma_wait3A] : memref<80x128xi32, #tpu.memory_space<vmem>> -> memref<1x128xi32, #tpu.memory_space<vmem>>
        %dma_wait3A_504 = tpu.memref_squeeze %dma_wait3A_503 : memref<1x128xi32, #tpu.memory_space<vmem>> -> memref<128xi32, #tpu.memory_space<vmem>>
        %dma_wait3A_505 = arith.constant 0 : i32
        %dma_wait3A_506 = arith.constant 0 : i32
        %dma_wait3A_507 = tpu.memref_slice %arg16[%dma_wait3A_505, %dma_wait3A_506] : memref<10240x16xf32, #tpu.memory_space<vmem_shared>> -> memref<10240x16xf32, #tpu.memory_space<vmem_shared>>
        tpu.wait_indirect_dma semaphore(%run_scoped3A : memref<!tpu.dma_semaphore, #tpu.memory_space<semaphore_mem>>) src(%arg13 : memref<128x16xf32, #tpu.memory_space<vmem>>) dst(%dma_wait3A_507 : memref<10240x16xf32, #tpu.memory_space<vmem_shared>>)
        tpu.yield
      }) : () -> ()
      %scan3A_497 = arith.constant 0 : i32
      scf.yield %scan3A_497 : i32
    }
    %scan3A_32 = arith.constant 80 : i32
    %mul3A_33 = arith.constant 80 : i32
    %mul3A_34 = arith.muli %add3A, %mul3A_33 : i32
    "tpu.region"() ({
      %run_scoped3A = tpu.sem_alloc : memref<!tpu.dma_semaphore, #tpu.memory_space<semaphore_mem>>
      %dma_start3A = arith.constant 0 : i32
      %dma_start3A_38 = tpu.memref_slice %arg3[%mul3A_34, %dma_start3A] : memref<2560x128xi32, #tpu.memory_space<hbm>> -> memref<80x128xi32, #tpu.memory_space<hbm>>
      %dma_start3A_39 = arith.constant 0 : i32
      %dma_start3A_40 = tpu.memref_slice %arg3[%mul3A_34, %dma_start3A_39] : memref<2560x128xi32, #tpu.memory_space<hbm>> -> memref<80x128xi32, #tpu.memory_space<hbm>>
      tpu.enqueue_dma source(%arg9 : memref<80x128xi32, #tpu.memory_space<vmem>>) target(%dma_start3A_40 : memref<80x128xi32, #tpu.memory_space<hbm>>) target_semaphore(%run_scoped3A : memref<!tpu.dma_semaphore, #tpu.memory_space<semaphore_mem>>)
      %dma_wait3A = arith.constant 0 : i32
      %dma_wait3A_41 = tpu.memref_slice %arg3[%mul3A_34, %dma_wait3A] : memref<2560x128xi32, #tpu.memory_space<hbm>> -> memref<80x128xi32, #tpu.memory_space<hbm>>
      %dma_wait3A_42 = arith.constant 0 : i32
      %dma_wait3A_43 = tpu.memref_slice %arg3[%mul3A_34, %dma_wait3A_42] : memref<2560x128xi32, #tpu.memory_space<hbm>> -> memref<80x128xi32, #tpu.memory_space<hbm>>
      tpu.wait_dma2 semaphore(%run_scoped3A : memref<!tpu.dma_semaphore, #tpu.memory_space<semaphore_mem>>) src(%arg9 : memref<80x128xi32, #tpu.memory_space<vmem>>) dst(%dma_wait3A_43 : memref<80x128xi32, #tpu.memory_space<hbm>>)
      tpu.yield
    }) : () -> ()
    "tpu.region"() ({
      %run_scoped3A = tpu.sem_alloc : memref<!tpu.dma_semaphore, #tpu.memory_space<semaphore_mem>>
      %dma_start3A = arith.constant 0 : i32
      %dma_start3A_38 = tpu.memref_slice %arg4[%mul3A_34, %dma_start3A] : memref<2560x128xi32, #tpu.memory_space<hbm>> -> memref<80x128xi32, #tpu.memory_space<hbm>>
      %dma_start3A_39 = arith.constant 0 : i32
      %dma_start3A_40 = tpu.memref_slice %arg4[%mul3A_34, %dma_start3A_39] : memref<2560x128xi32, #tpu.memory_space<hbm>> -> memref<80x128xi32, #tpu.memory_space<hbm>>
      tpu.enqueue_dma source(%arg10 : memref<80x128xi32, #tpu.memory_space<vmem>>) target(%dma_start3A_40 : memref<80x128xi32, #tpu.memory_space<hbm>>) target_semaphore(%run_scoped3A : memref<!tpu.dma_semaphore, #tpu.memory_space<semaphore_mem>>)
      %dma_wait3A = arith.constant 0 : i32
      %dma_wait3A_41 = tpu.memref_slice %arg4[%mul3A_34, %dma_wait3A] : memref<2560x128xi32, #tpu.memory_space<hbm>> -> memref<80x128xi32, #tpu.memory_space<hbm>>
      %dma_wait3A_42 = arith.constant 0 : i32
      %dma_wait3A_43 = tpu.memref_slice %arg4[%mul3A_34, %dma_wait3A_42] : memref<2560x128xi32, #tpu.memory_space<hbm>> -> memref<80x128xi32, #tpu.memory_space<hbm>>
      tpu.wait_dma2 semaphore(%run_scoped3A : memref<!tpu.dma_semaphore, #tpu.memory_space<semaphore_mem>>) src(%arg10 : memref<80x128xi32, #tpu.memory_space<vmem>>) dst(%dma_wait3A_43 : memref<80x128xi32, #tpu.memory_space<hbm>>)
      tpu.yield
    }) : () -> ()
    "tpu.region"() ({
      %run_scoped3A = tpu.sem_alloc : memref<!tpu.dma_semaphore, #tpu.memory_space<semaphore_mem>>
      %dma_start3A = arith.constant 0 : i32
      %dma_start3A_38 = tpu.memref_slice %arg5[%mul3A_34, %dma_start3A] : memref<2560x128xi32, #tpu.memory_space<hbm>> -> memref<80x128xi32, #tpu.memory_space<hbm>>
      %dma_start3A_39 = arith.constant 0 : i32
      %dma_start3A_40 = tpu.memref_slice %arg5[%mul3A_34, %dma_start3A_39] : memref<2560x128xi32, #tpu.memory_space<hbm>> -> memref<80x128xi32, #tpu.memory_space<hbm>>
      tpu.enqueue_dma source(%arg11 : memref<80x128xi32, #tpu.memory_space<vmem>>) target(%dma_start3A_40 : memref<80x128xi32, #tpu.memory_space<hbm>>) target_semaphore(%run_scoped3A : memref<!tpu.dma_semaphore, #tpu.memory_space<semaphore_mem>>)
      %dma_wait3A = arith.constant 0 : i32
      %dma_wait3A_41 = tpu.memref_slice %arg5[%mul3A_34, %dma_wait3A] : memref<2560x128xi32, #tpu.memory_space<hbm>> -> memref<80x128xi32, #tpu.memory_space<hbm>>
      %dma_wait3A_42 = arith.constant 0 : i32
      %dma_wait3A_43 = tpu.memref_slice %arg5[%mul3A_34, %dma_wait3A_42] : memref<2560x128xi32, #tpu.memory_space<hbm>> -> memref<80x128xi32, #tpu.memory_space<hbm>>
      tpu.wait_dma2 semaphore(%run_scoped3A : memref<!tpu.dma_semaphore, #tpu.memory_space<semaphore_mem>>) src(%arg11 : memref<80x128xi32, #tpu.memory_space<vmem>>) dst(%dma_wait3A_43 : memref<80x128xi32, #tpu.memory_space<hbm>>)
      tpu.yield
    }) : () -> ()
    %barrier3A_35 = arith.constant 0 : index
    tpu.barrier barrier_id(%barrier3A_35)
    %mul3A_36 = arith.constant 640 : i32
    %mul3A_37 = arith.muli %arg1, %mul3A_36 : i32
    "tpu.region"() ({
      %run_scoped3A = tpu.sem_alloc : memref<!tpu.dma_semaphore, #tpu.memory_space<semaphore_mem>>
      %dma_start3A = arith.constant 0 : i32
      %dma_start3A_38 = tpu.memref_slice %arg6[%arg0, %mul3A_37, %dma_start3A] : memref<2x10240x16xf32, #tpu.memory_space<hbm>> -> memref<1x640x16xf32, #tpu.memory_space<hbm>>
      %dma_start3A_39 = tpu.memref_squeeze %dma_start3A_38 : memref<1x640x16xf32, #tpu.memory_space<hbm>> -> memref<640x16xf32, #tpu.memory_space<hbm>>
      %dma_start3A_40 = arith.constant 0 : i32
      %dma_start3A_41 = tpu.memref_slice %arg15[%mul3A_37, %dma_start3A_40] : memref<10240x16xf32, #tpu.memory_space<vmem_shared>> -> memref<640x16xf32, #tpu.memory_space<vmem_shared>>
      tpu.enqueue_dma source(%dma_start3A_41 : memref<640x16xf32, #tpu.memory_space<vmem_shared>>) target(%dma_start3A_39 : memref<640x16xf32, #tpu.memory_space<hbm>>) target_semaphore(%run_scoped3A : memref<!tpu.dma_semaphore, #tpu.memory_space<semaphore_mem>>)
      %dma_wait3A = arith.constant 0 : i32
      %dma_wait3A_42 = tpu.memref_slice %arg6[%arg0, %mul3A_37, %dma_wait3A] : memref<2x10240x16xf32, #tpu.memory_space<hbm>> -> memref<1x640x16xf32, #tpu.memory_space<hbm>>
      %dma_wait3A_43 = tpu.memref_squeeze %dma_wait3A_42 : memref<1x640x16xf32, #tpu.memory_space<hbm>> -> memref<640x16xf32, #tpu.memory_space<hbm>>
      %dma_wait3A_44 = arith.constant 0 : i32
      %dma_wait3A_45 = tpu.memref_slice %arg15[%mul3A_37, %dma_wait3A_44] : memref<10240x16xf32, #tpu.memory_space<vmem_shared>> -> memref<640x16xf32, #tpu.memory_space<vmem_shared>>
      tpu.wait_dma2 semaphore(%run_scoped3A : memref<!tpu.dma_semaphore, #tpu.memory_space<semaphore_mem>>) src(%dma_wait3A_45 : memref<640x16xf32, #tpu.memory_space<vmem_shared>>) dst(%dma_wait3A_43 : memref<640x16xf32, #tpu.memory_space<hbm>>)
      tpu.yield
    }) : () -> ()
    "tpu.region"() ({
      %run_scoped3A = tpu.sem_alloc : memref<!tpu.dma_semaphore, #tpu.memory_space<semaphore_mem>>
      %dma_start3A = arith.constant 0 : i32
      %dma_start3A_38 = tpu.memref_slice %arg7[%arg0, %mul3A_37, %dma_start3A] : memref<2x10240x16xf32, #tpu.memory_space<hbm>> -> memref<1x640x16xf32, #tpu.memory_space<hbm>>
      %dma_start3A_39 = tpu.memref_squeeze %dma_start3A_38 : memref<1x640x16xf32, #tpu.memory_space<hbm>> -> memref<640x16xf32, #tpu.memory_space<hbm>>
      %dma_start3A_40 = arith.constant 0 : i32
      %dma_start3A_41 = tpu.memref_slice %arg16[%mul3A_37, %dma_start3A_40] : memref<10240x16xf32, #tpu.memory_space<vmem_shared>> -> memref<640x16xf32, #tpu.memory_space<vmem_shared>>
      tpu.enqueue_dma source(%dma_start3A_41 : memref<640x16xf32, #tpu.memory_space<vmem_shared>>) target(%dma_start3A_39 : memref<640x16xf32, #tpu.memory_space<hbm>>) target_semaphore(%run_scoped3A : memref<!tpu.dma_semaphore, #tpu.memory_space<semaphore_mem>>)
      %dma_wait3A = arith.constant 0 : i32
      %dma_wait3A_42 = tpu.memref_slice %arg7[%arg0, %mul3A_37, %dma_wait3A] : memref<2x10240x16xf32, #tpu.memory_space<hbm>> -> memref<1x640x16xf32, #tpu.memory_space<hbm>>
      %dma_wait3A_43 = tpu.memref_squeeze %dma_wait3A_42 : memref<1x640x16xf32, #tpu.memory_space<hbm>> -> memref<640x16xf32, #tpu.memory_space<hbm>>
      %dma_wait3A_44 = arith.constant 0 : i32
      %dma_wait3A_45 = tpu.memref_slice %arg16[%mul3A_37, %dma_wait3A_44] : memref<10240x16xf32, #tpu.memory_space<vmem_shared>> -> memref<640x16xf32, #tpu.memory_space<vmem_shared>>
      tpu.wait_dma2 semaphore(%run_scoped3A : memref<!tpu.dma_semaphore, #tpu.memory_space<semaphore_mem>>) src(%dma_wait3A_45 : memref<640x16xf32, #tpu.memory_space<vmem_shared>>) dst(%dma_wait3A_43 : memref<640x16xf32, #tpu.memory_space<hbm>>)
      tpu.yield
    }) : () -> ()
    return
  }
}

#map = affine_map<(d0, d1) -> (0, 0)>
#map1 = affine_map<(d0, d1) -> (0, 0, 0)>
module attributes {stable_mosaic.version = 14 : i64} {
  func.func @_rowpass_body(%arg0: i32, %arg1: i32, %arg2: memref<10240x128xf32, #tpu.memory_space<hbm>>, %arg3: memref<2560x128xi32, #tpu.memory_space<hbm>>, %arg4: memref<2560x128xi32, #tpu.memory_space<hbm>>, %arg5: memref<2x10240x128xf32, #tpu.memory_space<hbm>>, %arg6: memref<80x128xi32, #tpu.memory_space<vmem>>, %arg7: memref<80x128xi32, #tpu.memory_space<vmem>>, %arg8: memref<128x128xf32, #tpu.memory_space<vmem>>, %arg9: memref<10240x128xf32, #tpu.memory_space<vmem_shared>>, %arg10: memref<!tpu.dma_semaphore, #tpu.memory_space<semaphore_mem>>) attributes {dimension_semantics = [#tpu.dimension_semantics<core_parallel>, #tpu.dimension_semantics<subcore_parallel>], iteration_bounds = array<i64: 2, 16>, scalar_prefetch = 0 : i64, scratch_operands = 5 : i64, tpu.core_type = #tpu.core_type<sc_vector_subcore>, window_params = [{transform_indices = #map}, {transform_indices = #map}, {transform_indices = #map}, {transform_indices = #map1}]} {
    %mul3A = arith.constant 16 : i32
    %mul3A_0 = arith.muli %arg0, %mul3A : i32
    %add3A = arith.addi %mul3A_0, %arg1 : i32
    %mul3A_1 = arith.constant 80 : i32
    %mul3A_2 = arith.muli %add3A, %mul3A_1 : i32
    "tpu.region"() ({
      %run_scoped3A = tpu.sem_alloc : memref<!tpu.dma_semaphore, #tpu.memory_space<semaphore_mem>>
      %dma_start3A = arith.constant 0 : i32
      %dma_start3A_40 = tpu.memref_slice %arg3[%mul3A_2, %dma_start3A] : memref<2560x128xi32, #tpu.memory_space<hbm>> -> memref<80x128xi32, #tpu.memory_space<hbm>>
      %dma_start3A_41 = arith.constant 0 : i32
      %dma_start3A_42 = tpu.memref_slice %arg3[%mul3A_2, %dma_start3A_41] : memref<2560x128xi32, #tpu.memory_space<hbm>> -> memref<80x128xi32, #tpu.memory_space<hbm>>
      tpu.enqueue_dma source(%dma_start3A_42 : memref<80x128xi32, #tpu.memory_space<hbm>>) target(%arg6 : memref<80x128xi32, #tpu.memory_space<vmem>>) target_semaphore(%run_scoped3A : memref<!tpu.dma_semaphore, #tpu.memory_space<semaphore_mem>>)
      %dma_wait3A = arith.constant 0 : i32
      %dma_wait3A_43 = tpu.memref_slice %arg3[%mul3A_2, %dma_wait3A] : memref<2560x128xi32, #tpu.memory_space<hbm>> -> memref<80x128xi32, #tpu.memory_space<hbm>>
      %dma_wait3A_44 = arith.constant 0 : i32
      %dma_wait3A_45 = tpu.memref_slice %arg3[%mul3A_2, %dma_wait3A_44] : memref<2560x128xi32, #tpu.memory_space<hbm>> -> memref<80x128xi32, #tpu.memory_space<hbm>>
      tpu.wait_dma2 semaphore(%run_scoped3A : memref<!tpu.dma_semaphore, #tpu.memory_space<semaphore_mem>>) src(%dma_wait3A_45 : memref<80x128xi32, #tpu.memory_space<hbm>>) dst(%arg6 : memref<80x128xi32, #tpu.memory_space<vmem>>)
      tpu.yield
    }) : () -> ()
    "tpu.region"() ({
      %run_scoped3A = tpu.sem_alloc : memref<!tpu.dma_semaphore, #tpu.memory_space<semaphore_mem>>
      %dma_start3A = arith.constant 0 : i32
      %dma_start3A_40 = tpu.memref_slice %arg4[%mul3A_2, %dma_start3A] : memref<2560x128xi32, #tpu.memory_space<hbm>> -> memref<80x128xi32, #tpu.memory_space<hbm>>
      %dma_start3A_41 = arith.constant 0 : i32
      %dma_start3A_42 = tpu.memref_slice %arg4[%mul3A_2, %dma_start3A_41] : memref<2560x128xi32, #tpu.memory_space<hbm>> -> memref<80x128xi32, #tpu.memory_space<hbm>>
      tpu.enqueue_dma source(%dma_start3A_42 : memref<80x128xi32, #tpu.memory_space<hbm>>) target(%arg7 : memref<80x128xi32, #tpu.memory_space<vmem>>) target_semaphore(%run_scoped3A : memref<!tpu.dma_semaphore, #tpu.memory_space<semaphore_mem>>)
      %dma_wait3A = arith.constant 0 : i32
      %dma_wait3A_43 = tpu.memref_slice %arg4[%mul3A_2, %dma_wait3A] : memref<2560x128xi32, #tpu.memory_space<hbm>> -> memref<80x128xi32, #tpu.memory_space<hbm>>
      %dma_wait3A_44 = arith.constant 0 : i32
      %dma_wait3A_45 = tpu.memref_slice %arg4[%mul3A_2, %dma_wait3A_44] : memref<2560x128xi32, #tpu.memory_space<hbm>> -> memref<80x128xi32, #tpu.memory_space<hbm>>
      tpu.wait_dma2 semaphore(%run_scoped3A : memref<!tpu.dma_semaphore, #tpu.memory_space<semaphore_mem>>) src(%dma_wait3A_45 : memref<80x128xi32, #tpu.memory_space<hbm>>) dst(%arg7 : memref<80x128xi32, #tpu.memory_space<vmem>>)
      tpu.yield
    }) : () -> ()
    %broadcast_in_dim3A = arith.constant 0.000000e+00 : f32
    %broadcast_in_dim3A_3 = vector.broadcast %broadcast_in_dim3A : f32 to vector<16xf32>
    %scan3A = arith.constant 0 : i32
    %scan3A_4 = arith.constant 0 : i32
    %scan3A_5 = arith.constant 128 : i32
    %scan3A_6 = arith.addi %scan3A_4, %scan3A_5 : i32
    %scan3A_7 = arith.constant 1 : i32
    %scan3A_8 = scf.for %scan3A_40 = %scan3A_4 to %scan3A_6 step %scan3A_7 iter_args(%scan3A_41 = %scan3A) -> (i32)  : i32 {
      %swap3A = arith.index_cast %scan3A_40 : i32 to index
      %swap3A_42 = arith.constant 0 : index
      %swap3A_43 = tpu.vector_load %arg8[%swap3A, %swap3A_42] {strides = array<i32>} : memref<128x128xf32, #tpu.memory_space<vmem>>, vector<1x16xf32>,
      %swap3A_44 = vector.shape_cast %swap3A_43 : vector<1x16xf32> to vector<16xf32>
      %swap3A_45 = vector.shape_cast %broadcast_in_dim3A_3 : vector<16xf32> to vector<1x16xf32>
      tpu.vector_store %arg8[%swap3A, %swap3A_42], %swap3A_45 {strides = array<i32>} : memref<128x128xf32, #tpu.memory_space<vmem>>, vector<1x16xf32>,
      %swap3A_46 = arith.index_cast %scan3A_40 : i32 to index
      %swap3A_47 = arith.constant 16 : index
      %swap3A_48 = tpu.vector_load %arg8[%swap3A_46, %swap3A_47] {strides = array<i32>} : memref<128x128xf32, #tpu.memory_space<vmem>>, vector<1x16xf32>,
      %swap3A_49 = vector.shape_cast %swap3A_48 : vector<1x16xf32> to vector<16xf32>
      %swap3A_50 = vector.shape_cast %broadcast_in_dim3A_3 : vector<16xf32> to vector<1x16xf32>
      tpu.vector_store %arg8[%swap3A_46, %swap3A_47], %swap3A_50 {strides = array<i32>} : memref<128x128xf32, #tpu.memory_space<vmem>>, vector<1x16xf32>,
      %swap3A_51 = arith.index_cast %scan3A_40 : i32 to index
      %swap3A_52 = arith.constant 32 : index
      %swap3A_53 = tpu.vector_load %arg8[%swap3A_51, %swap3A_52] {strides = array<i32>} : memref<128x128xf32, #tpu.memory_space<vmem>>, vector<1x16xf32>,
      %swap3A_54 = vector.shape_cast %swap3A_53 : vector<1x16xf32> to vector<16xf32>
      %swap3A_55 = vector.shape_cast %broadcast_in_dim3A_3 : vector<16xf32> to vector<1x16xf32>
      tpu.vector_store %arg8[%swap3A_51, %swap3A_52], %swap3A_55 {strides = array<i32>} : memref<128x128xf32, #tpu.memory_space<vmem>>, vector<1x16xf32>,
      %swap3A_56 = arith.index_cast %scan3A_40 : i32 to index
      %swap3A_57 = arith.constant 48 : index
      %swap3A_58 = tpu.vector_load %arg8[%swap3A_56, %swap3A_57] {strides = array<i32>} : memref<128x128xf32, #tpu.memory_space<vmem>>, vector<1x16xf32>,
      %swap3A_59 = vector.shape_cast %swap3A_58 : vector<1x16xf32> to vector<16xf32>
      %swap3A_60 = vector.shape_cast %broadcast_in_dim3A_3 : vector<16xf32> to vector<1x16xf32>
      tpu.vector_store %arg8[%swap3A_56, %swap3A_57], %swap3A_60 {strides = array<i32>} : memref<128x128xf32, #tpu.memory_space<vmem>>, vector<1x16xf32>,
      %swap3A_61 = arith.index_cast %scan3A_40 : i32 to index
      %swap3A_62 = arith.constant 64 : index
      %swap3A_63 = tpu.vector_load %arg8[%swap3A_61, %swap3A_62] {strides = array<i32>} : memref<128x128xf32, #tpu.memory_space<vmem>>, vector<1x16xf32>,
      %swap3A_64 = vector.shape_cast %swap3A_63 : vector<1x16xf32> to vector<16xf32>
      %swap3A_65 = vector.shape_cast %broadcast_in_dim3A_3 : vector<16xf32> to vector<1x16xf32>
      tpu.vector_store %arg8[%swap3A_61, %swap3A_62], %swap3A_65 {strides = array<i32>} : memref<128x128xf32, #tpu.memory_space<vmem>>, vector<1x16xf32>,
      %swap3A_66 = arith.index_cast %scan3A_40 : i32 to index
      %swap3A_67 = arith.constant 80 : index
      %swap3A_68 = tpu.vector_load %arg8[%swap3A_66, %swap3A_67] {strides = array<i32>} : memref<128x128xf32, #tpu.memory_space<vmem>>, vector<1x16xf32>,
      %swap3A_69 = vector.shape_cast %swap3A_68 : vector<1x16xf32> to vector<16xf32>
      %swap3A_70 = vector.shape_cast %broadcast_in_dim3A_3 : vector<16xf32> to vector<1x16xf32>
      tpu.vector_store %arg8[%swap3A_66, %swap3A_67], %swap3A_70 {strides = array<i32>} : memref<128x128xf32, #tpu.memory_space<vmem>>, vector<1x16xf32>,
      %swap3A_71 = arith.index_cast %scan3A_40 : i32 to index
      %swap3A_72 = arith.constant 96 : index
      %swap3A_73 = tpu.vector_load %arg8[%swap3A_71, %swap3A_72] {strides = array<i32>} : memref<128x128xf32, #tpu.memory_space<vmem>>, vector<1x16xf32>,
      %swap3A_74 = vector.shape_cast %swap3A_73 : vector<1x16xf32> to vector<16xf32>
      %swap3A_75 = vector.shape_cast %broadcast_in_dim3A_3 : vector<16xf32> to vector<1x16xf32>
      tpu.vector_store %arg8[%swap3A_71, %swap3A_72], %swap3A_75 {strides = array<i32>} : memref<128x128xf32, #tpu.memory_space<vmem>>, vector<1x16xf32>,
      %swap3A_76 = arith.index_cast %scan3A_40 : i32 to index
      %swap3A_77 = arith.constant 112 : index
      %swap3A_78 = tpu.vector_load %arg8[%swap3A_76, %swap3A_77] {strides = array<i32>} : memref<128x128xf32, #tpu.memory_space<vmem>>, vector<1x16xf32>,
      %swap3A_79 = vector.shape_cast %swap3A_78 : vector<1x16xf32> to vector<16xf32>
      %swap3A_80 = vector.shape_cast %broadcast_in_dim3A_3 : vector<16xf32> to vector<1x16xf32>
      tpu.vector_store %arg8[%swap3A_76, %swap3A_77], %swap3A_80 {strides = array<i32>} : memref<128x128xf32, #tpu.memory_space<vmem>>, vector<1x16xf32>,
      %scan3A_81 = arith.constant 0 : i32
      scf.yield %scan3A_81 : i32
    }
    %scan3A_9 = arith.constant 128 : i32
    %mul3A_10 = arith.constant 640 : i32
    %mul3A_11 = arith.muli %arg1, %mul3A_10 : i32
    %add3A_12 = arith.constant 0 : i32
    %add3A_13 = arith.addi %mul3A_11, %add3A_12 : i32
    "tpu.region"() ({
      %run_scoped3A = tpu.sem_alloc : memref<!tpu.dma_semaphore, #tpu.memory_space<semaphore_mem>>
      %dma_start3A = arith.constant 0 : i32
      %dma_start3A_40 = tpu.memref_slice %arg9[%add3A_13, %dma_start3A] : memref<10240x128xf32, #tpu.memory_space<vmem_shared>> -> memref<128x128xf32, #tpu.memory_space<vmem_shared>>
      %dma_start3A_41 = arith.constant 0 : i32
      %dma_start3A_42 = tpu.memref_slice %arg9[%add3A_13, %dma_start3A_41] : memref<10240x128xf32, #tpu.memory_space<vmem_shared>> -> memref<128x128xf32, #tpu.memory_space<vmem_shared>>
      tpu.enqueue_dma source(%arg8 : memref<128x128xf32, #tpu.memory_space<vmem>>) target(%dma_start3A_42 : memref<128x128xf32, #tpu.memory_space<vmem_shared>>) target_semaphore(%run_scoped3A : memref<!tpu.dma_semaphore, #tpu.memory_space<semaphore_mem>>)
      %dma_wait3A = arith.constant 0 : i32
      %dma_wait3A_43 = tpu.memref_slice %arg9[%add3A_13, %dma_wait3A] : memref<10240x128xf32, #tpu.memory_space<vmem_shared>> -> memref<128x128xf32, #tpu.memory_space<vmem_shared>>
      %dma_wait3A_44 = arith.constant 0 : i32
      %dma_wait3A_45 = tpu.memref_slice %arg9[%add3A_13, %dma_wait3A_44] : memref<10240x128xf32, #tpu.memory_space<vmem_shared>> -> memref<128x128xf32, #tpu.memory_space<vmem_shared>>
      tpu.wait_dma2 semaphore(%run_scoped3A : memref<!tpu.dma_semaphore, #tpu.memory_space<semaphore_mem>>) src(%arg8 : memref<128x128xf32, #tpu.memory_space<vmem>>) dst(%dma_wait3A_45 : memref<128x128xf32, #tpu.memory_space<vmem_shared>>)
      tpu.yield
    }) : () -> ()
    %mul3A_14 = arith.constant 640 : i32
    %mul3A_15 = arith.muli %arg1, %mul3A_14 : i32
    %add3A_16 = arith.constant 128 : i32
    %add3A_17 = arith.addi %mul3A_15, %add3A_16 : i32
    "tpu.region"() ({
      %run_scoped3A = tpu.sem_alloc : memref<!tpu.dma_semaphore, #tpu.memory_space<semaphore_mem>>
      %dma_start3A = arith.constant 0 : i32
      %dma_start3A_40 = tpu.memref_slice %arg9[%add3A_17, %dma_start3A] : memref<10240x128xf32, #tpu.memory_space<vmem_shared>> -> memref<128x128xf32, #tpu.memory_space<vmem_shared>>
      %dma_start3A_41 = arith.constant 0 : i32
      %dma_start3A_42 = tpu.memref_slice %arg9[%add3A_17, %dma_start3A_41] : memref<10240x128xf32, #tpu.memory_space<vmem_shared>> -> memref<128x128xf32, #tpu.memory_space<vmem_shared>>
      tpu.enqueue_dma source(%arg8 : memref<128x128xf32, #tpu.memory_space<vmem>>) target(%dma_start3A_42 : memref<128x128xf32, #tpu.memory_space<vmem_shared>>) target_semaphore(%run_scoped3A : memref<!tpu.dma_semaphore, #tpu.memory_space<semaphore_mem>>)
      %dma_wait3A = arith.constant 0 : i32
      %dma_wait3A_43 = tpu.memref_slice %arg9[%add3A_17, %dma_wait3A] : memref<10240x128xf32, #tpu.memory_space<vmem_shared>> -> memref<128x128xf32, #tpu.memory_space<vmem_shared>>
      %dma_wait3A_44 = arith.constant 0 : i32
      %dma_wait3A_45 = tpu.memref_slice %arg9[%add3A_17, %dma_wait3A_44] : memref<10240x128xf32, #tpu.memory_space<vmem_shared>> -> memref<128x128xf32, #tpu.memory_space<vmem_shared>>
      tpu.wait_dma2 semaphore(%run_scoped3A : memref<!tpu.dma_semaphore, #tpu.memory_space<semaphore_mem>>) src(%arg8 : memref<128x128xf32, #tpu.memory_space<vmem>>) dst(%dma_wait3A_45 : memref<128x128xf32, #tpu.memory_space<vmem_shared>>)
      tpu.yield
    }) : () -> ()
    %mul3A_18 = arith.constant 640 : i32
    %mul3A_19 = arith.muli %arg1, %mul3A_18 : i32
    %add3A_20 = arith.constant 256 : i32
    %add3A_21 = arith.addi %mul3A_19, %add3A_20 : i32
    "tpu.region"() ({
      %run_scoped3A = tpu.sem_alloc : memref<!tpu.dma_semaphore, #tpu.memory_space<semaphore_mem>>
      %dma_start3A = arith.constant 0 : i32
      %dma_start3A_40 = tpu.memref_slice %arg9[%add3A_21, %dma_start3A] : memref<10240x128xf32, #tpu.memory_space<vmem_shared>> -> memref<128x128xf32, #tpu.memory_space<vmem_shared>>
      %dma_start3A_41 = arith.constant 0 : i32
      %dma_start3A_42 = tpu.memref_slice %arg9[%add3A_21, %dma_start3A_41] : memref<10240x128xf32, #tpu.memory_space<vmem_shared>> -> memref<128x128xf32, #tpu.memory_space<vmem_shared>>
      tpu.enqueue_dma source(%arg8 : memref<128x128xf32, #tpu.memory_space<vmem>>) target(%dma_start3A_42 : memref<128x128xf32, #tpu.memory_space<vmem_shared>>) target_semaphore(%run_scoped3A : memref<!tpu.dma_semaphore, #tpu.memory_space<semaphore_mem>>)
      %dma_wait3A = arith.constant 0 : i32
      %dma_wait3A_43 = tpu.memref_slice %arg9[%add3A_21, %dma_wait3A] : memref<10240x128xf32, #tpu.memory_space<vmem_shared>> -> memref<128x128xf32, #tpu.memory_space<vmem_shared>>
      %dma_wait3A_44 = arith.constant 0 : i32
      %dma_wait3A_45 = tpu.memref_slice %arg9[%add3A_21, %dma_wait3A_44] : memref<10240x128xf32, #tpu.memory_space<vmem_shared>> -> memref<128x128xf32, #tpu.memory_space<vmem_shared>>
      tpu.wait_dma2 semaphore(%run_scoped3A : memref<!tpu.dma_semaphore, #tpu.memory_space<semaphore_mem>>) src(%arg8 : memref<128x128xf32, #tpu.memory_space<vmem>>) dst(%dma_wait3A_45 : memref<128x128xf32, #tpu.memory_space<vmem_shared>>)
      tpu.yield
    }) : () -> ()
    %mul3A_22 = arith.constant 640 : i32
    %mul3A_23 = arith.muli %arg1, %mul3A_22 : i32
    %add3A_24 = arith.constant 384 : i32
    %add3A_25 = arith.addi %mul3A_23, %add3A_24 : i32
    "tpu.region"() ({
      %run_scoped3A = tpu.sem_alloc : memref<!tpu.dma_semaphore, #tpu.memory_space<semaphore_mem>>
      %dma_start3A = arith.constant 0 : i32
      %dma_start3A_40 = tpu.memref_slice %arg9[%add3A_25, %dma_start3A] : memref<10240x128xf32, #tpu.memory_space<vmem_shared>> -> memref<128x128xf32, #tpu.memory_space<vmem_shared>>
      %dma_start3A_41 = arith.constant 0 : i32
      %dma_start3A_42 = tpu.memref_slice %arg9[%add3A_25, %dma_start3A_41] : memref<10240x128xf32, #tpu.memory_space<vmem_shared>> -> memref<128x128xf32, #tpu.memory_space<vmem_shared>>
      tpu.enqueue_dma source(%arg8 : memref<128x128xf32, #tpu.memory_space<vmem>>) target(%dma_start3A_42 : memref<128x128xf32, #tpu.memory_space<vmem_shared>>) target_semaphore(%run_scoped3A : memref<!tpu.dma_semaphore, #tpu.memory_space<semaphore_mem>>)
      %dma_wait3A = arith.constant 0 : i32
      %dma_wait3A_43 = tpu.memref_slice %arg9[%add3A_25, %dma_wait3A] : memref<10240x128xf32, #tpu.memory_space<vmem_shared>> -> memref<128x128xf32, #tpu.memory_space<vmem_shared>>
      %dma_wait3A_44 = arith.constant 0 : i32
      %dma_wait3A_45 = tpu.memref_slice %arg9[%add3A_25, %dma_wait3A_44] : memref<10240x128xf32, #tpu.memory_space<vmem_shared>> -> memref<128x128xf32, #tpu.memory_space<vmem_shared>>
      tpu.wait_dma2 semaphore(%run_scoped3A : memref<!tpu.dma_semaphore, #tpu.memory_space<semaphore_mem>>) src(%arg8 : memref<128x128xf32, #tpu.memory_space<vmem>>) dst(%dma_wait3A_45 : memref<128x128xf32, #tpu.memory_space<vmem_shared>>)
      tpu.yield
    }) : () -> ()
    %mul3A_26 = arith.constant 640 : i32
    %mul3A_27 = arith.muli %arg1, %mul3A_26 : i32
    %add3A_28 = arith.constant 512 : i32
    %add3A_29 = arith.addi %mul3A_27, %add3A_28 : i32
    "tpu.region"() ({
      %run_scoped3A = tpu.sem_alloc : memref<!tpu.dma_semaphore, #tpu.memory_space<semaphore_mem>>
      %dma_start3A = arith.constant 0 : i32
      %dma_start3A_40 = tpu.memref_slice %arg9[%add3A_29, %dma_start3A] : memref<10240x128xf32, #tpu.memory_space<vmem_shared>> -> memref<128x128xf32, #tpu.memory_space<vmem_shared>>
      %dma_start3A_41 = arith.constant 0 : i32
      %dma_start3A_42 = tpu.memref_slice %arg9[%add3A_29, %dma_start3A_41] : memref<10240x128xf32, #tpu.memory_space<vmem_shared>> -> memref<128x128xf32, #tpu.memory_space<vmem_shared>>
      tpu.enqueue_dma source(%arg8 : memref<128x128xf32, #tpu.memory_space<vmem>>) target(%dma_start3A_42 : memref<128x128xf32, #tpu.memory_space<vmem_shared>>) target_semaphore(%run_scoped3A : memref<!tpu.dma_semaphore, #tpu.memory_space<semaphore_mem>>)
      %dma_wait3A = arith.constant 0 : i32
      %dma_wait3A_43 = tpu.memref_slice %arg9[%add3A_29, %dma_wait3A] : memref<10240x128xf32, #tpu.memory_space<vmem_shared>> -> memref<128x128xf32, #tpu.memory_space<vmem_shared>>
      %dma_wait3A_44 = arith.constant 0 : i32
      %dma_wait3A_45 = tpu.memref_slice %arg9[%add3A_29, %dma_wait3A_44] : memref<10240x128xf32, #tpu.memory_space<vmem_shared>> -> memref<128x128xf32, #tpu.memory_space<vmem_shared>>
      tpu.wait_dma2 semaphore(%run_scoped3A : memref<!tpu.dma_semaphore, #tpu.memory_space<semaphore_mem>>) src(%arg8 : memref<128x128xf32, #tpu.memory_space<vmem>>) dst(%dma_wait3A_45 : memref<128x128xf32, #tpu.memory_space<vmem_shared>>)
      tpu.yield
    }) : () -> ()
    %barrier3A = arith.constant 0 : index
    tpu.barrier barrier_id(%barrier3A)
    %scan3A_30 = arith.constant 0 : i32
    %scan3A_31 = arith.constant 0 : i32
    %scan3A_32 = arith.constant 80 : i32
    %scan3A_33 = arith.addi %scan3A_31, %scan3A_32 : i32
    %scan3A_34 = arith.constant 1 : i32
    %scan3A_35 = scf.for %scan3A_40 = %scan3A_31 to %scan3A_33 step %scan3A_34 iter_args(%scan3A_41 = %scan3A_30) -> (i32)  : i32 {
      %dma_start3A = arith.constant 0 : i32
      %dma_start3A_42 = tpu.memref_slice %arg6[%scan3A_40, %dma_start3A] : memref<80x128xi32, #tpu.memory_space<vmem>> -> memref<1x128xi32, #tpu.memory_space<vmem>>
      %dma_start3A_43 = tpu.memref_squeeze %dma_start3A_42 : memref<1x128xi32, #tpu.memory_space<vmem>> -> memref<128xi32, #tpu.memory_space<vmem>>
      %dma_start3A_44 = arith.constant 0 : i32
      %dma_start3A_45 = arith.constant 0 : i32
      %dma_start3A_46 = tpu.memref_slice %arg2[%dma_start3A_44, %dma_start3A_45] : memref<10240x128xf32, #tpu.memory_space<hbm>> -> memref<10240x128xf32, #tpu.memory_space<hbm>>
      tpu.enqueue_indirect_dma source(%dma_start3A_46 : memref<10240x128xf32, #tpu.memory_space<hbm>>) target(%arg8 : memref<128x128xf32, #tpu.memory_space<vmem>>) offsets(%dma_start3A_43 : memref<128xi32, #tpu.memory_space<vmem>>) semaphore(%arg10 : memref<!tpu.dma_semaphore, #tpu.memory_space<semaphore_mem>>)
      %dma_wait3A = arith.constant 0 : i32
      %dma_wait3A_47 = tpu.memref_slice %arg6[%scan3A_40, %dma_wait3A] : memref<80x128xi32, #tpu.memory_space<vmem>> -> memref<1x128xi32, #tpu.memory_space<vmem>>
      %dma_wait3A_48 = tpu.memref_squeeze %dma_wait3A_47 : memref<1x128xi32, #tpu.memory_space<vmem>> -> memref<128xi32, #tpu.memory_space<vmem>>
      %dma_wait3A_49 = arith.constant 0 : i32
      %dma_wait3A_50 = arith.constant 0 : i32
      %dma_wait3A_51 = tpu.memref_slice %arg2[%dma_wait3A_49, %dma_wait3A_50] : memref<10240x128xf32, #tpu.memory_space<hbm>> -> memref<10240x128xf32, #tpu.memory_space<hbm>>
      tpu.wait_indirect_dma semaphore(%arg10 : memref<!tpu.dma_semaphore, #tpu.memory_space<semaphore_mem>>) src(%dma_wait3A_51 : memref<10240x128xf32, #tpu.memory_space<hbm>>) dst(%arg8 : memref<128x128xf32, #tpu.memory_space<vmem>>)
      "tpu.region"() ({
        %run_scoped3A = tpu.sem_alloc : memref<!tpu.dma_semaphore, #tpu.memory_space<semaphore_mem>>
        %dma_start3A_53 = arith.constant 0 : i32
        %dma_start3A_54 = tpu.memref_slice %arg7[%scan3A_40, %dma_start3A_53] : memref<80x128xi32, #tpu.memory_space<vmem>> -> memref<1x128xi32, #tpu.memory_space<vmem>>
        %dma_start3A_55 = tpu.memref_squeeze %dma_start3A_54 : memref<1x128xi32, #tpu.memory_space<vmem>> -> memref<128xi32, #tpu.memory_space<vmem>>
        %dma_start3A_56 = arith.constant 0 : i32
        %dma_start3A_57 = arith.constant 0 : i32
        %dma_start3A_58 = tpu.memref_slice %arg9[%dma_start3A_56, %dma_start3A_57] : memref<10240x128xf32, #tpu.memory_space<vmem_shared>> -> memref<10240x128xf32, #tpu.memory_space<vmem_shared>>
        tpu.enqueue_indirect_dma source(%arg8 : memref<128x128xf32, #tpu.memory_space<vmem>>) target(%dma_start3A_58 : memref<10240x128xf32, #tpu.memory_space<vmem_shared>>) offsets(%dma_start3A_55 : memref<128xi32, #tpu.memory_space<vmem>>) semaphore(%run_scoped3A : memref<!tpu.dma_semaphore, #tpu.memory_space<semaphore_mem>>) {add = true}
        %dma_wait3A_59 = arith.constant 0 : i32
        %dma_wait3A_60 = tpu.memref_slice %arg7[%scan3A_40, %dma_wait3A_59] : memref<80x128xi32, #tpu.memory_space<vmem>> -> memref<1x128xi32, #tpu.memory_space<vmem>>
        %dma_wait3A_61 = tpu.memref_squeeze %dma_wait3A_60 : memref<1x128xi32, #tpu.memory_space<vmem>> -> memref<128xi32, #tpu.memory_space<vmem>>
        %dma_wait3A_62 = arith.constant 0 : i32
        %dma_wait3A_63 = arith.constant 0 : i32
        %dma_wait3A_64 = tpu.memref_slice %arg9[%dma_wait3A_62, %dma_wait3A_63] : memref<10240x128xf32, #tpu.memory_space<vmem_shared>> -> memref<10240x128xf32, #tpu.memory_space<vmem_shared>>
        tpu.wait_indirect_dma semaphore(%run_scoped3A : memref<!tpu.dma_semaphore, #tpu.memory_space<semaphore_mem>>) src(%arg8 : memref<128x128xf32, #tpu.memory_space<vmem>>) dst(%dma_wait3A_64 : memref<10240x128xf32, #tpu.memory_space<vmem_shared>>)
        tpu.yield
      }) : () -> ()
      %scan3A_52 = arith.constant 0 : i32
      scf.yield %scan3A_52 : i32
    }
    %scan3A_36 = arith.constant 80 : i32
    %barrier3A_37 = arith.constant 0 : index
    tpu.barrier barrier_id(%barrier3A_37)
    %mul3A_38 = arith.constant 640 : i32
    %mul3A_39 = arith.muli %arg1, %mul3A_38 : i32
    "tpu.region"() ({
      %run_scoped3A = tpu.sem_alloc : memref<!tpu.dma_semaphore, #tpu.memory_space<semaphore_mem>>
      %dma_start3A = arith.constant 0 : i32
      %dma_start3A_40 = tpu.memref_slice %arg5[%arg0, %mul3A_39, %dma_start3A] : memref<2x10240x128xf32, #tpu.memory_space<hbm>> -> memref<1x640x128xf32, #tpu.memory_space<hbm>>
      %dma_start3A_41 = tpu.memref_squeeze %dma_start3A_40 : memref<1x640x128xf32, #tpu.memory_space<hbm>> -> memref<640x128xf32, #tpu.memory_space<hbm>>
      %dma_start3A_42 = arith.constant 0 : i32
      %dma_start3A_43 = tpu.memref_slice %arg9[%mul3A_39, %dma_start3A_42] : memref<10240x128xf32, #tpu.memory_space<vmem_shared>> -> memref<640x128xf32, #tpu.memory_space<vmem_shared>>
      tpu.enqueue_dma source(%dma_start3A_43 : memref<640x128xf32, #tpu.memory_space<vmem_shared>>) target(%dma_start3A_41 : memref<640x128xf32, #tpu.memory_space<hbm>>) target_semaphore(%run_scoped3A : memref<!tpu.dma_semaphore, #tpu.memory_space<semaphore_mem>>)
      %dma_wait3A = arith.constant 0 : i32
      %dma_wait3A_44 = tpu.memref_slice %arg5[%arg0, %mul3A_39, %dma_wait3A] : memref<2x10240x128xf32, #tpu.memory_space<hbm>> -> memref<1x640x128xf32, #tpu.memory_space<hbm>>
      %dma_wait3A_45 = tpu.memref_squeeze %dma_wait3A_44 : memref<1x640x128xf32, #tpu.memory_space<hbm>> -> memref<640x128xf32, #tpu.memory_space<hbm>>
      %dma_wait3A_46 = arith.constant 0 : i32
      %dma_wait3A_47 = tpu.memref_slice %arg9[%mul3A_39, %dma_wait3A_46] : memref<10240x128xf32, #tpu.memory_space<vmem_shared>> -> memref<640x128xf32, #tpu.memory_space<vmem_shared>>
      tpu.wait_dma2 semaphore(%run_scoped3A : memref<!tpu.dma_semaphore, #tpu.memory_space<semaphore_mem>>) src(%dma_wait3A_47 : memref<640x128xf32, #tpu.memory_space<vmem_shared>>) dst(%dma_wait3A_45 : memref<640x128xf32, #tpu.memory_space<hbm>>)
      tpu.yield
    }) : () -> ()
    return
  }
}

#map = affine_map<(d0, d1) -> (0, 0)>
#map1 = affine_map<(d0, d1) -> (0, 0, 0)>
module attributes {stable_mosaic.version = 14 : i64} {
  func.func @_rowpass_body(%arg0: i32, %arg1: i32, %arg2: memref<10240x144xf32, #tpu.memory_space<hbm>>, %arg3: memref<2560x128xi32, #tpu.memory_space<hbm>>, %arg4: memref<2560x128xi32, #tpu.memory_space<hbm>>, %arg5: memref<2x10240x144xf32, #tpu.memory_space<hbm>>, %arg6: memref<80x128xi32, #tpu.memory_space<vmem>>, %arg7: memref<80x128xi32, #tpu.memory_space<vmem>>, %arg8: memref<128x144xf32, #tpu.memory_space<vmem>>, %arg9: memref<10240x144xf32, #tpu.memory_space<vmem_shared>>, %arg10: memref<!tpu.dma_semaphore, #tpu.memory_space<semaphore_mem>>) attributes {dimension_semantics = [#tpu.dimension_semantics<core_parallel>, #tpu.dimension_semantics<subcore_parallel>], iteration_bounds = array<i64: 2, 16>, scalar_prefetch = 0 : i64, scratch_operands = 5 : i64, tpu.core_type = #tpu.core_type<sc_vector_subcore>, window_params = [{transform_indices = #map}, {transform_indices = #map}, {transform_indices = #map}, {transform_indices = #map1}]} {
    %mul3A = arith.constant 16 : i32
    %mul3A_0 = arith.muli %arg0, %mul3A : i32
    %add3A = arith.addi %mul3A_0, %arg1 : i32
    %mul3A_1 = arith.constant 80 : i32
    %mul3A_2 = arith.muli %add3A, %mul3A_1 : i32
    "tpu.region"() ({
      %run_scoped3A = tpu.sem_alloc : memref<!tpu.dma_semaphore, #tpu.memory_space<semaphore_mem>>
      %dma_start3A = arith.constant 0 : i32
      %dma_start3A_40 = tpu.memref_slice %arg3[%mul3A_2, %dma_start3A] : memref<2560x128xi32, #tpu.memory_space<hbm>> -> memref<80x128xi32, #tpu.memory_space<hbm>>
      %dma_start3A_41 = arith.constant 0 : i32
      %dma_start3A_42 = tpu.memref_slice %arg3[%mul3A_2, %dma_start3A_41] : memref<2560x128xi32, #tpu.memory_space<hbm>> -> memref<80x128xi32, #tpu.memory_space<hbm>>
      tpu.enqueue_dma source(%dma_start3A_42 : memref<80x128xi32, #tpu.memory_space<hbm>>) target(%arg6 : memref<80x128xi32, #tpu.memory_space<vmem>>) target_semaphore(%run_scoped3A : memref<!tpu.dma_semaphore, #tpu.memory_space<semaphore_mem>>)
      %dma_wait3A = arith.constant 0 : i32
      %dma_wait3A_43 = tpu.memref_slice %arg3[%mul3A_2, %dma_wait3A] : memref<2560x128xi32, #tpu.memory_space<hbm>> -> memref<80x128xi32, #tpu.memory_space<hbm>>
      %dma_wait3A_44 = arith.constant 0 : i32
      %dma_wait3A_45 = tpu.memref_slice %arg3[%mul3A_2, %dma_wait3A_44] : memref<2560x128xi32, #tpu.memory_space<hbm>> -> memref<80x128xi32, #tpu.memory_space<hbm>>
      tpu.wait_dma2 semaphore(%run_scoped3A : memref<!tpu.dma_semaphore, #tpu.memory_space<semaphore_mem>>) src(%dma_wait3A_45 : memref<80x128xi32, #tpu.memory_space<hbm>>) dst(%arg6 : memref<80x128xi32, #tpu.memory_space<vmem>>)
      tpu.yield
    }) : () -> ()
    "tpu.region"() ({
      %run_scoped3A = tpu.sem_alloc : memref<!tpu.dma_semaphore, #tpu.memory_space<semaphore_mem>>
      %dma_start3A = arith.constant 0 : i32
      %dma_start3A_40 = tpu.memref_slice %arg4[%mul3A_2, %dma_start3A] : memref<2560x128xi32, #tpu.memory_space<hbm>> -> memref<80x128xi32, #tpu.memory_space<hbm>>
      %dma_start3A_41 = arith.constant 0 : i32
      %dma_start3A_42 = tpu.memref_slice %arg4[%mul3A_2, %dma_start3A_41] : memref<2560x128xi32, #tpu.memory_space<hbm>> -> memref<80x128xi32, #tpu.memory_space<hbm>>
      tpu.enqueue_dma source(%dma_start3A_42 : memref<80x128xi32, #tpu.memory_space<hbm>>) target(%arg7 : memref<80x128xi32, #tpu.memory_space<vmem>>) target_semaphore(%run_scoped3A : memref<!tpu.dma_semaphore, #tpu.memory_space<semaphore_mem>>)
      %dma_wait3A = arith.constant 0 : i32
      %dma_wait3A_43 = tpu.memref_slice %arg4[%mul3A_2, %dma_wait3A] : memref<2560x128xi32, #tpu.memory_space<hbm>> -> memref<80x128xi32, #tpu.memory_space<hbm>>
      %dma_wait3A_44 = arith.constant 0 : i32
      %dma_wait3A_45 = tpu.memref_slice %arg4[%mul3A_2, %dma_wait3A_44] : memref<2560x128xi32, #tpu.memory_space<hbm>> -> memref<80x128xi32, #tpu.memory_space<hbm>>
      tpu.wait_dma2 semaphore(%run_scoped3A : memref<!tpu.dma_semaphore, #tpu.memory_space<semaphore_mem>>) src(%dma_wait3A_45 : memref<80x128xi32, #tpu.memory_space<hbm>>) dst(%arg7 : memref<80x128xi32, #tpu.memory_space<vmem>>)
      tpu.yield
    }) : () -> ()
    %broadcast_in_dim3A = arith.constant 0.000000e+00 : f32
    %broadcast_in_dim3A_3 = vector.broadcast %broadcast_in_dim3A : f32 to vector<16xf32>
    %scan3A = arith.constant 0 : i32
    %scan3A_4 = arith.constant 0 : i32
    %scan3A_5 = arith.constant 128 : i32
    %scan3A_6 = arith.addi %scan3A_4, %scan3A_5 : i32
    %scan3A_7 = arith.constant 1 : i32
    %scan3A_8 = scf.for %scan3A_40 = %scan3A_4 to %scan3A_6 step %scan3A_7 iter_args(%scan3A_41 = %scan3A) -> (i32)  : i32 {
      %swap3A = arith.index_cast %scan3A_40 : i32 to index
      %swap3A_42 = arith.constant 0 : index
      %swap3A_43 = tpu.vector_load %arg8[%swap3A, %swap3A_42] {strides = array<i32>} : memref<128x144xf32, #tpu.memory_space<vmem>>, vector<1x16xf32>,
      %swap3A_44 = vector.shape_cast %swap3A_43 : vector<1x16xf32> to vector<16xf32>
      %swap3A_45 = vector.shape_cast %broadcast_in_dim3A_3 : vector<16xf32> to vector<1x16xf32>
      tpu.vector_store %arg8[%swap3A, %swap3A_42], %swap3A_45 {strides = array<i32>} : memref<128x144xf32, #tpu.memory_space<vmem>>, vector<1x16xf32>,
      %swap3A_46 = arith.index_cast %scan3A_40 : i32 to index
      %swap3A_47 = arith.constant 16 : index
      %swap3A_48 = tpu.vector_load %arg8[%swap3A_46, %swap3A_47] {strides = array<i32>} : memref<128x144xf32, #tpu.memory_space<vmem>>, vector<1x16xf32>,
      %swap3A_49 = vector.shape_cast %swap3A_48 : vector<1x16xf32> to vector<16xf32>
      %swap3A_50 = vector.shape_cast %broadcast_in_dim3A_3 : vector<16xf32> to vector<1x16xf32>
      tpu.vector_store %arg8[%swap3A_46, %swap3A_47], %swap3A_50 {strides = array<i32>} : memref<128x144xf32, #tpu.memory_space<vmem>>, vector<1x16xf32>,
      %swap3A_51 = arith.index_cast %scan3A_40 : i32 to index
      %swap3A_52 = arith.constant 32 : index
      %swap3A_53 = tpu.vector_load %arg8[%swap3A_51, %swap3A_52] {strides = array<i32>} : memref<128x144xf32, #tpu.memory_space<vmem>>, vector<1x16xf32>,
      %swap3A_54 = vector.shape_cast %swap3A_53 : vector<1x16xf32> to vector<16xf32>
      %swap3A_55 = vector.shape_cast %broadcast_in_dim3A_3 : vector<16xf32> to vector<1x16xf32>
      tpu.vector_store %arg8[%swap3A_51, %swap3A_52], %swap3A_55 {strides = array<i32>} : memref<128x144xf32, #tpu.memory_space<vmem>>, vector<1x16xf32>,
      %swap3A_56 = arith.index_cast %scan3A_40 : i32 to index
      %swap3A_57 = arith.constant 48 : index
      %swap3A_58 = tpu.vector_load %arg8[%swap3A_56, %swap3A_57] {strides = array<i32>} : memref<128x144xf32, #tpu.memory_space<vmem>>, vector<1x16xf32>,
      %swap3A_59 = vector.shape_cast %swap3A_58 : vector<1x16xf32> to vector<16xf32>
      %swap3A_60 = vector.shape_cast %broadcast_in_dim3A_3 : vector<16xf32> to vector<1x16xf32>
      tpu.vector_store %arg8[%swap3A_56, %swap3A_57], %swap3A_60 {strides = array<i32>} : memref<128x144xf32, #tpu.memory_space<vmem>>, vector<1x16xf32>,
      %swap3A_61 = arith.index_cast %scan3A_40 : i32 to index
      %swap3A_62 = arith.constant 64 : index
      %swap3A_63 = tpu.vector_load %arg8[%swap3A_61, %swap3A_62] {strides = array<i32>} : memref<128x144xf32, #tpu.memory_space<vmem>>, vector<1x16xf32>,
      %swap3A_64 = vector.shape_cast %swap3A_63 : vector<1x16xf32> to vector<16xf32>
      %swap3A_65 = vector.shape_cast %broadcast_in_dim3A_3 : vector<16xf32> to vector<1x16xf32>
      tpu.vector_store %arg8[%swap3A_61, %swap3A_62], %swap3A_65 {strides = array<i32>} : memref<128x144xf32, #tpu.memory_space<vmem>>, vector<1x16xf32>,
      %swap3A_66 = arith.index_cast %scan3A_40 : i32 to index
      %swap3A_67 = arith.constant 80 : index
      %swap3A_68 = tpu.vector_load %arg8[%swap3A_66, %swap3A_67] {strides = array<i32>} : memref<128x144xf32, #tpu.memory_space<vmem>>, vector<1x16xf32>,
      %swap3A_69 = vector.shape_cast %swap3A_68 : vector<1x16xf32> to vector<16xf32>
      %swap3A_70 = vector.shape_cast %broadcast_in_dim3A_3 : vector<16xf32> to vector<1x16xf32>
      tpu.vector_store %arg8[%swap3A_66, %swap3A_67], %swap3A_70 {strides = array<i32>} : memref<128x144xf32, #tpu.memory_space<vmem>>, vector<1x16xf32>,
      %swap3A_71 = arith.index_cast %scan3A_40 : i32 to index
      %swap3A_72 = arith.constant 96 : index
      %swap3A_73 = tpu.vector_load %arg8[%swap3A_71, %swap3A_72] {strides = array<i32>} : memref<128x144xf32, #tpu.memory_space<vmem>>, vector<1x16xf32>,
      %swap3A_74 = vector.shape_cast %swap3A_73 : vector<1x16xf32> to vector<16xf32>
      %swap3A_75 = vector.shape_cast %broadcast_in_dim3A_3 : vector<16xf32> to vector<1x16xf32>
      tpu.vector_store %arg8[%swap3A_71, %swap3A_72], %swap3A_75 {strides = array<i32>} : memref<128x144xf32, #tpu.memory_space<vmem>>, vector<1x16xf32>,
      %swap3A_76 = arith.index_cast %scan3A_40 : i32 to index
      %swap3A_77 = arith.constant 112 : index
      %swap3A_78 = tpu.vector_load %arg8[%swap3A_76, %swap3A_77] {strides = array<i32>} : memref<128x144xf32, #tpu.memory_space<vmem>>, vector<1x16xf32>,
      %swap3A_79 = vector.shape_cast %swap3A_78 : vector<1x16xf32> to vector<16xf32>
      %swap3A_80 = vector.shape_cast %broadcast_in_dim3A_3 : vector<16xf32> to vector<1x16xf32>
      tpu.vector_store %arg8[%swap3A_76, %swap3A_77], %swap3A_80 {strides = array<i32>} : memref<128x144xf32, #tpu.memory_space<vmem>>, vector<1x16xf32>,
      %swap3A_81 = arith.index_cast %scan3A_40 : i32 to index
      %swap3A_82 = arith.constant 128 : index
      %swap3A_83 = tpu.vector_load %arg8[%swap3A_81, %swap3A_82] {strides = array<i32>} : memref<128x144xf32, #tpu.memory_space<vmem>>, vector<1x16xf32>,
      %swap3A_84 = vector.shape_cast %swap3A_83 : vector<1x16xf32> to vector<16xf32>
      %swap3A_85 = vector.shape_cast %broadcast_in_dim3A_3 : vector<16xf32> to vector<1x16xf32>
      tpu.vector_store %arg8[%swap3A_81, %swap3A_82], %swap3A_85 {strides = array<i32>} : memref<128x144xf32, #tpu.memory_space<vmem>>, vector<1x16xf32>,
      %scan3A_86 = arith.constant 0 : i32
      scf.yield %scan3A_86 : i32
    }
    %scan3A_9 = arith.constant 128 : i32
    %mul3A_10 = arith.constant 640 : i32
    %mul3A_11 = arith.muli %arg1, %mul3A_10 : i32
    %add3A_12 = arith.constant 0 : i32
    %add3A_13 = arith.addi %mul3A_11, %add3A_12 : i32
    "tpu.region"() ({
      %run_scoped3A = tpu.sem_alloc : memref<!tpu.dma_semaphore, #tpu.memory_space<semaphore_mem>>
      %dma_start3A = arith.constant 0 : i32
      %dma_start3A_40 = tpu.memref_slice %arg9[%add3A_13, %dma_start3A] : memref<10240x144xf32, #tpu.memory_space<vmem_shared>> -> memref<128x144xf32, #tpu.memory_space<vmem_shared>>
      %dma_start3A_41 = arith.constant 0 : i32
      %dma_start3A_42 = tpu.memref_slice %arg9[%add3A_13, %dma_start3A_41] : memref<10240x144xf32, #tpu.memory_space<vmem_shared>> -> memref<128x144xf32, #tpu.memory_space<vmem_shared>>
      tpu.enqueue_dma source(%arg8 : memref<128x144xf32, #tpu.memory_space<vmem>>) target(%dma_start3A_42 : memref<128x144xf32, #tpu.memory_space<vmem_shared>>) target_semaphore(%run_scoped3A : memref<!tpu.dma_semaphore, #tpu.memory_space<semaphore_mem>>)
      %dma_wait3A = arith.constant 0 : i32
      %dma_wait3A_43 = tpu.memref_slice %arg9[%add3A_13, %dma_wait3A] : memref<10240x144xf32, #tpu.memory_space<vmem_shared>> -> memref<128x144xf32, #tpu.memory_space<vmem_shared>>
      %dma_wait3A_44 = arith.constant 0 : i32
      %dma_wait3A_45 = tpu.memref_slice %arg9[%add3A_13, %dma_wait3A_44] : memref<10240x144xf32, #tpu.memory_space<vmem_shared>> -> memref<128x144xf32, #tpu.memory_space<vmem_shared>>
      tpu.wait_dma2 semaphore(%run_scoped3A : memref<!tpu.dma_semaphore, #tpu.memory_space<semaphore_mem>>) src(%arg8 : memref<128x144xf32, #tpu.memory_space<vmem>>) dst(%dma_wait3A_45 : memref<128x144xf32, #tpu.memory_space<vmem_shared>>)
      tpu.yield
    }) : () -> ()
    %mul3A_14 = arith.constant 640 : i32
    %mul3A_15 = arith.muli %arg1, %mul3A_14 : i32
    %add3A_16 = arith.constant 128 : i32
    %add3A_17 = arith.addi %mul3A_15, %add3A_16 : i32
    "tpu.region"() ({
      %run_scoped3A = tpu.sem_alloc : memref<!tpu.dma_semaphore, #tpu.memory_space<semaphore_mem>>
      %dma_start3A = arith.constant 0 : i32
      %dma_start3A_40 = tpu.memref_slice %arg9[%add3A_17, %dma_start3A] : memref<10240x144xf32, #tpu.memory_space<vmem_shared>> -> memref<128x144xf32, #tpu.memory_space<vmem_shared>>
      %dma_start3A_41 = arith.constant 0 : i32
      %dma_start3A_42 = tpu.memref_slice %arg9[%add3A_17, %dma_start3A_41] : memref<10240x144xf32, #tpu.memory_space<vmem_shared>> -> memref<128x144xf32, #tpu.memory_space<vmem_shared>>
      tpu.enqueue_dma source(%arg8 : memref<128x144xf32, #tpu.memory_space<vmem>>) target(%dma_start3A_42 : memref<128x144xf32, #tpu.memory_space<vmem_shared>>) target_semaphore(%run_scoped3A : memref<!tpu.dma_semaphore, #tpu.memory_space<semaphore_mem>>)
      %dma_wait3A = arith.constant 0 : i32
      %dma_wait3A_43 = tpu.memref_slice %arg9[%add3A_17, %dma_wait3A] : memref<10240x144xf32, #tpu.memory_space<vmem_shared>> -> memref<128x144xf32, #tpu.memory_space<vmem_shared>>
      %dma_wait3A_44 = arith.constant 0 : i32
      %dma_wait3A_45 = tpu.memref_slice %arg9[%add3A_17, %dma_wait3A_44] : memref<10240x144xf32, #tpu.memory_space<vmem_shared>> -> memref<128x144xf32, #tpu.memory_space<vmem_shared>>
      tpu.wait_dma2 semaphore(%run_scoped3A : memref<!tpu.dma_semaphore, #tpu.memory_space<semaphore_mem>>) src(%arg8 : memref<128x144xf32, #tpu.memory_space<vmem>>) dst(%dma_wait3A_45 : memref<128x144xf32, #tpu.memory_space<vmem_shared>>)
      tpu.yield
    }) : () -> ()
    %mul3A_18 = arith.constant 640 : i32
    %mul3A_19 = arith.muli %arg1, %mul3A_18 : i32
    %add3A_20 = arith.constant 256 : i32
    %add3A_21 = arith.addi %mul3A_19, %add3A_20 : i32
    "tpu.region"() ({
      %run_scoped3A = tpu.sem_alloc : memref<!tpu.dma_semaphore, #tpu.memory_space<semaphore_mem>>
      %dma_start3A = arith.constant 0 : i32
      %dma_start3A_40 = tpu.memref_slice %arg9[%add3A_21, %dma_start3A] : memref<10240x144xf32, #tpu.memory_space<vmem_shared>> -> memref<128x144xf32, #tpu.memory_space<vmem_shared>>
      %dma_start3A_41 = arith.constant 0 : i32
      %dma_start3A_42 = tpu.memref_slice %arg9[%add3A_21, %dma_start3A_41] : memref<10240x144xf32, #tpu.memory_space<vmem_shared>> -> memref<128x144xf32, #tpu.memory_space<vmem_shared>>
      tpu.enqueue_dma source(%arg8 : memref<128x144xf32, #tpu.memory_space<vmem>>) target(%dma_start3A_42 : memref<128x144xf32, #tpu.memory_space<vmem_shared>>) target_semaphore(%run_scoped3A : memref<!tpu.dma_semaphore, #tpu.memory_space<semaphore_mem>>)
      %dma_wait3A = arith.constant 0 : i32
      %dma_wait3A_43 = tpu.memref_slice %arg9[%add3A_21, %dma_wait3A] : memref<10240x144xf32, #tpu.memory_space<vmem_shared>> -> memref<128x144xf32, #tpu.memory_space<vmem_shared>>
      %dma_wait3A_44 = arith.constant 0 : i32
      %dma_wait3A_45 = tpu.memref_slice %arg9[%add3A_21, %dma_wait3A_44] : memref<10240x144xf32, #tpu.memory_space<vmem_shared>> -> memref<128x144xf32, #tpu.memory_space<vmem_shared>>
      tpu.wait_dma2 semaphore(%run_scoped3A : memref<!tpu.dma_semaphore, #tpu.memory_space<semaphore_mem>>) src(%arg8 : memref<128x144xf32, #tpu.memory_space<vmem>>) dst(%dma_wait3A_45 : memref<128x144xf32, #tpu.memory_space<vmem_shared>>)
      tpu.yield
    }) : () -> ()
    %mul3A_22 = arith.constant 640 : i32
    %mul3A_23 = arith.muli %arg1, %mul3A_22 : i32
    %add3A_24 = arith.constant 384 : i32
    %add3A_25 = arith.addi %mul3A_23, %add3A_24 : i32
    "tpu.region"() ({
      %run_scoped3A = tpu.sem_alloc : memref<!tpu.dma_semaphore, #tpu.memory_space<semaphore_mem>>
      %dma_start3A = arith.constant 0 : i32
      %dma_start3A_40 = tpu.memref_slice %arg9[%add3A_25, %dma_start3A] : memref<10240x144xf32, #tpu.memory_space<vmem_shared>> -> memref<128x144xf32, #tpu.memory_space<vmem_shared>>
      %dma_start3A_41 = arith.constant 0 : i32
      %dma_start3A_42 = tpu.memref_slice %arg9[%add3A_25, %dma_start3A_41] : memref<10240x144xf32, #tpu.memory_space<vmem_shared>> -> memref<128x144xf32, #tpu.memory_space<vmem_shared>>
      tpu.enqueue_dma source(%arg8 : memref<128x144xf32, #tpu.memory_space<vmem>>) target(%dma_start3A_42 : memref<128x144xf32, #tpu.memory_space<vmem_shared>>) target_semaphore(%run_scoped3A : memref<!tpu.dma_semaphore, #tpu.memory_space<semaphore_mem>>)
      %dma_wait3A = arith.constant 0 : i32
      %dma_wait3A_43 = tpu.memref_slice %arg9[%add3A_25, %dma_wait3A] : memref<10240x144xf32, #tpu.memory_space<vmem_shared>> -> memref<128x144xf32, #tpu.memory_space<vmem_shared>>
      %dma_wait3A_44 = arith.constant 0 : i32
      %dma_wait3A_45 = tpu.memref_slice %arg9[%add3A_25, %dma_wait3A_44] : memref<10240x144xf32, #tpu.memory_space<vmem_shared>> -> memref<128x144xf32, #tpu.memory_space<vmem_shared>>
      tpu.wait_dma2 semaphore(%run_scoped3A : memref<!tpu.dma_semaphore, #tpu.memory_space<semaphore_mem>>) src(%arg8 : memref<128x144xf32, #tpu.memory_space<vmem>>) dst(%dma_wait3A_45 : memref<128x144xf32, #tpu.memory_space<vmem_shared>>)
      tpu.yield
    }) : () -> ()
    %mul3A_26 = arith.constant 640 : i32
    %mul3A_27 = arith.muli %arg1, %mul3A_26 : i32
    %add3A_28 = arith.constant 512 : i32
    %add3A_29 = arith.addi %mul3A_27, %add3A_28 : i32
    "tpu.region"() ({
      %run_scoped3A = tpu.sem_alloc : memref<!tpu.dma_semaphore, #tpu.memory_space<semaphore_mem>>
      %dma_start3A = arith.constant 0 : i32
      %dma_start3A_40 = tpu.memref_slice %arg9[%add3A_29, %dma_start3A] : memref<10240x144xf32, #tpu.memory_space<vmem_shared>> -> memref<128x144xf32, #tpu.memory_space<vmem_shared>>
      %dma_start3A_41 = arith.constant 0 : i32
      %dma_start3A_42 = tpu.memref_slice %arg9[%add3A_29, %dma_start3A_41] : memref<10240x144xf32, #tpu.memory_space<vmem_shared>> -> memref<128x144xf32, #tpu.memory_space<vmem_shared>>
      tpu.enqueue_dma source(%arg8 : memref<128x144xf32, #tpu.memory_space<vmem>>) target(%dma_start3A_42 : memref<128x144xf32, #tpu.memory_space<vmem_shared>>) target_semaphore(%run_scoped3A : memref<!tpu.dma_semaphore, #tpu.memory_space<semaphore_mem>>)
      %dma_wait3A = arith.constant 0 : i32
      %dma_wait3A_43 = tpu.memref_slice %arg9[%add3A_29, %dma_wait3A] : memref<10240x144xf32, #tpu.memory_space<vmem_shared>> -> memref<128x144xf32, #tpu.memory_space<vmem_shared>>
      %dma_wait3A_44 = arith.constant 0 : i32
      %dma_wait3A_45 = tpu.memref_slice %arg9[%add3A_29, %dma_wait3A_44] : memref<10240x144xf32, #tpu.memory_space<vmem_shared>> -> memref<128x144xf32, #tpu.memory_space<vmem_shared>>
      tpu.wait_dma2 semaphore(%run_scoped3A : memref<!tpu.dma_semaphore, #tpu.memory_space<semaphore_mem>>) src(%arg8 : memref<128x144xf32, #tpu.memory_space<vmem>>) dst(%dma_wait3A_45 : memref<128x144xf32, #tpu.memory_space<vmem_shared>>)
      tpu.yield
    }) : () -> ()
    %barrier3A = arith.constant 0 : index
    tpu.barrier barrier_id(%barrier3A)
    %scan3A_30 = arith.constant 0 : i32
    %scan3A_31 = arith.constant 0 : i32
    %scan3A_32 = arith.constant 80 : i32
    %scan3A_33 = arith.addi %scan3A_31, %scan3A_32 : i32
    %scan3A_34 = arith.constant 1 : i32
    %scan3A_35 = scf.for %scan3A_40 = %scan3A_31 to %scan3A_33 step %scan3A_34 iter_args(%scan3A_41 = %scan3A_30) -> (i32)  : i32 {
      %dma_start3A = arith.constant 0 : i32
      %dma_start3A_42 = tpu.memref_slice %arg6[%scan3A_40, %dma_start3A] : memref<80x128xi32, #tpu.memory_space<vmem>> -> memref<1x128xi32, #tpu.memory_space<vmem>>
      %dma_start3A_43 = tpu.memref_squeeze %dma_start3A_42 : memref<1x128xi32, #tpu.memory_space<vmem>> -> memref<128xi32, #tpu.memory_space<vmem>>
      %dma_start3A_44 = arith.constant 0 : i32
      %dma_start3A_45 = arith.constant 0 : i32
      %dma_start3A_46 = tpu.memref_slice %arg2[%dma_start3A_44, %dma_start3A_45] : memref<10240x144xf32, #tpu.memory_space<hbm>> -> memref<10240x144xf32, #tpu.memory_space<hbm>>
      tpu.enqueue_indirect_dma source(%dma_start3A_46 : memref<10240x144xf32, #tpu.memory_space<hbm>>) target(%arg8 : memref<128x144xf32, #tpu.memory_space<vmem>>) offsets(%dma_start3A_43 : memref<128xi32, #tpu.memory_space<vmem>>) semaphore(%arg10 : memref<!tpu.dma_semaphore, #tpu.memory_space<semaphore_mem>>)
      %dma_wait3A = arith.constant 0 : i32
      %dma_wait3A_47 = tpu.memref_slice %arg6[%scan3A_40, %dma_wait3A] : memref<80x128xi32, #tpu.memory_space<vmem>> -> memref<1x128xi32, #tpu.memory_space<vmem>>
      %dma_wait3A_48 = tpu.memref_squeeze %dma_wait3A_47 : memref<1x128xi32, #tpu.memory_space<vmem>> -> memref<128xi32, #tpu.memory_space<vmem>>
      %dma_wait3A_49 = arith.constant 0 : i32
      %dma_wait3A_50 = arith.constant 0 : i32
      %dma_wait3A_51 = tpu.memref_slice %arg2[%dma_wait3A_49, %dma_wait3A_50] : memref<10240x144xf32, #tpu.memory_space<hbm>> -> memref<10240x144xf32, #tpu.memory_space<hbm>>
      tpu.wait_indirect_dma semaphore(%arg10 : memref<!tpu.dma_semaphore, #tpu.memory_space<semaphore_mem>>) src(%dma_wait3A_51 : memref<10240x144xf32, #tpu.memory_space<hbm>>) dst(%arg8 : memref<128x144xf32, #tpu.memory_space<vmem>>)
      "tpu.region"() ({
        %run_scoped3A = tpu.sem_alloc : memref<!tpu.dma_semaphore, #tpu.memory_space<semaphore_mem>>
        %dma_start3A_53 = arith.constant 0 : i32
        %dma_start3A_54 = tpu.memref_slice %arg7[%scan3A_40, %dma_start3A_53] : memref<80x128xi32, #tpu.memory_space<vmem>> -> memref<1x128xi32, #tpu.memory_space<vmem>>
        %dma_start3A_55 = tpu.memref_squeeze %dma_start3A_54 : memref<1x128xi32, #tpu.memory_space<vmem>> -> memref<128xi32, #tpu.memory_space<vmem>>
        %dma_start3A_56 = arith.constant 0 : i32
        %dma_start3A_57 = arith.constant 0 : i32
        %dma_start3A_58 = tpu.memref_slice %arg9[%dma_start3A_56, %dma_start3A_57] : memref<10240x144xf32, #tpu.memory_space<vmem_shared>> -> memref<10240x144xf32, #tpu.memory_space<vmem_shared>>
        tpu.enqueue_indirect_dma source(%arg8 : memref<128x144xf32, #tpu.memory_space<vmem>>) target(%dma_start3A_58 : memref<10240x144xf32, #tpu.memory_space<vmem_shared>>) offsets(%dma_start3A_55 : memref<128xi32, #tpu.memory_space<vmem>>) semaphore(%run_scoped3A : memref<!tpu.dma_semaphore, #tpu.memory_space<semaphore_mem>>) {add = true}
        %dma_wait3A_59 = arith.constant 0 : i32
        %dma_wait3A_60 = tpu.memref_slice %arg7[%scan3A_40, %dma_wait3A_59] : memref<80x128xi32, #tpu.memory_space<vmem>> -> memref<1x128xi32, #tpu.memory_space<vmem>>
        %dma_wait3A_61 = tpu.memref_squeeze %dma_wait3A_60 : memref<1x128xi32, #tpu.memory_space<vmem>> -> memref<128xi32, #tpu.memory_space<vmem>>
        %dma_wait3A_62 = arith.constant 0 : i32
        %dma_wait3A_63 = arith.constant 0 : i32
        %dma_wait3A_64 = tpu.memref_slice %arg9[%dma_wait3A_62, %dma_wait3A_63] : memref<10240x144xf32, #tpu.memory_space<vmem_shared>> -> memref<10240x144xf32, #tpu.memory_space<vmem_shared>>
        tpu.wait_indirect_dma semaphore(%run_scoped3A : memref<!tpu.dma_semaphore, #tpu.memory_space<semaphore_mem>>) src(%arg8 : memref<128x144xf32, #tpu.memory_space<vmem>>) dst(%dma_wait3A_64 : memref<10240x144xf32, #tpu.memory_space<vmem_shared>>)
        tpu.yield
      }) : () -> ()
      %scan3A_52 = arith.constant 0 : i32
      scf.yield %scan3A_52 : i32
    }
    %scan3A_36 = arith.constant 80 : i32
    %barrier3A_37 = arith.constant 0 : index
    tpu.barrier barrier_id(%barrier3A_37)
    %mul3A_38 = arith.constant 640 : i32
    %mul3A_39 = arith.muli %arg1, %mul3A_38 : i32
    "tpu.region"() ({
      %run_scoped3A = tpu.sem_alloc : memref<!tpu.dma_semaphore, #tpu.memory_space<semaphore_mem>>
      %dma_start3A = arith.constant 0 : i32
      %dma_start3A_40 = tpu.memref_slice %arg5[%arg0, %mul3A_39, %dma_start3A] : memref<2x10240x144xf32, #tpu.memory_space<hbm>> -> memref<1x640x144xf32, #tpu.memory_space<hbm>>
      %dma_start3A_41 = tpu.memref_squeeze %dma_start3A_40 : memref<1x640x144xf32, #tpu.memory_space<hbm>> -> memref<640x144xf32, #tpu.memory_space<hbm>>
      %dma_start3A_42 = arith.constant 0 : i32
      %dma_start3A_43 = tpu.memref_slice %arg9[%mul3A_39, %dma_start3A_42] : memref<10240x144xf32, #tpu.memory_space<vmem_shared>> -> memref<640x144xf32, #tpu.memory_space<vmem_shared>>
      tpu.enqueue_dma source(%dma_start3A_43 : memref<640x144xf32, #tpu.memory_space<vmem_shared>>) target(%dma_start3A_41 : memref<640x144xf32, #tpu.memory_space<hbm>>) target_semaphore(%run_scoped3A : memref<!tpu.dma_semaphore, #tpu.memory_space<semaphore_mem>>)
      %dma_wait3A = arith.constant 0 : i32
      %dma_wait3A_44 = tpu.memref_slice %arg5[%arg0, %mul3A_39, %dma_wait3A] : memref<2x10240x144xf32, #tpu.memory_space<hbm>> -> memref<1x640x144xf32, #tpu.memory_space<hbm>>
      %dma_wait3A_45 = tpu.memref_squeeze %dma_wait3A_44 : memref<1x640x144xf32, #tpu.memory_space<hbm>> -> memref<640x144xf32, #tpu.memory_space<hbm>>
      %dma_wait3A_46 = arith.constant 0 : i32
      %dma_wait3A_47 = tpu.memref_slice %arg9[%mul3A_39, %dma_wait3A_46] : memref<10240x144xf32, #tpu.memory_space<vmem_shared>> -> memref<640x144xf32, #tpu.memory_space<vmem_shared>>
      tpu.wait_dma2 semaphore(%run_scoped3A : memref<!tpu.dma_semaphore, #tpu.memory_space<semaphore_mem>>) src(%dma_wait3A_47 : memref<640x144xf32, #tpu.memory_space<vmem_shared>>) dst(%dma_wait3A_45 : memref<640x144xf32, #tpu.memory_space<hbm>>)
      tpu.yield
    }) : () -> ()
    return
  }
}

#map = affine_map<(d0, d1) -> (0, 0)>
#map1 = affine_map<(d0, d1) -> (0, 0, 0)>
module attributes {stable_mosaic.version = 14 : i64} {
  func.func @_rowpass_body(%arg0: i32, %arg1: i32, %arg2: memref<10240x144xf32, #tpu.memory_space<hbm>>, %arg3: memref<2560x128xi32, #tpu.memory_space<hbm>>, %arg4: memref<2560x128xi32, #tpu.memory_space<hbm>>, %arg5: memref<2x10240x144xf32, #tpu.memory_space<hbm>>, %arg6: memref<80x128xi32, #tpu.memory_space<vmem>>, %arg7: memref<80x128xi32, #tpu.memory_space<vmem>>, %arg8: memref<128x144xf32, #tpu.memory_space<vmem>>, %arg9: memref<10240x144xf32, #tpu.memory_space<vmem_shared>>, %arg10: memref<!tpu.dma_semaphore, #tpu.memory_space<semaphore_mem>>) attributes {dimension_semantics = [#tpu.dimension_semantics<core_parallel>, #tpu.dimension_semantics<subcore_parallel>], iteration_bounds = array<i64: 2, 16>, scalar_prefetch = 0 : i64, scratch_operands = 5 : i64, tpu.core_type = #tpu.core_type<sc_vector_subcore>, window_params = [{transform_indices = #map}, {transform_indices = #map}, {transform_indices = #map}, {transform_indices = #map1}]} {
    %mul3A = arith.constant 16 : i32
    %mul3A_0 = arith.muli %arg0, %mul3A : i32
    %add3A = arith.addi %mul3A_0, %arg1 : i32
    %mul3A_1 = arith.constant 80 : i32
    %mul3A_2 = arith.muli %add3A, %mul3A_1 : i32
    "tpu.region"() ({
      %run_scoped3A = tpu.sem_alloc : memref<!tpu.dma_semaphore, #tpu.memory_space<semaphore_mem>>
      %dma_start3A = arith.constant 0 : i32
      %dma_start3A_40 = tpu.memref_slice %arg3[%mul3A_2, %dma_start3A] : memref<2560x128xi32, #tpu.memory_space<hbm>> -> memref<80x128xi32, #tpu.memory_space<hbm>>
      %dma_start3A_41 = arith.constant 0 : i32
      %dma_start3A_42 = tpu.memref_slice %arg3[%mul3A_2, %dma_start3A_41] : memref<2560x128xi32, #tpu.memory_space<hbm>> -> memref<80x128xi32, #tpu.memory_space<hbm>>
      tpu.enqueue_dma source(%dma_start3A_42 : memref<80x128xi32, #tpu.memory_space<hbm>>) target(%arg6 : memref<80x128xi32, #tpu.memory_space<vmem>>) target_semaphore(%run_scoped3A : memref<!tpu.dma_semaphore, #tpu.memory_space<semaphore_mem>>)
      %dma_wait3A = arith.constant 0 : i32
      %dma_wait3A_43 = tpu.memref_slice %arg3[%mul3A_2, %dma_wait3A] : memref<2560x128xi32, #tpu.memory_space<hbm>> -> memref<80x128xi32, #tpu.memory_space<hbm>>
      %dma_wait3A_44 = arith.constant 0 : i32
      %dma_wait3A_45 = tpu.memref_slice %arg3[%mul3A_2, %dma_wait3A_44] : memref<2560x128xi32, #tpu.memory_space<hbm>> -> memref<80x128xi32, #tpu.memory_space<hbm>>
      tpu.wait_dma2 semaphore(%run_scoped3A : memref<!tpu.dma_semaphore, #tpu.memory_space<semaphore_mem>>) src(%dma_wait3A_45 : memref<80x128xi32, #tpu.memory_space<hbm>>) dst(%arg6 : memref<80x128xi32, #tpu.memory_space<vmem>>)
      tpu.yield
    }) : () -> ()
    "tpu.region"() ({
      %run_scoped3A = tpu.sem_alloc : memref<!tpu.dma_semaphore, #tpu.memory_space<semaphore_mem>>
      %dma_start3A = arith.constant 0 : i32
      %dma_start3A_40 = tpu.memref_slice %arg4[%mul3A_2, %dma_start3A] : memref<2560x128xi32, #tpu.memory_space<hbm>> -> memref<80x128xi32, #tpu.memory_space<hbm>>
      %dma_start3A_41 = arith.constant 0 : i32
      %dma_start3A_42 = tpu.memref_slice %arg4[%mul3A_2, %dma_start3A_41] : memref<2560x128xi32, #tpu.memory_space<hbm>> -> memref<80x128xi32, #tpu.memory_space<hbm>>
      tpu.enqueue_dma source(%dma_start3A_42 : memref<80x128xi32, #tpu.memory_space<hbm>>) target(%arg7 : memref<80x128xi32, #tpu.memory_space<vmem>>) target_semaphore(%run_scoped3A : memref<!tpu.dma_semaphore, #tpu.memory_space<semaphore_mem>>)
      %dma_wait3A = arith.constant 0 : i32
      %dma_wait3A_43 = tpu.memref_slice %arg4[%mul3A_2, %dma_wait3A] : memref<2560x128xi32, #tpu.memory_space<hbm>> -> memref<80x128xi32, #tpu.memory_space<hbm>>
      %dma_wait3A_44 = arith.constant 0 : i32
      %dma_wait3A_45 = tpu.memref_slice %arg4[%mul3A_2, %dma_wait3A_44] : memref<2560x128xi32, #tpu.memory_space<hbm>> -> memref<80x128xi32, #tpu.memory_space<hbm>>
      tpu.wait_dma2 semaphore(%run_scoped3A : memref<!tpu.dma_semaphore, #tpu.memory_space<semaphore_mem>>) src(%dma_wait3A_45 : memref<80x128xi32, #tpu.memory_space<hbm>>) dst(%arg7 : memref<80x128xi32, #tpu.memory_space<vmem>>)
      tpu.yield
    }) : () -> ()
    %broadcast_in_dim3A = arith.constant 0.000000e+00 : f32
    %broadcast_in_dim3A_3 = vector.broadcast %broadcast_in_dim3A : f32 to vector<16xf32>
    %scan3A = arith.constant 0 : i32
    %scan3A_4 = arith.constant 0 : i32
    %scan3A_5 = arith.constant 128 : i32
    %scan3A_6 = arith.addi %scan3A_4, %scan3A_5 : i32
    %scan3A_7 = arith.constant 1 : i32
    %scan3A_8 = scf.for %scan3A_40 = %scan3A_4 to %scan3A_6 step %scan3A_7 iter_args(%scan3A_41 = %scan3A) -> (i32)  : i32 {
      %swap3A = arith.index_cast %scan3A_40 : i32 to index
      %swap3A_42 = arith.constant 0 : index
      %swap3A_43 = tpu.vector_load %arg8[%swap3A, %swap3A_42] {strides = array<i32>} : memref<128x144xf32, #tpu.memory_space<vmem>>, vector<1x16xf32>,
      %swap3A_44 = vector.shape_cast %swap3A_43 : vector<1x16xf32> to vector<16xf32>
      %swap3A_45 = vector.shape_cast %broadcast_in_dim3A_3 : vector<16xf32> to vector<1x16xf32>
      tpu.vector_store %arg8[%swap3A, %swap3A_42], %swap3A_45 {strides = array<i32>} : memref<128x144xf32, #tpu.memory_space<vmem>>, vector<1x16xf32>,
      %swap3A_46 = arith.index_cast %scan3A_40 : i32 to index
      %swap3A_47 = arith.constant 16 : index
      %swap3A_48 = tpu.vector_load %arg8[%swap3A_46, %swap3A_47] {strides = array<i32>} : memref<128x144xf32, #tpu.memory_space<vmem>>, vector<1x16xf32>,
      %swap3A_49 = vector.shape_cast %swap3A_48 : vector<1x16xf32> to vector<16xf32>
      %swap3A_50 = vector.shape_cast %broadcast_in_dim3A_3 : vector<16xf32> to vector<1x16xf32>
      tpu.vector_store %arg8[%swap3A_46, %swap3A_47], %swap3A_50 {strides = array<i32>} : memref<128x144xf32, #tpu.memory_space<vmem>>, vector<1x16xf32>,
      %swap3A_51 = arith.index_cast %scan3A_40 : i32 to index
      %swap3A_52 = arith.constant 32 : index
      %swap3A_53 = tpu.vector_load %arg8[%swap3A_51, %swap3A_52] {strides = array<i32>} : memref<128x144xf32, #tpu.memory_space<vmem>>, vector<1x16xf32>,
      %swap3A_54 = vector.shape_cast %swap3A_53 : vector<1x16xf32> to vector<16xf32>
      %swap3A_55 = vector.shape_cast %broadcast_in_dim3A_3 : vector<16xf32> to vector<1x16xf32>
      tpu.vector_store %arg8[%swap3A_51, %swap3A_52], %swap3A_55 {strides = array<i32>} : memref<128x144xf32, #tpu.memory_space<vmem>>, vector<1x16xf32>,
      %swap3A_56 = arith.index_cast %scan3A_40 : i32 to index
      %swap3A_57 = arith.constant 48 : index
      %swap3A_58 = tpu.vector_load %arg8[%swap3A_56, %swap3A_57] {strides = array<i32>} : memref<128x144xf32, #tpu.memory_space<vmem>>, vector<1x16xf32>,
      %swap3A_59 = vector.shape_cast %swap3A_58 : vector<1x16xf32> to vector<16xf32>
      %swap3A_60 = vector.shape_cast %broadcast_in_dim3A_3 : vector<16xf32> to vector<1x16xf32>
      tpu.vector_store %arg8[%swap3A_56, %swap3A_57], %swap3A_60 {strides = array<i32>} : memref<128x144xf32, #tpu.memory_space<vmem>>, vector<1x16xf32>,
      %swap3A_61 = arith.index_cast %scan3A_40 : i32 to index
      %swap3A_62 = arith.constant 64 : index
      %swap3A_63 = tpu.vector_load %arg8[%swap3A_61, %swap3A_62] {strides = array<i32>} : memref<128x144xf32, #tpu.memory_space<vmem>>, vector<1x16xf32>,
      %swap3A_64 = vector.shape_cast %swap3A_63 : vector<1x16xf32> to vector<16xf32>
      %swap3A_65 = vector.shape_cast %broadcast_in_dim3A_3 : vector<16xf32> to vector<1x16xf32>
      tpu.vector_store %arg8[%swap3A_61, %swap3A_62], %swap3A_65 {strides = array<i32>} : memref<128x144xf32, #tpu.memory_space<vmem>>, vector<1x16xf32>,
      %swap3A_66 = arith.index_cast %scan3A_40 : i32 to index
      %swap3A_67 = arith.constant 80 : index
      %swap3A_68 = tpu.vector_load %arg8[%swap3A_66, %swap3A_67] {strides = array<i32>} : memref<128x144xf32, #tpu.memory_space<vmem>>, vector<1x16xf32>,
      %swap3A_69 = vector.shape_cast %swap3A_68 : vector<1x16xf32> to vector<16xf32>
      %swap3A_70 = vector.shape_cast %broadcast_in_dim3A_3 : vector<16xf32> to vector<1x16xf32>
      tpu.vector_store %arg8[%swap3A_66, %swap3A_67], %swap3A_70 {strides = array<i32>} : memref<128x144xf32, #tpu.memory_space<vmem>>, vector<1x16xf32>,
      %swap3A_71 = arith.index_cast %scan3A_40 : i32 to index
      %swap3A_72 = arith.constant 96 : index
      %swap3A_73 = tpu.vector_load %arg8[%swap3A_71, %swap3A_72] {strides = array<i32>} : memref<128x144xf32, #tpu.memory_space<vmem>>, vector<1x16xf32>,
      %swap3A_74 = vector.shape_cast %swap3A_73 : vector<1x16xf32> to vector<16xf32>
      %swap3A_75 = vector.shape_cast %broadcast_in_dim3A_3 : vector<16xf32> to vector<1x16xf32>
      tpu.vector_store %arg8[%swap3A_71, %swap3A_72], %swap3A_75 {strides = array<i32>} : memref<128x144xf32, #tpu.memory_space<vmem>>, vector<1x16xf32>,
      %swap3A_76 = arith.index_cast %scan3A_40 : i32 to index
      %swap3A_77 = arith.constant 112 : index
      %swap3A_78 = tpu.vector_load %arg8[%swap3A_76, %swap3A_77] {strides = array<i32>} : memref<128x144xf32, #tpu.memory_space<vmem>>, vector<1x16xf32>,
      %swap3A_79 = vector.shape_cast %swap3A_78 : vector<1x16xf32> to vector<16xf32>
      %swap3A_80 = vector.shape_cast %broadcast_in_dim3A_3 : vector<16xf32> to vector<1x16xf32>
      tpu.vector_store %arg8[%swap3A_76, %swap3A_77], %swap3A_80 {strides = array<i32>} : memref<128x144xf32, #tpu.memory_space<vmem>>, vector<1x16xf32>,
      %swap3A_81 = arith.index_cast %scan3A_40 : i32 to index
      %swap3A_82 = arith.constant 128 : index
      %swap3A_83 = tpu.vector_load %arg8[%swap3A_81, %swap3A_82] {strides = array<i32>} : memref<128x144xf32, #tpu.memory_space<vmem>>, vector<1x16xf32>,
      %swap3A_84 = vector.shape_cast %swap3A_83 : vector<1x16xf32> to vector<16xf32>
      %swap3A_85 = vector.shape_cast %broadcast_in_dim3A_3 : vector<16xf32> to vector<1x16xf32>
      tpu.vector_store %arg8[%swap3A_81, %swap3A_82], %swap3A_85 {strides = array<i32>} : memref<128x144xf32, #tpu.memory_space<vmem>>, vector<1x16xf32>,
      %scan3A_86 = arith.constant 0 : i32
      scf.yield %scan3A_86 : i32
    }
    %scan3A_9 = arith.constant 128 : i32
    %mul3A_10 = arith.constant 640 : i32
    %mul3A_11 = arith.muli %arg1, %mul3A_10 : i32
    %add3A_12 = arith.constant 0 : i32
    %add3A_13 = arith.addi %mul3A_11, %add3A_12 : i32
    "tpu.region"() ({
      %run_scoped3A = tpu.sem_alloc : memref<!tpu.dma_semaphore, #tpu.memory_space<semaphore_mem>>
      %dma_start3A = arith.constant 0 : i32
      %dma_start3A_40 = tpu.memref_slice %arg9[%add3A_13, %dma_start3A] : memref<10240x144xf32, #tpu.memory_space<vmem_shared>> -> memref<128x144xf32, #tpu.memory_space<vmem_shared>>
      %dma_start3A_41 = arith.constant 0 : i32
      %dma_start3A_42 = tpu.memref_slice %arg9[%add3A_13, %dma_start3A_41] : memref<10240x144xf32, #tpu.memory_space<vmem_shared>> -> memref<128x144xf32, #tpu.memory_space<vmem_shared>>
      tpu.enqueue_dma source(%arg8 : memref<128x144xf32, #tpu.memory_space<vmem>>) target(%dma_start3A_42 : memref<128x144xf32, #tpu.memory_space<vmem_shared>>) target_semaphore(%run_scoped3A : memref<!tpu.dma_semaphore, #tpu.memory_space<semaphore_mem>>)
      %dma_wait3A = arith.constant 0 : i32
      %dma_wait3A_43 = tpu.memref_slice %arg9[%add3A_13, %dma_wait3A] : memref<10240x144xf32, #tpu.memory_space<vmem_shared>> -> memref<128x144xf32, #tpu.memory_space<vmem_shared>>
      %dma_wait3A_44 = arith.constant 0 : i32
      %dma_wait3A_45 = tpu.memref_slice %arg9[%add3A_13, %dma_wait3A_44] : memref<10240x144xf32, #tpu.memory_space<vmem_shared>> -> memref<128x144xf32, #tpu.memory_space<vmem_shared>>
      tpu.wait_dma2 semaphore(%run_scoped3A : memref<!tpu.dma_semaphore, #tpu.memory_space<semaphore_mem>>) src(%arg8 : memref<128x144xf32, #tpu.memory_space<vmem>>) dst(%dma_wait3A_45 : memref<128x144xf32, #tpu.memory_space<vmem_shared>>)
      tpu.yield
    }) : () -> ()
    %mul3A_14 = arith.constant 640 : i32
    %mul3A_15 = arith.muli %arg1, %mul3A_14 : i32
    %add3A_16 = arith.constant 128 : i32
    %add3A_17 = arith.addi %mul3A_15, %add3A_16 : i32
    "tpu.region"() ({
      %run_scoped3A = tpu.sem_alloc : memref<!tpu.dma_semaphore, #tpu.memory_space<semaphore_mem>>
      %dma_start3A = arith.constant 0 : i32
      %dma_start3A_40 = tpu.memref_slice %arg9[%add3A_17, %dma_start3A] : memref<10240x144xf32, #tpu.memory_space<vmem_shared>> -> memref<128x144xf32, #tpu.memory_space<vmem_shared>>
      %dma_start3A_41 = arith.constant 0 : i32
      %dma_start3A_42 = tpu.memref_slice %arg9[%add3A_17, %dma_start3A_41] : memref<10240x144xf32, #tpu.memory_space<vmem_shared>> -> memref<128x144xf32, #tpu.memory_space<vmem_shared>>
      tpu.enqueue_dma source(%arg8 : memref<128x144xf32, #tpu.memory_space<vmem>>) target(%dma_start3A_42 : memref<128x144xf32, #tpu.memory_space<vmem_shared>>) target_semaphore(%run_scoped3A : memref<!tpu.dma_semaphore, #tpu.memory_space<semaphore_mem>>)
      %dma_wait3A = arith.constant 0 : i32
      %dma_wait3A_43 = tpu.memref_slice %arg9[%add3A_17, %dma_wait3A] : memref<10240x144xf32, #tpu.memory_space<vmem_shared>> -> memref<128x144xf32, #tpu.memory_space<vmem_shared>>
      %dma_wait3A_44 = arith.constant 0 : i32
      %dma_wait3A_45 = tpu.memref_slice %arg9[%add3A_17, %dma_wait3A_44] : memref<10240x144xf32, #tpu.memory_space<vmem_shared>> -> memref<128x144xf32, #tpu.memory_space<vmem_shared>>
      tpu.wait_dma2 semaphore(%run_scoped3A : memref<!tpu.dma_semaphore, #tpu.memory_space<semaphore_mem>>) src(%arg8 : memref<128x144xf32, #tpu.memory_space<vmem>>) dst(%dma_wait3A_45 : memref<128x144xf32, #tpu.memory_space<vmem_shared>>)
      tpu.yield
    }) : () -> ()
    %mul3A_18 = arith.constant 640 : i32
    %mul3A_19 = arith.muli %arg1, %mul3A_18 : i32
    %add3A_20 = arith.constant 256 : i32
    %add3A_21 = arith.addi %mul3A_19, %add3A_20 : i32
    "tpu.region"() ({
      %run_scoped3A = tpu.sem_alloc : memref<!tpu.dma_semaphore, #tpu.memory_space<semaphore_mem>>
      %dma_start3A = arith.constant 0 : i32
      %dma_start3A_40 = tpu.memref_slice %arg9[%add3A_21, %dma_start3A] : memref<10240x144xf32, #tpu.memory_space<vmem_shared>> -> memref<128x144xf32, #tpu.memory_space<vmem_shared>>
      %dma_start3A_41 = arith.constant 0 : i32
      %dma_start3A_42 = tpu.memref_slice %arg9[%add3A_21, %dma_start3A_41] : memref<10240x144xf32, #tpu.memory_space<vmem_shared>> -> memref<128x144xf32, #tpu.memory_space<vmem_shared>>
      tpu.enqueue_dma source(%arg8 : memref<128x144xf32, #tpu.memory_space<vmem>>) target(%dma_start3A_42 : memref<128x144xf32, #tpu.memory_space<vmem_shared>>) target_semaphore(%run_scoped3A : memref<!tpu.dma_semaphore, #tpu.memory_space<semaphore_mem>>)
      %dma_wait3A = arith.constant 0 : i32
      %dma_wait3A_43 = tpu.memref_slice %arg9[%add3A_21, %dma_wait3A] : memref<10240x144xf32, #tpu.memory_space<vmem_shared>> -> memref<128x144xf32, #tpu.memory_space<vmem_shared>>
      %dma_wait3A_44 = arith.constant 0 : i32
      %dma_wait3A_45 = tpu.memref_slice %arg9[%add3A_21, %dma_wait3A_44] : memref<10240x144xf32, #tpu.memory_space<vmem_shared>> -> memref<128x144xf32, #tpu.memory_space<vmem_shared>>
      tpu.wait_dma2 semaphore(%run_scoped3A : memref<!tpu.dma_semaphore, #tpu.memory_space<semaphore_mem>>) src(%arg8 : memref<128x144xf32, #tpu.memory_space<vmem>>) dst(%dma_wait3A_45 : memref<128x144xf32, #tpu.memory_space<vmem_shared>>)
      tpu.yield
    }) : () -> ()
    %mul3A_22 = arith.constant 640 : i32
    %mul3A_23 = arith.muli %arg1, %mul3A_22 : i32
    %add3A_24 = arith.constant 384 : i32
    %add3A_25 = arith.addi %mul3A_23, %add3A_24 : i32
    "tpu.region"() ({
      %run_scoped3A = tpu.sem_alloc : memref<!tpu.dma_semaphore, #tpu.memory_space<semaphore_mem>>
      %dma_start3A = arith.constant 0 : i32
      %dma_start3A_40 = tpu.memref_slice %arg9[%add3A_25, %dma_start3A] : memref<10240x144xf32, #tpu.memory_space<vmem_shared>> -> memref<128x144xf32, #tpu.memory_space<vmem_shared>>
      %dma_start3A_41 = arith.constant 0 : i32
      %dma_start3A_42 = tpu.memref_slice %arg9[%add3A_25, %dma_start3A_41] : memref<10240x144xf32, #tpu.memory_space<vmem_shared>> -> memref<128x144xf32, #tpu.memory_space<vmem_shared>>
      tpu.enqueue_dma source(%arg8 : memref<128x144xf32, #tpu.memory_space<vmem>>) target(%dma_start3A_42 : memref<128x144xf32, #tpu.memory_space<vmem_shared>>) target_semaphore(%run_scoped3A : memref<!tpu.dma_semaphore, #tpu.memory_space<semaphore_mem>>)
      %dma_wait3A = arith.constant 0 : i32
      %dma_wait3A_43 = tpu.memref_slice %arg9[%add3A_25, %dma_wait3A] : memref<10240x144xf32, #tpu.memory_space<vmem_shared>> -> memref<128x144xf32, #tpu.memory_space<vmem_shared>>
      %dma_wait3A_44 = arith.constant 0 : i32
      %dma_wait3A_45 = tpu.memref_slice %arg9[%add3A_25, %dma_wait3A_44] : memref<10240x144xf32, #tpu.memory_space<vmem_shared>> -> memref<128x144xf32, #tpu.memory_space<vmem_shared>>
      tpu.wait_dma2 semaphore(%run_scoped3A : memref<!tpu.dma_semaphore, #tpu.memory_space<semaphore_mem>>) src(%arg8 : memref<128x144xf32, #tpu.memory_space<vmem>>) dst(%dma_wait3A_45 : memref<128x144xf32, #tpu.memory_space<vmem_shared>>)
      tpu.yield
    }) : () -> ()
    %mul3A_26 = arith.constant 640 : i32
    %mul3A_27 = arith.muli %arg1, %mul3A_26 : i32
    %add3A_28 = arith.constant 512 : i32
    %add3A_29 = arith.addi %mul3A_27, %add3A_28 : i32
    "tpu.region"() ({
      %run_scoped3A = tpu.sem_alloc : memref<!tpu.dma_semaphore, #tpu.memory_space<semaphore_mem>>
      %dma_start3A = arith.constant 0 : i32
      %dma_start3A_40 = tpu.memref_slice %arg9[%add3A_29, %dma_start3A] : memref<10240x144xf32, #tpu.memory_space<vmem_shared>> -> memref<128x144xf32, #tpu.memory_space<vmem_shared>>
      %dma_start3A_41 = arith.constant 0 : i32
      %dma_start3A_42 = tpu.memref_slice %arg9[%add3A_29, %dma_start3A_41] : memref<10240x144xf32, #tpu.memory_space<vmem_shared>> -> memref<128x144xf32, #tpu.memory_space<vmem_shared>>
      tpu.enqueue_dma source(%arg8 : memref<128x144xf32, #tpu.memory_space<vmem>>) target(%dma_start3A_42 : memref<128x144xf32, #tpu.memory_space<vmem_shared>>) target_semaphore(%run_scoped3A : memref<!tpu.dma_semaphore, #tpu.memory_space<semaphore_mem>>)
      %dma_wait3A = arith.constant 0 : i32
      %dma_wait3A_43 = tpu.memref_slice %arg9[%add3A_29, %dma_wait3A] : memref<10240x144xf32, #tpu.memory_space<vmem_shared>> -> memref<128x144xf32, #tpu.memory_space<vmem_shared>>
      %dma_wait3A_44 = arith.constant 0 : i32
      %dma_wait3A_45 = tpu.memref_slice %arg9[%add3A_29, %dma_wait3A_44] : memref<10240x144xf32, #tpu.memory_space<vmem_shared>> -> memref<128x144xf32, #tpu.memory_space<vmem_shared>>
      tpu.wait_dma2 semaphore(%run_scoped3A : memref<!tpu.dma_semaphore, #tpu.memory_space<semaphore_mem>>) src(%arg8 : memref<128x144xf32, #tpu.memory_space<vmem>>) dst(%dma_wait3A_45 : memref<128x144xf32, #tpu.memory_space<vmem_shared>>)
      tpu.yield
    }) : () -> ()
    %barrier3A = arith.constant 0 : index
    tpu.barrier barrier_id(%barrier3A)
    %scan3A_30 = arith.constant 0 : i32
    %scan3A_31 = arith.constant 0 : i32
    %scan3A_32 = arith.constant 80 : i32
    %scan3A_33 = arith.addi %scan3A_31, %scan3A_32 : i32
    %scan3A_34 = arith.constant 1 : i32
    %scan3A_35 = scf.for %scan3A_40 = %scan3A_31 to %scan3A_33 step %scan3A_34 iter_args(%scan3A_41 = %scan3A_30) -> (i32)  : i32 {
      %dma_start3A = arith.constant 0 : i32
      %dma_start3A_42 = tpu.memref_slice %arg6[%scan3A_40, %dma_start3A] : memref<80x128xi32, #tpu.memory_space<vmem>> -> memref<1x128xi32, #tpu.memory_space<vmem>>
      %dma_start3A_43 = tpu.memref_squeeze %dma_start3A_42 : memref<1x128xi32, #tpu.memory_space<vmem>> -> memref<128xi32, #tpu.memory_space<vmem>>
      %dma_start3A_44 = arith.constant 0 : i32
      %dma_start3A_45 = arith.constant 0 : i32
      %dma_start3A_46 = tpu.memref_slice %arg2[%dma_start3A_44, %dma_start3A_45] : memref<10240x144xf32, #tpu.memory_space<hbm>> -> memref<10240x144xf32, #tpu.memory_space<hbm>>
      tpu.enqueue_indirect_dma source(%dma_start3A_46 : memref<10240x144xf32, #tpu.memory_space<hbm>>) target(%arg8 : memref<128x144xf32, #tpu.memory_space<vmem>>) offsets(%dma_start3A_43 : memref<128xi32, #tpu.memory_space<vmem>>) semaphore(%arg10 : memref<!tpu.dma_semaphore, #tpu.memory_space<semaphore_mem>>)
      %dma_wait3A = arith.constant 0 : i32
      %dma_wait3A_47 = tpu.memref_slice %arg6[%scan3A_40, %dma_wait3A] : memref<80x128xi32, #tpu.memory_space<vmem>> -> memref<1x128xi32, #tpu.memory_space<vmem>>
      %dma_wait3A_48 = tpu.memref_squeeze %dma_wait3A_47 : memref<1x128xi32, #tpu.memory_space<vmem>> -> memref<128xi32, #tpu.memory_space<vmem>>
      %dma_wait3A_49 = arith.constant 0 : i32
      %dma_wait3A_50 = arith.constant 0 : i32
      %dma_wait3A_51 = tpu.memref_slice %arg2[%dma_wait3A_49, %dma_wait3A_50] : memref<10240x144xf32, #tpu.memory_space<hbm>> -> memref<10240x144xf32, #tpu.memory_space<hbm>>
      tpu.wait_indirect_dma semaphore(%arg10 : memref<!tpu.dma_semaphore, #tpu.memory_space<semaphore_mem>>) src(%dma_wait3A_51 : memref<10240x144xf32, #tpu.memory_space<hbm>>) dst(%arg8 : memref<128x144xf32, #tpu.memory_space<vmem>>)
      "tpu.region"() ({
        %run_scoped3A = tpu.sem_alloc : memref<!tpu.dma_semaphore, #tpu.memory_space<semaphore_mem>>
        %dma_start3A_53 = arith.constant 0 : i32
        %dma_start3A_54 = tpu.memref_slice %arg7[%scan3A_40, %dma_start3A_53] : memref<80x128xi32, #tpu.memory_space<vmem>> -> memref<1x128xi32, #tpu.memory_space<vmem>>
        %dma_start3A_55 = tpu.memref_squeeze %dma_start3A_54 : memref<1x128xi32, #tpu.memory_space<vmem>> -> memref<128xi32, #tpu.memory_space<vmem>>
        %dma_start3A_56 = arith.constant 0 : i32
        %dma_start3A_57 = arith.constant 0 : i32
        %dma_start3A_58 = tpu.memref_slice %arg9[%dma_start3A_56, %dma_start3A_57] : memref<10240x144xf32, #tpu.memory_space<vmem_shared>> -> memref<10240x144xf32, #tpu.memory_space<vmem_shared>>
        tpu.enqueue_indirect_dma source(%arg8 : memref<128x144xf32, #tpu.memory_space<vmem>>) target(%dma_start3A_58 : memref<10240x144xf32, #tpu.memory_space<vmem_shared>>) offsets(%dma_start3A_55 : memref<128xi32, #tpu.memory_space<vmem>>) semaphore(%run_scoped3A : memref<!tpu.dma_semaphore, #tpu.memory_space<semaphore_mem>>) {add = true}
        %dma_wait3A_59 = arith.constant 0 : i32
        %dma_wait3A_60 = tpu.memref_slice %arg7[%scan3A_40, %dma_wait3A_59] : memref<80x128xi32, #tpu.memory_space<vmem>> -> memref<1x128xi32, #tpu.memory_space<vmem>>
        %dma_wait3A_61 = tpu.memref_squeeze %dma_wait3A_60 : memref<1x128xi32, #tpu.memory_space<vmem>> -> memref<128xi32, #tpu.memory_space<vmem>>
        %dma_wait3A_62 = arith.constant 0 : i32
        %dma_wait3A_63 = arith.constant 0 : i32
        %dma_wait3A_64 = tpu.memref_slice %arg9[%dma_wait3A_62, %dma_wait3A_63] : memref<10240x144xf32, #tpu.memory_space<vmem_shared>> -> memref<10240x144xf32, #tpu.memory_space<vmem_shared>>
        tpu.wait_indirect_dma semaphore(%run_scoped3A : memref<!tpu.dma_semaphore, #tpu.memory_space<semaphore_mem>>) src(%arg8 : memref<128x144xf32, #tpu.memory_space<vmem>>) dst(%dma_wait3A_64 : memref<10240x144xf32, #tpu.memory_space<vmem_shared>>)
        tpu.yield
      }) : () -> ()
      %scan3A_52 = arith.constant 0 : i32
      scf.yield %scan3A_52 : i32
    }
    %scan3A_36 = arith.constant 80 : i32
    %barrier3A_37 = arith.constant 0 : index
    tpu.barrier barrier_id(%barrier3A_37)
    %mul3A_38 = arith.constant 640 : i32
    %mul3A_39 = arith.muli %arg1, %mul3A_38 : i32
    "tpu.region"() ({
      %run_scoped3A = tpu.sem_alloc : memref<!tpu.dma_semaphore, #tpu.memory_space<semaphore_mem>>
      %dma_start3A = arith.constant 0 : i32
      %dma_start3A_40 = tpu.memref_slice %arg5[%arg0, %mul3A_39, %dma_start3A] : memref<2x10240x144xf32, #tpu.memory_space<hbm>> -> memref<1x640x144xf32, #tpu.memory_space<hbm>>
      %dma_start3A_41 = tpu.memref_squeeze %dma_start3A_40 : memref<1x640x144xf32, #tpu.memory_space<hbm>> -> memref<640x144xf32, #tpu.memory_space<hbm>>
      %dma_start3A_42 = arith.constant 0 : i32
      %dma_start3A_43 = tpu.memref_slice %arg9[%mul3A_39, %dma_start3A_42] : memref<10240x144xf32, #tpu.memory_space<vmem_shared>> -> memref<640x144xf32, #tpu.memory_space<vmem_shared>>
      tpu.enqueue_dma source(%dma_start3A_43 : memref<640x144xf32, #tpu.memory_space<vmem_shared>>) target(%dma_start3A_41 : memref<640x144xf32, #tpu.memory_space<hbm>>) target_semaphore(%run_scoped3A : memref<!tpu.dma_semaphore, #tpu.memory_space<semaphore_mem>>)
      %dma_wait3A = arith.constant 0 : i32
      %dma_wait3A_44 = tpu.memref_slice %arg5[%arg0, %mul3A_39, %dma_wait3A] : memref<2x10240x144xf32, #tpu.memory_space<hbm>> -> memref<1x640x144xf32, #tpu.memory_space<hbm>>
      %dma_wait3A_45 = tpu.memref_squeeze %dma_wait3A_44 : memref<1x640x144xf32, #tpu.memory_space<hbm>> -> memref<640x144xf32, #tpu.memory_space<hbm>>
      %dma_wait3A_46 = arith.constant 0 : i32
      %dma_wait3A_47 = tpu.memref_slice %arg9[%mul3A_39, %dma_wait3A_46] : memref<10240x144xf32, #tpu.memory_space<vmem_shared>> -> memref<640x144xf32, #tpu.memory_space<vmem_shared>>
      tpu.wait_dma2 semaphore(%run_scoped3A : memref<!tpu.dma_semaphore, #tpu.memory_space<semaphore_mem>>) src(%dma_wait3A_47 : memref<640x144xf32, #tpu.memory_space<vmem_shared>>) dst(%dma_wait3A_45 : memref<640x144xf32, #tpu.memory_space<hbm>>)
      tpu.yield
    }) : () -> ()
    return
  }
}

#map = affine_map<(d0, d1) -> (0, 0)>
#map1 = affine_map<(d0, d1) -> (0, 0, 0)>
module attributes {stable_mosaic.version = 14 : i64} {
  func.func @_rowpass_body(%arg0: i32, %arg1: i32, %arg2: memref<10240x128xf32, #tpu.memory_space<hbm>>, %arg3: memref<2560x128xi32, #tpu.memory_space<hbm>>, %arg4: memref<2560x128xi32, #tpu.memory_space<hbm>>, %arg5: memref<2x10240x128xf32, #tpu.memory_space<hbm>>, %arg6: memref<80x128xi32, #tpu.memory_space<vmem>>, %arg7: memref<80x128xi32, #tpu.memory_space<vmem>>, %arg8: memref<128x128xf32, #tpu.memory_space<vmem>>, %arg9: memref<10240x128xf32, #tpu.memory_space<vmem_shared>>, %arg10: memref<!tpu.dma_semaphore, #tpu.memory_space<semaphore_mem>>) attributes {dimension_semantics = [#tpu.dimension_semantics<core_parallel>, #tpu.dimension_semantics<subcore_parallel>], iteration_bounds = array<i64: 2, 16>, scalar_prefetch = 0 : i64, scratch_operands = 5 : i64, tpu.core_type = #tpu.core_type<sc_vector_subcore>, window_params = [{transform_indices = #map}, {transform_indices = #map}, {transform_indices = #map}, {transform_indices = #map1}]} {
    %mul3A = arith.constant 16 : i32
    %mul3A_0 = arith.muli %arg0, %mul3A : i32
    %add3A = arith.addi %mul3A_0, %arg1 : i32
    %mul3A_1 = arith.constant 80 : i32
    %mul3A_2 = arith.muli %add3A, %mul3A_1 : i32
    "tpu.region"() ({
      %run_scoped3A = tpu.sem_alloc : memref<!tpu.dma_semaphore, #tpu.memory_space<semaphore_mem>>
      %dma_start3A = arith.constant 0 : i32
      %dma_start3A_40 = tpu.memref_slice %arg3[%mul3A_2, %dma_start3A] : memref<2560x128xi32, #tpu.memory_space<hbm>> -> memref<80x128xi32, #tpu.memory_space<hbm>>
      %dma_start3A_41 = arith.constant 0 : i32
      %dma_start3A_42 = tpu.memref_slice %arg3[%mul3A_2, %dma_start3A_41] : memref<2560x128xi32, #tpu.memory_space<hbm>> -> memref<80x128xi32, #tpu.memory_space<hbm>>
      tpu.enqueue_dma source(%dma_start3A_42 : memref<80x128xi32, #tpu.memory_space<hbm>>) target(%arg6 : memref<80x128xi32, #tpu.memory_space<vmem>>) target_semaphore(%run_scoped3A : memref<!tpu.dma_semaphore, #tpu.memory_space<semaphore_mem>>)
      %dma_wait3A = arith.constant 0 : i32
      %dma_wait3A_43 = tpu.memref_slice %arg3[%mul3A_2, %dma_wait3A] : memref<2560x128xi32, #tpu.memory_space<hbm>> -> memref<80x128xi32, #tpu.memory_space<hbm>>
      %dma_wait3A_44 = arith.constant 0 : i32
      %dma_wait3A_45 = tpu.memref_slice %arg3[%mul3A_2, %dma_wait3A_44] : memref<2560x128xi32, #tpu.memory_space<hbm>> -> memref<80x128xi32, #tpu.memory_space<hbm>>
      tpu.wait_dma2 semaphore(%run_scoped3A : memref<!tpu.dma_semaphore, #tpu.memory_space<semaphore_mem>>) src(%dma_wait3A_45 : memref<80x128xi32, #tpu.memory_space<hbm>>) dst(%arg6 : memref<80x128xi32, #tpu.memory_space<vmem>>)
      tpu.yield
    }) : () -> ()
    "tpu.region"() ({
      %run_scoped3A = tpu.sem_alloc : memref<!tpu.dma_semaphore, #tpu.memory_space<semaphore_mem>>
      %dma_start3A = arith.constant 0 : i32
      %dma_start3A_40 = tpu.memref_slice %arg4[%mul3A_2, %dma_start3A] : memref<2560x128xi32, #tpu.memory_space<hbm>> -> memref<80x128xi32, #tpu.memory_space<hbm>>
      %dma_start3A_41 = arith.constant 0 : i32
      %dma_start3A_42 = tpu.memref_slice %arg4[%mul3A_2, %dma_start3A_41] : memref<2560x128xi32, #tpu.memory_space<hbm>> -> memref<80x128xi32, #tpu.memory_space<hbm>>
      tpu.enqueue_dma source(%dma_start3A_42 : memref<80x128xi32, #tpu.memory_space<hbm>>) target(%arg7 : memref<80x128xi32, #tpu.memory_space<vmem>>) target_semaphore(%run_scoped3A : memref<!tpu.dma_semaphore, #tpu.memory_space<semaphore_mem>>)
      %dma_wait3A = arith.constant 0 : i32
      %dma_wait3A_43 = tpu.memref_slice %arg4[%mul3A_2, %dma_wait3A] : memref<2560x128xi32, #tpu.memory_space<hbm>> -> memref<80x128xi32, #tpu.memory_space<hbm>>
      %dma_wait3A_44 = arith.constant 0 : i32
      %dma_wait3A_45 = tpu.memref_slice %arg4[%mul3A_2, %dma_wait3A_44] : memref<2560x128xi32, #tpu.memory_space<hbm>> -> memref<80x128xi32, #tpu.memory_space<hbm>>
      tpu.wait_dma2 semaphore(%run_scoped3A : memref<!tpu.dma_semaphore, #tpu.memory_space<semaphore_mem>>) src(%dma_wait3A_45 : memref<80x128xi32, #tpu.memory_space<hbm>>) dst(%arg7 : memref<80x128xi32, #tpu.memory_space<vmem>>)
      tpu.yield
    }) : () -> ()
    %broadcast_in_dim3A = arith.constant 0.000000e+00 : f32
    %broadcast_in_dim3A_3 = vector.broadcast %broadcast_in_dim3A : f32 to vector<16xf32>
    %scan3A = arith.constant 0 : i32
    %scan3A_4 = arith.constant 0 : i32
    %scan3A_5 = arith.constant 128 : i32
    %scan3A_6 = arith.addi %scan3A_4, %scan3A_5 : i32
    %scan3A_7 = arith.constant 1 : i32
    %scan3A_8 = scf.for %scan3A_40 = %scan3A_4 to %scan3A_6 step %scan3A_7 iter_args(%scan3A_41 = %scan3A) -> (i32)  : i32 {
      %swap3A = arith.index_cast %scan3A_40 : i32 to index
      %swap3A_42 = arith.constant 0 : index
      %swap3A_43 = tpu.vector_load %arg8[%swap3A, %swap3A_42] {strides = array<i32>} : memref<128x128xf32, #tpu.memory_space<vmem>>, vector<1x16xf32>,
      %swap3A_44 = vector.shape_cast %swap3A_43 : vector<1x16xf32> to vector<16xf32>
      %swap3A_45 = vector.shape_cast %broadcast_in_dim3A_3 : vector<16xf32> to vector<1x16xf32>
      tpu.vector_store %arg8[%swap3A, %swap3A_42], %swap3A_45 {strides = array<i32>} : memref<128x128xf32, #tpu.memory_space<vmem>>, vector<1x16xf32>,
      %swap3A_46 = arith.index_cast %scan3A_40 : i32 to index
      %swap3A_47 = arith.constant 16 : index
      %swap3A_48 = tpu.vector_load %arg8[%swap3A_46, %swap3A_47] {strides = array<i32>} : memref<128x128xf32, #tpu.memory_space<vmem>>, vector<1x16xf32>,
      %swap3A_49 = vector.shape_cast %swap3A_48 : vector<1x16xf32> to vector<16xf32>
      %swap3A_50 = vector.shape_cast %broadcast_in_dim3A_3 : vector<16xf32> to vector<1x16xf32>
      tpu.vector_store %arg8[%swap3A_46, %swap3A_47], %swap3A_50 {strides = array<i32>} : memref<128x128xf32, #tpu.memory_space<vmem>>, vector<1x16xf32>,
      %swap3A_51 = arith.index_cast %scan3A_40 : i32 to index
      %swap3A_52 = arith.constant 32 : index
      %swap3A_53 = tpu.vector_load %arg8[%swap3A_51, %swap3A_52] {strides = array<i32>} : memref<128x128xf32, #tpu.memory_space<vmem>>, vector<1x16xf32>,
      %swap3A_54 = vector.shape_cast %swap3A_53 : vector<1x16xf32> to vector<16xf32>
      %swap3A_55 = vector.shape_cast %broadcast_in_dim3A_3 : vector<16xf32> to vector<1x16xf32>
      tpu.vector_store %arg8[%swap3A_51, %swap3A_52], %swap3A_55 {strides = array<i32>} : memref<128x128xf32, #tpu.memory_space<vmem>>, vector<1x16xf32>,
      %swap3A_56 = arith.index_cast %scan3A_40 : i32 to index
      %swap3A_57 = arith.constant 48 : index
      %swap3A_58 = tpu.vector_load %arg8[%swap3A_56, %swap3A_57] {strides = array<i32>} : memref<128x128xf32, #tpu.memory_space<vmem>>, vector<1x16xf32>,
      %swap3A_59 = vector.shape_cast %swap3A_58 : vector<1x16xf32> to vector<16xf32>
      %swap3A_60 = vector.shape_cast %broadcast_in_dim3A_3 : vector<16xf32> to vector<1x16xf32>
      tpu.vector_store %arg8[%swap3A_56, %swap3A_57], %swap3A_60 {strides = array<i32>} : memref<128x128xf32, #tpu.memory_space<vmem>>, vector<1x16xf32>,
      %swap3A_61 = arith.index_cast %scan3A_40 : i32 to index
      %swap3A_62 = arith.constant 64 : index
      %swap3A_63 = tpu.vector_load %arg8[%swap3A_61, %swap3A_62] {strides = array<i32>} : memref<128x128xf32, #tpu.memory_space<vmem>>, vector<1x16xf32>,
      %swap3A_64 = vector.shape_cast %swap3A_63 : vector<1x16xf32> to vector<16xf32>
      %swap3A_65 = vector.shape_cast %broadcast_in_dim3A_3 : vector<16xf32> to vector<1x16xf32>
      tpu.vector_store %arg8[%swap3A_61, %swap3A_62], %swap3A_65 {strides = array<i32>} : memref<128x128xf32, #tpu.memory_space<vmem>>, vector<1x16xf32>,
      %swap3A_66 = arith.index_cast %scan3A_40 : i32 to index
      %swap3A_67 = arith.constant 80 : index
      %swap3A_68 = tpu.vector_load %arg8[%swap3A_66, %swap3A_67] {strides = array<i32>} : memref<128x128xf32, #tpu.memory_space<vmem>>, vector<1x16xf32>,
      %swap3A_69 = vector.shape_cast %swap3A_68 : vector<1x16xf32> to vector<16xf32>
      %swap3A_70 = vector.shape_cast %broadcast_in_dim3A_3 : vector<16xf32> to vector<1x16xf32>
      tpu.vector_store %arg8[%swap3A_66, %swap3A_67], %swap3A_70 {strides = array<i32>} : memref<128x128xf32, #tpu.memory_space<vmem>>, vector<1x16xf32>,
      %swap3A_71 = arith.index_cast %scan3A_40 : i32 to index
      %swap3A_72 = arith.constant 96 : index
      %swap3A_73 = tpu.vector_load %arg8[%swap3A_71, %swap3A_72] {strides = array<i32>} : memref<128x128xf32, #tpu.memory_space<vmem>>, vector<1x16xf32>,
      %swap3A_74 = vector.shape_cast %swap3A_73 : vector<1x16xf32> to vector<16xf32>
      %swap3A_75 = vector.shape_cast %broadcast_in_dim3A_3 : vector<16xf32> to vector<1x16xf32>
      tpu.vector_store %arg8[%swap3A_71, %swap3A_72], %swap3A_75 {strides = array<i32>} : memref<128x128xf32, #tpu.memory_space<vmem>>, vector<1x16xf32>,
      %swap3A_76 = arith.index_cast %scan3A_40 : i32 to index
      %swap3A_77 = arith.constant 112 : index
      %swap3A_78 = tpu.vector_load %arg8[%swap3A_76, %swap3A_77] {strides = array<i32>} : memref<128x128xf32, #tpu.memory_space<vmem>>, vector<1x16xf32>,
      %swap3A_79 = vector.shape_cast %swap3A_78 : vector<1x16xf32> to vector<16xf32>
      %swap3A_80 = vector.shape_cast %broadcast_in_dim3A_3 : vector<16xf32> to vector<1x16xf32>
      tpu.vector_store %arg8[%swap3A_76, %swap3A_77], %swap3A_80 {strides = array<i32>} : memref<128x128xf32, #tpu.memory_space<vmem>>, vector<1x16xf32>,
      %scan3A_81 = arith.constant 0 : i32
      scf.yield %scan3A_81 : i32
    }
    %scan3A_9 = arith.constant 128 : i32
    %mul3A_10 = arith.constant 640 : i32
    %mul3A_11 = arith.muli %arg1, %mul3A_10 : i32
    %add3A_12 = arith.constant 0 : i32
    %add3A_13 = arith.addi %mul3A_11, %add3A_12 : i32
    "tpu.region"() ({
      %run_scoped3A = tpu.sem_alloc : memref<!tpu.dma_semaphore, #tpu.memory_space<semaphore_mem>>
      %dma_start3A = arith.constant 0 : i32
      %dma_start3A_40 = tpu.memref_slice %arg9[%add3A_13, %dma_start3A] : memref<10240x128xf32, #tpu.memory_space<vmem_shared>> -> memref<128x128xf32, #tpu.memory_space<vmem_shared>>
      %dma_start3A_41 = arith.constant 0 : i32
      %dma_start3A_42 = tpu.memref_slice %arg9[%add3A_13, %dma_start3A_41] : memref<10240x128xf32, #tpu.memory_space<vmem_shared>> -> memref<128x128xf32, #tpu.memory_space<vmem_shared>>
      tpu.enqueue_dma source(%arg8 : memref<128x128xf32, #tpu.memory_space<vmem>>) target(%dma_start3A_42 : memref<128x128xf32, #tpu.memory_space<vmem_shared>>) target_semaphore(%run_scoped3A : memref<!tpu.dma_semaphore, #tpu.memory_space<semaphore_mem>>)
      %dma_wait3A = arith.constant 0 : i32
      %dma_wait3A_43 = tpu.memref_slice %arg9[%add3A_13, %dma_wait3A] : memref<10240x128xf32, #tpu.memory_space<vmem_shared>> -> memref<128x128xf32, #tpu.memory_space<vmem_shared>>
      %dma_wait3A_44 = arith.constant 0 : i32
      %dma_wait3A_45 = tpu.memref_slice %arg9[%add3A_13, %dma_wait3A_44] : memref<10240x128xf32, #tpu.memory_space<vmem_shared>> -> memref<128x128xf32, #tpu.memory_space<vmem_shared>>
      tpu.wait_dma2 semaphore(%run_scoped3A : memref<!tpu.dma_semaphore, #tpu.memory_space<semaphore_mem>>) src(%arg8 : memref<128x128xf32, #tpu.memory_space<vmem>>) dst(%dma_wait3A_45 : memref<128x128xf32, #tpu.memory_space<vmem_shared>>)
      tpu.yield
    }) : () -> ()
    %mul3A_14 = arith.constant 640 : i32
    %mul3A_15 = arith.muli %arg1, %mul3A_14 : i32
    %add3A_16 = arith.constant 128 : i32
    %add3A_17 = arith.addi %mul3A_15, %add3A_16 : i32
    "tpu.region"() ({
      %run_scoped3A = tpu.sem_alloc : memref<!tpu.dma_semaphore, #tpu.memory_space<semaphore_mem>>
      %dma_start3A = arith.constant 0 : i32
      %dma_start3A_40 = tpu.memref_slice %arg9[%add3A_17, %dma_start3A] : memref<10240x128xf32, #tpu.memory_space<vmem_shared>> -> memref<128x128xf32, #tpu.memory_space<vmem_shared>>
      %dma_start3A_41 = arith.constant 0 : i32
      %dma_start3A_42 = tpu.memref_slice %arg9[%add3A_17, %dma_start3A_41] : memref<10240x128xf32, #tpu.memory_space<vmem_shared>> -> memref<128x128xf32, #tpu.memory_space<vmem_shared>>
      tpu.enqueue_dma source(%arg8 : memref<128x128xf32, #tpu.memory_space<vmem>>) target(%dma_start3A_42 : memref<128x128xf32, #tpu.memory_space<vmem_shared>>) target_semaphore(%run_scoped3A : memref<!tpu.dma_semaphore, #tpu.memory_space<semaphore_mem>>)
      %dma_wait3A = arith.constant 0 : i32
      %dma_wait3A_43 = tpu.memref_slice %arg9[%add3A_17, %dma_wait3A] : memref<10240x128xf32, #tpu.memory_space<vmem_shared>> -> memref<128x128xf32, #tpu.memory_space<vmem_shared>>
      %dma_wait3A_44 = arith.constant 0 : i32
      %dma_wait3A_45 = tpu.memref_slice %arg9[%add3A_17, %dma_wait3A_44] : memref<10240x128xf32, #tpu.memory_space<vmem_shared>> -> memref<128x128xf32, #tpu.memory_space<vmem_shared>>
      tpu.wait_dma2 semaphore(%run_scoped3A : memref<!tpu.dma_semaphore, #tpu.memory_space<semaphore_mem>>) src(%arg8 : memref<128x128xf32, #tpu.memory_space<vmem>>) dst(%dma_wait3A_45 : memref<128x128xf32, #tpu.memory_space<vmem_shared>>)
      tpu.yield
    }) : () -> ()
    %mul3A_18 = arith.constant 640 : i32
    %mul3A_19 = arith.muli %arg1, %mul3A_18 : i32
    %add3A_20 = arith.constant 256 : i32
    %add3A_21 = arith.addi %mul3A_19, %add3A_20 : i32
    "tpu.region"() ({
      %run_scoped3A = tpu.sem_alloc : memref<!tpu.dma_semaphore, #tpu.memory_space<semaphore_mem>>
      %dma_start3A = arith.constant 0 : i32
      %dma_start3A_40 = tpu.memref_slice %arg9[%add3A_21, %dma_start3A] : memref<10240x128xf32, #tpu.memory_space<vmem_shared>> -> memref<128x128xf32, #tpu.memory_space<vmem_shared>>
      %dma_start3A_41 = arith.constant 0 : i32
      %dma_start3A_42 = tpu.memref_slice %arg9[%add3A_21, %dma_start3A_41] : memref<10240x128xf32, #tpu.memory_space<vmem_shared>> -> memref<128x128xf32, #tpu.memory_space<vmem_shared>>
      tpu.enqueue_dma source(%arg8 : memref<128x128xf32, #tpu.memory_space<vmem>>) target(%dma_start3A_42 : memref<128x128xf32, #tpu.memory_space<vmem_shared>>) target_semaphore(%run_scoped3A : memref<!tpu.dma_semaphore, #tpu.memory_space<semaphore_mem>>)
      %dma_wait3A = arith.constant 0 : i32
      %dma_wait3A_43 = tpu.memref_slice %arg9[%add3A_21, %dma_wait3A] : memref<10240x128xf32, #tpu.memory_space<vmem_shared>> -> memref<128x128xf32, #tpu.memory_space<vmem_shared>>
      %dma_wait3A_44 = arith.constant 0 : i32
      %dma_wait3A_45 = tpu.memref_slice %arg9[%add3A_21, %dma_wait3A_44] : memref<10240x128xf32, #tpu.memory_space<vmem_shared>> -> memref<128x128xf32, #tpu.memory_space<vmem_shared>>
      tpu.wait_dma2 semaphore(%run_scoped3A : memref<!tpu.dma_semaphore, #tpu.memory_space<semaphore_mem>>) src(%arg8 : memref<128x128xf32, #tpu.memory_space<vmem>>) dst(%dma_wait3A_45 : memref<128x128xf32, #tpu.memory_space<vmem_shared>>)
      tpu.yield
    }) : () -> ()
    %mul3A_22 = arith.constant 640 : i32
    %mul3A_23 = arith.muli %arg1, %mul3A_22 : i32
    %add3A_24 = arith.constant 384 : i32
    %add3A_25 = arith.addi %mul3A_23, %add3A_24 : i32
    "tpu.region"() ({
      %run_scoped3A = tpu.sem_alloc : memref<!tpu.dma_semaphore, #tpu.memory_space<semaphore_mem>>
      %dma_start3A = arith.constant 0 : i32
      %dma_start3A_40 = tpu.memref_slice %arg9[%add3A_25, %dma_start3A] : memref<10240x128xf32, #tpu.memory_space<vmem_shared>> -> memref<128x128xf32, #tpu.memory_space<vmem_shared>>
      %dma_start3A_41 = arith.constant 0 : i32
      %dma_start3A_42 = tpu.memref_slice %arg9[%add3A_25, %dma_start3A_41] : memref<10240x128xf32, #tpu.memory_space<vmem_shared>> -> memref<128x128xf32, #tpu.memory_space<vmem_shared>>
      tpu.enqueue_dma source(%arg8 : memref<128x128xf32, #tpu.memory_space<vmem>>) target(%dma_start3A_42 : memref<128x128xf32, #tpu.memory_space<vmem_shared>>) target_semaphore(%run_scoped3A : memref<!tpu.dma_semaphore, #tpu.memory_space<semaphore_mem>>)
      %dma_wait3A = arith.constant 0 : i32
      %dma_wait3A_43 = tpu.memref_slice %arg9[%add3A_25, %dma_wait3A] : memref<10240x128xf32, #tpu.memory_space<vmem_shared>> -> memref<128x128xf32, #tpu.memory_space<vmem_shared>>
      %dma_wait3A_44 = arith.constant 0 : i32
      %dma_wait3A_45 = tpu.memref_slice %arg9[%add3A_25, %dma_wait3A_44] : memref<10240x128xf32, #tpu.memory_space<vmem_shared>> -> memref<128x128xf32, #tpu.memory_space<vmem_shared>>
      tpu.wait_dma2 semaphore(%run_scoped3A : memref<!tpu.dma_semaphore, #tpu.memory_space<semaphore_mem>>) src(%arg8 : memref<128x128xf32, #tpu.memory_space<vmem>>) dst(%dma_wait3A_45 : memref<128x128xf32, #tpu.memory_space<vmem_shared>>)
      tpu.yield
    }) : () -> ()
    %mul3A_26 = arith.constant 640 : i32
    %mul3A_27 = arith.muli %arg1, %mul3A_26 : i32
    %add3A_28 = arith.constant 512 : i32
    %add3A_29 = arith.addi %mul3A_27, %add3A_28 : i32
    "tpu.region"() ({
      %run_scoped3A = tpu.sem_alloc : memref<!tpu.dma_semaphore, #tpu.memory_space<semaphore_mem>>
      %dma_start3A = arith.constant 0 : i32
      %dma_start3A_40 = tpu.memref_slice %arg9[%add3A_29, %dma_start3A] : memref<10240x128xf32, #tpu.memory_space<vmem_shared>> -> memref<128x128xf32, #tpu.memory_space<vmem_shared>>
      %dma_start3A_41 = arith.constant 0 : i32
      %dma_start3A_42 = tpu.memref_slice %arg9[%add3A_29, %dma_start3A_41] : memref<10240x128xf32, #tpu.memory_space<vmem_shared>> -> memref<128x128xf32, #tpu.memory_space<vmem_shared>>
      tpu.enqueue_dma source(%arg8 : memref<128x128xf32, #tpu.memory_space<vmem>>) target(%dma_start3A_42 : memref<128x128xf32, #tpu.memory_space<vmem_shared>>) target_semaphore(%run_scoped3A : memref<!tpu.dma_semaphore, #tpu.memory_space<semaphore_mem>>)
      %dma_wait3A = arith.constant 0 : i32
      %dma_wait3A_43 = tpu.memref_slice %arg9[%add3A_29, %dma_wait3A] : memref<10240x128xf32, #tpu.memory_space<vmem_shared>> -> memref<128x128xf32, #tpu.memory_space<vmem_shared>>
      %dma_wait3A_44 = arith.constant 0 : i32
      %dma_wait3A_45 = tpu.memref_slice %arg9[%add3A_29, %dma_wait3A_44] : memref<10240x128xf32, #tpu.memory_space<vmem_shared>> -> memref<128x128xf32, #tpu.memory_space<vmem_shared>>
      tpu.wait_dma2 semaphore(%run_scoped3A : memref<!tpu.dma_semaphore, #tpu.memory_space<semaphore_mem>>) src(%arg8 : memref<128x128xf32, #tpu.memory_space<vmem>>) dst(%dma_wait3A_45 : memref<128x128xf32, #tpu.memory_space<vmem_shared>>)
      tpu.yield
    }) : () -> ()
    %barrier3A = arith.constant 0 : index
    tpu.barrier barrier_id(%barrier3A)
    %scan3A_30 = arith.constant 0 : i32
    %scan3A_31 = arith.constant 0 : i32
    %scan3A_32 = arith.constant 80 : i32
    %scan3A_33 = arith.addi %scan3A_31, %scan3A_32 : i32
    %scan3A_34 = arith.constant 1 : i32
    %scan3A_35 = scf.for %scan3A_40 = %scan3A_31 to %scan3A_33 step %scan3A_34 iter_args(%scan3A_41 = %scan3A_30) -> (i32)  : i32 {
      %dma_start3A = arith.constant 0 : i32
      %dma_start3A_42 = tpu.memref_slice %arg6[%scan3A_40, %dma_start3A] : memref<80x128xi32, #tpu.memory_space<vmem>> -> memref<1x128xi32, #tpu.memory_space<vmem>>
      %dma_start3A_43 = tpu.memref_squeeze %dma_start3A_42 : memref<1x128xi32, #tpu.memory_space<vmem>> -> memref<128xi32, #tpu.memory_space<vmem>>
      %dma_start3A_44 = arith.constant 0 : i32
      %dma_start3A_45 = arith.constant 0 : i32
      %dma_start3A_46 = tpu.memref_slice %arg2[%dma_start3A_44, %dma_start3A_45] : memref<10240x128xf32, #tpu.memory_space<hbm>> -> memref<10240x128xf32, #tpu.memory_space<hbm>>
      tpu.enqueue_indirect_dma source(%dma_start3A_46 : memref<10240x128xf32, #tpu.memory_space<hbm>>) target(%arg8 : memref<128x128xf32, #tpu.memory_space<vmem>>) offsets(%dma_start3A_43 : memref<128xi32, #tpu.memory_space<vmem>>) semaphore(%arg10 : memref<!tpu.dma_semaphore, #tpu.memory_space<semaphore_mem>>)
      %dma_wait3A = arith.constant 0 : i32
      %dma_wait3A_47 = tpu.memref_slice %arg6[%scan3A_40, %dma_wait3A] : memref<80x128xi32, #tpu.memory_space<vmem>> -> memref<1x128xi32, #tpu.memory_space<vmem>>
      %dma_wait3A_48 = tpu.memref_squeeze %dma_wait3A_47 : memref<1x128xi32, #tpu.memory_space<vmem>> -> memref<128xi32, #tpu.memory_space<vmem>>
      %dma_wait3A_49 = arith.constant 0 : i32
      %dma_wait3A_50 = arith.constant 0 : i32
      %dma_wait3A_51 = tpu.memref_slice %arg2[%dma_wait3A_49, %dma_wait3A_50] : memref<10240x128xf32, #tpu.memory_space<hbm>> -> memref<10240x128xf32, #tpu.memory_space<hbm>>
      tpu.wait_indirect_dma semaphore(%arg10 : memref<!tpu.dma_semaphore, #tpu.memory_space<semaphore_mem>>) src(%dma_wait3A_51 : memref<10240x128xf32, #tpu.memory_space<hbm>>) dst(%arg8 : memref<128x128xf32, #tpu.memory_space<vmem>>)
      "tpu.region"() ({
        %run_scoped3A = tpu.sem_alloc : memref<!tpu.dma_semaphore, #tpu.memory_space<semaphore_mem>>
        %dma_start3A_53 = arith.constant 0 : i32
        %dma_start3A_54 = tpu.memref_slice %arg7[%scan3A_40, %dma_start3A_53] : memref<80x128xi32, #tpu.memory_space<vmem>> -> memref<1x128xi32, #tpu.memory_space<vmem>>
        %dma_start3A_55 = tpu.memref_squeeze %dma_start3A_54 : memref<1x128xi32, #tpu.memory_space<vmem>> -> memref<128xi32, #tpu.memory_space<vmem>>
        %dma_start3A_56 = arith.constant 0 : i32
        %dma_start3A_57 = arith.constant 0 : i32
        %dma_start3A_58 = tpu.memref_slice %arg9[%dma_start3A_56, %dma_start3A_57] : memref<10240x128xf32, #tpu.memory_space<vmem_shared>> -> memref<10240x128xf32, #tpu.memory_space<vmem_shared>>
        tpu.enqueue_indirect_dma source(%arg8 : memref<128x128xf32, #tpu.memory_space<vmem>>) target(%dma_start3A_58 : memref<10240x128xf32, #tpu.memory_space<vmem_shared>>) offsets(%dma_start3A_55 : memref<128xi32, #tpu.memory_space<vmem>>) semaphore(%run_scoped3A : memref<!tpu.dma_semaphore, #tpu.memory_space<semaphore_mem>>) {add = true}
        %dma_wait3A_59 = arith.constant 0 : i32
        %dma_wait3A_60 = tpu.memref_slice %arg7[%scan3A_40, %dma_wait3A_59] : memref<80x128xi32, #tpu.memory_space<vmem>> -> memref<1x128xi32, #tpu.memory_space<vmem>>
        %dma_wait3A_61 = tpu.memref_squeeze %dma_wait3A_60 : memref<1x128xi32, #tpu.memory_space<vmem>> -> memref<128xi32, #tpu.memory_space<vmem>>
        %dma_wait3A_62 = arith.constant 0 : i32
        %dma_wait3A_63 = arith.constant 0 : i32
        %dma_wait3A_64 = tpu.memref_slice %arg9[%dma_wait3A_62, %dma_wait3A_63] : memref<10240x128xf32, #tpu.memory_space<vmem_shared>> -> memref<10240x128xf32, #tpu.memory_space<vmem_shared>>
        tpu.wait_indirect_dma semaphore(%run_scoped3A : memref<!tpu.dma_semaphore, #tpu.memory_space<semaphore_mem>>) src(%arg8 : memref<128x128xf32, #tpu.memory_space<vmem>>) dst(%dma_wait3A_64 : memref<10240x128xf32, #tpu.memory_space<vmem_shared>>)
        tpu.yield
      }) : () -> ()
      %scan3A_52 = arith.constant 0 : i32
      scf.yield %scan3A_52 : i32
    }
    %scan3A_36 = arith.constant 80 : i32
    %barrier3A_37 = arith.constant 0 : index
    tpu.barrier barrier_id(%barrier3A_37)
    %mul3A_38 = arith.constant 640 : i32
    %mul3A_39 = arith.muli %arg1, %mul3A_38 : i32
    "tpu.region"() ({
      %run_scoped3A = tpu.sem_alloc : memref<!tpu.dma_semaphore, #tpu.memory_space<semaphore_mem>>
      %dma_start3A = arith.constant 0 : i32
      %dma_start3A_40 = tpu.memref_slice %arg5[%arg0, %mul3A_39, %dma_start3A] : memref<2x10240x128xf32, #tpu.memory_space<hbm>> -> memref<1x640x128xf32, #tpu.memory_space<hbm>>
      %dma_start3A_41 = tpu.memref_squeeze %dma_start3A_40 : memref<1x640x128xf32, #tpu.memory_space<hbm>> -> memref<640x128xf32, #tpu.memory_space<hbm>>
      %dma_start3A_42 = arith.constant 0 : i32
      %dma_start3A_43 = tpu.memref_slice %arg9[%mul3A_39, %dma_start3A_42] : memref<10240x128xf32, #tpu.memory_space<vmem_shared>> -> memref<640x128xf32, #tpu.memory_space<vmem_shared>>
      tpu.enqueue_dma source(%dma_start3A_43 : memref<640x128xf32, #tpu.memory_space<vmem_shared>>) target(%dma_start3A_41 : memref<640x128xf32, #tpu.memory_space<hbm>>) target_semaphore(%run_scoped3A : memref<!tpu.dma_semaphore, #tpu.memory_space<semaphore_mem>>)
      %dma_wait3A = arith.constant 0 : i32
      %dma_wait3A_44 = tpu.memref_slice %arg5[%arg0, %mul3A_39, %dma_wait3A] : memref<2x10240x128xf32, #tpu.memory_space<hbm>> -> memref<1x640x128xf32, #tpu.memory_space<hbm>>
      %dma_wait3A_45 = tpu.memref_squeeze %dma_wait3A_44 : memref<1x640x128xf32, #tpu.memory_space<hbm>> -> memref<640x128xf32, #tpu.memory_space<hbm>>
      %dma_wait3A_46 = arith.constant 0 : i32
      %dma_wait3A_47 = tpu.memref_slice %arg9[%mul3A_39, %dma_wait3A_46] : memref<10240x128xf32, #tpu.memory_space<vmem_shared>> -> memref<640x128xf32, #tpu.memory_space<vmem_shared>>
      tpu.wait_dma2 semaphore(%run_scoped3A : memref<!tpu.dma_semaphore, #tpu.memory_space<semaphore_mem>>) src(%dma_wait3A_47 : memref<640x128xf32, #tpu.memory_space<vmem_shared>>) dst(%dma_wait3A_45 : memref<640x128xf32, #tpu.memory_space<hbm>>)
      tpu.yield
    }) : () -> ()
    return
  }
}

#map = affine_map<(d0, d1) -> (0, 0)>
#map1 = affine_map<(d0, d1) -> (0, 0, 0)>
module attributes {stable_mosaic.version = 14 : i64} {
  func.func @_rowpass_body(%arg0: i32, %arg1: i32, %arg2: memref<10240x144xf32, #tpu.memory_space<hbm>>, %arg3: memref<2560x128xi32, #tpu.memory_space<hbm>>, %arg4: memref<2560x128xi32, #tpu.memory_space<hbm>>, %arg5: memref<2x10240x144xf32, #tpu.memory_space<hbm>>, %arg6: memref<80x128xi32, #tpu.memory_space<vmem>>, %arg7: memref<80x128xi32, #tpu.memory_space<vmem>>, %arg8: memref<128x144xf32, #tpu.memory_space<vmem>>, %arg9: memref<10240x144xf32, #tpu.memory_space<vmem_shared>>, %arg10: memref<!tpu.dma_semaphore, #tpu.memory_space<semaphore_mem>>) attributes {dimension_semantics = [#tpu.dimension_semantics<core_parallel>, #tpu.dimension_semantics<subcore_parallel>], iteration_bounds = array<i64: 2, 16>, scalar_prefetch = 0 : i64, scratch_operands = 5 : i64, tpu.core_type = #tpu.core_type<sc_vector_subcore>, window_params = [{transform_indices = #map}, {transform_indices = #map}, {transform_indices = #map}, {transform_indices = #map1}]} {
    %mul3A = arith.constant 16 : i32
    %mul3A_0 = arith.muli %arg0, %mul3A : i32
    %add3A = arith.addi %mul3A_0, %arg1 : i32
    %mul3A_1 = arith.constant 80 : i32
    %mul3A_2 = arith.muli %add3A, %mul3A_1 : i32
    "tpu.region"() ({
      %run_scoped3A = tpu.sem_alloc : memref<!tpu.dma_semaphore, #tpu.memory_space<semaphore_mem>>
      %dma_start3A = arith.constant 0 : i32
      %dma_start3A_40 = tpu.memref_slice %arg3[%mul3A_2, %dma_start3A] : memref<2560x128xi32, #tpu.memory_space<hbm>> -> memref<80x128xi32, #tpu.memory_space<hbm>>
      %dma_start3A_41 = arith.constant 0 : i32
      %dma_start3A_42 = tpu.memref_slice %arg3[%mul3A_2, %dma_start3A_41] : memref<2560x128xi32, #tpu.memory_space<hbm>> -> memref<80x128xi32, #tpu.memory_space<hbm>>
      tpu.enqueue_dma source(%dma_start3A_42 : memref<80x128xi32, #tpu.memory_space<hbm>>) target(%arg6 : memref<80x128xi32, #tpu.memory_space<vmem>>) target_semaphore(%run_scoped3A : memref<!tpu.dma_semaphore, #tpu.memory_space<semaphore_mem>>)
      %dma_wait3A = arith.constant 0 : i32
      %dma_wait3A_43 = tpu.memref_slice %arg3[%mul3A_2, %dma_wait3A] : memref<2560x128xi32, #tpu.memory_space<hbm>> -> memref<80x128xi32, #tpu.memory_space<hbm>>
      %dma_wait3A_44 = arith.constant 0 : i32
      %dma_wait3A_45 = tpu.memref_slice %arg3[%mul3A_2, %dma_wait3A_44] : memref<2560x128xi32, #tpu.memory_space<hbm>> -> memref<80x128xi32, #tpu.memory_space<hbm>>
      tpu.wait_dma2 semaphore(%run_scoped3A : memref<!tpu.dma_semaphore, #tpu.memory_space<semaphore_mem>>) src(%dma_wait3A_45 : memref<80x128xi32, #tpu.memory_space<hbm>>) dst(%arg6 : memref<80x128xi32, #tpu.memory_space<vmem>>)
      tpu.yield
    }) : () -> ()
    "tpu.region"() ({
      %run_scoped3A = tpu.sem_alloc : memref<!tpu.dma_semaphore, #tpu.memory_space<semaphore_mem>>
      %dma_start3A = arith.constant 0 : i32
      %dma_start3A_40 = tpu.memref_slice %arg4[%mul3A_2, %dma_start3A] : memref<2560x128xi32, #tpu.memory_space<hbm>> -> memref<80x128xi32, #tpu.memory_space<hbm>>
      %dma_start3A_41 = arith.constant 0 : i32
      %dma_start3A_42 = tpu.memref_slice %arg4[%mul3A_2, %dma_start3A_41] : memref<2560x128xi32, #tpu.memory_space<hbm>> -> memref<80x128xi32, #tpu.memory_space<hbm>>
      tpu.enqueue_dma source(%dma_start3A_42 : memref<80x128xi32, #tpu.memory_space<hbm>>) target(%arg7 : memref<80x128xi32, #tpu.memory_space<vmem>>) target_semaphore(%run_scoped3A : memref<!tpu.dma_semaphore, #tpu.memory_space<semaphore_mem>>)
      %dma_wait3A = arith.constant 0 : i32
      %dma_wait3A_43 = tpu.memref_slice %arg4[%mul3A_2, %dma_wait3A] : memref<2560x128xi32, #tpu.memory_space<hbm>> -> memref<80x128xi32, #tpu.memory_space<hbm>>
      %dma_wait3A_44 = arith.constant 0 : i32
      %dma_wait3A_45 = tpu.memref_slice %arg4[%mul3A_2, %dma_wait3A_44] : memref<2560x128xi32, #tpu.memory_space<hbm>> -> memref<80x128xi32, #tpu.memory_space<hbm>>
      tpu.wait_dma2 semaphore(%run_scoped3A : memref<!tpu.dma_semaphore, #tpu.memory_space<semaphore_mem>>) src(%dma_wait3A_45 : memref<80x128xi32, #tpu.memory_space<hbm>>) dst(%arg7 : memref<80x128xi32, #tpu.memory_space<vmem>>)
      tpu.yield
    }) : () -> ()
    %broadcast_in_dim3A = arith.constant 0.000000e+00 : f32
    %broadcast_in_dim3A_3 = vector.broadcast %broadcast_in_dim3A : f32 to vector<16xf32>
    %scan3A = arith.constant 0 : i32
    %scan3A_4 = arith.constant 0 : i32
    %scan3A_5 = arith.constant 128 : i32
    %scan3A_6 = arith.addi %scan3A_4, %scan3A_5 : i32
    %scan3A_7 = arith.constant 1 : i32
    %scan3A_8 = scf.for %scan3A_40 = %scan3A_4 to %scan3A_6 step %scan3A_7 iter_args(%scan3A_41 = %scan3A) -> (i32)  : i32 {
      %swap3A = arith.index_cast %scan3A_40 : i32 to index
      %swap3A_42 = arith.constant 0 : index
      %swap3A_43 = tpu.vector_load %arg8[%swap3A, %swap3A_42] {strides = array<i32>} : memref<128x144xf32, #tpu.memory_space<vmem>>, vector<1x16xf32>,
      %swap3A_44 = vector.shape_cast %swap3A_43 : vector<1x16xf32> to vector<16xf32>
      %swap3A_45 = vector.shape_cast %broadcast_in_dim3A_3 : vector<16xf32> to vector<1x16xf32>
      tpu.vector_store %arg8[%swap3A, %swap3A_42], %swap3A_45 {strides = array<i32>} : memref<128x144xf32, #tpu.memory_space<vmem>>, vector<1x16xf32>,
      %swap3A_46 = arith.index_cast %scan3A_40 : i32 to index
      %swap3A_47 = arith.constant 16 : index
      %swap3A_48 = tpu.vector_load %arg8[%swap3A_46, %swap3A_47] {strides = array<i32>} : memref<128x144xf32, #tpu.memory_space<vmem>>, vector<1x16xf32>,
      %swap3A_49 = vector.shape_cast %swap3A_48 : vector<1x16xf32> to vector<16xf32>
      %swap3A_50 = vector.shape_cast %broadcast_in_dim3A_3 : vector<16xf32> to vector<1x16xf32>
      tpu.vector_store %arg8[%swap3A_46, %swap3A_47], %swap3A_50 {strides = array<i32>} : memref<128x144xf32, #tpu.memory_space<vmem>>, vector<1x16xf32>,
      %swap3A_51 = arith.index_cast %scan3A_40 : i32 to index
      %swap3A_52 = arith.constant 32 : index
      %swap3A_53 = tpu.vector_load %arg8[%swap3A_51, %swap3A_52] {strides = array<i32>} : memref<128x144xf32, #tpu.memory_space<vmem>>, vector<1x16xf32>,
      %swap3A_54 = vector.shape_cast %swap3A_53 : vector<1x16xf32> to vector<16xf32>
      %swap3A_55 = vector.shape_cast %broadcast_in_dim3A_3 : vector<16xf32> to vector<1x16xf32>
      tpu.vector_store %arg8[%swap3A_51, %swap3A_52], %swap3A_55 {strides = array<i32>} : memref<128x144xf32, #tpu.memory_space<vmem>>, vector<1x16xf32>,
      %swap3A_56 = arith.index_cast %scan3A_40 : i32 to index
      %swap3A_57 = arith.constant 48 : index
      %swap3A_58 = tpu.vector_load %arg8[%swap3A_56, %swap3A_57] {strides = array<i32>} : memref<128x144xf32, #tpu.memory_space<vmem>>, vector<1x16xf32>,
      %swap3A_59 = vector.shape_cast %swap3A_58 : vector<1x16xf32> to vector<16xf32>
      %swap3A_60 = vector.shape_cast %broadcast_in_dim3A_3 : vector<16xf32> to vector<1x16xf32>
      tpu.vector_store %arg8[%swap3A_56, %swap3A_57], %swap3A_60 {strides = array<i32>} : memref<128x144xf32, #tpu.memory_space<vmem>>, vector<1x16xf32>,
      %swap3A_61 = arith.index_cast %scan3A_40 : i32 to index
      %swap3A_62 = arith.constant 64 : index
      %swap3A_63 = tpu.vector_load %arg8[%swap3A_61, %swap3A_62] {strides = array<i32>} : memref<128x144xf32, #tpu.memory_space<vmem>>, vector<1x16xf32>,
      %swap3A_64 = vector.shape_cast %swap3A_63 : vector<1x16xf32> to vector<16xf32>
      %swap3A_65 = vector.shape_cast %broadcast_in_dim3A_3 : vector<16xf32> to vector<1x16xf32>
      tpu.vector_store %arg8[%swap3A_61, %swap3A_62], %swap3A_65 {strides = array<i32>} : memref<128x144xf32, #tpu.memory_space<vmem>>, vector<1x16xf32>,
      %swap3A_66 = arith.index_cast %scan3A_40 : i32 to index
      %swap3A_67 = arith.constant 80 : index
      %swap3A_68 = tpu.vector_load %arg8[%swap3A_66, %swap3A_67] {strides = array<i32>} : memref<128x144xf32, #tpu.memory_space<vmem>>, vector<1x16xf32>,
      %swap3A_69 = vector.shape_cast %swap3A_68 : vector<1x16xf32> to vector<16xf32>
      %swap3A_70 = vector.shape_cast %broadcast_in_dim3A_3 : vector<16xf32> to vector<1x16xf32>
      tpu.vector_store %arg8[%swap3A_66, %swap3A_67], %swap3A_70 {strides = array<i32>} : memref<128x144xf32, #tpu.memory_space<vmem>>, vector<1x16xf32>,
      %swap3A_71 = arith.index_cast %scan3A_40 : i32 to index
      %swap3A_72 = arith.constant 96 : index
      %swap3A_73 = tpu.vector_load %arg8[%swap3A_71, %swap3A_72] {strides = array<i32>} : memref<128x144xf32, #tpu.memory_space<vmem>>, vector<1x16xf32>,
      %swap3A_74 = vector.shape_cast %swap3A_73 : vector<1x16xf32> to vector<16xf32>
      %swap3A_75 = vector.shape_cast %broadcast_in_dim3A_3 : vector<16xf32> to vector<1x16xf32>
      tpu.vector_store %arg8[%swap3A_71, %swap3A_72], %swap3A_75 {strides = array<i32>} : memref<128x144xf32, #tpu.memory_space<vmem>>, vector<1x16xf32>,
      %swap3A_76 = arith.index_cast %scan3A_40 : i32 to index
      %swap3A_77 = arith.constant 112 : index
      %swap3A_78 = tpu.vector_load %arg8[%swap3A_76, %swap3A_77] {strides = array<i32>} : memref<128x144xf32, #tpu.memory_space<vmem>>, vector<1x16xf32>,
      %swap3A_79 = vector.shape_cast %swap3A_78 : vector<1x16xf32> to vector<16xf32>
      %swap3A_80 = vector.shape_cast %broadcast_in_dim3A_3 : vector<16xf32> to vector<1x16xf32>
      tpu.vector_store %arg8[%swap3A_76, %swap3A_77], %swap3A_80 {strides = array<i32>} : memref<128x144xf32, #tpu.memory_space<vmem>>, vector<1x16xf32>,
      %swap3A_81 = arith.index_cast %scan3A_40 : i32 to index
      %swap3A_82 = arith.constant 128 : index
      %swap3A_83 = tpu.vector_load %arg8[%swap3A_81, %swap3A_82] {strides = array<i32>} : memref<128x144xf32, #tpu.memory_space<vmem>>, vector<1x16xf32>,
      %swap3A_84 = vector.shape_cast %swap3A_83 : vector<1x16xf32> to vector<16xf32>
      %swap3A_85 = vector.shape_cast %broadcast_in_dim3A_3 : vector<16xf32> to vector<1x16xf32>
      tpu.vector_store %arg8[%swap3A_81, %swap3A_82], %swap3A_85 {strides = array<i32>} : memref<128x144xf32, #tpu.memory_space<vmem>>, vector<1x16xf32>,
      %scan3A_86 = arith.constant 0 : i32
      scf.yield %scan3A_86 : i32
    }
    %scan3A_9 = arith.constant 128 : i32
    %mul3A_10 = arith.constant 640 : i32
    %mul3A_11 = arith.muli %arg1, %mul3A_10 : i32
    %add3A_12 = arith.constant 0 : i32
    %add3A_13 = arith.addi %mul3A_11, %add3A_12 : i32
    "tpu.region"() ({
      %run_scoped3A = tpu.sem_alloc : memref<!tpu.dma_semaphore, #tpu.memory_space<semaphore_mem>>
      %dma_start3A = arith.constant 0 : i32
      %dma_start3A_40 = tpu.memref_slice %arg9[%add3A_13, %dma_start3A] : memref<10240x144xf32, #tpu.memory_space<vmem_shared>> -> memref<128x144xf32, #tpu.memory_space<vmem_shared>>
      %dma_start3A_41 = arith.constant 0 : i32
      %dma_start3A_42 = tpu.memref_slice %arg9[%add3A_13, %dma_start3A_41] : memref<10240x144xf32, #tpu.memory_space<vmem_shared>> -> memref<128x144xf32, #tpu.memory_space<vmem_shared>>
      tpu.enqueue_dma source(%arg8 : memref<128x144xf32, #tpu.memory_space<vmem>>) target(%dma_start3A_42 : memref<128x144xf32, #tpu.memory_space<vmem_shared>>) target_semaphore(%run_scoped3A : memref<!tpu.dma_semaphore, #tpu.memory_space<semaphore_mem>>)
      %dma_wait3A = arith.constant 0 : i32
      %dma_wait3A_43 = tpu.memref_slice %arg9[%add3A_13, %dma_wait3A] : memref<10240x144xf32, #tpu.memory_space<vmem_shared>> -> memref<128x144xf32, #tpu.memory_space<vmem_shared>>
      %dma_wait3A_44 = arith.constant 0 : i32
      %dma_wait3A_45 = tpu.memref_slice %arg9[%add3A_13, %dma_wait3A_44] : memref<10240x144xf32, #tpu.memory_space<vmem_shared>> -> memref<128x144xf32, #tpu.memory_space<vmem_shared>>
      tpu.wait_dma2 semaphore(%run_scoped3A : memref<!tpu.dma_semaphore, #tpu.memory_space<semaphore_mem>>) src(%arg8 : memref<128x144xf32, #tpu.memory_space<vmem>>) dst(%dma_wait3A_45 : memref<128x144xf32, #tpu.memory_space<vmem_shared>>)
      tpu.yield
    }) : () -> ()
    %mul3A_14 = arith.constant 640 : i32
    %mul3A_15 = arith.muli %arg1, %mul3A_14 : i32
    %add3A_16 = arith.constant 128 : i32
    %add3A_17 = arith.addi %mul3A_15, %add3A_16 : i32
    "tpu.region"() ({
      %run_scoped3A = tpu.sem_alloc : memref<!tpu.dma_semaphore, #tpu.memory_space<semaphore_mem>>
      %dma_start3A = arith.constant 0 : i32
      %dma_start3A_40 = tpu.memref_slice %arg9[%add3A_17, %dma_start3A] : memref<10240x144xf32, #tpu.memory_space<vmem_shared>> -> memref<128x144xf32, #tpu.memory_space<vmem_shared>>
      %dma_start3A_41 = arith.constant 0 : i32
      %dma_start3A_42 = tpu.memref_slice %arg9[%add3A_17, %dma_start3A_41] : memref<10240x144xf32, #tpu.memory_space<vmem_shared>> -> memref<128x144xf32, #tpu.memory_space<vmem_shared>>
      tpu.enqueue_dma source(%arg8 : memref<128x144xf32, #tpu.memory_space<vmem>>) target(%dma_start3A_42 : memref<128x144xf32, #tpu.memory_space<vmem_shared>>) target_semaphore(%run_scoped3A : memref<!tpu.dma_semaphore, #tpu.memory_space<semaphore_mem>>)
      %dma_wait3A = arith.constant 0 : i32
      %dma_wait3A_43 = tpu.memref_slice %arg9[%add3A_17, %dma_wait3A] : memref<10240x144xf32, #tpu.memory_space<vmem_shared>> -> memref<128x144xf32, #tpu.memory_space<vmem_shared>>
      %dma_wait3A_44 = arith.constant 0 : i32
      %dma_wait3A_45 = tpu.memref_slice %arg9[%add3A_17, %dma_wait3A_44] : memref<10240x144xf32, #tpu.memory_space<vmem_shared>> -> memref<128x144xf32, #tpu.memory_space<vmem_shared>>
      tpu.wait_dma2 semaphore(%run_scoped3A : memref<!tpu.dma_semaphore, #tpu.memory_space<semaphore_mem>>) src(%arg8 : memref<128x144xf32, #tpu.memory_space<vmem>>) dst(%dma_wait3A_45 : memref<128x144xf32, #tpu.memory_space<vmem_shared>>)
      tpu.yield
    }) : () -> ()
    %mul3A_18 = arith.constant 640 : i32
    %mul3A_19 = arith.muli %arg1, %mul3A_18 : i32
    %add3A_20 = arith.constant 256 : i32
    %add3A_21 = arith.addi %mul3A_19, %add3A_20 : i32
    "tpu.region"() ({
      %run_scoped3A = tpu.sem_alloc : memref<!tpu.dma_semaphore, #tpu.memory_space<semaphore_mem>>
      %dma_start3A = arith.constant 0 : i32
      %dma_start3A_40 = tpu.memref_slice %arg9[%add3A_21, %dma_start3A] : memref<10240x144xf32, #tpu.memory_space<vmem_shared>> -> memref<128x144xf32, #tpu.memory_space<vmem_shared>>
      %dma_start3A_41 = arith.constant 0 : i32
      %dma_start3A_42 = tpu.memref_slice %arg9[%add3A_21, %dma_start3A_41] : memref<10240x144xf32, #tpu.memory_space<vmem_shared>> -> memref<128x144xf32, #tpu.memory_space<vmem_shared>>
      tpu.enqueue_dma source(%arg8 : memref<128x144xf32, #tpu.memory_space<vmem>>) target(%dma_start3A_42 : memref<128x144xf32, #tpu.memory_space<vmem_shared>>) target_semaphore(%run_scoped3A : memref<!tpu.dma_semaphore, #tpu.memory_space<semaphore_mem>>)
      %dma_wait3A = arith.constant 0 : i32
      %dma_wait3A_43 = tpu.memref_slice %arg9[%add3A_21, %dma_wait3A] : memref<10240x144xf32, #tpu.memory_space<vmem_shared>> -> memref<128x144xf32, #tpu.memory_space<vmem_shared>>
      %dma_wait3A_44 = arith.constant 0 : i32
      %dma_wait3A_45 = tpu.memref_slice %arg9[%add3A_21, %dma_wait3A_44] : memref<10240x144xf32, #tpu.memory_space<vmem_shared>> -> memref<128x144xf32, #tpu.memory_space<vmem_shared>>
      tpu.wait_dma2 semaphore(%run_scoped3A : memref<!tpu.dma_semaphore, #tpu.memory_space<semaphore_mem>>) src(%arg8 : memref<128x144xf32, #tpu.memory_space<vmem>>) dst(%dma_wait3A_45 : memref<128x144xf32, #tpu.memory_space<vmem_shared>>)
      tpu.yield
    }) : () -> ()
    %mul3A_22 = arith.constant 640 : i32
    %mul3A_23 = arith.muli %arg1, %mul3A_22 : i32
    %add3A_24 = arith.constant 384 : i32
    %add3A_25 = arith.addi %mul3A_23, %add3A_24 : i32
    "tpu.region"() ({
      %run_scoped3A = tpu.sem_alloc : memref<!tpu.dma_semaphore, #tpu.memory_space<semaphore_mem>>
      %dma_start3A = arith.constant 0 : i32
      %dma_start3A_40 = tpu.memref_slice %arg9[%add3A_25, %dma_start3A] : memref<10240x144xf32, #tpu.memory_space<vmem_shared>> -> memref<128x144xf32, #tpu.memory_space<vmem_shared>>
      %dma_start3A_41 = arith.constant 0 : i32
      %dma_start3A_42 = tpu.memref_slice %arg9[%add3A_25, %dma_start3A_41] : memref<10240x144xf32, #tpu.memory_space<vmem_shared>> -> memref<128x144xf32, #tpu.memory_space<vmem_shared>>
      tpu.enqueue_dma source(%arg8 : memref<128x144xf32, #tpu.memory_space<vmem>>) target(%dma_start3A_42 : memref<128x144xf32, #tpu.memory_space<vmem_shared>>) target_semaphore(%run_scoped3A : memref<!tpu.dma_semaphore, #tpu.memory_space<semaphore_mem>>)
      %dma_wait3A = arith.constant 0 : i32
      %dma_wait3A_43 = tpu.memref_slice %arg9[%add3A_25, %dma_wait3A] : memref<10240x144xf32, #tpu.memory_space<vmem_shared>> -> memref<128x144xf32, #tpu.memory_space<vmem_shared>>
      %dma_wait3A_44 = arith.constant 0 : i32
      %dma_wait3A_45 = tpu.memref_slice %arg9[%add3A_25, %dma_wait3A_44] : memref<10240x144xf32, #tpu.memory_space<vmem_shared>> -> memref<128x144xf32, #tpu.memory_space<vmem_shared>>
      tpu.wait_dma2 semaphore(%run_scoped3A : memref<!tpu.dma_semaphore, #tpu.memory_space<semaphore_mem>>) src(%arg8 : memref<128x144xf32, #tpu.memory_space<vmem>>) dst(%dma_wait3A_45 : memref<128x144xf32, #tpu.memory_space<vmem_shared>>)
      tpu.yield
    }) : () -> ()
    %mul3A_26 = arith.constant 640 : i32
    %mul3A_27 = arith.muli %arg1, %mul3A_26 : i32
    %add3A_28 = arith.constant 512 : i32
    %add3A_29 = arith.addi %mul3A_27, %add3A_28 : i32
    "tpu.region"() ({
      %run_scoped3A = tpu.sem_alloc : memref<!tpu.dma_semaphore, #tpu.memory_space<semaphore_mem>>
      %dma_start3A = arith.constant 0 : i32
      %dma_start3A_40 = tpu.memref_slice %arg9[%add3A_29, %dma_start3A] : memref<10240x144xf32, #tpu.memory_space<vmem_shared>> -> memref<128x144xf32, #tpu.memory_space<vmem_shared>>
      %dma_start3A_41 = arith.constant 0 : i32
      %dma_start3A_42 = tpu.memref_slice %arg9[%add3A_29, %dma_start3A_41] : memref<10240x144xf32, #tpu.memory_space<vmem_shared>> -> memref<128x144xf32, #tpu.memory_space<vmem_shared>>
      tpu.enqueue_dma source(%arg8 : memref<128x144xf32, #tpu.memory_space<vmem>>) target(%dma_start3A_42 : memref<128x144xf32, #tpu.memory_space<vmem_shared>>) target_semaphore(%run_scoped3A : memref<!tpu.dma_semaphore, #tpu.memory_space<semaphore_mem>>)
      %dma_wait3A = arith.constant 0 : i32
      %dma_wait3A_43 = tpu.memref_slice %arg9[%add3A_29, %dma_wait3A] : memref<10240x144xf32, #tpu.memory_space<vmem_shared>> -> memref<128x144xf32, #tpu.memory_space<vmem_shared>>
      %dma_wait3A_44 = arith.constant 0 : i32
      %dma_wait3A_45 = tpu.memref_slice %arg9[%add3A_29, %dma_wait3A_44] : memref<10240x144xf32, #tpu.memory_space<vmem_shared>> -> memref<128x144xf32, #tpu.memory_space<vmem_shared>>
      tpu.wait_dma2 semaphore(%run_scoped3A : memref<!tpu.dma_semaphore, #tpu.memory_space<semaphore_mem>>) src(%arg8 : memref<128x144xf32, #tpu.memory_space<vmem>>) dst(%dma_wait3A_45 : memref<128x144xf32, #tpu.memory_space<vmem_shared>>)
      tpu.yield
    }) : () -> ()
    %barrier3A = arith.constant 0 : index
    tpu.barrier barrier_id(%barrier3A)
    %scan3A_30 = arith.constant 0 : i32
    %scan3A_31 = arith.constant 0 : i32
    %scan3A_32 = arith.constant 80 : i32
    %scan3A_33 = arith.addi %scan3A_31, %scan3A_32 : i32
    %scan3A_34 = arith.constant 1 : i32
    %scan3A_35 = scf.for %scan3A_40 = %scan3A_31 to %scan3A_33 step %scan3A_34 iter_args(%scan3A_41 = %scan3A_30) -> (i32)  : i32 {
      %dma_start3A = arith.constant 0 : i32
      %dma_start3A_42 = tpu.memref_slice %arg6[%scan3A_40, %dma_start3A] : memref<80x128xi32, #tpu.memory_space<vmem>> -> memref<1x128xi32, #tpu.memory_space<vmem>>
      %dma_start3A_43 = tpu.memref_squeeze %dma_start3A_42 : memref<1x128xi32, #tpu.memory_space<vmem>> -> memref<128xi32, #tpu.memory_space<vmem>>
      %dma_start3A_44 = arith.constant 0 : i32
      %dma_start3A_45 = arith.constant 0 : i32
      %dma_start3A_46 = tpu.memref_slice %arg2[%dma_start3A_44, %dma_start3A_45] : memref<10240x144xf32, #tpu.memory_space<hbm>> -> memref<10240x144xf32, #tpu.memory_space<hbm>>
      tpu.enqueue_indirect_dma source(%dma_start3A_46 : memref<10240x144xf32, #tpu.memory_space<hbm>>) target(%arg8 : memref<128x144xf32, #tpu.memory_space<vmem>>) offsets(%dma_start3A_43 : memref<128xi32, #tpu.memory_space<vmem>>) semaphore(%arg10 : memref<!tpu.dma_semaphore, #tpu.memory_space<semaphore_mem>>)
      %dma_wait3A = arith.constant 0 : i32
      %dma_wait3A_47 = tpu.memref_slice %arg6[%scan3A_40, %dma_wait3A] : memref<80x128xi32, #tpu.memory_space<vmem>> -> memref<1x128xi32, #tpu.memory_space<vmem>>
      %dma_wait3A_48 = tpu.memref_squeeze %dma_wait3A_47 : memref<1x128xi32, #tpu.memory_space<vmem>> -> memref<128xi32, #tpu.memory_space<vmem>>
      %dma_wait3A_49 = arith.constant 0 : i32
      %dma_wait3A_50 = arith.constant 0 : i32
      %dma_wait3A_51 = tpu.memref_slice %arg2[%dma_wait3A_49, %dma_wait3A_50] : memref<10240x144xf32, #tpu.memory_space<hbm>> -> memref<10240x144xf32, #tpu.memory_space<hbm>>
      tpu.wait_indirect_dma semaphore(%arg10 : memref<!tpu.dma_semaphore, #tpu.memory_space<semaphore_mem>>) src(%dma_wait3A_51 : memref<10240x144xf32, #tpu.memory_space<hbm>>) dst(%arg8 : memref<128x144xf32, #tpu.memory_space<vmem>>)
      "tpu.region"() ({
        %run_scoped3A = tpu.sem_alloc : memref<!tpu.dma_semaphore, #tpu.memory_space<semaphore_mem>>
        %dma_start3A_53 = arith.constant 0 : i32
        %dma_start3A_54 = tpu.memref_slice %arg7[%scan3A_40, %dma_start3A_53] : memref<80x128xi32, #tpu.memory_space<vmem>> -> memref<1x128xi32, #tpu.memory_space<vmem>>
        %dma_start3A_55 = tpu.memref_squeeze %dma_start3A_54 : memref<1x128xi32, #tpu.memory_space<vmem>> -> memref<128xi32, #tpu.memory_space<vmem>>
        %dma_start3A_56 = arith.constant 0 : i32
        %dma_start3A_57 = arith.constant 0 : i32
        %dma_start3A_58 = tpu.memref_slice %arg9[%dma_start3A_56, %dma_start3A_57] : memref<10240x144xf32, #tpu.memory_space<vmem_shared>> -> memref<10240x144xf32, #tpu.memory_space<vmem_shared>>
        tpu.enqueue_indirect_dma source(%arg8 : memref<128x144xf32, #tpu.memory_space<vmem>>) target(%dma_start3A_58 : memref<10240x144xf32, #tpu.memory_space<vmem_shared>>) offsets(%dma_start3A_55 : memref<128xi32, #tpu.memory_space<vmem>>) semaphore(%run_scoped3A : memref<!tpu.dma_semaphore, #tpu.memory_space<semaphore_mem>>) {add = true}
        %dma_wait3A_59 = arith.constant 0 : i32
        %dma_wait3A_60 = tpu.memref_slice %arg7[%scan3A_40, %dma_wait3A_59] : memref<80x128xi32, #tpu.memory_space<vmem>> -> memref<1x128xi32, #tpu.memory_space<vmem>>
        %dma_wait3A_61 = tpu.memref_squeeze %dma_wait3A_60 : memref<1x128xi32, #tpu.memory_space<vmem>> -> memref<128xi32, #tpu.memory_space<vmem>>
        %dma_wait3A_62 = arith.constant 0 : i32
        %dma_wait3A_63 = arith.constant 0 : i32
        %dma_wait3A_64 = tpu.memref_slice %arg9[%dma_wait3A_62, %dma_wait3A_63] : memref<10240x144xf32, #tpu.memory_space<vmem_shared>> -> memref<10240x144xf32, #tpu.memory_space<vmem_shared>>
        tpu.wait_indirect_dma semaphore(%run_scoped3A : memref<!tpu.dma_semaphore, #tpu.memory_space<semaphore_mem>>) src(%arg8 : memref<128x144xf32, #tpu.memory_space<vmem>>) dst(%dma_wait3A_64 : memref<10240x144xf32, #tpu.memory_space<vmem_shared>>)
        tpu.yield
      }) : () -> ()
      %scan3A_52 = arith.constant 0 : i32
      scf.yield %scan3A_52 : i32
    }
    %scan3A_36 = arith.constant 80 : i32
    %barrier3A_37 = arith.constant 0 : index
    tpu.barrier barrier_id(%barrier3A_37)
    %mul3A_38 = arith.constant 640 : i32
    %mul3A_39 = arith.muli %arg1, %mul3A_38 : i32
    "tpu.region"() ({
      %run_scoped3A = tpu.sem_alloc : memref<!tpu.dma_semaphore, #tpu.memory_space<semaphore_mem>>
      %dma_start3A = arith.constant 0 : i32
      %dma_start3A_40 = tpu.memref_slice %arg5[%arg0, %mul3A_39, %dma_start3A] : memref<2x10240x144xf32, #tpu.memory_space<hbm>> -> memref<1x640x144xf32, #tpu.memory_space<hbm>>
      %dma_start3A_41 = tpu.memref_squeeze %dma_start3A_40 : memref<1x640x144xf32, #tpu.memory_space<hbm>> -> memref<640x144xf32, #tpu.memory_space<hbm>>
      %dma_start3A_42 = arith.constant 0 : i32
      %dma_start3A_43 = tpu.memref_slice %arg9[%mul3A_39, %dma_start3A_42] : memref<10240x144xf32, #tpu.memory_space<vmem_shared>> -> memref<640x144xf32, #tpu.memory_space<vmem_shared>>
      tpu.enqueue_dma source(%dma_start3A_43 : memref<640x144xf32, #tpu.memory_space<vmem_shared>>) target(%dma_start3A_41 : memref<640x144xf32, #tpu.memory_space<hbm>>) target_semaphore(%run_scoped3A : memref<!tpu.dma_semaphore, #tpu.memory_space<semaphore_mem>>)
      %dma_wait3A = arith.constant 0 : i32
      %dma_wait3A_44 = tpu.memref_slice %arg5[%arg0, %mul3A_39, %dma_wait3A] : memref<2x10240x144xf32, #tpu.memory_space<hbm>> -> memref<1x640x144xf32, #tpu.memory_space<hbm>>
      %dma_wait3A_45 = tpu.memref_squeeze %dma_wait3A_44 : memref<1x640x144xf32, #tpu.memory_space<hbm>> -> memref<640x144xf32, #tpu.memory_space<hbm>>
      %dma_wait3A_46 = arith.constant 0 : i32
      %dma_wait3A_47 = tpu.memref_slice %arg9[%mul3A_39, %dma_wait3A_46] : memref<10240x144xf32, #tpu.memory_space<vmem_shared>> -> memref<640x144xf32, #tpu.memory_space<vmem_shared>>
      tpu.wait_dma2 semaphore(%run_scoped3A : memref<!tpu.dma_semaphore, #tpu.memory_space<semaphore_mem>>) src(%dma_wait3A_47 : memref<640x144xf32, #tpu.memory_space<vmem_shared>>) dst(%dma_wait3A_45 : memref<640x144xf32, #tpu.memory_space<hbm>>)
      tpu.yield
    }) : () -> ()
    return
  }
}

module attributes {stable_mosaic.version = 14 : i64} {
  func.func @_t1_body(%arg0: i32, %arg1: memref<512x128xf32, #tpu.memory_space<vmem>>, %arg2: memref<128x128xf32, #tpu.memory_space<vmem>>, %arg3: memref<1x128xf32, #tpu.memory_space<vmem>>, %arg4: memref<2x512x16xf32, #tpu.memory_space<vmem>>, %arg5: memref<2x512x16xf32, #tpu.memory_space<vmem>>, %arg6: memref<512x128xf32, #tpu.memory_space<vmem>>, %arg7: memref<512x128xf32, #tpu.memory_space<vmem>>, %arg8: memref<512x128xf32, #tpu.memory_space<vmem>>, %arg9: memref<512x128xf32, #tpu.memory_space<vmem>>, %arg10: memref<512x128xf32, #tpu.memory_space<vmem>>) attributes {dimension_semantics = [#tpu.dimension_semantics<arbitrary>], iteration_bounds = array<i64: 20>, scalar_prefetch = 0 : i64, scratch_operands = 0 : i64, tpu.core_type = #tpu.core_type<tc>, window_params = [{transform_indices = @transform_0, window_bounds = array<i64: 512, 128>}, {pipeline_mode = #tpu.pipeline_mode<synchronous>, transform_indices = @transform_1, window_bounds = array<i64: 128, 128>}, {pipeline_mode = #tpu.pipeline_mode<synchronous>, transform_indices = @transform_2, window_bounds = array<i64: 1, 128>}, {transform_indices = @transform_3, window_bounds = array<i64: 2, 512, 16>}, {transform_indices = @transform_4, window_bounds = array<i64: 2, 512, 16>}, {transform_indices = @transform_5, window_bounds = array<i64: 512, 128>}, {transform_indices = @transform_6, window_bounds = array<i64: 512, 128>}, {transform_indices = @transform_7, window_bounds = array<i64: 512, 128>}, {transform_indices = @transform_8, window_bounds = array<i64: 512, 128>}, {transform_indices = @transform_9, window_bounds = array<i64: 512, 128>}]} {
    %mul3A = arith.constant 512 : i32
    %mul3A_0 = arith.muli %arg0, %mul3A : i32
    %iota3A = tpu.iota {dimensions = array<i32: 0>} : vector<512x1xi32>
    %add3A = vector.broadcast %mul3A_0 : i32 to vector<512x1xi32>
    %add3A_1 = arith.addi %add3A, %iota3A : vector<512x1xi32>
    %lt3A = arith.constant 10000 : i32
    %lt3A_2 = vector.broadcast %lt3A : i32 to vector<512x1xi32>
    %lt3A_3 = arith.cmpi slt, %add3A_1, %lt3A_2 : vector<512x1xi32>
    %get3A = arith.constant 0 : index
    %get3A_4 = arith.constant 0 : index
    %get3A_5 = arith.constant 0 : index
    %get3A_6 = vector.load %arg4[%get3A, %get3A_4, %get3A_5] : memref<2x512x16xf32, #tpu.memory_space<vmem>>, vector<1x512x16xf32>
    %get3A_7 = vector.shape_cast %get3A_6 : vector<1x512x16xf32> to vector<512x16xf32>
    %get3A_8 = arith.constant 1 : index
    %get3A_9 = arith.constant 0 : index
    %get3A_10 = arith.constant 0 : index
    %get3A_11 = vector.load %arg4[%get3A_8, %get3A_9, %get3A_10] : memref<2x512x16xf32, #tpu.memory_space<vmem>>, vector<1x512x16xf32>
    %get3A_12 = vector.shape_cast %get3A_11 : vector<1x512x16xf32> to vector<512x16xf32>
    %add3A_13 = arith.addf %get3A_7, %get3A_12 : vector<512x16xf32>
    %slice3A = vector.extract_strided_slice %add3A_13 {offsets = [0, 0], sizes = [512, 1], strides = [1, 1]} : vector<512x16xf32> to vector<512x1xf32>
    %get3A_14 = arith.constant 0 : index
    %get3A_15 = arith.constant 0 : index
    %get3A_16 = arith.constant 0 : index
    %get3A_17 = vector.load %arg5[%get3A_14, %get3A_15, %get3A_16] : memref<2x512x16xf32, #tpu.memory_space<vmem>>, vector<1x512x16xf32>
    %get3A_18 = vector.shape_cast %get3A_17 : vector<1x512x16xf32> to vector<512x16xf32>
    %get3A_19 = arith.constant 1 : index
    %get3A_20 = arith.constant 0 : index
    %get3A_21 = arith.constant 0 : index
    %get3A_22 = vector.load %arg5[%get3A_19, %get3A_20, %get3A_21] : memref<2x512x16xf32, #tpu.memory_space<vmem>>, vector<1x512x16xf32>
    %get3A_23 = vector.shape_cast %get3A_22 : vector<1x512x16xf32> to vector<512x16xf32>
    %add3A_24 = arith.addf %get3A_18, %get3A_23 : vector<512x16xf32>
    %slice3A_25 = vector.extract_strided_slice %add3A_24 {offsets = [0, 0], sizes = [512, 1], strides = [1, 1]} : vector<512x16xf32> to vector<512x1xf32>
    %add3A_26 = arith.constant 1.000000e+00 : f32
    %add3A_27 = vector.broadcast %add3A_26 : f32 to vector<512x1xf32>
    %add3A_28 = arith.addf %slice3A_25, %add3A_27 : vector<512x1xf32>
    %rsqrt3A = math.rsqrt %add3A_28 : vector<512x1xf32>
    %jit3A = arith.constant 0.000000e+00 : f32
    %broadcast_in_dim3A = vector.broadcast %jit3A : f32 to vector<512x1xf32>
    %select_n3A = arith.select %lt3A_3, %rsqrt3A, %broadcast_in_dim3A : vector<512x1xi1>, vector<512x1xf32>
    %div3A = arith.constant 1.000000e+00 : f32
    %div3A_29 = vector.broadcast %div3A : f32 to vector<512x1xf32>
    %div3A_30 = arith.divf %div3A_29, %add3A_28 : vector<512x1xf32>
    %jit3A_31 = arith.constant 0.000000e+00 : f32
    %broadcast_in_dim3A_32 = vector.broadcast %jit3A_31 : f32 to vector<512x1xf32>
    %select_n3A_33 = arith.select %lt3A_3, %div3A_30, %broadcast_in_dim3A_32 : vector<512x1xi1>, vector<512x1xf32>
    %max3A = arith.constant 1.000000e+00 : f32
    %max3A_34 = vector.broadcast %max3A : f32 to vector<512x1xf32>
    %max3A_35 = arith.maximumf %slice3A, %max3A_34 : vector<512x1xf32>
    %div3A_36 = arith.constant 1.000000e+00 : f32
    %div3A_37 = vector.broadcast %div3A_36 : f32 to vector<512x1xf32>
    %div3A_38 = arith.divf %div3A_37, %max3A_35 : vector<512x1xf32>
    %jit3A_39 = arith.constant 0.000000e+00 : f32
    %broadcast_in_dim3A_40 = vector.broadcast %jit3A_39 : f32 to vector<512x1xf32>
    %select_n3A_41 = arith.select %lt3A_3, %div3A_38, %broadcast_in_dim3A_40 : vector<512x1xi1>, vector<512x1xf32>
    %get3A_42 = arith.constant 0 : index
    %get3A_43 = arith.constant 0 : index
    %get3A_44 = vector.load %arg1[%get3A_42, %get3A_43] : memref<512x128xf32, #tpu.memory_space<vmem>>, vector<512x128xf32>
    %get3A_45 = arith.constant 0 : index
    %get3A_46 = arith.constant 0 : index
    %get3A_47 = vector.load %arg2[%get3A_45, %get3A_46] : memref<128x128xf32, #tpu.memory_space<vmem>>, vector<128x128xf32>
    %dot_general3A = arith.constant dense<0.000000e+00> : vector<512x128xf32>
    %dot_general3A_48 = tpu.matmul %get3A_44, %get3A_47, %dot_general3A {dimension_numbers = #tpu.dot_dimension_numbers<[1], [1], [0], [0], [0, 0, 1, 0], [], []>, transpose_lhs_hint = false} : vector<512x128xf32>, vector<128x128xf32>, vector<512x128xf32> -> vector<512x128xf32>
    %get3A_49 = arith.constant 0 : index
    %get3A_50 = arith.constant 0 : index
    %get3A_51 = vector.load %arg3[%get3A_49, %get3A_50] : memref<1x128xf32, #tpu.memory_space<vmem>>, vector<1x128xf32>
    %add3A_52 = vector.broadcast %get3A_51 : vector<1x128xf32> to vector<512x128xf32>
    %add3A_53 = arith.addf %dot_general3A_48, %add3A_52 : vector<512x128xf32>
    %jit3A_54 = arith.constant 0.000000e+00 : f32
    %broadcast_in_dim3A_55 = vector.shape_cast %lt3A_3 : vector<512x1xi1> to vector<512x1xi1>
    %broadcast_in_dim3A_56 = vector.broadcast %broadcast_in_dim3A_55 : vector<512x1xi1> to vector<512x128xi1>
    %broadcast_in_dim3A_57 = vector.broadcast %jit3A_54 : f32 to vector<512x128xf32>
    %select_n3A_58 = arith.select %broadcast_in_dim3A_56, %add3A_53, %broadcast_in_dim3A_57 : vector<512x128xi1>, vector<512x128xf32>
    %swap3A = arith.constant 0 : index
    %swap3A_59 = arith.constant 0 : index
    %swap3A_60 = vector.load %arg6[%swap3A, %swap3A_59] : memref<512x128xf32, #tpu.memory_space<vmem>>, vector<512x128xf32>
    tpu.vector_store %arg6[%swap3A, %swap3A_59], %select_n3A_58 {strides = array<i32>} : memref<512x128xf32, #tpu.memory_space<vmem>>, vector<512x128xf32>,
    %mul3A_61 = vector.broadcast %select_n3A : vector<512x1xf32> to vector<512x128xf32>
    %mul3A_62 = arith.mulf %mul3A_61, %select_n3A_58 : vector<512x128xf32>
    %swap3A_63 = arith.constant 0 : index
    %swap3A_64 = arith.constant 0 : index
    %swap3A_65 = vector.load %arg7[%swap3A_63, %swap3A_64] : memref<512x128xf32, #tpu.memory_space<vmem>>, vector<512x128xf32>
    tpu.vector_store %arg7[%swap3A_63, %swap3A_64], %mul3A_62 {strides = array<i32>} : memref<512x128xf32, #tpu.memory_space<vmem>>, vector<512x128xf32>,
    %broadcast_in_dim3A_66 = vector.shape_cast %select_n3A : vector<512x1xf32> to vector<512x1xf32>
    %broadcast_in_dim3A_67 = vector.broadcast %broadcast_in_dim3A_66 : vector<512x1xf32> to vector<512x128xf32>
    %swap3A_68 = arith.constant 0 : index
    %swap3A_69 = arith.constant 0 : index
    %swap3A_70 = vector.load %arg8[%swap3A_68, %swap3A_69] : memref<512x128xf32, #tpu.memory_space<vmem>>, vector<512x128xf32>
    tpu.vector_store %arg8[%swap3A_68, %swap3A_69], %broadcast_in_dim3A_67 {strides = array<i32>} : memref<512x128xf32, #tpu.memory_space<vmem>>, vector<512x128xf32>,
    %broadcast_in_dim3A_71 = vector.shape_cast %select_n3A_33 : vector<512x1xf32> to vector<512x1xf32>
    %broadcast_in_dim3A_72 = vector.broadcast %broadcast_in_dim3A_71 : vector<512x1xf32> to vector<512x128xf32>
    %swap3A_73 = arith.constant 0 : index
    %swap3A_74 = arith.constant 0 : index
    %swap3A_75 = vector.load %arg9[%swap3A_73, %swap3A_74] : memref<512x128xf32, #tpu.memory_space<vmem>>, vector<512x128xf32>
    tpu.vector_store %arg9[%swap3A_73, %swap3A_74], %broadcast_in_dim3A_72 {strides = array<i32>} : memref<512x128xf32, #tpu.memory_space<vmem>>, vector<512x128xf32>,
    %broadcast_in_dim3A_76 = vector.shape_cast %select_n3A_41 : vector<512x1xf32> to vector<512x1xf32>
    %broadcast_in_dim3A_77 = vector.broadcast %broadcast_in_dim3A_76 : vector<512x1xf32> to vector<512x128xf32>
    %swap3A_78 = arith.constant 0 : index
    %swap3A_79 = arith.constant 0 : index
    %swap3A_80 = vector.load %arg10[%swap3A_78, %swap3A_79] : memref<512x128xf32, #tpu.memory_space<vmem>>, vector<512x128xf32>
    tpu.vector_store %arg10[%swap3A_78, %swap3A_79], %broadcast_in_dim3A_77 {strides = array<i32>} : memref<512x128xf32, #tpu.memory_space<vmem>>, vector<512x128xf32>,
    return
  }
  func.func @transform_0(%arg0: i32) -> (i32, i32) {
    %c0_i32 = arith.constant 0 : i32
    %c0_i32_0 = arith.constant 0 : i32
    return %arg0, %c0_i32 : i32, i32
  }
  func.func @transform_1(%arg0: i32) -> (i32, i32) {
    %c0_i32 = arith.constant 0 : i32
    %c0_i32_0 = arith.constant 0 : i32
    %c0_i32_1 = arith.constant 0 : i32
    return %c0_i32, %c0_i32_0 : i32, i32
  }
  func.func @transform_2(%arg0: i32) -> (i32, i32) {
    %c0_i32 = arith.constant 0 : i32
    %c0_i32_0 = arith.constant 0 : i32
    %c0_i32_1 = arith.constant 0 : i32
    return %c0_i32, %c0_i32_0 : i32, i32
  }
  func.func @transform_3(%arg0: i32) -> (i32, i32, i32) {
    %c0_i32 = arith.constant 0 : i32
    %c0_i32_0 = arith.constant 0 : i32
    %c0_i32_1 = arith.constant 0 : i32
    return %c0_i32, %arg0, %c0_i32_0 : i32, i32, i32
  }
  func.func @transform_4(%arg0: i32) -> (i32, i32, i32) {
    %c0_i32 = arith.constant 0 : i32
    %c0_i32_0 = arith.constant 0 : i32
    %c0_i32_1 = arith.constant 0 : i32
    return %c0_i32, %arg0, %c0_i32_0 : i32, i32, i32
  }
  func.func @transform_5(%arg0: i32) -> (i32, i32) {
    %c0_i32 = arith.constant 0 : i32
    %c0_i32_0 = arith.constant 0 : i32
    return %arg0, %c0_i32 : i32, i32
  }
  func.func @transform_6(%arg0: i32) -> (i32, i32) {
    %c0_i32 = arith.constant 0 : i32
    %c0_i32_0 = arith.constant 0 : i32
    return %arg0, %c0_i32 : i32, i32
  }
  func.func @transform_7(%arg0: i32) -> (i32, i32) {
    %c0_i32 = arith.constant 0 : i32
    %c0_i32_0 = arith.constant 0 : i32
    return %arg0, %c0_i32 : i32, i32
  }
  func.func @transform_8(%arg0: i32) -> (i32, i32) {
    %c0_i32 = arith.constant 0 : i32
    %c0_i32_0 = arith.constant 0 : i32
    return %arg0, %c0_i32 : i32, i32
  }
  func.func @transform_9(%arg0: i32) -> (i32, i32) {
    %c0_i32 = arith.constant 0 : i32
    %c0_i32_0 = arith.constant 0 : i32
    return %arg0, %c0_i32 : i32, i32
  }
}

module attributes {stable_mosaic.version = 14 : i64} {
  func.func @_t2_body(%arg0: i32, %arg1: memref<512x128xf32, #tpu.memory_space<vmem>>, %arg2: memref<2x512x128xf32, #tpu.memory_space<vmem>>, %arg3: memref<512x128xf32, #tpu.memory_space<vmem>>, %arg4: memref<512x128xf32, #tpu.memory_space<vmem>>, %arg5: memref<512x128xf32, #tpu.memory_space<vmem>>, %arg6: memref<128x128xf32, #tpu.memory_space<vmem>>, %arg7: memref<512x128xf32, #tpu.memory_space<vmem>>, %arg8: memref<512x128xf32, #tpu.memory_space<vmem>>, %arg9: memref<512x144xf32, #tpu.memory_space<vmem>>, %arg10: memref<1x1xf32, #tpu.memory_space<vmem>>) attributes {dimension_semantics = [#tpu.dimension_semantics<arbitrary>], iteration_bounds = array<i64: 20>, scalar_prefetch = 0 : i64, scratch_operands = 0 : i64, tpu.core_type = #tpu.core_type<tc>, window_params = [{transform_indices = @transform_0, window_bounds = array<i64: 512, 128>}, {transform_indices = @transform_1, window_bounds = array<i64: 2, 512, 128>}, {transform_indices = @transform_2, window_bounds = array<i64: 512, 128>}, {transform_indices = @transform_3, window_bounds = array<i64: 512, 128>}, {transform_indices = @transform_4, window_bounds = array<i64: 512, 128>}, {pipeline_mode = #tpu.pipeline_mode<synchronous>, transform_indices = @transform_5, window_bounds = array<i64: 128, 128>}, {transform_indices = @transform_6, window_bounds = array<i64: 512, 128>}, {transform_indices = @transform_7, window_bounds = array<i64: 512, 128>}, {transform_indices = @transform_8, window_bounds = array<i64: 512, 144>}, {pipeline_mode = #tpu.pipeline_mode<synchronous>, transform_indices = @transform_9, window_bounds = array<i64: 1, 1>}]} {
    %mul3A = arith.constant 512 : i32
    %mul3A_0 = arith.muli %arg0, %mul3A : i32
    %iota3A = tpu.iota {dimensions = array<i32: 0>} : vector<512x1xi32>
    %add3A = vector.broadcast %mul3A_0 : i32 to vector<512x1xi32>
    %add3A_1 = arith.addi %add3A, %iota3A : vector<512x1xi32>
    %lt3A = arith.constant 10000 : i32
    %lt3A_2 = vector.broadcast %lt3A : i32 to vector<512x1xi32>
    %lt3A_3 = arith.cmpi slt, %add3A_1, %lt3A_2 : vector<512x1xi32>
    %get3A = arith.constant 0 : index
    %get3A_4 = arith.constant 0 : index
    %get3A_5 = arith.constant 0 : index
    %get3A_6 = vector.load %arg2[%get3A, %get3A_4, %get3A_5] : memref<2x512x128xf32, #tpu.memory_space<vmem>>, vector<1x512x128xf32>
    %get3A_7 = vector.shape_cast %get3A_6 : vector<1x512x128xf32> to vector<512x128xf32>
    %get3A_8 = arith.constant 1 : index
    %get3A_9 = arith.constant 0 : index
    %get3A_10 = arith.constant 0 : index
    %get3A_11 = vector.load %arg2[%get3A_8, %get3A_9, %get3A_10] : memref<2x512x128xf32, #tpu.memory_space<vmem>>, vector<1x512x128xf32>
    %get3A_12 = vector.shape_cast %get3A_11 : vector<1x512x128xf32> to vector<512x128xf32>
    %add3A_13 = arith.addf %get3A_7, %get3A_12 : vector<512x128xf32>
    %get3A_14 = arith.constant 0 : index
    %get3A_15 = arith.constant 0 : index
    %get3A_16 = vector.load %arg3[%get3A_14, %get3A_15] : memref<512x128xf32, #tpu.memory_space<vmem>>, vector<512x128xf32>
    %mul3A_17 = arith.mulf %get3A_16, %add3A_13 : vector<512x128xf32>
    %get3A_18 = arith.constant 0 : index
    %get3A_19 = arith.constant 0 : index
    %get3A_20 = vector.load %arg4[%get3A_18, %get3A_19] : memref<512x128xf32, #tpu.memory_space<vmem>>, vector<512x128xf32>
    %get3A_21 = arith.constant 0 : index
    %get3A_22 = arith.constant 0 : index
    %get3A_23 = vector.load %arg1[%get3A_21, %get3A_22] : memref<512x128xf32, #tpu.memory_space<vmem>>, vector<512x128xf32>
    %mul3A_24 = arith.mulf %get3A_20, %get3A_23 : vector<512x128xf32>
    %add3A_25 = arith.addf %mul3A_17, %mul3A_24 : vector<512x128xf32>
    %get3A_26 = arith.constant 0 : index
    %get3A_27 = arith.constant 0 : index
    %get3A_28 = vector.load %arg6[%get3A_26, %get3A_27] : memref<128x128xf32, #tpu.memory_space<vmem>>, vector<128x128xf32>
    %dot_general3A = arith.constant dense<0.000000e+00> : vector<512x128xf32>
    %dot_general3A_29 = tpu.matmul %add3A_25, %get3A_28, %dot_general3A {dimension_numbers = #tpu.dot_dimension_numbers<[1], [1], [0], [0], [0, 0, 1, 0], [], []>, transpose_lhs_hint = false} : vector<512x128xf32>, vector<128x128xf32>, vector<512x128xf32> -> vector<512x128xf32>
    %max3A = arith.constant 0.000000e+00 : f32
    %max3A_30 = vector.broadcast %max3A : f32 to vector<512x128xf32>
    %max3A_31 = arith.maximumf %dot_general3A_29, %max3A_30 : vector<512x128xf32>
    %jit3A = arith.constant 0.000000e+00 : f32
    %broadcast_in_dim3A = vector.shape_cast %lt3A_3 : vector<512x1xi1> to vector<512x1xi1>
    %broadcast_in_dim3A_32 = vector.broadcast %broadcast_in_dim3A : vector<512x1xi1> to vector<512x128xi1>
    %broadcast_in_dim3A_33 = vector.broadcast %jit3A : f32 to vector<512x128xf32>
    %select_n3A = arith.select %broadcast_in_dim3A_32, %max3A_31, %broadcast_in_dim3A_33 : vector<512x128xi1>, vector<512x128xf32>
    %swap3A = arith.constant 0 : index
    %swap3A_34 = arith.constant 0 : index
    %swap3A_35 = vector.load %arg7[%swap3A, %swap3A_34] : memref<512x128xf32, #tpu.memory_space<vmem>>, vector<512x128xf32>
    tpu.vector_store %arg7[%swap3A, %swap3A_34], %select_n3A {strides = array<i32>} : memref<512x128xf32, #tpu.memory_space<vmem>>, vector<512x128xf32>,
    %get3A_36 = arith.constant 0 : index
    %get3A_37 = arith.constant 0 : index
    %get3A_38 = vector.load %arg3[%get3A_36, %get3A_37] : memref<512x128xf32, #tpu.memory_space<vmem>>, vector<512x128xf32>
    %mul3A_39 = arith.mulf %get3A_38, %select_n3A : vector<512x128xf32>
    %swap3A_40 = arith.constant 0 : index
    %swap3A_41 = arith.constant 0 : index
    %swap3A_42 = vector.load %arg8[%swap3A_40, %swap3A_41] : memref<512x128xf32, #tpu.memory_space<vmem>>, vector<512x128xf32>
    tpu.vector_store %arg8[%swap3A_40, %swap3A_41], %mul3A_39 {strides = array<i32>} : memref<512x128xf32, #tpu.memory_space<vmem>>, vector<512x128xf32>,
    %mul3A_43 = arith.mulf %select_n3A, %select_n3A : vector<512x128xf32>
    %reduce_sum3A = arith.constant dense<0.000000e+00> : vector<512xf32>
    %reduce_sum3A_44 = vector.multi_reduction <add>, %mul3A_43, %reduce_sum3A [1] : vector<512x128xf32> to vector<512xf32>
    %broadcast_in_dim3A_45 = vector.shape_cast %reduce_sum3A_44 : vector<512xf32> to vector<512x1xf32>
    %get3A_46 = arith.constant 0 : index
    %get3A_47 = arith.constant 0 : index
    %get3A_48 = vector.load %arg5[%get3A_46, %get3A_47] : memref<512x128xf32, #tpu.memory_space<vmem>>, vector<512x1xf32>
    %get3A_49 = arith.constant 0 : index
    %get3A_50 = arith.constant 0 : index
    %get3A_51 = vector.load %arg5[%get3A_49, %get3A_50] : memref<512x128xf32, #tpu.memory_space<vmem>>, vector<512x128xf32>
    %mul3A_52 = arith.mulf %get3A_51, %select_n3A : vector<512x128xf32>
    %mul3A_53 = arith.mulf %get3A_48, %broadcast_in_dim3A_45 : vector<512x1xf32>
    %broadcast_in_dim3A_54 = arith.constant 0.000000e+00 : f32
    %broadcast_in_dim3A_55 = vector.broadcast %broadcast_in_dim3A_54 : f32 to vector<512x14xf32>
    %concatenate3A = tpu.concatenate %mul3A_52, %get3A_48, %mul3A_53, %broadcast_in_dim3A_55 in 1 : vector<512x128xf32>, vector<512x1xf32>, vector<512x1xf32>, vector<512x14xf32> -> vector<512x144xf32>
    %swap3A_56 = arith.constant 0 : index
    %swap3A_57 = arith.constant 0 : index
    %swap3A_58 = vector.load %arg9[%swap3A_56, %swap3A_57] : memref<512x144xf32, #tpu.memory_space<vmem>>, vector<512x144xf32>
    tpu.vector_store %arg9[%swap3A_56, %swap3A_57], %concatenate3A {strides = array<i32>} : memref<512x144xf32, #tpu.memory_space<vmem>>, vector<512x144xf32>,
    %eq3A = arith.constant 0 : i32
    %eq3A_59 = arith.cmpi eq, %arg0, %eq3A : i32
    %convert_element_type3A = arith.extui %eq3A_59 : i1 to i32
    %cond3A = arith.constant 0 : i32
    %cond3A_60 = arith.cmpi ne, %convert_element_type3A, %cond3A : i32
    scf.if %cond3A_60 {
      %broadcast_in_dim3A_74 = arith.constant 0.000000e+00 : f32
      %broadcast_in_dim3A_75 = vector.broadcast %broadcast_in_dim3A_74 : f32 to vector<1x1xf32>
      %swap3A_76 = arith.constant 0 : index
      %swap3A_77 = arith.constant 0 : index
      %swap3A_78 = vector.load %arg10[%swap3A_76, %swap3A_77] : memref<1x1xf32, #tpu.memory_space<vmem>>, vector<1x1xf32>
      tpu.vector_store %arg10[%swap3A_76, %swap3A_77], %broadcast_in_dim3A_75 {strides = array<i32>} : memref<1x1xf32, #tpu.memory_space<vmem>>, vector<1x1xf32>,
    } else {
    }
    %get3A_61 = arith.constant 0 : index
    %get3A_62 = arith.constant 0 : index
    %get3A_63 = vector.load %arg10[%get3A_61, %get3A_62] : memref<1x1xf32, #tpu.memory_space<vmem>>, vector<1x1xf32>
    %mul3A_64 = arith.mulf %select_n3A, %select_n3A : vector<512x128xf32>
    %reduce_sum3A_65 = vector.shape_cast %mul3A_64 : vector<512x128xf32> to vector<1x512x128xf32>
    %reduce_sum3A_66 = arith.constant dense<0.000000e+00> : vector<1xf32>
    %reduce_sum3A_67 = vector.multi_reduction <add>, %reduce_sum3A_65, %reduce_sum3A_66 [1, 2] : vector<1x512x128xf32> to vector<1xf32>
    %reduce_sum3A_68 = vector.shape_cast %reduce_sum3A_67 : vector<1xf32> to vector<1x1x1xf32>
    %reduce_sum3A_69 = vector.extract %reduce_sum3A_68[0, 0, 0] : f32 from vector<1x1x1xf32>
    %reshape3A = vector.broadcast %reduce_sum3A_69 : f32 to vector<1x1xf32>
    %add3A_70 = arith.addf %get3A_63, %reshape3A : vector<1x1xf32>
    %swap3A_71 = arith.constant 0 : index
    %swap3A_72 = arith.constant 0 : index
    %swap3A_73 = vector.load %arg10[%swap3A_71, %swap3A_72] : memref<1x1xf32, #tpu.memory_space<vmem>>, vector<1x1xf32>
    tpu.vector_store %arg10[%swap3A_71, %swap3A_72], %add3A_70 {strides = array<i32>} : memref<1x1xf32, #tpu.memory_space<vmem>>, vector<1x1xf32>,
    return
  }
  func.func @transform_0(%arg0: i32) -> (i32, i32) {
    %c0_i32 = arith.constant 0 : i32
    %c0_i32_0 = arith.constant 0 : i32
    return %arg0, %c0_i32 : i32, i32
  }
  func.func @transform_1(%arg0: i32) -> (i32, i32, i32) {
    %c0_i32 = arith.constant 0 : i32
    %c0_i32_0 = arith.constant 0 : i32
    %c0_i32_1 = arith.constant 0 : i32
    return %c0_i32, %arg0, %c0_i32_0 : i32, i32, i32
  }
  func.func @transform_2(%arg0: i32) -> (i32, i32) {
    %c0_i32 = arith.constant 0 : i32
    %c0_i32_0 = arith.constant 0 : i32
    return %arg0, %c0_i32 : i32, i32
  }
  func.func @transform_3(%arg0: i32) -> (i32, i32) {
    %c0_i32 = arith.constant 0 : i32
    %c0_i32_0 = arith.constant 0 : i32
    return %arg0, %c0_i32 : i32, i32
  }
  func.func @transform_4(%arg0: i32) -> (i32, i32) {
    %c0_i32 = arith.constant 0 : i32
    %c0_i32_0 = arith.constant 0 : i32
    return %arg0, %c0_i32 : i32, i32
  }
  func.func @transform_5(%arg0: i32) -> (i32, i32) {
    %c0_i32 = arith.constant 0 : i32
    %c0_i32_0 = arith.constant 0 : i32
    %c0_i32_1 = arith.constant 0 : i32
    return %c0_i32, %c0_i32_0 : i32, i32
  }
  func.func @transform_6(%arg0: i32) -> (i32, i32) {
    %c0_i32 = arith.constant 0 : i32
    %c0_i32_0 = arith.constant 0 : i32
    return %arg0, %c0_i32 : i32, i32
  }
  func.func @transform_7(%arg0: i32) -> (i32, i32) {
    %c0_i32 = arith.constant 0 : i32
    %c0_i32_0 = arith.constant 0 : i32
    return %arg0, %c0_i32 : i32, i32
  }
  func.func @transform_8(%arg0: i32) -> (i32, i32) {
    %c0_i32 = arith.constant 0 : i32
    %c0_i32_0 = arith.constant 0 : i32
    return %arg0, %c0_i32 : i32, i32
  }
  func.func @transform_9(%arg0: i32) -> (i32, i32) {
    %c0_i32 = arith.constant 0 : i32
    %c0_i32_0 = arith.constant 0 : i32
    %c0_i32_1 = arith.constant 0 : i32
    return %c0_i32, %c0_i32_0 : i32, i32
  }
}

module attributes {stable_mosaic.version = 14 : i64} {
  func.func @_t2_body(%arg0: i32, %arg1: memref<512x128xf32, #tpu.memory_space<vmem>>, %arg2: memref<2x512x128xf32, #tpu.memory_space<vmem>>, %arg3: memref<512x128xf32, #tpu.memory_space<vmem>>, %arg4: memref<512x128xf32, #tpu.memory_space<vmem>>, %arg5: memref<512x128xf32, #tpu.memory_space<vmem>>, %arg6: memref<128x128xf32, #tpu.memory_space<vmem>>, %arg7: memref<2x512x144xf32, #tpu.memory_space<vmem>>, %arg8: memref<512x128xf32, #tpu.memory_space<vmem>>, %arg9: memref<512x128xf32, #tpu.memory_space<vmem>>, %arg10: memref<512x144xf32, #tpu.memory_space<vmem>>, %arg11: memref<1x1xf32, #tpu.memory_space<vmem>>, %arg12: memref<1x1xf32, #tpu.memory_space<vmem>>) attributes {dimension_semantics = [#tpu.dimension_semantics<arbitrary>], iteration_bounds = array<i64: 20>, scalar_prefetch = 0 : i64, scratch_operands = 0 : i64, tpu.core_type = #tpu.core_type<tc>, window_params = [{transform_indices = @transform_0, window_bounds = array<i64: 512, 128>}, {transform_indices = @transform_1, window_bounds = array<i64: 2, 512, 128>}, {transform_indices = @transform_2, window_bounds = array<i64: 512, 128>}, {transform_indices = @transform_3, window_bounds = array<i64: 512, 128>}, {transform_indices = @transform_4, window_bounds = array<i64: 512, 128>}, {pipeline_mode = #tpu.pipeline_mode<synchronous>, transform_indices = @transform_5, window_bounds = array<i64: 128, 128>}, {transform_indices = @transform_6, window_bounds = array<i64: 2, 512, 144>}, {transform_indices = @transform_7, window_bounds = array<i64: 512, 128>}, {transform_indices = @transform_8, window_bounds = array<i64: 512, 128>}, {transform_indices = @transform_9, window_bounds = array<i64: 512, 144>}, {pipeline_mode = #tpu.pipeline_mode<synchronous>, transform_indices = @transform_10, window_bounds = array<i64: 1, 1>}, {pipeline_mode = #tpu.pipeline_mode<synchronous>, transform_indices = @transform_11, window_bounds = array<i64: 1, 1>}]} {
    %mul3A = arith.constant 512 : i32
    %mul3A_0 = arith.muli %arg0, %mul3A : i32
    %iota3A = tpu.iota {dimensions = array<i32: 0>} : vector<512x1xi32>
    %add3A = vector.broadcast %mul3A_0 : i32 to vector<512x1xi32>
    %add3A_1 = arith.addi %add3A, %iota3A : vector<512x1xi32>
    %lt3A = arith.constant 10000 : i32
    %lt3A_2 = vector.broadcast %lt3A : i32 to vector<512x1xi32>
    %lt3A_3 = arith.cmpi slt, %add3A_1, %lt3A_2 : vector<512x1xi32>
    %get3A = arith.constant 0 : index
    %get3A_4 = arith.constant 0 : index
    %get3A_5 = arith.constant 0 : index
    %get3A_6 = vector.load %arg2[%get3A, %get3A_4, %get3A_5] : memref<2x512x128xf32, #tpu.memory_space<vmem>>, vector<1x512x128xf32>
    %get3A_7 = vector.shape_cast %get3A_6 : vector<1x512x128xf32> to vector<512x128xf32>
    %get3A_8 = arith.constant 1 : index
    %get3A_9 = arith.constant 0 : index
    %get3A_10 = arith.constant 0 : index
    %get3A_11 = vector.load %arg2[%get3A_8, %get3A_9, %get3A_10] : memref<2x512x128xf32, #tpu.memory_space<vmem>>, vector<1x512x128xf32>
    %get3A_12 = vector.shape_cast %get3A_11 : vector<1x512x128xf32> to vector<512x128xf32>
    %add3A_13 = arith.addf %get3A_7, %get3A_12 : vector<512x128xf32>
    %get3A_14 = arith.constant 0 : index
    %get3A_15 = arith.constant 0 : index
    %get3A_16 = vector.load %arg3[%get3A_14, %get3A_15] : memref<512x128xf32, #tpu.memory_space<vmem>>, vector<512x128xf32>
    %mul3A_17 = arith.mulf %get3A_16, %add3A_13 : vector<512x128xf32>
    %get3A_18 = arith.constant 0 : index
    %get3A_19 = arith.constant 0 : index
    %get3A_20 = vector.load %arg4[%get3A_18, %get3A_19] : memref<512x128xf32, #tpu.memory_space<vmem>>, vector<512x128xf32>
    %get3A_21 = arith.constant 0 : index
    %get3A_22 = arith.constant 0 : index
    %get3A_23 = vector.load %arg1[%get3A_21, %get3A_22] : memref<512x128xf32, #tpu.memory_space<vmem>>, vector<512x128xf32>
    %mul3A_24 = arith.mulf %get3A_20, %get3A_23 : vector<512x128xf32>
    %add3A_25 = arith.addf %mul3A_17, %mul3A_24 : vector<512x128xf32>
    %get3A_26 = arith.constant 0 : index
    %get3A_27 = arith.constant 0 : index
    %get3A_28 = vector.load %arg6[%get3A_26, %get3A_27] : memref<128x128xf32, #tpu.memory_space<vmem>>, vector<128x128xf32>
    %dot_general3A = arith.constant dense<0.000000e+00> : vector<512x128xf32>
    %dot_general3A_29 = tpu.matmul %add3A_25, %get3A_28, %dot_general3A {dimension_numbers = #tpu.dot_dimension_numbers<[1], [1], [0], [0], [0, 0, 1, 0], [], []>, transpose_lhs_hint = false} : vector<512x128xf32>, vector<128x128xf32>, vector<512x128xf32> -> vector<512x128xf32>
    %max3A = arith.constant 0.000000e+00 : f32
    %max3A_30 = vector.broadcast %max3A : f32 to vector<512x128xf32>
    %max3A_31 = arith.maximumf %dot_general3A_29, %max3A_30 : vector<512x128xf32>
    %jit3A = arith.constant 0.000000e+00 : f32
    %broadcast_in_dim3A = vector.shape_cast %lt3A_3 : vector<512x1xi1> to vector<512x1xi1>
    %broadcast_in_dim3A_32 = vector.broadcast %broadcast_in_dim3A : vector<512x1xi1> to vector<512x128xi1>
    %broadcast_in_dim3A_33 = vector.broadcast %jit3A : f32 to vector<512x128xf32>
    %select_n3A = arith.select %broadcast_in_dim3A_32, %max3A_31, %broadcast_in_dim3A_33 : vector<512x128xi1>, vector<512x128xf32>
    %swap3A = arith.constant 0 : index
    %swap3A_34 = arith.constant 0 : index
    %swap3A_35 = vector.load %arg8[%swap3A, %swap3A_34] : memref<512x128xf32, #tpu.memory_space<vmem>>, vector<512x128xf32>
    tpu.vector_store %arg8[%swap3A, %swap3A_34], %select_n3A {strides = array<i32>} : memref<512x128xf32, #tpu.memory_space<vmem>>, vector<512x128xf32>,
    %get3A_36 = arith.constant 0 : index
    %get3A_37 = arith.constant 0 : index
    %get3A_38 = vector.load %arg3[%get3A_36, %get3A_37] : memref<512x128xf32, #tpu.memory_space<vmem>>, vector<512x128xf32>
    %mul3A_39 = arith.mulf %get3A_38, %select_n3A : vector<512x128xf32>
    %swap3A_40 = arith.constant 0 : index
    %swap3A_41 = arith.constant 0 : index
    %swap3A_42 = vector.load %arg9[%swap3A_40, %swap3A_41] : memref<512x128xf32, #tpu.memory_space<vmem>>, vector<512x128xf32>
    tpu.vector_store %arg9[%swap3A_40, %swap3A_41], %mul3A_39 {strides = array<i32>} : memref<512x128xf32, #tpu.memory_space<vmem>>, vector<512x128xf32>,
    %mul3A_43 = arith.mulf %select_n3A, %select_n3A : vector<512x128xf32>
    %reduce_sum3A = arith.constant dense<0.000000e+00> : vector<512xf32>
    %reduce_sum3A_44 = vector.multi_reduction <add>, %mul3A_43, %reduce_sum3A [1] : vector<512x128xf32> to vector<512xf32>
    %broadcast_in_dim3A_45 = vector.shape_cast %reduce_sum3A_44 : vector<512xf32> to vector<512x1xf32>
    %get3A_46 = arith.constant 0 : index
    %get3A_47 = arith.constant 0 : index
    %get3A_48 = vector.load %arg5[%get3A_46, %get3A_47] : memref<512x128xf32, #tpu.memory_space<vmem>>, vector<512x1xf32>
    %get3A_49 = arith.constant 0 : index
    %get3A_50 = arith.constant 0 : index
    %get3A_51 = vector.load %arg5[%get3A_49, %get3A_50] : memref<512x128xf32, #tpu.memory_space<vmem>>, vector<512x128xf32>
    %mul3A_52 = arith.mulf %get3A_51, %select_n3A : vector<512x128xf32>
    %mul3A_53 = arith.mulf %get3A_48, %broadcast_in_dim3A_45 : vector<512x1xf32>
    %broadcast_in_dim3A_54 = arith.constant 0.000000e+00 : f32
    %broadcast_in_dim3A_55 = vector.broadcast %broadcast_in_dim3A_54 : f32 to vector<512x14xf32>
    %concatenate3A = tpu.concatenate %mul3A_52, %get3A_48, %mul3A_53, %broadcast_in_dim3A_55 in 1 : vector<512x128xf32>, vector<512x1xf32>, vector<512x1xf32>, vector<512x14xf32> -> vector<512x144xf32>
    %swap3A_56 = arith.constant 0 : index
    %swap3A_57 = arith.constant 0 : index
    %swap3A_58 = vector.load %arg10[%swap3A_56, %swap3A_57] : memref<512x144xf32, #tpu.memory_space<vmem>>, vector<512x144xf32>
    tpu.vector_store %arg10[%swap3A_56, %swap3A_57], %concatenate3A {strides = array<i32>} : memref<512x144xf32, #tpu.memory_space<vmem>>, vector<512x144xf32>,
    %eq3A = arith.constant 0 : i32
    %eq3A_59 = arith.cmpi eq, %arg0, %eq3A : i32
    %convert_element_type3A = arith.extui %eq3A_59 : i1 to i32
    %cond3A = arith.constant 0 : i32
    %cond3A_60 = arith.cmpi ne, %convert_element_type3A, %cond3A : i32
    scf.if %cond3A_60 {
      %broadcast_in_dim3A_126 = arith.constant 0.000000e+00 : f32
      %broadcast_in_dim3A_127 = vector.broadcast %broadcast_in_dim3A_126 : f32 to vector<1x1xf32>
      %swap3A_128 = arith.constant 0 : index
      %swap3A_129 = arith.constant 0 : index
      %swap3A_130 = vector.load %arg11[%swap3A_128, %swap3A_129] : memref<1x1xf32, #tpu.memory_space<vmem>>, vector<1x1xf32>
      tpu.vector_store %arg11[%swap3A_128, %swap3A_129], %broadcast_in_dim3A_127 {strides = array<i32>} : memref<1x1xf32, #tpu.memory_space<vmem>>, vector<1x1xf32>,
      %broadcast_in_dim3A_131 = arith.constant 0.000000e+00 : f32
      %broadcast_in_dim3A_132 = vector.broadcast %broadcast_in_dim3A_131 : f32 to vector<1x1xf32>
      %swap3A_133 = arith.constant 0 : index
      %swap3A_134 = arith.constant 0 : index
      %swap3A_135 = vector.load %arg12[%swap3A_133, %swap3A_134] : memref<1x1xf32, #tpu.memory_space<vmem>>, vector<1x1xf32>
      tpu.vector_store %arg12[%swap3A_133, %swap3A_134], %broadcast_in_dim3A_132 {strides = array<i32>} : memref<1x1xf32, #tpu.memory_space<vmem>>, vector<1x1xf32>,
    } else {
    }
    %get3A_61 = arith.constant 0 : index
    %get3A_62 = arith.constant 0 : index
    %get3A_63 = vector.load %arg11[%get3A_61, %get3A_62] : memref<1x1xf32, #tpu.memory_space<vmem>>, vector<1x1xf32>
    %mul3A_64 = arith.mulf %select_n3A, %select_n3A : vector<512x128xf32>
    %reduce_sum3A_65 = vector.shape_cast %mul3A_64 : vector<512x128xf32> to vector<1x512x128xf32>
    %reduce_sum3A_66 = arith.constant dense<0.000000e+00> : vector<1xf32>
    %reduce_sum3A_67 = vector.multi_reduction <add>, %reduce_sum3A_65, %reduce_sum3A_66 [1, 2] : vector<1x512x128xf32> to vector<1xf32>
    %reduce_sum3A_68 = vector.shape_cast %reduce_sum3A_67 : vector<1xf32> to vector<1x1x1xf32>
    %reduce_sum3A_69 = vector.extract %reduce_sum3A_68[0, 0, 0] : f32 from vector<1x1x1xf32>
    %reshape3A = vector.broadcast %reduce_sum3A_69 : f32 to vector<1x1xf32>
    %add3A_70 = arith.addf %get3A_63, %reshape3A : vector<1x1xf32>
    %swap3A_71 = arith.constant 0 : index
    %swap3A_72 = arith.constant 0 : index
    %swap3A_73 = vector.load %arg11[%swap3A_71, %swap3A_72] : memref<1x1xf32, #tpu.memory_space<vmem>>, vector<1x1xf32>
    tpu.vector_store %arg11[%swap3A_71, %swap3A_72], %add3A_70 {strides = array<i32>} : memref<1x1xf32, #tpu.memory_space<vmem>>, vector<1x1xf32>,
    %get3A_74 = arith.constant 0 : index
    %get3A_75 = arith.constant 0 : index
    %get3A_76 = vector.load %arg12[%get3A_74, %get3A_75] : memref<1x1xf32, #tpu.memory_space<vmem>>, vector<1x1xf32>
    %get3A_77 = arith.constant 0 : index
    %get3A_78 = arith.constant 0 : index
    %get3A_79 = vector.load %arg1[%get3A_77, %get3A_78] : memref<512x128xf32, #tpu.memory_space<vmem>>, vector<512x128xf32>
    %get3A_80 = arith.constant 0 : index
    %get3A_81 = arith.constant 0 : index
    %get3A_82 = arith.constant 0 : index
    %get3A_83 = vector.load %arg7[%get3A_80, %get3A_81, %get3A_82] : memref<2x512x144xf32, #tpu.memory_space<vmem>>, vector<1x512x144xf32>
    %get3A_84 = vector.shape_cast %get3A_83 : vector<1x512x144xf32> to vector<512x144xf32>
    %get3A_85 = arith.constant 1 : index
    %get3A_86 = arith.constant 0 : index
    %get3A_87 = arith.constant 0 : index
    %get3A_88 = vector.load %arg7[%get3A_85, %get3A_86, %get3A_87] : memref<2x512x144xf32, #tpu.memory_space<vmem>>, vector<1x512x144xf32>
    %get3A_89 = vector.shape_cast %get3A_88 : vector<1x512x144xf32> to vector<512x144xf32>
    %add3A_90 = arith.addf %get3A_84, %get3A_89 : vector<512x144xf32>
    %slice3A = vector.extract_strided_slice %add3A_90 {offsets = [0, 0], sizes = [512, 128], strides = [1, 1]} : vector<512x144xf32> to vector<512x128xf32>
    %slice3A_91 = vector.extract_strided_slice %add3A_90 {offsets = [0, 128], sizes = [512, 1], strides = [1, 1]} : vector<512x144xf32> to vector<512x1xf32>
    %slice3A_92 = vector.extract_strided_slice %add3A_90 {offsets = [0, 129], sizes = [512, 1], strides = [1, 1]} : vector<512x144xf32> to vector<512x1xf32>
    %mul3A_93 = arith.mulf %get3A_79, %get3A_79 : vector<512x128xf32>
    %reduce_sum3A_94 = arith.constant dense<0.000000e+00> : vector<512xf32>
    %reduce_sum3A_95 = vector.multi_reduction <add>, %mul3A_93, %reduce_sum3A_94 [1] : vector<512x128xf32> to vector<512xf32>
    %broadcast_in_dim3A_96 = vector.shape_cast %reduce_sum3A_95 : vector<512xf32> to vector<512x1xf32>
    %convert_element_type3A_97 = arith.extui %lt3A_3 : vector<512x1xi1> to vector<512x1xi32>
    %convert_element_type3A_98 = arith.sitofp %convert_element_type3A_97 : vector<512x1xi32> to vector<512x1xf32>
    %mul3A_99 = arith.mulf %slice3A_92, %convert_element_type3A_98 : vector<512x1xf32>
    %reduce_sum3A_100 = vector.shape_cast %mul3A_99 : vector<512x1xf32> to vector<1x512x1xf32>
    %reduce_sum3A_101 = arith.constant dense<0.000000e+00> : vector<1xf32>
    %reduce_sum3A_102 = vector.multi_reduction <add>, %reduce_sum3A_100, %reduce_sum3A_101 [1, 2] : vector<1x512x1xf32> to vector<1xf32>
    %reduce_sum3A_103 = vector.shape_cast %reduce_sum3A_102 : vector<1xf32> to vector<1x1x1xf32>
    %reduce_sum3A_104 = vector.extract %reduce_sum3A_103[0, 0, 0] : f32 from vector<1x1x1xf32>
    %mul3A_105 = arith.mulf %broadcast_in_dim3A_96, %slice3A_91 : vector<512x1xf32>
    %mul3A_106 = arith.mulf %mul3A_105, %convert_element_type3A_98 : vector<512x1xf32>
    %reduce_sum3A_107 = vector.shape_cast %mul3A_106 : vector<512x1xf32> to vector<1x512x1xf32>
    %reduce_sum3A_108 = arith.constant dense<0.000000e+00> : vector<1xf32>
    %reduce_sum3A_109 = vector.multi_reduction <add>, %reduce_sum3A_107, %reduce_sum3A_108 [1, 2] : vector<1x512x1xf32> to vector<1xf32>
    %reduce_sum3A_110 = vector.shape_cast %reduce_sum3A_109 : vector<1xf32> to vector<1x1x1xf32>
    %reduce_sum3A_111 = vector.extract %reduce_sum3A_110[0, 0, 0] : f32 from vector<1x1x1xf32>
    %add3A_112 = arith.addf %reduce_sum3A_104, %reduce_sum3A_111 : f32
    %mul3A_113 = arith.constant 5.000000e-01 : f32
    %mul3A_114 = arith.mulf %mul3A_113, %add3A_112 : f32
    %mul3A_115 = arith.mulf %get3A_79, %slice3A : vector<512x128xf32>
    %reduce_sum3A_116 = vector.shape_cast %mul3A_115 : vector<512x128xf32> to vector<1x512x128xf32>
    %reduce_sum3A_117 = arith.constant dense<0.000000e+00> : vector<1xf32>
    %reduce_sum3A_118 = vector.multi_reduction <add>, %reduce_sum3A_116, %reduce_sum3A_117 [1, 2] : vector<1x512x128xf32> to vector<1xf32>
    %reduce_sum3A_119 = vector.shape_cast %reduce_sum3A_118 : vector<1xf32> to vector<1x1x1xf32>
    %reduce_sum3A_120 = vector.extract %reduce_sum3A_119[0, 0, 0] : f32 from vector<1x1x1xf32>
    %sub3A = arith.subf %mul3A_114, %reduce_sum3A_120 : f32
    %reshape3A_121 = vector.broadcast %sub3A : f32 to vector<1x1xf32>
    %add3A_122 = arith.addf %get3A_76, %reshape3A_121 : vector<1x1xf32>
    %swap3A_123 = arith.constant 0 : index
    %swap3A_124 = arith.constant 0 : index
    %swap3A_125 = vector.load %arg12[%swap3A_123, %swap3A_124] : memref<1x1xf32, #tpu.memory_space<vmem>>, vector<1x1xf32>
    tpu.vector_store %arg12[%swap3A_123, %swap3A_124], %add3A_122 {strides = array<i32>} : memref<1x1xf32, #tpu.memory_space<vmem>>, vector<1x1xf32>,
    return
  }
  func.func @transform_0(%arg0: i32) -> (i32, i32) {
    %c0_i32 = arith.constant 0 : i32
    %c0_i32_0 = arith.constant 0 : i32
    return %arg0, %c0_i32 : i32, i32
  }
  func.func @transform_1(%arg0: i32) -> (i32, i32, i32) {
    %c0_i32 = arith.constant 0 : i32
    %c0_i32_0 = arith.constant 0 : i32
    %c0_i32_1 = arith.constant 0 : i32
    return %c0_i32, %arg0, %c0_i32_0 : i32, i32, i32
  }
  func.func @transform_2(%arg0: i32) -> (i32, i32) {
    %c0_i32 = arith.constant 0 : i32
    %c0_i32_0 = arith.constant 0 : i32
    return %arg0, %c0_i32 : i32, i32
  }
  func.func @transform_3(%arg0: i32) -> (i32, i32) {
    %c0_i32 = arith.constant 0 : i32
    %c0_i32_0 = arith.constant 0 : i32
    return %arg0, %c0_i32 : i32, i32
  }
  func.func @transform_4(%arg0: i32) -> (i32, i32) {
    %c0_i32 = arith.constant 0 : i32
    %c0_i32_0 = arith.constant 0 : i32
    return %arg0, %c0_i32 : i32, i32
  }
  func.func @transform_5(%arg0: i32) -> (i32, i32) {
    %c0_i32 = arith.constant 0 : i32
    %c0_i32_0 = arith.constant 0 : i32
    %c0_i32_1 = arith.constant 0 : i32
    return %c0_i32, %c0_i32_0 : i32, i32
  }
  func.func @transform_6(%arg0: i32) -> (i32, i32, i32) {
    %c0_i32 = arith.constant 0 : i32
    %c0_i32_0 = arith.constant 0 : i32
    %c0_i32_1 = arith.constant 0 : i32
    return %c0_i32, %arg0, %c0_i32_0 : i32, i32, i32
  }
  func.func @transform_7(%arg0: i32) -> (i32, i32) {
    %c0_i32 = arith.constant 0 : i32
    %c0_i32_0 = arith.constant 0 : i32
    return %arg0, %c0_i32 : i32, i32
  }
  func.func @transform_8(%arg0: i32) -> (i32, i32) {
    %c0_i32 = arith.constant 0 : i32
    %c0_i32_0 = arith.constant 0 : i32
    return %arg0, %c0_i32 : i32, i32
  }
  func.func @transform_9(%arg0: i32) -> (i32, i32) {
    %c0_i32 = arith.constant 0 : i32
    %c0_i32_0 = arith.constant 0 : i32
    return %arg0, %c0_i32 : i32, i32
  }
  func.func @transform_10(%arg0: i32) -> (i32, i32) {
    %c0_i32 = arith.constant 0 : i32
    %c0_i32_0 = arith.constant 0 : i32
    %c0_i32_1 = arith.constant 0 : i32
    return %c0_i32, %c0_i32_0 : i32, i32
  }
  func.func @transform_11(%arg0: i32) -> (i32, i32) {
    %c0_i32 = arith.constant 0 : i32
    %c0_i32_0 = arith.constant 0 : i32
    %c0_i32_1 = arith.constant 0 : i32
    return %c0_i32, %c0_i32_0 : i32, i32
  }
}

module attributes {stable_mosaic.version = 14 : i64} {
  func.func @_t2_body(%arg0: i32, %arg1: memref<512x128xf32, #tpu.memory_space<vmem>>, %arg2: memref<2x512x128xf32, #tpu.memory_space<vmem>>, %arg3: memref<512x128xf32, #tpu.memory_space<vmem>>, %arg4: memref<512x128xf32, #tpu.memory_space<vmem>>, %arg5: memref<512x128xf32, #tpu.memory_space<vmem>>, %arg6: memref<128x128xf32, #tpu.memory_space<vmem>>, %arg7: memref<2x512x144xf32, #tpu.memory_space<vmem>>, %arg8: memref<512x128xf32, #tpu.memory_space<vmem>>, %arg9: memref<512x128xf32, #tpu.memory_space<vmem>>, %arg10: memref<512x144xf32, #tpu.memory_space<vmem>>, %arg11: memref<1x1xf32, #tpu.memory_space<vmem>>, %arg12: memref<1x1xf32, #tpu.memory_space<vmem>>) attributes {dimension_semantics = [#tpu.dimension_semantics<arbitrary>], iteration_bounds = array<i64: 20>, scalar_prefetch = 0 : i64, scratch_operands = 0 : i64, tpu.core_type = #tpu.core_type<tc>, window_params = [{transform_indices = @transform_0, window_bounds = array<i64: 512, 128>}, {transform_indices = @transform_1, window_bounds = array<i64: 2, 512, 128>}, {transform_indices = @transform_2, window_bounds = array<i64: 512, 128>}, {transform_indices = @transform_3, window_bounds = array<i64: 512, 128>}, {transform_indices = @transform_4, window_bounds = array<i64: 512, 128>}, {pipeline_mode = #tpu.pipeline_mode<synchronous>, transform_indices = @transform_5, window_bounds = array<i64: 128, 128>}, {transform_indices = @transform_6, window_bounds = array<i64: 2, 512, 144>}, {transform_indices = @transform_7, window_bounds = array<i64: 512, 128>}, {transform_indices = @transform_8, window_bounds = array<i64: 512, 128>}, {transform_indices = @transform_9, window_bounds = array<i64: 512, 144>}, {pipeline_mode = #tpu.pipeline_mode<synchronous>, transform_indices = @transform_10, window_bounds = array<i64: 1, 1>}, {pipeline_mode = #tpu.pipeline_mode<synchronous>, transform_indices = @transform_11, window_bounds = array<i64: 1, 1>}]} {
    %mul3A = arith.constant 512 : i32
    %mul3A_0 = arith.muli %arg0, %mul3A : i32
    %iota3A = tpu.iota {dimensions = array<i32: 0>} : vector<512x1xi32>
    %add3A = vector.broadcast %mul3A_0 : i32 to vector<512x1xi32>
    %add3A_1 = arith.addi %add3A, %iota3A : vector<512x1xi32>
    %lt3A = arith.constant 10000 : i32
    %lt3A_2 = vector.broadcast %lt3A : i32 to vector<512x1xi32>
    %lt3A_3 = arith.cmpi slt, %add3A_1, %lt3A_2 : vector<512x1xi32>
    %get3A = arith.constant 0 : index
    %get3A_4 = arith.constant 0 : index
    %get3A_5 = arith.constant 0 : index
    %get3A_6 = vector.load %arg2[%get3A, %get3A_4, %get3A_5] : memref<2x512x128xf32, #tpu.memory_space<vmem>>, vector<1x512x128xf32>
    %get3A_7 = vector.shape_cast %get3A_6 : vector<1x512x128xf32> to vector<512x128xf32>
    %get3A_8 = arith.constant 1 : index
    %get3A_9 = arith.constant 0 : index
    %get3A_10 = arith.constant 0 : index
    %get3A_11 = vector.load %arg2[%get3A_8, %get3A_9, %get3A_10] : memref<2x512x128xf32, #tpu.memory_space<vmem>>, vector<1x512x128xf32>
    %get3A_12 = vector.shape_cast %get3A_11 : vector<1x512x128xf32> to vector<512x128xf32>
    %add3A_13 = arith.addf %get3A_7, %get3A_12 : vector<512x128xf32>
    %get3A_14 = arith.constant 0 : index
    %get3A_15 = arith.constant 0 : index
    %get3A_16 = vector.load %arg3[%get3A_14, %get3A_15] : memref<512x128xf32, #tpu.memory_space<vmem>>, vector<512x128xf32>
    %mul3A_17 = arith.mulf %get3A_16, %add3A_13 : vector<512x128xf32>
    %get3A_18 = arith.constant 0 : index
    %get3A_19 = arith.constant 0 : index
    %get3A_20 = vector.load %arg4[%get3A_18, %get3A_19] : memref<512x128xf32, #tpu.memory_space<vmem>>, vector<512x128xf32>
    %get3A_21 = arith.constant 0 : index
    %get3A_22 = arith.constant 0 : index
    %get3A_23 = vector.load %arg1[%get3A_21, %get3A_22] : memref<512x128xf32, #tpu.memory_space<vmem>>, vector<512x128xf32>
    %mul3A_24 = arith.mulf %get3A_20, %get3A_23 : vector<512x128xf32>
    %add3A_25 = arith.addf %mul3A_17, %mul3A_24 : vector<512x128xf32>
    %get3A_26 = arith.constant 0 : index
    %get3A_27 = arith.constant 0 : index
    %get3A_28 = vector.load %arg6[%get3A_26, %get3A_27] : memref<128x128xf32, #tpu.memory_space<vmem>>, vector<128x128xf32>
    %dot_general3A = arith.constant dense<0.000000e+00> : vector<512x128xf32>
    %dot_general3A_29 = tpu.matmul %add3A_25, %get3A_28, %dot_general3A {dimension_numbers = #tpu.dot_dimension_numbers<[1], [1], [0], [0], [0, 0, 1, 0], [], []>, transpose_lhs_hint = false} : vector<512x128xf32>, vector<128x128xf32>, vector<512x128xf32> -> vector<512x128xf32>
    %max3A = arith.constant 0.000000e+00 : f32
    %max3A_30 = vector.broadcast %max3A : f32 to vector<512x128xf32>
    %max3A_31 = arith.maximumf %dot_general3A_29, %max3A_30 : vector<512x128xf32>
    %jit3A = arith.constant 0.000000e+00 : f32
    %broadcast_in_dim3A = vector.shape_cast %lt3A_3 : vector<512x1xi1> to vector<512x1xi1>
    %broadcast_in_dim3A_32 = vector.broadcast %broadcast_in_dim3A : vector<512x1xi1> to vector<512x128xi1>
    %broadcast_in_dim3A_33 = vector.broadcast %jit3A : f32 to vector<512x128xf32>
    %select_n3A = arith.select %broadcast_in_dim3A_32, %max3A_31, %broadcast_in_dim3A_33 : vector<512x128xi1>, vector<512x128xf32>
    %swap3A = arith.constant 0 : index
    %swap3A_34 = arith.constant 0 : index
    %swap3A_35 = vector.load %arg8[%swap3A, %swap3A_34] : memref<512x128xf32, #tpu.memory_space<vmem>>, vector<512x128xf32>
    tpu.vector_store %arg8[%swap3A, %swap3A_34], %select_n3A {strides = array<i32>} : memref<512x128xf32, #tpu.memory_space<vmem>>, vector<512x128xf32>,
    %get3A_36 = arith.constant 0 : index
    %get3A_37 = arith.constant 0 : index
    %get3A_38 = vector.load %arg3[%get3A_36, %get3A_37] : memref<512x128xf32, #tpu.memory_space<vmem>>, vector<512x128xf32>
    %mul3A_39 = arith.mulf %get3A_38, %select_n3A : vector<512x128xf32>
    %swap3A_40 = arith.constant 0 : index
    %swap3A_41 = arith.constant 0 : index
    %swap3A_42 = vector.load %arg9[%swap3A_40, %swap3A_41] : memref<512x128xf32, #tpu.memory_space<vmem>>, vector<512x128xf32>
    tpu.vector_store %arg9[%swap3A_40, %swap3A_41], %mul3A_39 {strides = array<i32>} : memref<512x128xf32, #tpu.memory_space<vmem>>, vector<512x128xf32>,
    %mul3A_43 = arith.mulf %select_n3A, %select_n3A : vector<512x128xf32>
    %reduce_sum3A = arith.constant dense<0.000000e+00> : vector<512xf32>
    %reduce_sum3A_44 = vector.multi_reduction <add>, %mul3A_43, %reduce_sum3A [1] : vector<512x128xf32> to vector<512xf32>
    %broadcast_in_dim3A_45 = vector.shape_cast %reduce_sum3A_44 : vector<512xf32> to vector<512x1xf32>
    %get3A_46 = arith.constant 0 : index
    %get3A_47 = arith.constant 0 : index
    %get3A_48 = vector.load %arg5[%get3A_46, %get3A_47] : memref<512x128xf32, #tpu.memory_space<vmem>>, vector<512x1xf32>
    %get3A_49 = arith.constant 0 : index
    %get3A_50 = arith.constant 0 : index
    %get3A_51 = vector.load %arg5[%get3A_49, %get3A_50] : memref<512x128xf32, #tpu.memory_space<vmem>>, vector<512x128xf32>
    %mul3A_52 = arith.mulf %get3A_51, %select_n3A : vector<512x128xf32>
    %mul3A_53 = arith.mulf %get3A_48, %broadcast_in_dim3A_45 : vector<512x1xf32>
    %broadcast_in_dim3A_54 = arith.constant 0.000000e+00 : f32
    %broadcast_in_dim3A_55 = vector.broadcast %broadcast_in_dim3A_54 : f32 to vector<512x14xf32>
    %concatenate3A = tpu.concatenate %mul3A_52, %get3A_48, %mul3A_53, %broadcast_in_dim3A_55 in 1 : vector<512x128xf32>, vector<512x1xf32>, vector<512x1xf32>, vector<512x14xf32> -> vector<512x144xf32>
    %swap3A_56 = arith.constant 0 : index
    %swap3A_57 = arith.constant 0 : index
    %swap3A_58 = vector.load %arg10[%swap3A_56, %swap3A_57] : memref<512x144xf32, #tpu.memory_space<vmem>>, vector<512x144xf32>
    tpu.vector_store %arg10[%swap3A_56, %swap3A_57], %concatenate3A {strides = array<i32>} : memref<512x144xf32, #tpu.memory_space<vmem>>, vector<512x144xf32>,
    %eq3A = arith.constant 0 : i32
    %eq3A_59 = arith.cmpi eq, %arg0, %eq3A : i32
    %convert_element_type3A = arith.extui %eq3A_59 : i1 to i32
    %cond3A = arith.constant 0 : i32
    %cond3A_60 = arith.cmpi ne, %convert_element_type3A, %cond3A : i32
    scf.if %cond3A_60 {
      %broadcast_in_dim3A_126 = arith.constant 0.000000e+00 : f32
      %broadcast_in_dim3A_127 = vector.broadcast %broadcast_in_dim3A_126 : f32 to vector<1x1xf32>
      %swap3A_128 = arith.constant 0 : index
      %swap3A_129 = arith.constant 0 : index
      %swap3A_130 = vector.load %arg11[%swap3A_128, %swap3A_129] : memref<1x1xf32, #tpu.memory_space<vmem>>, vector<1x1xf32>
      tpu.vector_store %arg11[%swap3A_128, %swap3A_129], %broadcast_in_dim3A_127 {strides = array<i32>} : memref<1x1xf32, #tpu.memory_space<vmem>>, vector<1x1xf32>,
      %broadcast_in_dim3A_131 = arith.constant 0.000000e+00 : f32
      %broadcast_in_dim3A_132 = vector.broadcast %broadcast_in_dim3A_131 : f32 to vector<1x1xf32>
      %swap3A_133 = arith.constant 0 : index
      %swap3A_134 = arith.constant 0 : index
      %swap3A_135 = vector.load %arg12[%swap3A_133, %swap3A_134] : memref<1x1xf32, #tpu.memory_space<vmem>>, vector<1x1xf32>
      tpu.vector_store %arg12[%swap3A_133, %swap3A_134], %broadcast_in_dim3A_132 {strides = array<i32>} : memref<1x1xf32, #tpu.memory_space<vmem>>, vector<1x1xf32>,
    } else {
    }
    %get3A_61 = arith.constant 0 : index
    %get3A_62 = arith.constant 0 : index
    %get3A_63 = vector.load %arg11[%get3A_61, %get3A_62] : memref<1x1xf32, #tpu.memory_space<vmem>>, vector<1x1xf32>
    %mul3A_64 = arith.mulf %select_n3A, %select_n3A : vector<512x128xf32>
    %reduce_sum3A_65 = vector.shape_cast %mul3A_64 : vector<512x128xf32> to vector<1x512x128xf32>
    %reduce_sum3A_66 = arith.constant dense<0.000000e+00> : vector<1xf32>
    %reduce_sum3A_67 = vector.multi_reduction <add>, %reduce_sum3A_65, %reduce_sum3A_66 [1, 2] : vector<1x512x128xf32> to vector<1xf32>
    %reduce_sum3A_68 = vector.shape_cast %reduce_sum3A_67 : vector<1xf32> to vector<1x1x1xf32>
    %reduce_sum3A_69 = vector.extract %reduce_sum3A_68[0, 0, 0] : f32 from vector<1x1x1xf32>
    %reshape3A = vector.broadcast %reduce_sum3A_69 : f32 to vector<1x1xf32>
    %add3A_70 = arith.addf %get3A_63, %reshape3A : vector<1x1xf32>
    %swap3A_71 = arith.constant 0 : index
    %swap3A_72 = arith.constant 0 : index
    %swap3A_73 = vector.load %arg11[%swap3A_71, %swap3A_72] : memref<1x1xf32, #tpu.memory_space<vmem>>, vector<1x1xf32>
    tpu.vector_store %arg11[%swap3A_71, %swap3A_72], %add3A_70 {strides = array<i32>} : memref<1x1xf32, #tpu.memory_space<vmem>>, vector<1x1xf32>,
    %get3A_74 = arith.constant 0 : index
    %get3A_75 = arith.constant 0 : index
    %get3A_76 = vector.load %arg12[%get3A_74, %get3A_75] : memref<1x1xf32, #tpu.memory_space<vmem>>, vector<1x1xf32>
    %get3A_77 = arith.constant 0 : index
    %get3A_78 = arith.constant 0 : index
    %get3A_79 = vector.load %arg1[%get3A_77, %get3A_78] : memref<512x128xf32, #tpu.memory_space<vmem>>, vector<512x128xf32>
    %get3A_80 = arith.constant 0 : index
    %get3A_81 = arith.constant 0 : index
    %get3A_82 = arith.constant 0 : index
    %get3A_83 = vector.load %arg7[%get3A_80, %get3A_81, %get3A_82] : memref<2x512x144xf32, #tpu.memory_space<vmem>>, vector<1x512x144xf32>
    %get3A_84 = vector.shape_cast %get3A_83 : vector<1x512x144xf32> to vector<512x144xf32>
    %get3A_85 = arith.constant 1 : index
    %get3A_86 = arith.constant 0 : index
    %get3A_87 = arith.constant 0 : index
    %get3A_88 = vector.load %arg7[%get3A_85, %get3A_86, %get3A_87] : memref<2x512x144xf32, #tpu.memory_space<vmem>>, vector<1x512x144xf32>
    %get3A_89 = vector.shape_cast %get3A_88 : vector<1x512x144xf32> to vector<512x144xf32>
    %add3A_90 = arith.addf %get3A_84, %get3A_89 : vector<512x144xf32>
    %slice3A = vector.extract_strided_slice %add3A_90 {offsets = [0, 0], sizes = [512, 128], strides = [1, 1]} : vector<512x144xf32> to vector<512x128xf32>
    %slice3A_91 = vector.extract_strided_slice %add3A_90 {offsets = [0, 128], sizes = [512, 1], strides = [1, 1]} : vector<512x144xf32> to vector<512x1xf32>
    %slice3A_92 = vector.extract_strided_slice %add3A_90 {offsets = [0, 129], sizes = [512, 1], strides = [1, 1]} : vector<512x144xf32> to vector<512x1xf32>
    %mul3A_93 = arith.mulf %get3A_79, %get3A_79 : vector<512x128xf32>
    %reduce_sum3A_94 = arith.constant dense<0.000000e+00> : vector<512xf32>
    %reduce_sum3A_95 = vector.multi_reduction <add>, %mul3A_93, %reduce_sum3A_94 [1] : vector<512x128xf32> to vector<512xf32>
    %broadcast_in_dim3A_96 = vector.shape_cast %reduce_sum3A_95 : vector<512xf32> to vector<512x1xf32>
    %convert_element_type3A_97 = arith.extui %lt3A_3 : vector<512x1xi1> to vector<512x1xi32>
    %convert_element_type3A_98 = arith.sitofp %convert_element_type3A_97 : vector<512x1xi32> to vector<512x1xf32>
    %mul3A_99 = arith.mulf %slice3A_92, %convert_element_type3A_98 : vector<512x1xf32>
    %reduce_sum3A_100 = vector.shape_cast %mul3A_99 : vector<512x1xf32> to vector<1x512x1xf32>
    %reduce_sum3A_101 = arith.constant dense<0.000000e+00> : vector<1xf32>
    %reduce_sum3A_102 = vector.multi_reduction <add>, %reduce_sum3A_100, %reduce_sum3A_101 [1, 2] : vector<1x512x1xf32> to vector<1xf32>
    %reduce_sum3A_103 = vector.shape_cast %reduce_sum3A_102 : vector<1xf32> to vector<1x1x1xf32>
    %reduce_sum3A_104 = vector.extract %reduce_sum3A_103[0, 0, 0] : f32 from vector<1x1x1xf32>
    %mul3A_105 = arith.mulf %broadcast_in_dim3A_96, %slice3A_91 : vector<512x1xf32>
    %mul3A_106 = arith.mulf %mul3A_105, %convert_element_type3A_98 : vector<512x1xf32>
    %reduce_sum3A_107 = vector.shape_cast %mul3A_106 : vector<512x1xf32> to vector<1x512x1xf32>
    %reduce_sum3A_108 = arith.constant dense<0.000000e+00> : vector<1xf32>
    %reduce_sum3A_109 = vector.multi_reduction <add>, %reduce_sum3A_107, %reduce_sum3A_108 [1, 2] : vector<1x512x1xf32> to vector<1xf32>
    %reduce_sum3A_110 = vector.shape_cast %reduce_sum3A_109 : vector<1xf32> to vector<1x1x1xf32>
    %reduce_sum3A_111 = vector.extract %reduce_sum3A_110[0, 0, 0] : f32 from vector<1x1x1xf32>
    %add3A_112 = arith.addf %reduce_sum3A_104, %reduce_sum3A_111 : f32
    %mul3A_113 = arith.constant 5.000000e-01 : f32
    %mul3A_114 = arith.mulf %mul3A_113, %add3A_112 : f32
    %mul3A_115 = arith.mulf %get3A_79, %slice3A : vector<512x128xf32>
    %reduce_sum3A_116 = vector.shape_cast %mul3A_115 : vector<512x128xf32> to vector<1x512x128xf32>
    %reduce_sum3A_117 = arith.constant dense<0.000000e+00> : vector<1xf32>
    %reduce_sum3A_118 = vector.multi_reduction <add>, %reduce_sum3A_116, %reduce_sum3A_117 [1, 2] : vector<1x512x128xf32> to vector<1xf32>
    %reduce_sum3A_119 = vector.shape_cast %reduce_sum3A_118 : vector<1xf32> to vector<1x1x1xf32>
    %reduce_sum3A_120 = vector.extract %reduce_sum3A_119[0, 0, 0] : f32 from vector<1x1x1xf32>
    %sub3A = arith.subf %mul3A_114, %reduce_sum3A_120 : f32
    %reshape3A_121 = vector.broadcast %sub3A : f32 to vector<1x1xf32>
    %add3A_122 = arith.addf %get3A_76, %reshape3A_121 : vector<1x1xf32>
    %swap3A_123 = arith.constant 0 : index
    %swap3A_124 = arith.constant 0 : index
    %swap3A_125 = vector.load %arg12[%swap3A_123, %swap3A_124] : memref<1x1xf32, #tpu.memory_space<vmem>>, vector<1x1xf32>
    tpu.vector_store %arg12[%swap3A_123, %swap3A_124], %add3A_122 {strides = array<i32>} : memref<1x1xf32, #tpu.memory_space<vmem>>, vector<1x1xf32>,
    return
  }
  func.func @transform_0(%arg0: i32) -> (i32, i32) {
    %c0_i32 = arith.constant 0 : i32
    %c0_i32_0 = arith.constant 0 : i32
    return %arg0, %c0_i32 : i32, i32
  }
  func.func @transform_1(%arg0: i32) -> (i32, i32, i32) {
    %c0_i32 = arith.constant 0 : i32
    %c0_i32_0 = arith.constant 0 : i32
    %c0_i32_1 = arith.constant 0 : i32
    return %c0_i32, %arg0, %c0_i32_0 : i32, i32, i32
  }
  func.func @transform_2(%arg0: i32) -> (i32, i32) {
    %c0_i32 = arith.constant 0 : i32
    %c0_i32_0 = arith.constant 0 : i32
    return %arg0, %c0_i32 : i32, i32
  }
  func.func @transform_3(%arg0: i32) -> (i32, i32) {
    %c0_i32 = arith.constant 0 : i32
    %c0_i32_0 = arith.constant 0 : i32
    return %arg0, %c0_i32 : i32, i32
  }
  func.func @transform_4(%arg0: i32) -> (i32, i32) {
    %c0_i32 = arith.constant 0 : i32
    %c0_i32_0 = arith.constant 0 : i32
    return %arg0, %c0_i32 : i32, i32
  }
  func.func @transform_5(%arg0: i32) -> (i32, i32) {
    %c0_i32 = arith.constant 0 : i32
    %c0_i32_0 = arith.constant 0 : i32
    %c0_i32_1 = arith.constant 0 : i32
    return %c0_i32, %c0_i32_0 : i32, i32
  }
  func.func @transform_6(%arg0: i32) -> (i32, i32, i32) {
    %c0_i32 = arith.constant 0 : i32
    %c0_i32_0 = arith.constant 0 : i32
    %c0_i32_1 = arith.constant 0 : i32
    return %c0_i32, %arg0, %c0_i32_0 : i32, i32, i32
  }
  func.func @transform_7(%arg0: i32) -> (i32, i32) {
    %c0_i32 = arith.constant 0 : i32
    %c0_i32_0 = arith.constant 0 : i32
    return %arg0, %c0_i32 : i32, i32
  }
  func.func @transform_8(%arg0: i32) -> (i32, i32) {
    %c0_i32 = arith.constant 0 : i32
    %c0_i32_0 = arith.constant 0 : i32
    return %arg0, %c0_i32 : i32, i32
  }
  func.func @transform_9(%arg0: i32) -> (i32, i32) {
    %c0_i32 = arith.constant 0 : i32
    %c0_i32_0 = arith.constant 0 : i32
    return %arg0, %c0_i32 : i32, i32
  }
  func.func @transform_10(%arg0: i32) -> (i32, i32) {
    %c0_i32 = arith.constant 0 : i32
    %c0_i32_0 = arith.constant 0 : i32
    %c0_i32_1 = arith.constant 0 : i32
    return %c0_i32, %c0_i32_0 : i32, i32
  }
  func.func @transform_11(%arg0: i32) -> (i32, i32) {
    %c0_i32 = arith.constant 0 : i32
    %c0_i32_0 = arith.constant 0 : i32
    %c0_i32_1 = arith.constant 0 : i32
    return %c0_i32, %c0_i32_0 : i32, i32
  }
}

module attributes {stable_mosaic.version = 14 : i64} {
  func.func @_t3_body(%arg0: i32, %arg1: memref<512x128xf32, #tpu.memory_space<vmem>>, %arg2: memref<2x512x144xf32, #tpu.memory_space<vmem>>, %arg3: memref<1x1xf32, #tpu.memory_space<vmem>>) attributes {dimension_semantics = [#tpu.dimension_semantics<arbitrary>], iteration_bounds = array<i64: 20>, scalar_prefetch = 0 : i64, scratch_operands = 0 : i64, tpu.core_type = #tpu.core_type<tc>, window_params = [{transform_indices = @transform_0, window_bounds = array<i64: 512, 128>}, {transform_indices = @transform_1, window_bounds = array<i64: 2, 512, 144>}, {pipeline_mode = #tpu.pipeline_mode<synchronous>, transform_indices = @transform_2, window_bounds = array<i64: 1, 1>}]} {
    %mul3A = arith.constant 512 : i32
    %mul3A_0 = arith.muli %arg0, %mul3A : i32
    %iota3A = tpu.iota {dimensions = array<i32: 0>} : vector<512x1xi32>
    %add3A = vector.broadcast %mul3A_0 : i32 to vector<512x1xi32>
    %add3A_1 = arith.addi %add3A, %iota3A : vector<512x1xi32>
    %lt3A = arith.constant 10000 : i32
    %lt3A_2 = vector.broadcast %lt3A : i32 to vector<512x1xi32>
    %lt3A_3 = arith.cmpi slt, %add3A_1, %lt3A_2 : vector<512x1xi32>
    %eq3A = arith.constant 0 : i32
    %eq3A_4 = arith.cmpi eq, %arg0, %eq3A : i32
    %convert_element_type3A = arith.extui %eq3A_4 : i1 to i32
    %cond3A = arith.constant 0 : i32
    %cond3A_5 = arith.cmpi ne, %convert_element_type3A, %cond3A : i32
    scf.if %cond3A_5 {
      %broadcast_in_dim3A_53 = arith.constant 0.000000e+00 : f32
      %broadcast_in_dim3A_54 = vector.broadcast %broadcast_in_dim3A_53 : f32 to vector<1x1xf32>
      %swap3A_55 = arith.constant 0 : index
      %swap3A_56 = arith.constant 0 : index
      %swap3A_57 = vector.load %arg3[%swap3A_55, %swap3A_56] : memref<1x1xf32, #tpu.memory_space<vmem>>, vector<1x1xf32>
      tpu.vector_store %arg3[%swap3A_55, %swap3A_56], %broadcast_in_dim3A_54 {strides = array<i32>} : memref<1x1xf32, #tpu.memory_space<vmem>>, vector<1x1xf32>,
    } else {
    }
    %get3A = arith.constant 0 : index
    %get3A_6 = arith.constant 0 : index
    %get3A_7 = vector.load %arg3[%get3A, %get3A_6] : memref<1x1xf32, #tpu.memory_space<vmem>>, vector<1x1xf32>
    %get3A_8 = arith.constant 0 : index
    %get3A_9 = arith.constant 0 : index
    %get3A_10 = vector.load %arg1[%get3A_8, %get3A_9] : memref<512x128xf32, #tpu.memory_space<vmem>>, vector<512x128xf32>
    %get3A_11 = arith.constant 0 : index
    %get3A_12 = arith.constant 0 : index
    %get3A_13 = arith.constant 0 : index
    %get3A_14 = vector.load %arg2[%get3A_11, %get3A_12, %get3A_13] : memref<2x512x144xf32, #tpu.memory_space<vmem>>, vector<1x512x144xf32>
    %get3A_15 = vector.shape_cast %get3A_14 : vector<1x512x144xf32> to vector<512x144xf32>
    %get3A_16 = arith.constant 1 : index
    %get3A_17 = arith.constant 0 : index
    %get3A_18 = arith.constant 0 : index
    %get3A_19 = vector.load %arg2[%get3A_16, %get3A_17, %get3A_18] : memref<2x512x144xf32, #tpu.memory_space<vmem>>, vector<1x512x144xf32>
    %get3A_20 = vector.shape_cast %get3A_19 : vector<1x512x144xf32> to vector<512x144xf32>
    %add3A_21 = arith.addf %get3A_15, %get3A_20 : vector<512x144xf32>
    %slice3A = vector.extract_strided_slice %add3A_21 {offsets = [0, 0], sizes = [512, 128], strides = [1, 1]} : vector<512x144xf32> to vector<512x128xf32>
    %slice3A_22 = vector.extract_strided_slice %add3A_21 {offsets = [0, 128], sizes = [512, 1], strides = [1, 1]} : vector<512x144xf32> to vector<512x1xf32>
    %slice3A_23 = vector.extract_strided_slice %add3A_21 {offsets = [0, 129], sizes = [512, 1], strides = [1, 1]} : vector<512x144xf32> to vector<512x1xf32>
    %mul3A_24 = arith.mulf %get3A_10, %get3A_10 : vector<512x128xf32>
    %reduce_sum3A = arith.constant dense<0.000000e+00> : vector<512xf32>
    %reduce_sum3A_25 = vector.multi_reduction <add>, %mul3A_24, %reduce_sum3A [1] : vector<512x128xf32> to vector<512xf32>
    %broadcast_in_dim3A = vector.shape_cast %reduce_sum3A_25 : vector<512xf32> to vector<512x1xf32>
    %convert_element_type3A_26 = arith.extui %lt3A_3 : vector<512x1xi1> to vector<512x1xi32>
    %convert_element_type3A_27 = arith.sitofp %convert_element_type3A_26 : vector<512x1xi32> to vector<512x1xf32>
    %mul3A_28 = arith.mulf %slice3A_23, %convert_element_type3A_27 : vector<512x1xf32>
    %reduce_sum3A_29 = vector.shape_cast %mul3A_28 : vector<512x1xf32> to vector<1x512x1xf32>
    %reduce_sum3A_30 = arith.constant dense<0.000000e+00> : vector<1xf32>
    %reduce_sum3A_31 = vector.multi_reduction <add>, %reduce_sum3A_29, %reduce_sum3A_30 [1, 2] : vector<1x512x1xf32> to vector<1xf32>
    %reduce_sum3A_32 = vector.shape_cast %reduce_sum3A_31 : vector<1xf32> to vector<1x1x1xf32>
    %reduce_sum3A_33 = vector.extract %reduce_sum3A_32[0, 0, 0] : f32 from vector<1x1x1xf32>
    %mul3A_34 = arith.mulf %broadcast_in_dim3A, %slice3A_22 : vector<512x1xf32>
    %mul3A_35 = arith.mulf %mul3A_34, %convert_element_type3A_27 : vector<512x1xf32>
    %reduce_sum3A_36 = vector.shape_cast %mul3A_35 : vector<512x1xf32> to vector<1x512x1xf32>
    %reduce_sum3A_37 = arith.constant dense<0.000000e+00> : vector<1xf32>
    %reduce_sum3A_38 = vector.multi_reduction <add>, %reduce_sum3A_36, %reduce_sum3A_37 [1, 2] : vector<1x512x1xf32> to vector<1xf32>
    %reduce_sum3A_39 = vector.shape_cast %reduce_sum3A_38 : vector<1xf32> to vector<1x1x1xf32>
    %reduce_sum3A_40 = vector.extract %reduce_sum3A_39[0, 0, 0] : f32 from vector<1x1x1xf32>
    %add3A_41 = arith.addf %reduce_sum3A_33, %reduce_sum3A_40 : f32
    %mul3A_42 = arith.constant 5.000000e-01 : f32
    %mul3A_43 = arith.mulf %mul3A_42, %add3A_41 : f32
    %mul3A_44 = arith.mulf %get3A_10, %slice3A : vector<512x128xf32>
    %reduce_sum3A_45 = vector.shape_cast %mul3A_44 : vector<512x128xf32> to vector<1x512x128xf32>
    %reduce_sum3A_46 = arith.constant dense<0.000000e+00> : vector<1xf32>
    %reduce_sum3A_47 = vector.multi_reduction <add>, %reduce_sum3A_45, %reduce_sum3A_46 [1, 2] : vector<1x512x128xf32> to vector<1xf32>
    %reduce_sum3A_48 = vector.shape_cast %reduce_sum3A_47 : vector<1xf32> to vector<1x1x1xf32>
    %reduce_sum3A_49 = vector.extract %reduce_sum3A_48[0, 0, 0] : f32 from vector<1x1x1xf32>
    %sub3A = arith.subf %mul3A_43, %reduce_sum3A_49 : f32
    %reshape3A = vector.broadcast %sub3A : f32 to vector<1x1xf32>
    %add3A_50 = arith.addf %get3A_7, %reshape3A : vector<1x1xf32>
    %swap3A = arith.constant 0 : index
    %swap3A_51 = arith.constant 0 : index
    %swap3A_52 = vector.load %arg3[%swap3A, %swap3A_51] : memref<1x1xf32, #tpu.memory_space<vmem>>, vector<1x1xf32>
    tpu.vector_store %arg3[%swap3A, %swap3A_51], %add3A_50 {strides = array<i32>} : memref<1x1xf32, #tpu.memory_space<vmem>>, vector<1x1xf32>,
    return
  }
  func.func @transform_0(%arg0: i32) -> (i32, i32) {
    %c0_i32 = arith.constant 0 : i32
    %c0_i32_0 = arith.constant 0 : i32
    return %arg0, %c0_i32 : i32, i32
  }
  func.func @transform_1(%arg0: i32) -> (i32, i32, i32) {
    %c0_i32 = arith.constant 0 : i32
    %c0_i32_0 = arith.constant 0 : i32
    %c0_i32_1 = arith.constant 0 : i32
    return %c0_i32, %arg0, %c0_i32_0 : i32, i32, i32
  }
  func.func @transform_2(%arg0: i32) -> (i32, i32) {
    %c0_i32 = arith.constant 0 : i32
    %c0_i32_0 = arith.constant 0 : i32
    %c0_i32_1 = arith.constant 0 : i32
    return %c0_i32, %c0_i32_0 : i32, i32
  }
}

</mosaic_0001>

<sc_bundles>
// kernel: kernel.14.cloned.1.call-start
scs
__scs_entry_jumppad:
0x0: {  	(pc) =	sbr.rel $0x88, $3  }
0x1: {  	(tag) =	ssettag $0x0;
	lr =	simm.s32 $0x1  }
0x2: {  	[smem:$0x3F9A] =	sst lr;
	_ =	strace $0xD0000000  }
0x3: {  	_ = 	snop  }
0x4: {  	_ = 	snop  }
0x5: {  	_ = 	snop  }
0x6: {  	_ = 	snop  }
0x7: {  	_ = 	snop  }
__scs_overlays_trampoline_lowered:
0x8: {  	[smem:$0x3FA9] =	sst s0  }
0x9: {  	[smem:$0x3FAA] =	sst s1  }
0xa: {  	[smem:$0x3FAB] =	sst s2  }
0xb: {  	[smem:$0x3FAC] =	sst s3  }
0xc: {  	[smem:$0x3FAD] =	sst s4  }
0xd: {  	[smem:$0x3FAE] =	sst s5  }
0xe: {  	[smem:$0x3FAF] =	sst s6  }
0xf: {  	[smem:$0x3FB0] =	sst s7  }
0x10: {  	[smem:$0x3FB1] =	sst s8  }
0x11: {  	[smem:$0x3FB2] =	sst s9;
	s0 =	simm.s32 @!p0 $0x0  }
0x12: {  	s1 =	sld [smem:$0x3F98];
	s0 =	simm.s32 @p0 $0x1  }
0x13: {  	[smem:$0x3FB3] =	sst s0;
	s0 =	simm.s32 @!p1 $0x0  }
0x14: {  	s2 =	sld [smem:$0x3F97];
	s0 =	simm.s32 @p1 $0x1  }
0x15: {  	[smem:$0x3FB4] =	sst s0;
	s0 =	simm.s32 @!p2 $0x0  }
0x16: {  	s3 =	sld [smem:$0x3FDB];
	s0 =	simm.s32 @p2 $0x1  }
0x17: {  	s4 =	simm.s32 $0x1BF5;
	[smem:$0x3FB6] =	sst s0  }
0x18: {  	s0 =	sld [smem:$0x3F99];
	_ =	swait.ge [sflag:s4], $0x0  }
0x19: {  	s7 =	sld [smem:$0x3F9A]  }
0x1a: {  	s8 =	sadd.s32 $0xFFFFE003, lr  }
0x1b: {  	s9 =	sadd.s32 $0xFFFFFEF7, lr;
	s5 =	simm.s32 $0xFFFFFFFF;
	p2 =	slt.u32 s8, $0xFFFFF086  }
0x1c: {  	p1 =	slt.u32 s9, $0xF7A;
	s5 =	simm.s32 @!p2 $0x0  }
0x1d: {  	s5 =	simm.s32 @p1 $0x1;
	p0 =	seq.s32 s7, s2  }
0x1e: {  	s7 =	smul.u32 @!p0 $0xF7A, s2;
	p2 =	seq.s32 @!p0 s5, $0x0  }
0x1f: {  	s9 =	smul.u32 $0xF7A, s1;
	s8 =	simm.s32 @!p0 $0x1BF5;
	p2 =	por !p2, p0  }
0x20: {  	[sflag:s8] =	ssyncset.s32 @!p0 $0xFFFFF086;
	s6 =	sadd.s32 @!p0 s3, s7;
	s7 =	simm.s32 @!p0 $0x108  }
0x21: {  	s3 =	sadd.s32 s3, s9;
	s6 =	sadd.s32 @!p0 $0x88, s6;
	s7 =	simm.s32 @p2 $0x1082  }
0x22: {  	[simem:s7], [sflag:s8] =	dma.local @!p0 [hbm:s6], $0xF7A  }
0x23: {  	s9 =	sor.u32 $0xD0000000, s2;
	s6 =	simm.s32 $0x108;
	_ =	swait.ge @!p0 [sflag:s8], $0x0  }
0x24: {  	s3 =	sadd.s32 $0x88, s3;
	s6 =	simm.s32 @!p1 $0x1082;
	[sflag:s4] =	ssyncset.s32 $0xFFFFF086  }
0x25: {  	[simem:s6], [sflag:s4] =	dma.local [hbm:s3], $0xF7A  }
0x26: {  	[smem:$0x3F9A] =	sst s1;
	(tag) =	ssettag s2;
	_ =	strace s9  }
0x27: {  	s1 =	sld [smem:$0x3FAA]  }
0x28: {  	s2 =	sld [smem:$0x3FAB]  }
0x29: {  	s4 =	sld [smem:$0x3FAD]  }
0x2a: {  	p0 =	seq.s32 s5, $0x0;
	s5 =	sld [smem:$0x3FAE]  }
0x2b: {  	s6 =	sld [smem:$0x3FAF]  }
0x2c: {  	s7 =	sld [smem:$0x3FB0]  }
0x2d: {  	s3 =	simm.s32 $0x108;
	s8 =	sld [smem:$0x3FB1]  }
0x2e: {  	s3 =	simm.s32 @!p0 $0x1082;
	s9 =	sld [smem:$0x3FB2]  }
0x2f: {  	lr =	sadd.s32 s0, s3;
	s0 =	sld [smem:$0x3FA9]  }
0x30: {  	s3 =	sld [smem:$0x3FAC]  }
0x31: {  	[smem:$0x3FB5] =	sst s10  }
0x32: {  	s10 =	sld [smem:$0x3FB3];
	_ =	sdelay $0x3  }
0x33: {  	p0 =	seq.s32 s10, $0x1;
	s10 =	sld [smem:$0x3FB5];
	_ =	sdelay $0x3  }
0x34: {  	[smem:$0x3FB5] =	sst s10  }
0x35: {  	s10 =	sld [smem:$0x3FB4];
	_ =	sdelay $0x3  }
0x36: {  	p1 =	seq.s32 s10, $0x1;
	s10 =	sld [smem:$0x3FB5];
	_ =	sdelay $0x3  }
0x37: {  	[smem:$0x3FB5] =	sst s10  }
0x38: {  	s10 =	sld [smem:$0x3FB6]  }
0x39: {  	_ = 	snop;
	(pc) =	sbr.ind lr, $3  }
0x3a: {  	_ = 	snop  }
0x3b: {  	_ = 	snop  }
0x3c: {  	p2 =	seq.s32 s10, $0x1;
	s10 =	sld [smem:$0x3FB5]  }
0x3d: {  	_ =	shalt  }
0x3e: {  	_ =	shalt  }
0x3f: {  	_ =	shalt  }
0x40: {  	_ =	shalt  }
0x41: {  	_ =	shalt  }
0x42: {  	_ =	shalt  }
0x43: {  	_ =	shalt  }
0x44: {  	_ =	shalt  }
0x45: {  	_ =	shalt  }
0x46: {  	_ =	shalt  }
0x47: {  	_ =	shalt  }
0x48: {  	_ =	shalt  }
0x49: {  	_ =	shalt  }
0x4a: {  	_ =	shalt  }
0x4b: {  	_ =	shalt  }
0x4c: {  	_ =	shalt  }
0x4d: {  	_ =	shalt  }
0x4e: {  	_ =	shalt  }
0x4f: {  	_ =	shalt  }
0x50: {  	_ =	shalt  }
0x51: {  	_ =	shalt  }
0x52: {  	_ =	shalt  }
0x53: {  	_ =	shalt  }
0x54: {  	_ =	shalt  }
0x55: {  	_ =	shalt  }
0x56: {  	_ =	shalt  }
0x57: {  	_ =	shalt  }
0x58: {  	_ =	shalt  }
0x59: {  	_ =	shalt  }
0x5a: {  	_ =	shalt  }
0x5b: {  	_ =	shalt  }
0x5c: {  	_ =	shalt  }
0x5d: {  	_ =	shalt  }
0x5e: {  	_ =	shalt  }
0x5f: {  	_ =	shalt  }
0x60: {  	_ =	shalt  }
0x61: {  	_ =	shalt  }
0x62: {  	_ =	shalt  }
0x63: {  	_ =	shalt  }
0x64: {  	_ =	shalt  }
0x65: {  	_ =	shalt  }
0x66: {  	_ =	shalt  }
0x67: {  	_ =	shalt  }
0x68: {  	_ =	shalt  }
0x69: {  	_ =	shalt  }
0x6a: {  	_ =	shalt  }
0x6b: {  	_ =	shalt  }
0x6c: {  	_ =	shalt  }
0x6d: {  	_ =	shalt  }
0x6e: {  	_ =	shalt  }
0x6f: {  	_ =	shalt  }
0x70: {  	_ =	shalt  }
0x71: {  	_ =	shalt  }
0x72: {  	_ =	shalt  }
0x73: {  	_ =	shalt  }
0x74: {  	_ =	shalt  }
0x75: {  	_ =	shalt  }
0x76: {  	_ =	shalt  }
0x77: {  	_ =	shalt  }
0x78: {  	_ =	shalt  }
0x79: {  	_ =	shalt  }
0x7a: {  	_ =	shalt  }
0x7b: {  	_ =	shalt  }
0x7c: {  	_ =	shalt  }
0x7d: {  	_ =	shalt  }
0x7e: {  	_ =	shalt  }
0x7f: {  	_ =	shalt  }
0x80: {  	_ =	shalt  }
0x81: {  	_ =	shalt  }
0x82: {  	_ =	shalt  }
0x83: {  	_ =	shalt  }
0x84: {  	_ =	shalt  }
0x85: {  	_ =	shalt  }
0x86: {  	_ =	shalt  }
0x87: {  	_ =	shalt  }
.Lfunc_end0:
.L_simem_size_0:
called_computation_lowered:
.L_overlay_start_0:
0x88: {  	s2 =	sld [smem:$0x3FD9]  }
0x89: {  	s3 =	sld [smem:$0x3FFE];
	_ =	sdelay $0x1  }
0x8a: {  	s1 =	srdreg.scid  }
0x8b: {  	s0 =	sand.u32 $0x1, s1  }
0x8c: {  	s16 =	sshll.u32 s0, $0xA;
	s2 =	sadd.s32 s3, s2  }
0x8d: {  	s2 =	sadd.s32 s2, s16  }
0x8e: {  	[smem:$0x3FC1] =	sst s2  }
0x8f: {  	_ = 	snop  }
0x90: {  	(tm) =	ssettm $0x1  }
0x91: {  	s17 =	sld [smem:$0x3FFB];
	_ =	sdelay $0x3  }
0x92: {  	_ =	strace s17  }
0x93: {  	s2 =	sld [smem:$0x3FFC];
	_ =	sdelay $0x3  }
0x94: {  	_ =	strace s2  }
0x95: {  	s2 =	sld [smem:$0x3FFD];
	_ =	sdelay $0x3  }
0x96: {  	_ =	strace s2  }
0x97: {  	_ =	strace $0x8FFFFFFF  }
0x98: {  	s18 =	sld [smem:$0x3FDB];
	_ =	sdelay $0x1  }
0x99: {  	s19 =	simm.s32 $_scs_section_size  }
0x9a: {  	s4 =	simm.s32 $_size__tile_overlayer_lowered;
	s5 =	simm.s32 $_tile_overlayer_lowered  }
0x9b: {  	s22 =	simm.s32 $0x1BFF;
	s21 =	sshll.u32 s5, $0x1;
	s2 =	sadd.s32 s19, s18  }
0x9c: {  	s6 =	simm.s32 $0x0;
	s20 =	sshll.u32 s4, $0x1;
	s4 =	sadd.s32 s21, s2  }
0x9d: {  	[timem:s6], [sflag:s22] =	dma.local [hbm:s4], s20  }
0x9e: {  	_ =	swait.ge [sflag:s22], s20  }
0x9f: {  	s3 =	ssub.s32 $0x0, s20;
	[sflag:s22] =	ssyncset.done $0x0  }
0xa0: {  	[sflag:s22] =	ssyncadd.s32 s3;
	_ =	sdelay $0x1  }
0xa1: {  	s23 =	simm.s32 $0x1B8B  }
0xa2: {  	_ =	swait.ge [sflag:s23], $0x1  }
0xa3: {  	[sflag:s23] =	ssyncset.done $0x0  }
0xa4: {  	s25 =	simm.s32 $0x1B8E;
	s24 =	sld [smem:$0x3FFE];
	[sflag:s23] =	ssyncadd.s32 $0xFFFFFFFF  }
0xa5: {  	s26 =	simm.s32 $execute0_lowered;
	[smem:$0x3FD2] =	sst s25  }
0xa6: {  	s4 =	sshll.u32 s26, $0x1;
	_ =	strace $0x80000046;
	[dreg:$0x1] =	wrdreg $0xFFFFFFFF  }
0xa7: {  	s28 =	simm.s32 $_size_execute0_lowered;
	s2 =	sadd.s32 s2, s4;
	[dreg:$0x0] =	wrdreg $0x0  }
0xa8: {  	s4 =	sshll.u32 s28, $0x1;
	[dreg:$0x2] =	wrdreg s2  }
0xa9: {  	[dreg:$0x3] =	wrdreg s4  }
0xaa: {  	[dreg:$0x4] =	wrdreg $0xC0  }
0xab: {  	_ =	task [dreg:s6], $0x5FFFF  }
0xac: {  	[dreg:$0x1] =	wrdreg $0xFFFFFFFF  }
0xad: {  	[dreg:$0x0] =	wrdreg $0x60  }
0xae: {  	[dreg:$0x2] =	wrdreg s24  }
0xaf: {  	[dreg:$0x3] =	wrdreg $0xF8100  }
0xb0: {  	[dreg:$0x4] =	wrdreg $0x120100  }
0xb1: {  	[dreg:$0x5] =	wrdreg $0x9  }
0xb2: {  	_ =	task.clear_ibuf [dreg:s6], $0x6FFFF;
	_ =	strace $0x90000046  }
0xb3: {  	s29 =	simm.s32 $0x9;
	_ =	strace $0x80000048  }
0xb4: {  	_ =	swait.ge [sflag:s29], $0x1  }
0xb5: {  	[sflag:s29] =	ssyncadd.s32 $0xFFFFFFFF  }
0xb6: {  	_ =	strace $0x90000048  }
0xb7: {  	_ =	sfence  }
0xb8: {  	s30 =	sld [smem:$0x0];
	_ =	sdelay $0x2  }
0xb9: {  	s31 =	sshll.u32 s1, $0xD;
	s1 =	sshrl.u32 s1, $0x2  }
0xba: {  	s3 =	sand.u32 $0x4000, s31;
	s1 =	sadd.s32 s1, s30  }
0xbb: {  	s0 =	sor.u32 s3, s0;
	s1 =	sshll.u32 s1, $0x11  }
0xbc: {  	s0 =	sor.u32 s1, s0  }
0xbd: {  	s0 =	sadd.s32 $0x8F2B, s0  }
0xbe: {  	[sflag:s0] =	ssyncadd.remote.s32 $0x1  }
0xbf: {  	_ =	sfence.sel $0xFFFF  }
0xc0: {  	[dreg:$0x0] =	wrdreg $0xFFFFFFFF;
	(pc) =	sbr.abs _section_cstart, $3  }
0xc1: {  	[dreg:$0x1] =	wrdreg $0xFFFFFFFF  }
0xc2: {  	_ =	task.clear_ibuf [dreg:s6], $0x2FFFF;
	_ =	strace $0x9FFFFFFF  }
0xc3: {  	(tm) =	ssettm $0x7FFFFFFF  }
tec
execute0_lowered:
.L_overlay_start_1:
0x0: {  	(tag) =	ssettag $0x1  }
0x1: {  	s0 =	rddreg [dreg:$0x0]  }
0x2: {  	s1 =	srdreg.scid;
	s6 =	rddreg [dreg:$0x1]  }
0x3: {  	s5 =	stileid.u32;
	s7 =	rddreg [dreg:$0x2];
	s1 =	sand.u32 $0x1, s1  }
0x4: {  	s8 =	simm.s32 $0x0;
	s2 =	smul.u32 $0x2800, s5;
	s3 =	sshll.u32 s1, $0x4  }
0x5: {  	s4 =	smul.u32 $0x28000, s1;
	s1 =	ssub.s32 $0x2, s1;
	s3 =	sor.u32 s5, s3  }
0x6: {  	[smem:$0x7FF] =	sst s8;
	s25 =	sshrl.u32 s1, $0x1;
	s3 =	smul.u32 $0x500, s3  }
0x7: {  	_ =	strace $0x80000047;
	s4 =	sadd.s32 s2, s4;
	s1 =	ssub.s32 s1, s25  }
0x8: {  	s4 =	sshrl.u32 s4, $0x3;
	s31 =	smax.u32 s1, $0x1;
	s3 =	sadd.s32 s3, s0  }
0x9: {  	s0 =	sadd.s32 s4, s0;
	s4 =	sadd.s32 s2, s6;
	[dreg:$0xc] =	wrdreg s31  }
0xa: {  	s2 =	sadd.s32 s2, s7;
	[dreg:$0x5] =	wrdreg s4  }
0xb: {  	v0 =	vimm.f32 $0.0e+00;
	vm0 =	vcmask $0x300;
	v2 =	vimm.s32 $0xECA86420;
	s26 =	sadd.s32 $0x3000, s3;
	[dreg:$0x6] =	wrdreg s2  }
0xc: {  	vm7 =	vcmask $0xB08;
	vm2 =	vcmask $0x1310;
	vm3 =	vcmask $0x1B18;
	s28 =	sadd.s32 $0x2B200, s3;
	[dreg:$0x4] =	wrdreg s26  }
0xd: {  	vm14 =	vcmask $0x2320;
	vm15 =	vcmask $0x3330;
	v3 =	vlaneseq.u32;
	s29 =	sadd.s32 $0x35200, s3;
	[dreg:$0x7] =	wrdreg s28  }
0xe: {  	vm1 =	vmmov $0xff;
	v4 =	vimm.s32 $0x0;
	vm12 =	vcmask $0x2724;
	s3 =	sadd.s32 $0x21200, s3;
	[dreg:$0x8] =	wrdreg s29  }
0xf: {  	vm9 =	vcmask $0x2F2C;
	vm10 =	vcmask $0x3734;
	v2 =	vunpack.c.l.s4.s8 v2;
	s30 =	sadd.s32 $0x17200, s0;
	[dreg:$0x9] =	wrdreg s3  }
0x10: {  	vm5 =	vcmask $0x2B28;
	v1 =	vsel vm0, $0x3F800000, v0;
	v4 =	vsel vm1, $0xFFFFFFFF, v4;
	s0 =	sadd.s32 $0xD200, s0;
	[dreg:$0xa] =	wrdreg s30  }
0x11: {  	vm0 =	vcmask $0x3B38;
	v3 =	vmul.u32 $0x2, v3;
	[tilespmem:$0x1FFF0] =	vst v4;
	v2 =	vunpack.c.0.s8.s32 v2;
	s5 =	simm.s32 $0x1;
	s1 =	simm.s32 $0x0;
	[dreg:$0xb] =	wrdreg s0  }
.LBB2_1:
0x12: {  	[dreg:$0xd] =	wrdreg s1  }
0x13: {  	s0 =	rddreg [dreg:$0x4]  }
0x14: {  	[tilespmem:s8], [sflag:$0x1] =	stream.linear.gather [hbm4b:s0+s8], $0x2810, $0x38;
	[tilespmem:$0x14810] =	vst v63  }
0x15: {  	_ =	swait.ge [sflag:s5], $0x2810  }
0x16: {  	[sflag:s5] =	ssyncset.done $0x0  }
0x17: {  	s0 =	simm.s32 $0x0;
	[sflag:s5] =	ssyncadd.s32 $0xFFFFD7F0  }
.LBB2_2:
0x18: {  	p0 =	sne.s32 s0, $0x1FC0  }
.Ltmp0:
0x19: {  	_ = 	snop;
	(pc) =	sbr.rel @p0 .LBB2_2-.Ltmp0, $3  }
0x1a: {  	_ =	sdelay $0x1  }
0x1b: {  	s1 =	sshra.s32 s0, $0x2  }
0x1c: {  	s0 =	sadd.s32 $0x40, s0;
	[tilespmem:s1+$0xC810] =	vst v1  }
0x1d: {  	s0 =	simm.s32 $0x40;
	s1 =	simm.s32 $0x0  }
.LBB2_4:
0x1e: {  	p0 =	sne.s32 s0, $0x9FC0;
	[tilespmem:s1+$0xD010] =	vst v0;
	s1 =	smov.u32 s0;
	s0 =	sadd.s32 $0x40, s0  }
.Ltmp1:
0x1f: {  	(pc) =	sbr.rel @p0 .LBB2_4-.Ltmp1, $2  }
0x20: {  	_ =	sdelay $0x2  }
0x21: {  	s1 =	sshra.s32 s1, $0x2  }
0x22: {  	[tilespmem:s1+$0xD010] =	vst v0;
	s0 =	simm.s32 $0xD010  }
0x23: {  	[spmem:s4] =	stream.linear.scatter [tilespmem:s0], [sflag:$0x1], $0x2800, $0x38;
	[tilespmem:$0x14810] =	vst v63  }
0x24: {  	_ =	swait.ge [sflag:s5], $0x2800  }
0x25: {  	[sflag:s5] =	ssyncset.done $0x0  }
0x26: {  	[sflag:s5] =	ssyncadd.s32 $0xFFFFD800  }
0x27: {  	[spmem:s2] =	stream.linear.scatter [tilespmem:s0], [sflag:$0x1], $0x2800, $0x38;
	[tilespmem:$0x14810] =	vst v63  }
0x28: {  	_ =	swait.ge [sflag:s5], $0x2800  }
0x29: {  	[sflag:s5] =	ssyncset.done $0x0  }
0x2a: {  	[sflag:s5] =	ssyncadd.s32 $0xFFFFD800  }
0x2b: {  	s0 =	simm.s32 $0x0;
	[bflag:$0x0] =	sbarrier.arrive $0xFFFF  }
.LBB2_6:
0x2c: {  	s23 =	sshra.s32 s0, $0x2  }
0x2d: {  	v8 =	vld [tilespmem:s23+$0x10];
	_ =	sdelay $0x4  }
0x2e: {  	(v2sf) =	vpush v8, $0xD;
	_ =	sdelay $0x1  }
0x2f: {  	(v2sf) =	vpush v8, $0xC  }
0x30: {  	(v2sf) =	vpush v8, $0xE;
	_ =	sdelay $0x1  }
0x31: {  	(v2sf) =	vpush v8, $0xF  }
0x32: {  	(v2sf) =	vpush v8, $0x9;
	_ =	sdelay $0x2  }
0x33: {  	(v2sf) =	vpush v8, $0x8;
	_ =	sdelay $0x1  }
0x34: {  	(v2sf) =	vpush v8, $0xA;
	_ =	sdelay $0x1  }
0x35: {  	(v2sf) =	vpush v8, $0xB;
	_ =	sdelay $0x1  }
0x36: {  	(v2sf) =	vpush v8, $0x0;
	s28 =	spop (v2sf)  }
0x37: {  	[dreg:$0xe] =	wrdreg s0;
	s1 =	smulhi.u32 $0x68DB8BAD, s28;
	s0 =	sshra.s32 s28, $0x1F  }
0x38: {  	(v2sf) =	vpush v8, $0x1;
	s29 =	spop (v2sf);
	s14 =	smul.u32 $0x68DB8BAD, s0  }
0x39: {  	s13 =	smulhi.u32 $0x68DB8BAD, s29;
	s0 =	sshra.s32 s29, $0x1F;
	s30 =	spop (v2sf)  }
0x3a: {  	(v2sf) =	vpush v8, $0x2;
	[smem:$0x74F] =	sst s1;
	s16 =	smul.u32 $0x68DB8BAD, s0  }
0x3b: {  	s15 =	smulhi.u32 $0x68DB8BAD, s30;
	s0 =	sshra.s32 s30, $0x1F;
	s31 =	spop (v2sf);
	(v2sf) =	vpush v8, $0x3  }
0x3c: {  	s18 =	smul.u32 $0x68DB8BAD, s0;
	s1 =	spop (v2sf);
	(v2sf) =	vpush v8, $0x4  }
0x3d: {  	s17 =	smulhi.u32 $0x68DB8BAD, s31;
	s0 =	sshra.s32 s31, $0x1F  }
0x3e: {  	s21 =	smul.u32 $0x68DB8BAD, s0;
	s0 =	sshra.s32 s1, $0x1F  }
0x3f: {  	s2 =	spop (v2sf);
	(v2sf) =	vpush v8, $0x5;
	s22 =	smul.u32 $0x68DB8BAD, s0  }
0x40: {  	v7 =	vld [tilespmem:s23+$0x20];
	s20 =	smulhi.u32 $0x68DB8BAD, s2;
	s0 =	sshra.s32 s2, $0x1F  }
0x41: {  	s3 =	spop (v2sf);
	(v2sf) =	vpush v8, $0x6;
	s25 =	smul.u32 $0x68DB8BAD, s0  }
0x42: {  	s24 =	smulhi.u32 $0x68DB8BAD, s3;
	s0 =	sshra.s32 s3, $0x1F  }
0x43: {  	s4 =	spop (v2sf);
	(v2sf) =	vpush v8, $0x7;
	s28 =	smul.u32 $0x68DB8BAD, s0  }
0x44: {  	s26 =	smulhi.u32 $0x68DB8BAD, s4;
	s0 =	sshra.s32 s4, $0x1F  }
0x45: {  	s5 =	spop (v2sf);
	(v2sf) =	vpush v7, $0xD;
	s30 =	smul.u32 $0x68DB8BAD, s0  }
0x46: {  	s29 =	smulhi.u32 $0x68DB8BAD, s5;
	s0 =	sshra.s32 s5, $0x1F  }
0x47: {  	s6 =	spop (v2sf);
	s9 =	smul.u32 $0x68DB8BAD, s0  }
0x48: {  	(v2sf) =	vpush v7, $0xC;
	s31 =	smulhi.u32 $0x68DB8BAD, s6;
	s0 =	sshra.s32 s6, $0x1F  }
0x49: {  	s3 =	smul.u32 $0x68DB8BAD, s0;
	s7 =	spop (v2sf)  }
0x4a: {  	s8 =	smulhi.u32 $0x68DB8BAD, s7;
	s10 =	spop (v2sf)  }
0x4b: {  	(v2sf) =	vpush v7, $0xE;
	s0 =	sshra.s32 s7, $0x1F;
	s11 =	smulhi.u32 $0x68DB8BAD, s10;
	s12 =	spop (v2sf)  }
0x4c: {  	[smem:$0x750] =	sst s8;
	s8 =	smul.u32 $0x68DB8BAD, s0  }
0x4d: {  	s0 =	sshra.s32 s10, $0x1F;
	s2 =	smulhi.u32 $0x68DB8BAD, s12  }
0x4e: {  	(v2sf) =	vpush v7, $0xF;
	s5 =	spop (v2sf);
	s4 =	smul.u32 $0x68DB8BAD, s0  }
0x4f: {  	[smem:$0x751] =	sst s11;
	s0 =	sshra.s32 s12, $0x1F;
	s7 =	smulhi.u32 $0x68DB8BAD, s5  }
0x50: {  	s10 =	spop (v2sf);
	s6 =	smul.u32 $0x68DB8BAD, s0  }
0x51: {  	(v2sf) =	vpush v7, $0x9;
	[smem:$0x752] =	sst s2;
	s0 =	sshra.s32 s5, $0x1F;
	s11 =	smulhi.u32 $0x68DB8BAD, s10  }
0x52: {  	s12 =	spop (v2sf);
	s2 =	smul.u32 $0x68DB8BAD, s0  }
0x53: {  	[smem:$0x753] =	sst s7;
	s0 =	sshra.s32 s10, $0x1F;
	s5 =	smulhi.u32 $0x68DB8BAD, s12  }
0x54: {  	(v2sf) =	vpush v7, $0x8;
	s10 =	spop (v2sf);
	s7 =	smul.u32 $0x68DB8BAD, s0;
	s0 =	sshra.s32 s12, $0x1F  }
0x55: {  	[smem:$0x755] =	sst s5;
	s5 =	smul.u32 $0x68DB8BAD, s0;
	s0 =	sshra.s32 s10, $0x1F  }
0x56: {  	[smem:$0x754] =	sst s11;
	s0 =	smul.u32 $0x68DB8BAD, s0  }
0x57: {  	(v2sf) =	vpush v7, $0xA;
	s11 =	smulhi.u32 $0x68DB8BAD, s10;
	s12 =	spop (v2sf)  }
0x58: {  	s10 =	smulhi.u32 $0x68DB8BAD, s12;
	[smem:$0x757] =	sst s0;
	s0 =	sshra.s32 s12, $0x1F  }
0x59: {  	(v2sf) =	vpush v7, $0xB;
	s0 =	smul.u32 $0x68DB8BAD, s0  }
0x5a: {  	[smem:$0x756] =	sst s11;
	s11 =	spop (v2sf)  }
0x5b: {  	(v2sf) =	vpush v7, $0x0;
	[smem:$0x759] =	sst s0;
	s0 =	sshra.s32 s11, $0x1F  }
0x5c: {  	[smem:$0x758] =	sst s10;
	s0 =	smul.u32 $0x68DB8BAD, s0  }
0x5d: {  	(v2sf) =	vpush v7, $0x1;
	s12 =	smulhi.u32 $0x68DB8BAD, s11;
	s10 =	spop (v2sf)  }
0x5e: {  	s11 =	smulhi.u32 $0x68DB8BAD, s10;
	[smem:$0x75B] =	sst s0;
	s0 =	sshra.s32 s10, $0x1F  }
0x5f: {  	s0 =	smul.u32 $0x68DB8BAD, s0  }
0x60: {  	(v2sf) =	vpush v7, $0x2;
	[smem:$0x75A] =	sst s12;
	s12 =	spop (v2sf)  }
0x61: {  	[smem:$0x75D] =	sst s0;
	s0 =	sshra.s32 s12, $0x1F  }
0x62: {  	(v2sf) =	vpush v7, $0x3;
	[smem:$0x75C] =	sst s11;
	s0 =	smul.u32 $0x68DB8BAD, s0  }
0x63: {  	s10 =	smulhi.u32 $0x68DB8BAD, s12;
	s11 =	spop (v2sf)  }
0x64: {  	s12 =	smulhi.u32 $0x68DB8BAD, s11;
	[smem:$0x75F] =	sst s0;
	s0 =	sshra.s32 s11, $0x1F  }
0x65: {  	(v2sf) =	vpush v7, $0x4;
	[smem:$0x75E] =	sst s10;
	s0 =	smul.u32 $0x68DB8BAD, s0  }
0x66: {  	s10 =	spop (v2sf);
	[smem:$0x760] =	sst s12  }
0x67: {  	s11 =	smulhi.u32 $0x68DB8BAD, s10;
	[smem:$0x761] =	sst s0;
	s0 =	sshra.s32 s10, $0x1F  }
0x68: {  	s12 =	spop (v2sf);
	s0 =	smul.u32 $0x68DB8BAD, s0  }
0x69: {  	(v2sf) =	vpush v7, $0x5;
	[smem:$0x762] =	sst s11;
	s10 =	smulhi.u32 $0x68DB8BAD, s12  }
0x6a: {  	s11 =	spop (v2sf);
	[smem:$0x763] =	sst s0;
	s0 =	sshra.s32 s12, $0x1F  }
0x6b: {  	[smem:$0x764] =	sst s10;
	s0 =	smul.u32 $0x68DB8BAD, s0  }
0x6c: {  	s10 =	spop (v2sf);
	s12 =	smulhi.u32 $0x68DB8BAD, s11  }
0x6d: {  	(v2sf) =	vpush v7, $0x6;
	[smem:$0x765] =	sst s0;
	s0 =	sshra.s32 s11, $0x1F;
	s11 =	smulhi.u32 $0x68DB8BAD, s10  }
0x6e: {  	[smem:$0x766] =	sst s12;
	s0 =	smul.u32 $0x68DB8BAD, s0  }
0x6f: {  	s12 =	spop (v2sf);
	[smem:$0x768] =	sst s11  }
0x70: {  	v5 =	vld [tilespmem:s23+$0x30];
	s11 =	smulhi.u32 $0x68DB8BAD, s12;
	[smem:$0x767] =	sst s0;
	s0 =	sshra.s32 s10, $0x1F  }
0x71: {  	(v2sf) =	vpush v7, $0x7;
	s10 =	smul.u32 $0x68DB8BAD, s0;
	s0 =	sshra.s32 s12, $0x1F;
	s12 =	spop (v2sf)  }
0x72: {  	[smem:$0x769] =	sst s11;
	s11 =	smulhi.u32 $0x68DB8BAD, s12  }
0x73: {  	s19 =	smulhi.u32 $0x68DB8BAD, s1  }
0x74: {  	[smem:$0x76A] =	sst s11;
	s11 =	spop (v2sf)  }
0x75: {  	(v2sf) =	vpush v5, $0xD;
	s1 =	sshra.s32 s12, $0x1F;
	s12 =	smulhi.u32 $0x68DB8BAD, s11;
	s11 =	sshra.s32 s11, $0x1F  }
0x76: {  	s11 =	smul.u32 $0x68DB8BAD, s11;
	_ =	sdelay $0x1  }
0x77: {  	[smem:$0x76C] =	sst s11;
	s11 =	spop (v2sf)  }
0x78: {  	(v2sf) =	vpush v5, $0xC;
	[smem:$0x76B] =	sst s12;
	s12 =	smulhi.u32 $0x68DB8BAD, s11;
	s11 =	sshra.s32 s11, $0x1F  }
0x79: {  	s11 =	smul.u32 $0x68DB8BAD, s11;
	_ =	sdelay $0x1  }
0x7a: {  	[smem:$0x76E] =	sst s11;
	s11 =	spop (v2sf)  }
0x7b: {  	(v2sf) =	vpush v5, $0xE;
	[smem:$0x76D] =	sst s12;
	s12 =	smulhi.u32 $0x68DB8BAD, s11;
	s11 =	sshra.s32 s11, $0x1F  }
0x7c: {  	s11 =	smul.u32 $0x68DB8BAD, s11;
	_ =	sdelay $0x1  }
0x7d: {  	[smem:$0x770] =	sst s11;
	s11 =	spop (v2sf)  }
0x7e: {  	(v2sf) =	vpush v5, $0xF;
	[smem:$0x76F] =	sst s12;
	s12 =	smulhi.u32 $0x68DB8BAD, s11;
	s11 =	sshra.s32 s11, $0x1F  }
0x7f: {  	s11 =	smul.u32 $0x68DB8BAD, s11;
	_ =	sdelay $0x1  }
0x80: {  	[smem:$0x772] =	sst s11;
	s11 =	spop (v2sf)  }
0x81: {  	(v2sf) =	vpush v5, $0x9;
	[smem:$0x771] =	sst s12;
	s12 =	smulhi.u32 $0x68DB8BAD, s11;
	s11 =	sshra.s32 s11, $0x1F  }
0x82: {  	s11 =	smul.u32 $0x68DB8BAD, s11;
	_ =	sdelay $0x1  }
0x83: {  	[smem:$0x774] =	sst s11;
	s11 =	spop (v2sf)  }
0x84: {  	(v2sf) =	vpush v5, $0x8;
	[smem:$0x773] =	sst s12;
	s12 =	smulhi.u32 $0x68DB8BAD, s11;
	s11 =	sshra.s32 s11, $0x1F  }
0x85: {  	s11 =	smul.u32 $0x68DB8BAD, s11;
	_ =	sdelay $0x1  }
0x86: {  	[smem:$0x776] =	sst s11;
	s11 =	spop (v2sf)  }
0x87: {  	(v2sf) =	vpush v5, $0xA;
	[smem:$0x775] =	sst s12;
	s12 =	smulhi.u32 $0x68DB8BAD, s11;
	s11 =	sshra.s32 s11, $0x1F  }
0x88: {  	s11 =	smul.u32 $0x68DB8BAD, s11;
	_ =	sdelay $0x1  }
0x89: {  	[smem:$0x778] =	sst s11;
	s11 =	spop (v2sf)  }
0x8a: {  	(v2sf) =	vpush v5, $0xB;
	[smem:$0x777] =	sst s12;
	s12 =	smulhi.u32 $0x68DB8BAD, s11;
	s11 =	sshra.s32 s11, $0x1F  }
0x8b: {  	s11 =	smul.u32 $0x68DB8BAD, s11;
	_ =	sdelay $0x1  }
0x8c: {  	[smem:$0x77A] =	sst s11;
	s11 =	spop (v2sf)  }
0x8d: {  	(v2sf) =	vpush v5, $0x0;
	[smem:$0x779] =	sst s12;
	s12 =	smulhi.u32 $0x68DB8BAD, s11;
	s11 =	sshra.s32 s11, $0x1F  }
0x8e: {  	s11 =	smul.u32 $0x68DB8BAD, s11;
	_ =	sdelay $0x1  }
0x8f: {  	[smem:$0x77C] =	sst s11;
	s11 =	spop (v2sf)  }
0x90: {  	(v2sf) =	vpush v5, $0x1;
	[smem:$0x77B] =	sst s12;
	s12 =	smulhi.u32 $0x68DB8BAD, s11;
	s11 =	sshra.s32 s11, $0x1F  }
0x91: {  	s11 =	smul.u32 $0x68DB8BAD, s11;
	_ =	sdelay $0x1  }
0x92: {  	[smem:$0x77E] =	sst s11;
	s11 =	spop (v2sf)  }
0x93: {  	(v2sf) =	vpush v5, $0x2;
	[smem:$0x77D] =	sst s12;
	s12 =	smulhi.u32 $0x68DB8BAD, s11;
	s11 =	sshra.s32 s11, $0x1F  }
0x94: {  	s11 =	smul.u32 $0x68DB8BAD, s11;
	_ =	sdelay $0x1  }
0x95: {  	[smem:$0x780] =	sst s11;
	s11 =	spop (v2sf)  }
0x96: {  	(v2sf) =	vpush v5, $0x3;
	[smem:$0x77F] =	sst s12;
	s12 =	smulhi.u32 $0x68DB8BAD, s11;
	s11 =	sshra.s32 s11, $0x1F  }
0x97: {  	s11 =	smul.u32 $0x68DB8BAD, s11;
	_ =	sdelay $0x1  }
0x98: {  	[smem:$0x782] =	sst s11;
	s11 =	spop (v2sf)  }
0x99: {  	(v2sf) =	vpush v5, $0x4;
	[smem:$0x781] =	sst s12;
	s12 =	smulhi.u32 $0x68DB8BAD, s11;
	s11 =	sshra.s32 s11, $0x1F  }
0x9a: {  	s11 =	smul.u32 $0x68DB8BAD, s11;
	_ =	sdelay $0x1  }
0x9b: {  	[smem:$0x784] =	sst s11;
	s11 =	spop (v2sf)  }
0x9c: {  	(v2sf) =	vpush v5, $0x5;
	[smem:$0x783] =	sst s12;
	s12 =	smulhi.u32 $0x68DB8BAD, s11;
	s11 =	sshra.s32 s11, $0x1F  }
0x9d: {  	s11 =	smul.u32 $0x68DB8BAD, s11;
	_ =	sdelay $0x1  }
0x9e: {  	[smem:$0x786] =	sst s11;
	s11 =	spop (v2sf)  }
0x9f: {  	(v2sf) =	vpush v5, $0x6;
	[smem:$0x785] =	sst s12;
	s12 =	smulhi.u32 $0x68DB8BAD, s11;
	s11 =	sshra.s32 s11, $0x1F  }
0xa0: {  	s11 =	smul.u32 $0x68DB8BAD, s11;
	_ =	sdelay $0x1  }
0xa1: {  	v4 =	vld [tilespmem:s23+$0x40];
	[smem:$0x788] =	sst s11;
	s11 =	spop (v2sf)  }
0xa2: {  	(v2sf) =	vpush v5, $0x7;
	[smem:$0x787] =	sst s12;
	s12 =	smulhi.u32 $0x68DB8BAD, s11;
	s11 =	sshra.s32 s11, $0x1F  }
0xa3: {  	s11 =	smul.u32 $0x68DB8BAD, s11;
	_ =	sdelay $0x1  }
0xa4: {  	[smem:$0x78A] =	sst s11;
	s11 =	spop (v2sf)  }
0xa5: {  	(v2sf) =	vpush v4, $0xD;
	[smem:$0x789] =	sst s12;
	s12 =	smulhi.u32 $0x68DB8BAD, s11;
	s11 =	sshra.s32 s11, $0x1F  }
0xa6: {  	s11 =	smul.u32 $0x68DB8BAD, s11;
	_ =	sdelay $0x1  }
0xa7: {  	[smem:$0x78C] =	sst s11;
	s11 =	spop (v2sf)  }
0xa8: {  	(v2sf) =	vpush v4, $0xC;
	[smem:$0x78B] =	sst s12;
	s12 =	smulhi.u32 $0x68DB8BAD, s11;
	s11 =	sshra.s32 s11, $0x1F  }
0xa9: {  	s11 =	smul.u32 $0x68DB8BAD, s11;
	_ =	sdelay $0x1  }
0xaa: {  	[smem:$0x78E] =	sst s11;
	s11 =	spop (v2sf)  }
0xab: {  	(v2sf) =	vpush v4, $0xE;
	[smem:$0x78D] =	sst s12;
	s12 =	smulhi.u32 $0x68DB8BAD, s11;
	s11 =	sshra.s32 s11, $0x1F  }
0xac: {  	s11 =	smul.u32 $0x68DB8BAD, s11;
	_ =	sdelay $0x1  }
0xad: {  	[smem:$0x790] =	sst s11;
	s11 =	spop (v2sf)  }
0xae: {  	(v2sf) =	vpush v4, $0xF;
	[smem:$0x78F] =	sst s12;
	s12 =	smulhi.u32 $0x68DB8BAD, s11;
	s11 =	sshra.s32 s11, $0x1F  }
0xaf: {  	s11 =	smul.u32 $0x68DB8BAD, s11;
	_ =	sdelay $0x1  }
0xb0: {  	[smem:$0x792] =	sst s11;
	s11 =	spop (v2sf)  }
0xb1: {  	[smem:$0x791] =	sst s12;
	s12 =	smulhi.u32 $0x68DB8BAD, s11;
	s11 =	sshra.s32 s11, $0x1F  }
0xb2: {  	s11 =	smul.u32 $0x68DB8BAD, s11;
	_ =	sdelay $0x1  }
0xb3: {  	(v2sf) =	vpush v4, $0x9;
	[smem:$0x794] =	sst s11;
	s11 =	spop (v2sf)  }
0xb4: {  	[smem:$0x793] =	sst s12;
	s12 =	smulhi.u32 $0x68DB8BAD, s11;
	s11 =	sshra.s32 s11, $0x1F  }
0xb5: {  	(v2sf) =	vpush v4, $0x8;
	s11 =	smul.u32 $0x68DB8BAD, s11  }
0xb6: {  	(v2sf) =	vpush v4, $0xA  }
0xb7: {  	[smem:$0x796] =	sst s11;
	s11 =	spop (v2sf)  }
0xb8: {  	[smem:$0x795] =	sst s12;
	s12 =	smulhi.u32 $0x68DB8BAD, s11;
	s11 =	sshra.s32 s11, $0x1F  }
0xb9: {  	s13 =	sadd.s32 s16, s13;
	s11 =	smul.u32 $0x68DB8BAD, s11  }
0xba: {  	[smem:$0x7B9] =	sst s13  }
0xbb: {  	[smem:$0x798] =	sst s11;
	s11 =	spop (v2sf)  }
0xbc: {  	s16 =	sadd.s32 s18, s15;
	(v2sf) =	vpush v4, $0xB;
	[smem:$0x797] =	sst s12;
	s12 =	smulhi.u32 $0x68DB8BAD, s11  }
0xbd: {  	[smem:$0x7BB] =	sst s16;
	(v2sf) =	vpush v4, $0x0  }
0xbe: {  	[smem:$0x799] =	sst s12  }
0xbf: {  	s18 =	sadd.s32 s21, s17;
	s12 =	sld [smem:$0x74F]  }
0xc0: {  	[smem:$0x7BD] =	sst s18;
	s19 =	sadd.s32 s22, s19;
	(v2sf) =	vpush v4, $0x1  }
0xc1: {  	[smem:$0x7BF] =	sst s19;
	(v2sf) =	vpush v4, $0x2;
	s11 =	sshra.s32 s11, $0x1F  }
0xc2: {  	(v2sf) =	vpush v4, $0x3;
	s12 =	sadd.s32 s14, s12;
	s14 =	smul.u32 $0x68DB8BAD, s11;
	s11 =	spop (v2sf)  }
0xc3: {  	(v2sf) =	vpush v4, $0x4;
	[smem:$0x7B7] =	sst s12;
	s13 =	smulhi.u32 $0x68DB8BAD, s11;
	s11 =	sshra.s32 s11, $0x1F  }
0xc4: {  	s22 =	sadd.s32 s25, s20;
	s15 =	smul.u32 $0x68DB8BAD, s11;
	s11 =	spop (v2sf);
	(v2sf) =	vpush v4, $0x5  }
0xc5: {  	v6 =	vld [tilespmem:s23+$0x50];
	s24 =	sadd.s32 s28, s24;
	s21 =	spop (v2sf);
	[smem:$0x7C0] =	sst s22  }
0xc6: {  	s28 =	sadd.s32 s30, s26;
	[smem:$0x7C2] =	sst s24  }
0xc7: {  	s9 =	sadd.s32 s9, s29;
	[smem:$0x7C4] =	sst s28  }
0xc8: {  	s3 =	sadd.s32 s3, s31;
	[smem:$0x7BA] =	sst s9  }
0xc9: {  	s16 =	smulhi.u32 $0x68DB8BAD, s11;
	s11 =	sshra.s32 s11, $0x1F;
	[smem:$0x7BC] =	sst s3  }
0xca: {  	s17 =	smul.u32 $0x68DB8BAD, s11;
	s20 =	sld [smem:$0x750]  }
0xcb: {  	s25 =	spop (v2sf);
	s22 =	sld [smem:$0x751]  }
0xcc: {  	s11 =	sshra.s32 s21, $0x1F;
	s24 =	sld [smem:$0x752];
	s30 =	spop (v2sf)  }
0xcd: {  	s26 =	sld [smem:$0x753];
	s19 =	smul.u32 $0x68DB8BAD, s11;
	s31 =	sshra.s32 s30, $0x1F  }
0xce: {  	s9 =	smul.u32 $0x68DB8BAD, s31;
	s31 =	sld [smem:$0x755]  }
0xcf: {  	s11 =	sshra.s32 s25, $0x1F;
	s8 =	sadd.s32 s8, s20;
	s20 =	sld [smem:$0x757]  }
0xd0: {  	s29 =	smul.u32 $0x68DB8BAD, s11;
	s4 =	sadd.s32 s4, s22;
	s22 =	sld [smem:$0x758]  }
0xd1: {  	s2 =	sadd.s32 s2, s26;
	s26 =	sld [smem:$0x75A]  }
0xd2: {  	[smem:$0x79A] =	sst s29  }
0xd3: {  	s18 =	smulhi.u32 $0x68DB8BAD, s21;
	[smem:$0x7BE] =	sst s8  }
0xd4: {  	s12 =	smulhi.u32 $0x68DB8BAD, s25;
	[smem:$0x7C1] =	sst s4  }
0xd5: {  	s11 =	smulhi.u32 $0x68DB8BAD, s30;
	[smem:$0x7C5] =	sst s2  }
0xd6: {  	s21 =	spop (v2sf);
	s29 =	sld [smem:$0x754]  }
0xd7: {  	s3 =	sshra.s32 s21, $0x1F;
	s4 =	sadd.s32 s6, s24;
	s24 =	sld [smem:$0x759]  }
0xd8: {  	s3 =	smul.u32 $0x68DB8BAD, s3;
	[smem:$0x7C3] =	sst s4  }
0xd9: {  	s25 =	spop (v2sf);
	s4 =	sld [smem:$0x756]  }
0xda: {  	s28 =	sshra.s32 s25, $0x1F;
	s30 =	spop (v2sf);
	[smem:$0x79B] =	sst s3  }
0xdb: {  	s3 =	sadd.s32 s7, s29;
	s7 =	smul.u32 $0x68DB8BAD, s28;
	s28 =	sld [smem:$0x75B]  }
0xdc: {  	s2 =	sshra.s32 s30, $0x1F;
	[smem:$0x7C6] =	sst s3  }
0xdd: {  	s3 =	sadd.s32 s5, s31;
	s5 =	smulhi.u32 $0x68DB8BAD, s30;
	s30 =	sld [smem:$0x75C]  }
0xde: {  	s2 =	smul.u32 $0x68DB8BAD, s2;
	s31 =	sld [smem:$0x75D]  }
0xdf: {  	[smem:$0x7B8] =	sst s3  }
0xe0: {  	s3 =	sadd.s32 s20, s4;
	[smem:$0x79C] =	sst s2  }
0xe1: {  	[smem:$0x7C7] =	sst s3  }
0xe2: {  	(v2sf) =	vpush v4, $0x6;
	s3 =	sadd.s32 s24, s22;
	s22 =	sld [smem:$0x75F]  }
0xe3: {  	s8 =	smulhi.u32 $0x68DB8BAD, s21;
	[smem:$0x7C8] =	sst s3  }
0xe4: {  	s6 =	smulhi.u32 $0x68DB8BAD, s25;
	s3 =	sadd.s32 s28, s26;
	s26 =	sld [smem:$0x761]  }
0xe5: {  	s21 =	spop (v2sf);
	[smem:$0x7CA] =	sst s3  }
0xe6: {  	s25 =	smulhi.u32 $0x68DB8BAD, s21;
	s2 =	sshra.s32 s21, $0x1F;
	s21 =	sld [smem:$0x75E]  }
0xe7: {  	(v2sf) =	vpush v4, $0x7;
	s3 =	sadd.s32 s31, s30;
	s30 =	sld [smem:$0x763]  }
0xe8: {  	[smem:$0x7CC] =	sst s3  }
0xe9: {  	s2 =	smul.u32 $0x68DB8BAD, s2;
	[smem:$0x79D] =	sst s25  }
0xea: {  	s25 =	sld [smem:$0x760]  }
0xeb: {  	s29 =	spop (v2sf);
	[smem:$0x79E] =	sst s2  }
0xec: {  	s20 =	smulhi.u32 $0x68DB8BAD, s29;
	s2 =	sshra.s32 s29, $0x1F;
	s29 =	sld [smem:$0x762]  }
0xed: {  	s3 =	sadd.s32 s22, s21;
	s21 =	sld [smem:$0x765]  }
0xee: {  	[smem:$0x79F] =	sst s20  }
0xef: {  	[smem:$0x7CE] =	sst s3  }
0xf0: {  	s2 =	smul.u32 $0x68DB8BAD, s2;
	s20 =	sld [smem:$0x764]  }
0xf1: {  	(v2sf) =	vpush v6, $0xD;
	s24 =	spop (v2sf);
	s3 =	sadd.s32 s26, s25;
	s25 =	sld [smem:$0x767]  }
0xf2: {  	(v2sf) =	vpush v6, $0xC;
	s28 =	smulhi.u32 $0x68DB8BAD, s24;
	[smem:$0x7A0] =	sst s2  }
0xf3: {  	(v2sf) =	vpush v6, $0xE;
	[smem:$0x7D0] =	sst s3  }
0xf4: {  	[smem:$0x7A1] =	sst s28  }
0xf5: {  	s2 =	sshra.s32 s24, $0x1F;
	s24 =	sld [smem:$0x766]  }
0xf6: {  	s31 =	spop (v2sf);
	s28 =	sld [smem:$0x768]  }
0xf7: {  	s22 =	smulhi.u32 $0x68DB8BAD, s31;
	s3 =	sadd.s32 s30, s29;
	s29 =	sld [smem:$0x769]  }
0xf8: {  	[smem:$0x7D3] =	sst s3  }
0xf9: {  	[smem:$0x7A3] =	sst s22  }
0xfa: {  	s3 =	sadd.s32 s21, s20;
	s20 =	sld [smem:$0x76C]  }
0xfb: {  	s2 =	smul.u32 $0x68DB8BAD, s2;
	s22 =	sld [smem:$0x76D]  }
0xfc: {  	[smem:$0x7D5] =	sst s3  }
0xfd: {  	[smem:$0x7A2] =	sst s2  }
0xfe: {  	s0 =	smul.u32 $0x68DB8BAD, s0;
	s2 =	sshra.s32 s31, $0x1F;
	s31 =	sld [smem:$0x76A]  }
0xff: {  	s3 =	sadd.s32 s25, s24;
	s24 =	sld [smem:$0x76E]  }
0x100: {  	s26 =	spop (v2sf);
	s0 =	sadd.s32 s0, s29;
	[smem:$0x7CB] =	sst s3  }
0x101: {  	s30 =	spop (v2sf);
	[smem:$0x7CF] =	sst s0  }
0x102: {  	s21 =	spop (v2sf);
	s3 =	sadd.s32 s10, s28;
	s10 =	sld [smem:$0x76B]  }
0x103: {  	s25 =	smulhi.u32 $0x68DB8BAD, s21;
	s28 =	sld [smem:$0x770]  }
0x104: {  	s2 =	smul.u32 $0x68DB8BAD, s2;
	[smem:$0x7CD] =	sst s3  }
0x105: {  	s1 =	smul.u32 $0x68DB8BAD, s1;
	[smem:$0x7A7] =	sst s25  }
0x106: {  	s4 =	smulhi.u32 $0x68DB8BAD, s26;
	[smem:$0x7A4] =	sst s2  }
0x107: {  	(v2sf) =	vpush v6, $0xF;
	s0 =	sshra.s32 s30, $0x1F;
	s2 =	sshra.s32 s26, $0x1F;
	s26 =	sld [smem:$0x76F]  }
0x108: {  	(v2sf) =	vpush v6, $0x9;
	s0 =	smul.u32 $0x68DB8BAD, s0;
	s1 =	sadd.s32 s1, s31;
	s31 =	sld [smem:$0x772]  }
0x109: {  	[smem:$0x7D1] =	sst s1  }
0x10a: {  	s3 =	smul.u32 $0x68DB8BAD, s2;
	[smem:$0x7A6] =	sst s0  }
0x10b: {  	s2 =	smulhi.u32 $0x68DB8BAD, s30;
	s30 =	sld [smem:$0x771]  }
0x10c: {  	s1 =	sadd.s32 s20, s10;
	s10 =	sld [smem:$0x773]  }
0x10d: {  	s20 =	sld [smem:$0x774]  }
0x10e: {  	[smem:$0x7D2] =	sst s1  }
0x10f: {  	s1 =	sadd.s32 s24, s22;
	s22 =	sld [smem:$0x775]  }
0x110: {  	s24 =	sld [smem:$0x776]  }
0x111: {  	(v2sf) =	vpush v6, $0x8;
	[smem:$0x7A5] =	sst s2  }
0x112: {  	[smem:$0x7D4] =	sst s1  }
0x113: {  	s0 =	sshra.s32 s21, $0x1F;
	s1 =	sadd.s32 s28, s26;
	s26 =	sld [smem:$0x777]  }
0x114: {  	s0 =	smul.u32 $0x68DB8BAD, s0;
	s28 =	sld [smem:$0x778]  }
0x115: {  	[smem:$0x7D6] =	sst s1  }
0x116: {  	s29 =	spop (v2sf);
	[smem:$0x7A8] =	sst s0  }
0x117: {  	s21 =	spop (v2sf);
	s1 =	sadd.s32 s31, s30;
	s30 =	sld [smem:$0x779]  }
0x118: {  	s2 =	smulhi.u32 $0x68DB8BAD, s29;
	s31 =	sld [smem:$0x77A]  }
0x119: {  	s25 =	smulhi.u32 $0x68DB8BAD, s21;
	[smem:$0x7C9] =	sst s1  }
0x11a: {  	[smem:$0x7A9] =	sst s2  }
0x11b: {  	[smem:$0x7AB] =	sst s25  }
0x11c: {  	(v2sf) =	vpush v6, $0xA;
	s1 =	sadd.s32 s20, s10;
	s10 =	sld [smem:$0x77B]  }
0x11d: {  	s20 =	sld [smem:$0x77C]  }
0x11e: {  	s0 =	sshra.s32 s29, $0x1F;
	[smem:$0x7D7] =	sst s1  }
0x11f: {  	s0 =	smul.u32 $0x68DB8BAD, s0;
	s1 =	sadd.s32 s24, s22;
	s22 =	sld [smem:$0x77D]  }
0x120: {  	s29 =	spop (v2sf);
	s24 =	sld [smem:$0x77E]  }
0x121: {  	s2 =	smulhi.u32 $0x68DB8BAD, s29;
	[smem:$0x7AA] =	sst s0  }
0x122: {  	[smem:$0x7D8] =	sst s1  }
0x123: {  	[smem:$0x7AD] =	sst s2  }
0x124: {  	s1 =	sadd.s32 s28, s26;
	s26 =	sld [smem:$0x77F]  }
0x125: {  	s28 =	sld [smem:$0x780]  }
0x126: {  	[smem:$0x7D9] =	sst s1  }
0x127: {  	(v2sf) =	vpush v6, $0xB;
	s1 =	sadd.s32 s31, s30;
	s30 =	sld [smem:$0x781]  }
0x128: {  	s31 =	sld [smem:$0x782]  }
0x129: {  	s0 =	sshra.s32 s21, $0x1F;
	[smem:$0x7DB] =	sst s1  }
0x12a: {  	s0 =	smul.u32 $0x68DB8BAD, s0;
	s1 =	sadd.s32 s20, s10;
	s10 =	sld [smem:$0x783]  }
0x12b: {  	s21 =	spop (v2sf);
	s20 =	sld [smem:$0x784]  }
0x12c: {  	s25 =	smulhi.u32 $0x68DB8BAD, s21;
	[smem:$0x7AC] =	sst s0  }
0x12d: {  	[smem:$0x7DD] =	sst s1  }
0x12e: {  	[smem:$0x7AF] =	sst s25  }
0x12f: {  	s1 =	sadd.s32 s24, s22;
	s22 =	sld [smem:$0x785]  }
0x130: {  	s24 =	sld [smem:$0x786]  }
0x131: {  	[smem:$0x7DF] =	sst s1  }
0x132: {  	s1 =	sadd.s32 s28, s26;
	s26 =	sld [smem:$0x787]  }
0x133: {  	s28 =	sld [smem:$0x788]  }
0x134: {  	s0 =	sshra.s32 s29, $0x1F;
	[smem:$0x7E1] =	sst s1  }
0x135: {  	s0 =	smul.u32 $0x68DB8BAD, s0;
	s1 =	sadd.s32 s31, s30;
	s30 =	sld [smem:$0x789]  }
0x136: {  	s29 =	spop (v2sf);
	s31 =	sld [smem:$0x78A]  }
0x137: {  	(v2sf) =	vpush v6, $0x0;
	s2 =	smulhi.u32 $0x68DB8BAD, s29;
	[smem:$0x7AE] =	sst s0  }
0x138: {  	[smem:$0x7E4] =	sst s1  }
0x139: {  	[smem:$0x7B1] =	sst s2  }
0x13a: {  	s1 =	sadd.s32 s20, s10;
	s20 =	sld [smem:$0x78B]  }
0x13b: {  	s2 =	sadd.s32 s15, s13;
	s13 =	sadd.s32 s17, s16;
	s16 =	sld [smem:$0x79A]  }
0x13c: {  	(v2sf) =	vpush v6, $0x1;
	s17 =	sadd.s32 s9, s11;
	s11 =	sld [smem:$0x79C]  }
0x13d: {  	s9 =	sadd.s32 s7, s6;
	s6 =	sld [smem:$0x7A0]  }
0x13e: {  	s7 =	sld [smem:$0x7A1]  }
0x13f: {  	[smem:$0x7DC] =	sst s1  }
0x140: {  	(v2sf) =	vpush v6, $0x2;
	s1 =	sadd.s32 s24, s22;
	s24 =	sld [smem:$0x78D]  }
0x141: {  	[smem:$0x7ED] =	sst s2  }
0x142: {  	[smem:$0x7EF] =	sst s13  }
0x143: {  	[smem:$0x7EB] =	sst s17  }
0x144: {  	s2 =	sld [smem:$0x79B]  }
0x145: {  	[smem:$0x7F0] =	sst s9  }
0x146: {  	s0 =	sshra.s32 s21, $0x1F;
	s21 =	spop (v2sf);
	s13 =	sld [smem:$0x79E]  }
0x147: {  	s0 =	smul.u32 $0x68DB8BAD, s0;
	[smem:$0x7DE] =	sst s1  }
0x148: {  	(v2sf) =	vpush v6, $0x3;
	s25 =	smulhi.u32 $0x68DB8BAD, s21;
	s1 =	sadd.s32 s28, s26;
	s28 =	sld [smem:$0x78F]  }
0x149: {  	[smem:$0x7B0] =	sst s0  }
0x14a: {  	[smem:$0x7B3] =	sst s25  }
0x14b: {  	s0 =	sshra.s32 s29, $0x1F;
	[smem:$0x7E0] =	sst s1;
	s29 =	spop (v2sf)  }
0x14c: {  	s1 =	sadd.s32 s31, s30;
	s25 =	sld [smem:$0x78E];
	s0 =	smul.u32 $0x68DB8BAD, s0  }
0x14d: {  	[smem:$0x7E2] =	sst s1;
	s10 =	smulhi.u32 $0x68DB8BAD, s29  }
0x14e: {  	(v2sf) =	vpush v6, $0x4;
	[smem:$0x7B2] =	sst s0  }
0x14f: {  	s22 =	spop (v2sf);
	[smem:$0x7B5] =	sst s10  }
0x150: {  	s26 =	smulhi.u32 $0x68DB8BAD, s22;
	s0 =	sshra.s32 s21, $0x1F;
	s21 =	sld [smem:$0x78C]  }
0x151: {  	(v2sf) =	vpush v6, $0x5;
	s10 =	sld [smem:$0x791]  }
0x152: {  	s0 =	smul.u32 $0x68DB8BAD, s0;
	[smem:$0x7B6] =	sst s26  }
0x153: {  	s26 =	sld [smem:$0x795]  }
0x154: {  	[smem:$0x7B4] =	sst s0  }
0x155: {  	s0 =	sshra.s32 s29, $0x1F;
	s29 =	sld [smem:$0x790]  }
0x156: {  	(v2sf) =	vpush v6, $0x6;
	s1 =	sadd.s32 s21, s20;
	s20 =	sld [smem:$0x792]  }
0x157: {  	v9 =	vld [tilespmem:s23+$0x60];
	s31 =	spop (v2sf);
	s21 =	sld [smem:$0x793]  }
0x158: {  	(v2sf) =	vpush v6, $0x7;
	[smem:$0x7E3] =	sst s1;
	s30 =	smul.u32 $0x68DB8BAD, s0  }
0x159: {  	s1 =	sadd.s32 s25, s24;
	s0 =	sshra.s32 s22, $0x1F;
	s22 =	sld [smem:$0x794]  }
0x15a: {  	[smem:$0x7E5] =	sst s1;
	s1 =	sadd.s32 s29, s28;
	s28 =	smul.u32 $0x68DB8BAD, s0  }
0x15b: {  	s29 =	smulhi.u32 $0x68DB8BAD, s31;
	s0 =	sshra.s32 s31, $0x1F;
	s31 =	sld [smem:$0x796]  }
0x15c: {  	(v2sf) =	vpush v9, $0xD;
	[smem:$0x7E6] =	sst s1  }
0x15d: {  	s24 =	spop (v2sf);
	s1 =	sadd.s32 s20, s10;
	s10 =	sld [smem:$0x797]  }
0x15e: {  	s25 =	smul.u32 $0x68DB8BAD, s0;
	s0 =	sshra.s32 s24, $0x1F;
	s20 =	sld [smem:$0x798]  }
0x15f: {  	(v2sf) =	vpush v9, $0xC;
	[smem:$0x7DA] =	sst s1;
	s1 =	sadd.s32 s22, s21;
	s22 =	smul.u32 $0x68DB8BAD, s0  }
0x160: {  	s21 =	spop (v2sf);
	[smem:$0x7E7] =	sst s1  }
0x161: {  	(v2sf) =	vpush v9, $0xE;
	s1 =	sadd.s32 s31, s26;
	s26 =	smulhi.u32 $0x68DB8BAD, s24;
	s31 =	sld [smem:$0x799]  }
0x162: {  	s24 =	smulhi.u32 $0x68DB8BAD, s21;
	s25 =	sadd.s32 s25, s29;
	[smem:$0x7E8] =	sst s1  }
0x163: {  	s0 =	sshra.s32 s21, $0x1F;
	s1 =	sadd.s32 s20, s10;
	[dreg:$0x1c] =	wrdreg s25  }
0x164: {  	s20 =	smul.u32 $0x68DB8BAD, s0;
	[smem:$0x7EA] =	sst s1;
	s22 =	sadd.s32 s22, s26  }
0x165: {  	(v2sf) =	vpush v9, $0xF;
	s10 =	spop (v2sf);
	s1 =	sadd.s32 s14, s31;
	[dreg:$0x1b] =	wrdreg s22  }
0x166: {  	s21 =	smulhi.u32 $0x68DB8BAD, s10;
	s14 =	sadd.s32 s19, s18;
	[smem:$0x7EC] =	sst s1  }
0x167: {  	s0 =	sshra.s32 s10, $0x1F;
	s15 =	spop (v2sf);
	[smem:$0x7F1] =	sst s14  }
0x168: {  	(v2sf) =	vpush v9, $0x9;
	s20 =	sadd.s32 s20, s24;
	s1 =	sadd.s32 s16, s12;
	s12 =	sld [smem:$0x79D]  }
0x169: {  	s18 =	smul.u32 $0x68DB8BAD, s0;
	[dreg:$0x1a] =	wrdreg s20  }
0x16a: {  	s19 =	smulhi.u32 $0x68DB8BAD, s15;
	s0 =	sshra.s32 s15, $0x1F;
	[dreg:$0x1d] =	wrdreg s1  }
0x16b: {  	s31 =	spop (v2sf);
	s1 =	sadd.s32 s2, s8;
	s8 =	sld [smem:$0x7A2]  }
0x16c: {  	s16 =	smul.u32 $0x68DB8BAD, s0;
	s2 =	sadd.s32 s3, s4;
	s4 =	sld [smem:$0x7A5]  }
0x16d: {  	s17 =	smulhi.u32 $0x68DB8BAD, s31;
	s0 =	sshra.s32 s31, $0x1F;
	[smem:$0x7EE] =	sst s1  }
0x16e: {  	s10 =	spop (v2sf);
	s1 =	sadd.s32 s11, s5;
	s5 =	sld [smem:$0x79F]  }
0x16f: {  	(v2sf) =	vpush v9, $0x8;
	s14 =	smul.u32 $0x68DB8BAD, s0;
	s11 =	sld [smem:$0x7A3]  }
0x170: {  	s0 =	sshra.s32 s10, $0x1F;
	s31 =	spop (v2sf);
	[smem:$0x7F6] =	sst s2  }
0x171: {  	[smem:$0x7F2] =	sst s1;
	s1 =	sadd.s32 s13, s12;
	s12 =	smul.u32 $0x68DB8BAD, s0  }
0x172: {  	s13 =	smulhi.u32 $0x68DB8BAD, s31;
	s0 =	sshra.s32 s31, $0x1F;
	s31 =	sld [smem:$0x7A4]  }
0x173: {  	s15 =	smulhi.u32 $0x68DB8BAD, s10;
	[smem:$0x7F3] =	sst s1  }
0x174: {  	(v2sf) =	vpush v9, $0xA;
	s9 =	spop (v2sf);
	s1 =	sadd.s32 s6, s5;
	s5 =	sld [smem:$0x7A6]  }
0x175: {  	s10 =	smul.u32 $0x68DB8BAD, s0;
	s0 =	sshra.s32 s9, $0x1F;
	s6 =	sld [smem:$0x7A7]  }
0x176: {  	[smem:$0x7F4] =	sst s1;
	s1 =	sadd.s32 s8, s7;
	s8 =	smul.u32 $0x68DB8BAD, s0  }
0x177: {  	s3 =	spop (v2sf);
	s7 =	sld [smem:$0x7A8]  }
0x178: {  	[smem:$0x7F5] =	sst s1;
	s1 =	sadd.s32 s31, s11;
	s11 =	smulhi.u32 $0x68DB8BAD, s9  }
0x179: {  	s9 =	smulhi.u32 $0x68DB8BAD, s3;
	s0 =	sshra.s32 s3, $0x1F;
	s3 =	sld [smem:$0x7A9]  }
0x17a: {  	[smem:$0x7E9] =	sst s1  }
0x17b: {  	s1 =	sadd.s32 s5, s4;
	s4 =	sld [smem:$0x7AA]  }
0x17c: {  	s5 =	sld [smem:$0x7AB]  }
0x17d: {  	[smem:$0x7F7] =	sst s1;
	s1 =	sadd.s32 s7, s6;
	s7 =	smul.u32 $0x68DB8BAD, s0  }
0x17e: {  	[smem:$0x7F8] =	sst s1;
	s31 =	spop (v2sf)  }
0x17f: {  	s6 =	smulhi.u32 $0x68DB8BAD, s31;
	s0 =	sshra.s32 s31, $0x1F;
	s31 =	sld [smem:$0x7AC]  }
0x180: {  	s1 =	sadd.s32 s4, s3;
	s4 =	sld [smem:$0x7AD]  }
0x181: {  	[smem:$0x7F9] =	sst s1  }
0x182: {  	s1 =	sadd.s32 s31, s5;
	s31 =	sld [smem:$0x7AE]  }
0x183: {  	(v2sf) =	vpush v9, $0xB;
	s2 =	sld [smem:$0x7B1];
	s3 =	spop (v2sf)  }
0x184: {  	s5 =	smul.u32 $0x68DB8BAD, s0;
	s0 =	sshra.s32 s3, $0x1F;
	[smem:$0x7FA] =	sst s1  }
0x185: {  	s1 =	sadd.s32 s31, s4;
	s4 =	smulhi.u32 $0x68DB8BAD, s3;
	s3 =	sld [smem:$0x7AF]  }
0x186: {  	(v2sf) =	vpush v9, $0x0;
	s18 =	sadd.s32 s18, s21;
	s31 =	sld [smem:$0x7B0]  }
0x187: {  	[dreg:$0x18] =	wrdreg s18  }
0x188: {  	(v2sf) =	vpush v9, $0x1;
	[smem:$0x7FB] =	sst s1  }
0x189: {  	s14 =	sadd.s32 s14, s17;
	s1 =	sadd.s32 s31, s3;
	s31 =	sld [smem:$0x7B2]  }
0x18a: {  	(v2sf) =	vpush v9, $0x2;
	[dreg:$0x17] =	wrdreg s14  }
0x18b: {  	[dreg:$0x1e] =	wrdreg s1  }
0x18c: {  	(v2sf) =	vpush v9, $0x3;
	s1 =	sadd.s32 s31, s2;
	s31 =	sld [smem:$0x7B4]  }
0x18d: {  	[dreg:$0x19] =	wrdreg s1  }
0x18e: {  	(v2sf) =	vpush v9, $0x4;
	s10 =	sadd.s32 s10, s13;
	s1 =	sld [smem:$0x7B3]  }
0x18f: {  	[dreg:$0x16] =	wrdreg s10;
	s8 =	sadd.s32 s8, s11  }
0x190: {  	(v2sf) =	vpush v9, $0x5;
	[dreg:$0x15] =	wrdreg s8  }
0x191: {  	s1 =	sadd.s32 s31, s1;
	s31 =	sld [smem:$0x7B5]  }
0x192: {  	(v2sf) =	vpush v9, $0x6;
	s3 =	smul.u32 $0x68DB8BAD, s0;
	s0 =	spop (v2sf)  }
0x193: {  	v10 =	vld [tilespmem:s23+$0x70];
	s2 =	smulhi.u32 $0x68DB8BAD, s0;
	[smem:$0x7FC] =	sst s1  }
0x194: {  	(v2sf) =	vpush v9, $0x7;
	s0 =	sshra.s32 s0, $0x1F;
	s30 =	sadd.s32 s30, s31;
	s31 =	sld [smem:$0x7B6]  }
0x195: {  	s1 =	smul.u32 $0x68DB8BAD, s0;
	s0 =	spop (v2sf)  }
0x196: {  	[smem:$0x7FD] =	sst s30;
	s30 =	smulhi.u32 $0x68DB8BAD, s0;
	s0 =	sshra.s32 s0, $0x1F  }
0x197: {  	s0 =	smul.u32 $0x68DB8BAD, s0;
	s28 =	sadd.s32 s28, s31;
	s31 =	spop (v2sf)  }
0x198: {  	(v2sf) =	vpush v10, $0xD;
	[dreg:$0x1f] =	wrdreg s28;
	s25 =	smulhi.u32 $0x68DB8BAD, s31;
	s28 =	sshra.s32 s31, $0x1F  }
0x199: {  	s7 =	sadd.s32 s7, s9;
	s29 =	spop (v2sf);
	s22 =	smul.u32 $0x68DB8BAD, s28  }
0x19a: {  	[dreg:$0x14] =	wrdreg s7;
	s20 =	smulhi.u32 $0x68DB8BAD, s29;
	s31 =	sshra.s32 s29, $0x1F  }
0x19b: {  	(v2sf) =	vpush v10, $0xC;
	s24 =	spop (v2sf);
	s18 =	smul.u32 $0x68DB8BAD, s31  }
0x19c: {  	s29 =	sadd.s32 s16, s19;
	s16 =	smulhi.u32 $0x68DB8BAD, s24;
	s26 =	sshra.s32 s24, $0x1F  }
0x19d: {  	s28 =	spop (v2sf);
	s14 =	smul.u32 $0x68DB8BAD, s26  }
0x19e: {  	s19 =	sadd.s32 s12, s15;
	s12 =	smulhi.u32 $0x68DB8BAD, s28;
	s31 =	sshra.s32 s28, $0x1F  }
0x19f: {  	s5 =	sadd.s32 s5, s6;
	s15 =	spop (v2sf);
	s10 =	smul.u32 $0x68DB8BAD, s31  }
0x1a0: {  	[dreg:$0x13] =	wrdreg s5;
	s8 =	smulhi.u32 $0x68DB8BAD, s15;
	s17 =	sshra.s32 s15, $0x1F  }
0x1a1: {  	s3 =	sadd.s32 s3, s4;
	s21 =	spop (v2sf);
	s7 =	smul.u32 $0x68DB8BAD, s17  }
0x1a2: {  	[dreg:$0x12] =	wrdreg s3;
	s5 =	smulhi.u32 $0x68DB8BAD, s21;
	s24 =	sshra.s32 s21, $0x1F  }
0x1a3: {  	s6 =	spop (v2sf);
	s26 =	smul.u32 $0x68DB8BAD, s24  }
0x1a4: {  	s1 =	sadd.s32 s1, s2;
	s9 =	smulhi.u32 $0x68DB8BAD, s6;
	s11 =	sshra.s32 s6, $0x1F  }
0x1a5: {  	[dreg:$0x11] =	wrdreg s1;
	s31 =	sadd.s32 s22, s25;
	s13 =	smul.u32 $0x68DB8BAD, s11  }
0x1a6: {  	s21 =	sadd.s32 s18, s20;
	s11 =	sld [smem:$0x7BA];
	s25 =	sadd.s32 s26, s5  }
0x1a7: {  	s15 =	spop (v2sf);
	s26 =	sadd.s32 s13, s9;
	s9 =	sld [smem:$0x7B9]  }
0x1a8: {  	s13 =	sld [smem:$0x7B8];
	s17 =	smulhi.u32 $0x68DB8BAD, s15;
	s2 =	sshra.s32 s15, $0x1F  }
0x1a9: {  	s24 =	sadd.s32 s10, s12;
	s15 =	sld [smem:$0x7BB];
	s2 =	smul.u32 $0x68DB8BAD, s2  }
0x1aa: {  	s10 =	sshrl.u32 s9, $0x1F;
	s3 =	sshra.s32 s9, $0xC;
	s18 =	spop (v2sf)  }
0x1ab: {  	s9 =	sld [smem:$0x7BD];
	s20 =	smulhi.u32 $0x68DB8BAD, s18;
	s6 =	sshra.s32 s18, $0x1F  }
0x1ac: {  	s4 =	sadd.s32 s2, s17;
	s17 =	sld [smem:$0x7BC];
	s6 =	smul.u32 $0x68DB8BAD, s6  }
0x1ad: {  	s28 =	sadd.s32 s14, s16;
	s22 =	sadd.s32 s7, s8;
	[dreg:$0x10] =	wrdreg s4  }
0x1ae: {  	s14 =	sshrl.u32 s11, $0x1F;
	s5 =	sadd.s32 s6, s20;
	s6 =	sld [smem:$0x7B7]  }
0x1af: {  	vm1 =	vcmask $0x300;
	s12 =	sshra.s32 s11, $0xC;
	v13 =	vmov s14;
	s8 =	sshra.s32 s13, $0x1F;
	[dreg:$0xf] =	wrdreg s5  }
0x1b0: {  	vm11 =	vcmask $0x704;
	v13 =	vnsel vm1, $0x0, v13;
	v11 =	vmov s8;
	s20 =	sshrl.u32 s17, $0x1F;
	s5 =	sshra.s32 s11, $0x1F;
	s11 =	sld [smem:$0x7BE]  }
0x1b1: {  	v12 =	vmov s10;
	s16 =	sshrl.u32 s15, $0x1F;
	v11 =	vsel vm1, s12, v11;
	v13 =	vsel vm7, s20, v13;
	s20 =	sld [smem:$0x7C1];
	s7 =	sshrl.u32 s6, $0x1F  }
0x1b2: {  	s10 =	sshrl.u32 s9, $0x1F;
	s2 =	sshra.s32 s9, $0xC;
	s18 =	sshra.s32 s17, $0xC;
	v11 =	vsel vm11, s5, v11;
	v12 =	vsel vm7, s7, v12  }
0x1b3: {  	vm8 =	vcmask $0xF0C;
	s8 =	sshra.s32 s17, $0x1F;
	v11 =	vsel vm7, s18, v11;
	s12 =	sshrl.u32 s11, $0x1F;
	v12 =	vsel vm2, s16, v12;
	s16 =	sld [smem:$0x7BF]  }
0x1b4: {  	v11 =	vsel vm8, s8, v11;
	s14 =	sshra.s32 s11, $0xC;
	s9 =	sshrl.u32 s20, $0x1F;
	v13 =	vsel vm2, s12, v13;
	v12 =	vsel vm3, s10, v12;
	s10 =	sld [smem:$0x7C0]  }
0x1b5: {  	vm13 =	vcmask $0x1714;
	s5 =	sshra.s32 s15, $0xC;
	s15 =	sshra.s32 s11, $0x1F;
	v11 =	vsel vm2, s14, v11;
	v13 =	vsel vm3, s9, v13;
	s9 =	sld [smem:$0x7C2]  }
0x1b6: {  	s30 =	sadd.s32 s0, s30;
	s1 =	sshra.s32 s6, $0xC;
	v11 =	vsel vm13, s15, v11;
	s15 =	sld [smem:$0x7C3]  }
0x1b7: {  	s11 =	sshra.s32 s20, $0xC;
	s8 =	sld [smem:$0x7C4];
	s12 =	sshra.s32 s20, $0x1F  }
0x1b8: {  	v11 =	vsel vm3, s11, v11;
	s11 =	sld [smem:$0x7C5];
	s17 =	sshrl.u32 s16, $0x1F;
	s18 =	sshrl.u32 s10, $0x1F  }
0x1b9: {  	vm4 =	vmmov vm14;
	s0 =	sshra.s32 s16, $0xC;
	s14 =	sshrl.u32 s9, $0x1F;
	s16 =	sshrl.u32 s15, $0x1F;
	v14 =	vmov s18  }
0x1ba: {  	s20 =	sshra.s32 s15, $0xC;
	s15 =	sshra.s32 s15, $0x1F;
	v15 =	vsel vm14, s16, v13;
	vm14 =	vcmask $0x1F1C;
	s16 =	sld [smem:$0x7C6];
	v14 =	vsel vm7, s17, v14  }
0x1bb: {  	v24 =	vmov s3;
	s3 =	sshra.s32 s9, $0xC;
	s18 =	sshrl.u32 s11, $0x1F;
	v11 =	vsel vm14, s12, v11;
	v14 =	vsel vm2, s14, v14;
	s14 =	sshra.s32 s10, $0xC  }
0x1bc: {  	s9 =	sshra.s32 s11, $0x1F;
	s17 =	sshrl.u32 s8, $0x1F;
	v11 =	vsel vm4, s20, v11;
	v16 =	vmov s14;
	s14 =	sld [smem:$0x7C7]  }
0x1bd: {  	v23 =	vsel vm5, s18, v15;
	s20 =	sshra.s32 s11, $0xC;
	v13 =	vsel vm3, s17, v14;
	s17 =	sshrl.u32 s16, $0x1F;
	v11 =	vsel vm12, s15, v11;
	s15 =	sld [smem:$0x7C8]  }
0x1be: {  	s18 =	sshrl.u32 s13, $0x1F;
	s11 =	sshra.s32 s16, $0xC;
	v14 =	vsel vm15, s17, v23;
	v11 =	vsel vm5, s20, v11;
	s20 =	sld [smem:$0x7CB]  }
0x1bf: {  	s12 =	sshra.s32 s16, $0x1F;
	v14 =	vsel vm0, s18, v14;
	s18 =	sld [smem:$0x7CA];
	s6 =	sshrl.u32 s14, $0x1F  }
0x1c0: {  	vm6 =	vmmov vm15;
	v25 =	vsel vm7, s0, v16;
	v11 =	vsel vm9, s9, v11;
	s0 =	sshra.s32 s14, $0xC;
	s16 =	sshrl.u32 s15, $0x1F;
	s14 =	sld [smem:$0x7C9]  }
0x1c1: {  	v15 =	vsel vm7, s1, v24;
	s1 =	sshra.s32 s8, $0xC;
	s13 =	sshra.s32 s13, $0xC;
	v11 =	vsel vm6, s11, v11;
	v28 =	vmov s16;
	s16 =	sld [smem:$0x7CD]  }
0x1c2: {  	v15 =	vsel vm2, s5, v15;
	v11 =	vsel vm10, s12, v11;
	s10 =	sshra.s32 s20, $0xC;
	s11 =	sshrl.u32 s20, $0x1F;
	s12 =	sshra.s32 s20, $0x1F  }
0x1c3: {  	v17 =	vsel vm3, s2, v15;
	v15 =	vsel vm2, s3, v25;
	s4 =	sshrl.u32 s18, $0x1F;
	v18 =	vsel vm0, s13, v11;
	s13 =	sld [smem:$0x7CC];
	s17 =	sshra.s32 s14, $0x1F  }
0x1c4: {  	v20 =	vsel vm3, s1, v15;
	s1 =	sshra.s32 s18, $0xC;
	v29 =	vmov s11;
	s11 =	sld [smem:$0x7CF];
	v26 =	vmov s17;
	s17 =	sshra.s32 s16, $0xC  }
0x1c5: {  	s18 =	sshrl.u32 s16, $0x1F;
	s20 =	sshra.s32 s16, $0x1F;
	s16 =	sld [smem:$0x7D0];
	v27 =	vsel vm1, s10, v26  }
0x1c6: {  	s8 =	sld [smem:$0x7CE];
	s3 =	sshra.s32 s15, $0xC;
	v16 =	vnsel vm1, $0x0, v29;
	s15 =	sshrl.u32 s13, $0x1F;
	v11 =	vsel vm11, s12, v27  }
0x1c7: {  	s5 =	sshra.s32 s13, $0xC;
	v16 =	vsel vm7, s18, v16;
	s18 =	sld [smem:$0x7D1];
	s12 =	sshrl.u32 s11, $0x1F;
	v11 =	vsel vm7, s17, v11  }
0x1c8: {  	s13 =	sshra.s32 s11, $0xC;
	v16 =	vsel vm2, s12, v16;
	s17 =	sshrl.u32 s16, $0x1F;
	s12 =	sld [smem:$0x7D4];
	v11 =	vsel vm8, s20, v11  }
0x1c9: {  	v15 =	vsel vm7, s6, v28;
	s10 =	sshrl.u32 s8, $0x1F;
	v19 =	vmov s17;
	v11 =	vsel vm2, s13, v11;
	s13 =	sld [smem:$0x7D2]  }
0x1ca: {  	v15 =	vsel vm2, s4, v15;
	s4 =	sshra.s32 s8, $0xC;
	v19 =	vsel vm7, s10, v19;
	s10 =	sld [smem:$0x7D3]  }
0x1cb: {  	v15 =	vsel vm3, s15, v15;
	s15 =	sshra.s32 s11, $0x1F;
	s2 =	sshra.s32 s16, $0xC;
	s20 =	sshrl.u32 s18, $0x1F  }
0x1cc: {  	s9 =	sshra.s32 s18, $0xC;
	s11 =	sshra.s32 s18, $0x1F;
	v11 =	vsel vm13, s15, v11;
	s16 =	sshrl.u32 s12, $0x1F  }
0x1cd: {  	v11 =	vsel vm3, s9, v11;
	s9 =	sld [smem:$0x7D5];
	s7 =	sshrl.u32 s13, $0x1F;
	s15 =	sshrl.u32 s10, $0x1F  }
0x1ce: {  	v16 =	vsel vm3, s20, v16;
	v11 =	vsel vm14, s11, v11;
	s11 =	sld [smem:$0x7D6];
	s20 =	sshra.s32 s13, $0xC;
	s6 =	sshra.s32 s10, $0xC  }
0x1cf: {  	s10 =	sshra.s32 s14, $0xC;
	v16 =	vsel vm4, s7, v16;
	v19 =	vsel vm2, s15, v19;
	v11 =	vsel vm4, s20, v11;
	s15 =	sshra.s32 s13, $0x1F;
	s13 =	sld [smem:$0x7D8]  }
0x1d0: {  	v30 =	vmov s3;
	v16 =	vsel vm5, s16, v16;
	s17 =	sshrl.u32 s9, $0x1F;
	s16 =	sshrl.u32 s14, $0x1F;
	v11 =	vsel vm12, s15, v11;
	s15 =	sld [smem:$0x7D9]  }
0x1d1: {  	s18 =	sshrl.u32 s11, $0x1F;
	v24 =	vsel vm3, s17, v19;
	s17 =	sshra.s32 s9, $0xC;
	v19 =	vsel vm7, s0, v30;
	s7 =	sshra.s32 s11, $0xC  }
0x1d2: {  	v21 =	vmov s2;
	s9 =	sshra.s32 s11, $0x1F;
	s11 =	sld [smem:$0x7D7];
	v16 =	vsel vm6, s18, v16;
	s18 =	sshra.s32 s12, $0xC;
	v19 =	vsel vm2, s1, v19  }
0x1d3: {  	v22 =	vsel vm7, s4, v21;
	s14 =	sshrl.u32 s13, $0x1F;
	v21 =	vsel vm3, s5, v19;
	s5 =	sshra.s32 s13, $0xC;
	s13 =	sld [smem:$0x7DA]  }
0x1d4: {  	v31 =	vsel vm2, s6, v22;
	v11 =	vsel vm5, s18, v11;
	s18 =	sld [smem:$0x7DC]  }
0x1d5: {  	s20 =	sshra.s32 s12, $0x1F;
	v23 =	vsel vm3, s17, v31;
	s17 =	sld [smem:$0x7DB]  }
0x1d6: {  	s6 =	sshrl.u32 s15, $0x1F;
	v33 =	vmov s14;
	s14 =	sld [smem:$0x7DE];
	v11 =	vsel vm9, s20, v11;
	s12 =	sshrl.u32 s11, $0x1F  }
0x1d7: {  	v16 =	vsel vm0, s16, v16;
	s0 =	sshra.s32 s11, $0xC;
	v11 =	vsel vm6, s7, v11;
	s16 =	sshra.s32 s13, $0x1F;
	s20 =	sshra.s32 s18, $0xC  }
0x1d8: {  	v11 =	vsel vm10, s9, v11;
	s9 =	sshrl.u32 s18, $0x1F;
	s11 =	sshra.s32 s18, $0x1F;
	s18 =	sld [smem:$0x7DF];
	v32 =	vmov s16  }
0x1d9: {  	s1 =	sshra.s32 s15, $0xC;
	s3 =	sshrl.u32 s17, $0x1F;
	v22 =	vsel vm0, s10, v11;
	v11 =	vsel vm7, s12, v33;
	v25 =	vmov s9;
	s12 =	sld [smem:$0x7DD]  }
0x1da: {  	s2 =	sshra.s32 s17, $0xC;
	s15 =	sshra.s32 s14, $0xC;
	s16 =	sshrl.u32 s14, $0x1F;
	v19 =	vsel vm1, s20, v32;
	v25 =	vnsel vm1, $0x0, v25  }
0x1db: {  	s17 =	sshra.s32 s14, $0x1F;
	v11 =	vsel vm2, s6, v11;
	v19 =	vsel vm11, s11, v19;
	s20 =	sshrl.u32 s18, $0x1F;
	v34 =	vsel vm7, s16, v25;
	s16 =	sld [smem:$0x7E1]  }
0x1dc: {  	s11 =	sld [smem:$0x7E0];
	s4 =	sshrl.u32 s12, $0x1F;
	v26 =	vsel vm7, s15, v19;
	v19 =	vsel vm3, s3, v11;
	s3 =	sshra.s32 s18, $0xC  }
0x1dd: {  	s7 =	sshra.s32 s12, $0xC;
	v36 =	vmov s20;
	s18 =	sld [smem:$0x7E2];
	v39 =	vmov s3;
	s3 =	sshra.s32 s13, $0xC  }
0x1de: {  	v35 =	vsel vm8, s17, v26;
	v26 =	vsel vm7, s4, v36;
	s17 =	sshrl.u32 s16, $0x1F;
	s4 =	sshra.s32 s16, $0xC;
	s16 =	sld [smem:$0x7E4]  }
0x1df: {  	s12 =	sshrl.u32 s11, $0x1F;
	s14 =	sshra.s32 s11, $0xC;
	v40 =	vsel vm7, s7, v39;
	s7 =	sld [smem:$0x7E8]  }
0x1e0: {  	s15 =	sshra.s32 s11, $0x1F;
	v11 =	vsel vm2, s12, v34;
	v25 =	vsel vm2, s14, v35;
	s20 =	sshrl.u32 s18, $0x1F;
	s12 =	sld [smem:$0x7E3]  }
0x1e1: {  	s14 =	sshra.s32 s18, $0xC;
	v25 =	vsel vm13, s15, v25;
	s15 =	sshra.s32 s18, $0x1F;
	s18 =	sld [smem:$0x7E5]  }
0x1e2: {  	v26 =	vsel vm2, s17, v26;
	v25 =	vsel vm3, s14, v25;
	s17 =	sshrl.u32 s16, $0x1F;
	s6 =	sshra.s32 s16, $0xC;
	s16 =	sshrl.u32 s13, $0x1F  }
0x1e3: {  	v11 =	vsel vm3, s20, v11;
	s13 =	sld [smem:$0x7EA];
	s10 =	sshrl.u32 s12, $0x1F;
	v25 =	vsel vm14, s15, v25;
	s14 =	sshra.s32 s12, $0xC  }
0x1e4: {  	s15 =	sshra.s32 s12, $0x1F;
	v11 =	vsel vm4, s10, v11;
	s10 =	sld [smem:$0x7E6];
	v28 =	vsel vm4, s14, v25  }
0x1e5: {  	s11 =	sshrl.u32 s7, $0x1F;
	v26 =	vsel vm3, s17, v26;
	s17 =	sshra.s32 s18, $0xC;
	s14 =	sld [smem:$0x7E9];
	v38 =	vsel vm12, s15, v28  }
0x1e6: {  	v45 =	vmov s11;
	s11 =	sld [smem:$0x7ED];
	s20 =	sshrl.u32 s18, $0x1F;
	s18 =	sshra.s32 s18, $0x1F;
	v29 =	vsel vm5, s17, v38  }
0x1e7: {  	v11 =	vsel vm5, s20, v11;
	s15 =	sld [smem:$0x7EB];
	s20 =	sshra.s32 s10, $0xC;
	v41 =	vsel vm9, s18, v29  }
0x1e8: {  	v27 =	vmov s5;
	s9 =	sshrl.u32 s10, $0x1F;
	s12 =	sshra.s32 s14, $0x1F;
	v28 =	vsel vm6, s20, v41;
	s20 =	sld [smem:$0x7EC]  }
0x1e9: {  	v37 =	vsel vm7, s0, v27;
	s5 =	sshrl.u32 s11, $0x1F;
	v11 =	vsel vm6, s9, v11;
	v42 =	vmov s12;
	s12 =	sld [smem:$0x7EE]  }
0x1ea: {  	s10 =	sshra.s32 s10, $0x1F;
	s17 =	sshrl.u32 s15, $0x1F;
	v25 =	vsel vm0, s16, v11;
	v11 =	vsel vm2, s1, v37;
	s1 =	sld [smem:$0x7E7]  }
0x1eb: {  	s18 =	sshra.s32 s15, $0x1F;
	s16 =	sshra.s32 s15, $0xC;
	v43 =	vsel vm10, s10, v28;
	v46 =	vmov s17;
	s17 =	sld [smem:$0x7EF]  }
0x1ec: {  	v27 =	vsel vm3, s2, v11;
	v11 =	vsel vm2, s4, v40;
	s4 =	sshrl.u32 s13, $0x1F;
	v30 =	vsel vm0, s3, v43;
	s8 =	sshrl.u32 s20, $0x1F;
	s3 =	sshra.s32 s20, $0xC  }
0x1ed: {  	v44 =	vsel vm1, s16, v42;
	s16 =	sshra.s32 s12, $0x1F;
	s20 =	sld [smem:$0x7F0];
	s9 =	sshrl.u32 s1, $0x1F  }
0x1ee: {  	v28 =	vsel vm11, s18, v44;
	s0 =	sshra.s32 s1, $0xC;
	s1 =	sshra.s32 s13, $0xC;
	s13 =	sshra.s32 s12, $0xC  }
0x1ef: {  	v32 =	vsel vm3, s6, v11;
	s18 =	sshrl.u32 s17, $0x1F;
	v11 =	vsel vm7, s9, v45;
	v28 =	vsel vm7, s13, v28;
	s9 =	sshra.s32 s17, $0xC;
	s17 =	sld [smem:$0x7F2]  }
0x1f0: {  	v29 =	vnsel vm1, $0x0, v46;
	s15 =	sshrl.u32 s12, $0x1F;
	v31 =	vsel vm8, s16, v28;
	s12 =	sshra.s32 s20, $0xC;
	s16 =	sld [smem:$0x7F1]  }
0x1f1: {  	s6 =	sshra.s32 s11, $0xC;
	v47 =	vsel vm7, s15, v29;
	s15 =	sshra.s32 s20, $0x1F;
	v48 =	vsel vm2, s12, v31;
	s12 =	rddreg [dreg:$0x1d]  }
0x1f2: {  	v49 =	vmov s18;
	s13 =	sshrl.u32 s20, $0x1F;
	v29 =	vsel vm13, s15, v48;
	s18 =	sshrl.u32 s17, $0x1F;
	s15 =	sld [smem:$0x7F3]  }
0x1f3: {  	v11 =	vsel vm2, s4, v11;
	s20 =	sshra.s32 s17, $0xC;
	s11 =	sshra.s32 s17, $0x1F;
	s17 =	sld [smem:$0x7F4]  }
0x1f4: {  	s2 =	sshra.s32 s7, $0xC;
	v28 =	vsel vm3, s8, v11;
	v11 =	vsel vm2, s13, v47;
	s13 =	sshrl.u32 s12, $0x1F  }
0x1f5: {  	v31 =	vsel vm7, s5, v49;
	s8 =	sshra.s32 s12, $0xC;
	s12 =	sld [smem:$0x7F6];
	s10 =	sshrl.u32 s16, $0x1F  }
0x1f6: {  	s4 =	sshra.s32 s16, $0xC;
	v11 =	vsel vm3, s18, v11;
	v29 =	vsel vm3, s20, v29;
	v31 =	vsel vm2, s10, v31;
	s16 =	sshrl.u32 s15, $0x1F;
	s18 =	sshrl.u32 s17, $0x1F  }
0x1f7: {  	v29 =	vsel vm14, s11, v29;
	s20 =	sshra.s32 s15, $0xC;
	v34 =	vsel vm3, s13, v31;
	s11 =	sshra.s32 s15, $0x1F;
	s13 =	sld [smem:$0x7F5]  }
0x1f8: {  	v33 =	vmov s2;
	s2 =	sshra.s32 s12, $0xC;
	v11 =	vsel vm4, s16, v11;
	v29 =	vsel vm4, s20, v29;
	s16 =	sshra.s32 s17, $0xC;
	s17 =	sshra.s32 s17, $0x1F  }
0x1f9: {  	v11 =	vsel vm5, s18, v11;
	v29 =	vsel vm12, s11, v29;
	s18 =	sshrl.u32 s14, $0x1F;
	s11 =	sshra.s32 s14, $0xC;
	s14 =	sld [smem:$0x7F7]  }
0x1fa: {  	(v2sf) =	vpush v10, $0xE;
	s15 =	sshrl.u32 s13, $0x1F;
	s20 =	sshra.s32 s13, $0xC;
	v29 =	vsel vm5, s16, v29;
	s16 =	sld [smem:$0x7F8]  }
0x1fb: {  	(v2sf) =	vpush v10, $0xF;
	s10 =	sshra.s32 s13, $0x1F;
	s13 =	sshrl.u32 s12, $0x1F;
	s12 =	sld [smem:$0x7FB];
	v11 =	vsel vm6, s15, v11;
	v29 =	vsel vm9, s17, v29  }
0x1fc: {  	v50 =	vsel vm7, s0, v33;
	v31 =	vsel vm0, s18, v11;
	s15 =	sshrl.u32 s14, $0x1F;
	s0 =	sshra.s32 s14, $0xC;
	v29 =	vsel vm6, s20, v29;
	s18 =	sld [smem:$0x7F9]  }
0x1fd: {  	v51 =	vmov s9;
	v11 =	vsel vm2, s1, v50;
	s17 =	sshrl.u32 s16, $0x1F;
	s5 =	sshra.s32 s16, $0xC;
	v29 =	vsel vm10, s10, v29;
	s10 =	sld [smem:$0x7FA]  }
0x1fe: {  	v52 =	vsel vm7, s6, v51;
	v36 =	vsel vm3, s3, v11;
	v53 =	vmov s15;
	s15 =	smov.u32 s29;
	s16 =	sshra.s32 s29, $0x1F;
	s29 =	sld [smem:$0x7FD]  }
0x1ff: {  	v11 =	vsel vm2, s4, v52;
	v39 =	vmov s0;
	v54 =	vsel vm7, s13, v53;
	s13 =	sld [smem:$0x7FC]  }
0x200: {  	(v2sf) =	vpush v10, $0x9;
	s7 =	sshra.s32 s12, $0xC;
	v38 =	vsel vm3, s8, v11;
	s8 =	sshrl.u32 s12, $0x1F;
	v39 =	vsel vm7, s2, v39;
	s2 =	rddreg [dreg:$0x15]  }
0x201: {  	(v2sf) =	vpush v10, $0x8;
	s20 =	sshrl.u32 s18, $0x1F;
	s1 =	sshra.s32 s18, $0xC;
	v11 =	vsel vm2, s17, v54;
	s17 =	rddreg [dreg:$0x1e]  }
0x202: {  	(v2sf) =	vpush v10, $0xA;
	v57 =	vmov s8;
	s8 =	sshra.s32 s19, $0xC;
	v39 =	vsel vm2, s5, v39;
	s5 =	rddreg [dreg:$0x14];
	s4 =	sshrl.u32 s10, $0x1F  }
0x203: {  	(v2sf) =	vpush v10, $0xB;
	s3 =	sshra.s32 s10, $0xC;
	s10 =	sshrl.u32 s17, $0x1F;
	s6 =	sshra.s32 s17, $0xC  }
0x204: {  	(v2sf) =	vpush v10, $0x0;
	s17 =	rddreg [dreg:$0x19];
	v42 =	vsel vm3, s1, v39;
	s1 =	sshra.s32 s31, $0x1F;
	s14 =	sshrl.u32 s13, $0x1F  }
0x205: {  	v35 =	vsel vm0, s11, v29;
	v40 =	vmov s7;
	v29 =	vsel vm3, s20, v11;
	s18 =	sshra.s32 s13, $0xC;
	s20 =	sshra.s32 s13, $0x1F;
	s11 =	sshrl.u32 s17, $0x1F  }
0x206: {  	v37 =	vmov s16;
	s9 =	sshra.s32 s17, $0xC;
	s13 =	rddreg [dreg:$0x1c];
	v40 =	vsel vm7, s3, v40;
	v55 =	vmov s14;
	s14 =	sshrl.u32 s29, $0x1F  }
0x207: {  	v56 =	vsel vm1, s18, v37;
	s16 =	sshrl.u32 s13, $0x1F;
	v37 =	vsel vm7, s4, v57;
	s4 =	sshra.s32 s13, $0xC;
	s12 =	sshra.s32 s13, $0x1F;
	v33 =	vnsel vm1, $0x0, v55  }
0x208: {  	v58 =	vsel vm2, s6, v40;
	v11 =	vsel vm11, s20, v56;
	s20 =	sshra.s32 s29, $0xC;
	s29 =	sshra.s32 s29, $0x1F;
	v33 =	vsel vm7, s14, v33;
	s14 =	rddreg [dreg:$0x1f]  }
0x209: {  	(v2sf) =	vpush v10, $0x1;
	v43 =	vsel vm3, s9, v58;
	s9 =	sshra.s32 s30, $0x1F;
	v11 =	vsel vm7, s20, v11;
	s20 =	rddreg [dreg:$0x1b];
	s18 =	sshrl.u32 s14, $0x1F  }
0x20a: {  	v37 =	vsel vm2, s10, v37;
	v11 =	vsel vm8, s29, v11;
	s17 =	sshra.s32 s14, $0xC;
	s10 =	sshra.s32 s20, $0x1F;
	s29 =	rddreg [dreg:$0x11];
	v33 =	vsel vm2, s18, v33  }
0x20b: {  	(v2sf) =	vpush v10, $0x2;
	s18 =	sshra.s32 s14, $0x1F;
	v11 =	vsel vm2, s17, v11;
	s14 =	rddreg [dreg:$0x1a];
	v33 =	vsel vm3, s16, v33;
	s16 =	sshrl.u32 s20, $0x1F  }
0x20c: {  	(v2sf) =	vpush v10, $0x3;
	v12 =	vcombine.low v13, v12;
	s17 =	sshrl.u32 s14, $0x1F;
	v11 =	vsel vm13, s18, v11;
	s18 =	sshra.s32 s20, $0xC;
	s20 =	rddreg [dreg:$0x18]  }
0x20d: {  	v37 =	vsel vm3, s11, v37;
	s11 =	sshra.s32 s14, $0xC;
	s13 =	sshra.s32 s14, $0x1F;
	v33 =	vsel vm4, s16, v33;
	s16 =	sshrl.u32 s20, $0x1F;
	v11 =	vsel vm3, s4, v11  }
0x20e: {  	(v2sf) =	vpush v10, $0x4;
	v15 =	vcombine.low v24, v15;
	s14 =	sshra.s32 s20, $0x1F;
	v11 =	vsel vm14, s12, v11;
	s12 =	sshra.s32 s20, $0xC;
	s20 =	rddreg [dreg:$0x16]  }
0x20f: {  	v12 =	vperm.xlane v12, v2;
	s6 =	sshra.s32 s29, $0xC;
	v33 =	vsel vm5, s17, v33;
	s17 =	sshrl.u32 s15, $0x1F;
	v11 =	vsel vm4, s18, v11;
	s18 =	rddreg [dreg:$0x17]  }
0x210: {  	v18 =	vperm.xlane v18, v3;
	v15 =	vperm.xlane v15, v2;
	s15 =	sshra.s32 s15, $0xC;
	v33 =	vsel vm6, s16, v33;
	s4 =	sshra.s32 s20, $0xC;
	s16 =	sshrl.u32 s18, $0x1F  }
0x211: {  	v16 =	vperm.xlane v16, v3;
	v33 =	vsel vm0, s17, v33;
	s0 =	sshra.s32 s18, $0xC;
	s17 =	sshrl.u32 s19, $0x1F;
	v11 =	vsel vm12, s10, v11;
	s10 =	sshrl.u32 s20, $0x1F  }
0x212: {  	vm15 =	vmmov vm12;
	v21 =	vcombine.low v23, v21;
	v19 =	vcombine.low v26, v19;
	s18 =	sshrl.u32 s5, $0x1F;
	s5 =	sshra.s32 s5, $0xC;
	s19 =	rddreg [dreg:$0x13]  }
0x213: {  	v22 =	vperm.xlane v22, v3;
	v48 =	vcombine.low v20, v17;
	s20 =	rddreg [dreg:$0x12];
	v11 =	vsel vm5, s11, v11;
	s11 =	sshrl.u32 s2, $0x1F;
	s7 =	sshra.s32 s19, $0xC  }
0x214: {  	v19 =	vperm.xlane v19, v2;
	s3 =	sshra.s32 s20, $0xC;
	v59 =	vmov s17;
	s17 =	sshra.s32 s21, $0xC;
	v11 =	vsel vm9, s13, v11;
	s13 =	sshrl.u32 s19, $0x1F  }
0x215: {  	v25 =	vperm.xlane v25, v3;
	v13 =	vperm.xlane v48, v2;
	s19 =	sshrl.u32 s29, $0x1F;
	s29 =	sshrl.u32 s30, $0x1F;
	v11 =	vsel vm6, s12, v11;
	s12 =	sshrl.u32 s20, $0x1F  }
0x216: {  	v48 =	vcombine.low v32, v27;
	s20 =	sshra.s32 s31, $0xC;
	v60 =	vmov s13;
	v41 =	vmov s29;
	s29 =	spop (v2sf);
	s13 =	sshra.s32 s24, $0xC  }
0x217: {  	v11 =	vsel vm10, s14, v11;
	s14 =	sshra.s32 s30, $0xC;
	s30 =	sshrl.u32 s31, $0x1F;
	s31 =	sshrl.u32 s21, $0x1F;
	v40 =	vsel vm7, s18, v60;
	v41 =	vnsel vm1, $0x0, v41  }
0x218: {  	s18 =	sshrl.u32 s28, $0x1F;
	v39 =	vsel vm0, s15, v11;
	v11 =	vsel vm7, s16, v59;
	s16 =	sshra.s32 s21, $0x1F;
	v44 =	vsel vm2, s12, v40;
	s12 =	sshra.s32 s28, $0xC  }
0x219: {  	v51 =	vperm.xlane v14, v3;
	v23 =	vperm.xlane v48, v2;
	v45 =	vsel vm7, s30, v41;
	s15 =	smulhi.u32 $0x68DB8BAD, s29;
	s30 =	sshra.s32 s29, $0x1F;
	s21 =	sshra.s32 s26, $0x1F  }
0x21a: {  	v43 =	vcombine.low v43, v42;
	s29 =	sshrl.u32 s22, $0x1F;
	v11 =	vsel vm2, s10, v11;
	s10 =	sshra.s32 s28, $0x1F;
	v61 =	vsel vm2, s31, v45;
	s31 =	sshrl.u32 s24, $0x1F  }
0x21b: {  	v46 =	vmov s8;
	s28 =	spop (v2sf);
	v40 =	vsel vm3, s11, v11;
	v62 =	vsel vm3, s18, v61;
	s18 =	smul.u32 $0x68DB8BAD, s30;
	s11 =	sshra.s32 s24, $0x1F  }
0x21c: {  	v52 =	vld [tilespmem:s23+$0xF];
	v27 =	vperm.xlane v43, v2;
	v41 =	vsel vm3, s19, v44;
	v63 =	vmov s21;
	s19 =	smulhi.u32 $0x68DB8BAD, s28;
	s21 =	sshra.s32 s28, $0x1F;
	s30 =	sshrl.u32 s25, $0x1F  }
0x21d: {  	v53 =	vld [tilespmem:$0x1FFF0];
	v49 =	vsel vm7, s0, v46;
	v45 =	vsel vm1, s14, v63;
	s14 =	sshra.s32 s22, $0xC;
	s24 =	spop (v2sf);
	v44 =	vsel vm4, s31, v62;
	s31 =	smul.u32 $0x68DB8BAD, s21  }
0x21e: {  	v17 =	vsel vm2, s4, v49;
	v54 =	vmov s7;
	v45 =	vsel vm11, s9, v45;
	s9 =	sshra.s32 s22, $0x1F;
	s8 =	smulhi.u32 $0x68DB8BAD, s24;
	s21 =	sshra.s32 s24, $0x1F  }
0x21f: {  	(v2sf) =	vpush v10, $0x5;
	v56 =	vsel vm7, s5, v54;
	s28 =	spop (v2sf);
	s24 =	sshra.s32 s25, $0xC;
	s22 =	sshra.s32 s25, $0x1F;
	v45 =	vsel vm7, s20, v45  }
0x220: {  	(v2sf) =	vpush v10, $0x6;
	s25 =	sshra.s32 s26, $0xC;
	v44 =	vsel vm5, s29, v44;
	s29 =	spop (v2sf);
	v45 =	vsel vm8, s1, v45;
	s1 =	sadd.s32 s18, s15  }
0x221: {  	v60 =	vperm.xlane v21, v2;
	v11 =	vld [tilespmem:s23+$0x80];
	(v2sf) =	vpush v10, $0x7;
	v44 =	vsel vm6, s30, v44;
	s15 =	smul.u32 $0x68DB8BAD, s21;
	s30 =	sshra.s32 s28, $0x1F;
	s21 =	spop (v2sf)  }
0x222: {  	vm11 =	vne.s32 v8, v52;
	v62 =	vimm.s32 $0x0;
	s0 =	sadd.s32 s31, s19;
	s31 =	sshrl.u32 s26, $0x1F;
	s26 =	smulhi.u32 $0x68DB8BAD, s29;
	vm8 =	vnez.u8 v53  }
0x223: {  	s2 =	sshra.s32 s2, $0xC;
	v53 =	vcombine.low v34, v28;
	v45 =	vsel vm2, s17, v45;
	s18 =	smul.u32 $0x68DB8BAD, s30;
	s19 =	spop (v2sf);
	v14 =	vsel vm0, s31, v44  }
0x224: {  	v12 =	vsel vm8, v51, v12;
	v13 =	vsel vm8, v18, v13;
	s30 =	rddreg [dreg:$0x10];
	s31 =	sshra.s32 s21, $0x1F;
	v50 =	vsel vm13, s16, v45;
	s16 =	smulhi.u32 $0x68DB8BAD, s28  }
0x225: {  	v18 =	vsel vm3, s2, v17;
	v17 =	vsel vm2, s3, v56;
	v63 =	vsel vm8, v16, v15;
	s20 =	spop (v2sf);
	s28 =	sshrl.u32 s30, $0x1F;
	s4 =	sadd.s32 s15, s8  }
0x226: {  	v44 =	vsel vm8, v22, v60;
	v51 =	vsel vm8, v25, v19;
	(v2sf) =	vpush v11, $0xD;
	s15 =	sshrl.u32 s1, $0x1F;
	s2 =	smul.u32 $0x68DB8BAD, s31;
	s1 =	sshra.s32 s1, $0xC  }
0x227: {  	v12 =	vadd.s32 v12, v13;
	v60 =	vperm.xlane v53, v2;
	v20 =	vsel vm3, s12, v50;
	s12 =	sshra.s32 s29, $0x1F;
	s17 =	spop (v2sf);
	s29 =	rddreg [dreg:$0xf]  }
0x228: {  	v14 =	vperm.xlane v14, v3;
	(v2sf) =	vpush v11, $0xC;
	s7 =	sshrl.u32 s4, $0x1F;
	s4 =	sshra.s32 s4, $0xC;
	v20 =	vsel vm14, s10, v20;
	s10 =	smul.u32 $0x68DB8BAD, s12  }
0x229: {  	v45 =	vld [tilespmem:s23+$0x1F];
	v50 =	vperm.xlane v30, v3;
	(v2sf) =	vpush v11, $0xE;
	s8 =	sshrl.u32 s29, $0x1F;
	s5 =	sadd.s32 s18, s16;
	s16 =	smulhi.u32 $0x68DB8BAD, s19;
	v55 =	vsel vm4, s13, v20  }
0x22a: {  	v13 =	vmul.u32 $0xFFFFD8F0, v12;
	s12 =	sshrl.u32 s0, $0x1F;
	s18 =	sshra.s32 s19, $0x1F;
	(v2sf) =	vpush v11, $0xF;
	v20 =	vsel vm12, s11, v55;
	s11 =	smulhi.u32 $0x68DB8BAD, s21  }
0x22b: {  	s19 =	spop (v2sf);
	s29 =	sshra.s32 s29, $0xC;
	v59 =	vmov s8;
	v23 =	vsel vm8, v50, v23;
	s21 =	smulhi.u32 $0x68DB8BAD, s17;
	v20 =	vsel vm5, s14, v20  }
0x22c: {  	s31 =	spop (v2sf);
	v50 =	vcombine.low v41, v40;
	(v2sf) =	vpush v11, $0x9;
	s3 =	sadd.s32 s10, s26;
	s14 =	smul.u32 $0x68DB8BAD, s18;
	v57 =	vsel vm9, s9, v20  }
0x22d: {  	v61 =	vsel vm7, s28, v59;
	s28 =	sshra.s32 s31, $0x1F;
	v20 =	vsel vm3, s6, v17;
	s6 =	smulhi.u32 $0x68DB8BAD, s20;
	v58 =	vsel vm6, s24, v57;
	s24 =	sshra.s32 s20, $0x1F  }
0x22e: {  	v13 =	vadd.s32 v8, v13;
	(v2sf) =	vpush v11, $0x8;
	vm12 =	vne.s32 v7, v45;
	s9 =	sshrl.u32 s5, $0x1F;
	s18 =	smul.u32 $0x68DB8BAD, s24;
	s24 =	sshra.s32 s17, $0x1F  }
0x22f: {  	v53 =	vperm.xlane v50, v2;
	vm9 =	veq.s32 v8, $0x5F5E100;
	s2 =	sadd.s32 s2, s11;
	s20 =	spop (v2sf);
	(v2sf) =	vpush v11, $0xA;
	s13 =	smul.u32 $0x68DB8BAD, s24  }
0x230: {  	s5 =	sshra.s32 s5, $0xC;
	s10 =	sadd.s32 s14, s16;
	v8 =	vsel vm9, $0xFFFFFFFF, v62;
	v47 =	vmov s9;
	v17 =	vsel vm10, s22, v58;
	s24 =	smulhi.u32 $0x68DB8BAD, s19  }
0x231: {  	s9 =	sshrl.u32 s2, $0x1F;
	v57 =	vcombine.low v38, v36;
	s26 =	sshrl.u32 s10, $0x1F;
	v21 =	vsel vm0, s25, v17;
	v17 =	vsel vm2, s15, v61;
	s15 =	smulhi.u32 $0x68DB8BAD, s31  }
0x232: {  	vm9 =	vcmask $0x300;
	v62 =	vperm.xlane v35, v3;
	v18 =	vcombine.low v20, v18;
	s17 =	spop (v2sf);
	s25 =	sshra.s32 s19, $0x1F;
	s31 =	smul.u32 $0x68DB8BAD, s28  }
0x233: {  	(v2sf) =	vpush v11, $0xB;
	[tilespmem:$0x1FFD0] =	vst v8;
	v8 =	vadd.s32 v63, v44;
	vm10 =	veq.s32 v7, $0x5F5E100;
	s22 =	spop (v2sf);
	s16 =	smul.u32 $0x68DB8BAD, s25;
	s19 =	sadd.s32 s18, s6  }
0x234: {  	v63 =	vmov s29;
	v15 =	vsel vm3, s12, v17;
	s12 =	smulhi.u32 $0x68DB8BAD, s20;
	s25 =	sshra.s32 s20, $0x1F;
	v17 =	vsel vm7, s7, v47;
	s7 =	sshrl.u32 s3, $0x1F  }
0x235: {  	v44 =	vmov s5;
	(v2sf) =	vpush v11, $0x0;
	v46 =	vmov s26;
	s26 =	sshra.s32 s17, $0x1F;
	s3 =	sshra.s32 s3, $0xC;
	s20 =	smul.u32 $0x68DB8BAD, s25  }
0x236: {  	v49 =	vmul.u32 $0xFFFFD8F0, v8;
	v61 =	vperm.xlane v31, v3;
	v22 =	vnsel vm1, $0x0, v46;
	s18 =	sshrl.u32 s19, $0x1F;
	s21 =	sadd.s32 s13, s21;
	s25 =	smulhi.u32 $0x68DB8BAD, s17  }
0x237: {  	v26 =	vperm.xlane v57, v2;
	v28 =	vsel vm7, s4, v44;
	v22 =	vsel vm7, s18, v22;
	s18 =	sadd.s32 s16, s24;
	s28 =	sshrl.u32 s21, $0x1F;
	s8 =	spop (v2sf)  }
0x238: {  	v18 =	vperm.xlane v18, v2;
	vm1 =	vmmov vm0;
	s24 =	smul.u32 $0x68DB8BAD, s26;
	s16 =	sadd.s32 s31, s15;
	s14 =	spop (v2sf);
	(v2sf) =	vpush v11, $0x1  }
0x239: {  	vm0 =	vmmov vm13;
	vm13 =	vne.s32 v13, v12;
	s15 =	smulhi.u32 $0x68DB8BAD, s22;
	s31 =	sshra.s32 s22, $0x1F;
	s22 =	sshrl.u32 s18, $0x1F;
	(v2sf) =	vpush v11, $0x2  }
0x23a: {  	v46 =	vperm.xlane v33, v3;
	v52 =	vsel vm2, s28, v22;
	s13 =	sadd.s32 s20, s12;
	s26 =	smul.u32 $0x68DB8BAD, s31;
	s11 =	spop (v2sf);
	(v2sf) =	vpush v11, $0x3  }
0x23b: {  	v47 =	vperm.xlane v39, v3;
	v21 =	vperm.xlane v21, v3;
	s28 =	sshrl.u32 s16, $0x1F;
	v19 =	vsel vm3, s22, v52;
	s31 =	sshrl.u32 s13, $0x1F;
	s6 =	sadd.s32 s24, s25  }
0x23c: {  	v16 =	vadd.s32 v7, v49;
	v17 =	vsel vm2, s7, v17;
	v54 =	vsel vm4, s28, v19;
	s7 =	sadd.s32 s26, s15;
	s24 =	sshrl.u32 s6, $0x1F;
	s26 =	sshra.s32 s10, $0xC  }
0x23d: {  	vm13 =	vmand vm11, vm13;
	v7 =	vadd.s32 v51, v23;
	s28 =	sshra.s32 s30, $0xC;
	s10 =	sshra.s32 s10, $0x1F;
	v55 =	vsel vm5, s31, v54;
	s12 =	sshra.s32 s7, $0x1F  }
0x23e: {  	v19 =	vsel vm3, s9, v17;
	s30 =	sshra.s32 s19, $0xC;
	s31 =	sshra.s32 s8, $0x1F;
	v17 =	vsel vm6, s24, v55;
	v58 =	vmov s12;
	s24 =	smulhi.u32 $0x68DB8BAD, s8  }
0x23f: {  	vm11 =	vcmask $0x704;
	v23 =	vsel vm8, v61, v60;
	s19 =	sshra.s32 s19, $0x1F;
	s25 =	sshrl.u32 s7, $0x1F;
	v59 =	vsel vm9, s26, v58;
	s26 =	smul.u32 $0x68DB8BAD, s31  }
0x240: {  	v32 =	vsel vm7, s28, v63;
	s28 =	sshra.s32 s21, $0xC;
	s22 =	spop (v2sf);
	v22 =	vsel vm1, s25, v17;
	s25 =	smulhi.u32 $0x68DB8BAD, s14;
	v17 =	vsel vm11, s10, v59  }
0x241: {  	v34 =	vsel vm8, v62, v26;
	vm9 =	vcmask $0xF0C;
	s31 =	sshra.s32 s18, $0x1F;
	v17 =	vsel vm7, s30, v17;
	s30 =	sshra.s32 s18, $0xC;
	s18 =	smulhi.u32 $0x68DB8BAD, s22  }
0x242: {  	v36 =	vmul.u32 $0xFFFFD8F0, v7;
	v24 =	vnsel vm13, $0x2710, v12;
	s14 =	sshra.s32 s14, $0x1F;
	s20 =	spop (v2sf);
	v17 =	vsel vm9, s19, v17;
	s19 =	smulhi.u32 $0x68DB8BAD, s11  }
0x243: {  	vm13 =	vne.s32 v16, v8;
	v27 =	vsel vm8, v47, v27;
	s17 =	spop (v2sf);
	s11 =	sshra.s32 s11, $0x1F;
	v35 =	vsel vm2, s28, v17;
	s28 =	smul.u32 $0x68DB8BAD, s14  }
0x244: {  	v56 =	vld [tilespmem:s23+$0x2F];
	s29 =	sshra.s32 s21, $0x1F;
	v18 =	vsel vm8, v21, v18;
	vm13 =	vmand vm12, vm13;
	vm12 =	veq.s32 v5, $0x5F5E100;
	s15 =	spop (v2sf);
	s21 =	smul.u32 $0x68DB8BAD, s11  }
0x245: {  	v30 =	vnsel vm13, $0x2710, v8;
	v52 =	vsel vm2, s3, v28;
	s14 =	sshra.s32 s16, $0xC;
	s12 =	spop (v2sf);
	v38 =	vsel vm0, s29, v35;
	s29 =	sshra.s32 s22, $0x1F  }
0x246: {  	v15 =	vcombine.low v19, v15;
	(v2sf) =	vpush v11, $0x4;
	s9 =	spop (v2sf);
	v26 =	vsel vm3, s30, v38;
	s30 =	sshra.s32 s16, $0x1F;
	s22 =	smul.u32 $0x68DB8BAD, s29  }
0x247: {  	v28 =	vsel vm8, v14, v53;
	v25 =	vsel vm2, s1, v32;
	(v2sf) =	vpush v11, $0x5;
	s16 =	smulhi.u32 $0x68DB8BAD, s20;
	s20 =	sshra.s32 s20, $0x1F;
	s10 =	spop (v2sf)  }
0x248: {  	v15 =	vperm.xlane v15, v2;
	(v2sf) =	vpush v11, $0x6;
	s1 =	sadd.s32 s28, s25;
	s25 =	smulhi.u32 $0x68DB8BAD, s12;
	v26 =	vsel vm14, s31, v26;
	s8 =	spop (v2sf)  }
0x249: {  	v58 =	vld [tilespmem:s23+$0x5F];
	vm11 =	vne.s32 v5, v56;
	s29 =	sshra.s32 s13, $0x1F;
	s20 =	smul.u32 $0x68DB8BAD, s20;
	v26 =	vsel vm4, s14, v26;
	s14 =	spop (v2sf);
	(v2sf) =	vpush v11, $0x7  }
0x24a: {  	v56 =	vsel vm10, $0x2710, v16;
	vm9 =	vcmask $0x2F2C;
	v17 =	vadd.s32 v23, v34;
	s12 =	sshra.s32 s12, $0x1F;
	s31 =	sshra.s32 s13, $0xC;
	s13 =	smulhi.u32 $0x68DB8BAD, s17  }
0x24b: {  	v23 =	vadd.s32 v5, v36;
	v5 =	vcombine.low v37, v29;
	v37 =	vimm.s32 $0x0;
	s12 =	smul.u32 $0x68DB8BAD, s12  }
0x24c: {  	vm13 =	vne.s32 v23, v7;
	v49 =	vmul.u32 $0xFFFFD8F0, v17;
	s28 =	smulhi.u32 $0x68DB8BAD, s9;
	s3 =	sshra.s32 s9, $0x1F;
	v26 =	vsel vm15, s30, v26;
	s30 =	sshra.s32 s17, $0x1F  }
0x24d: {  	v48 =	vld [tilespmem:$0x1FFD0];
	v5 =	vperm.xlane v5, v2;
	vm10 =	vmand vm11, vm13;
	s9 =	sshra.s32 s6, $0x1F;
	v26 =	vsel vm5, s31, v26;
	s31 =	sshra.s32 s0, $0xC;
	s17 =	smul.u32 $0x68DB8BAD, s30  }
0x24e: {  	v61 =	vsel vm12, $0x2710, v23;
	vm12 =	vne.s32 v9, v58;
	v57 =	vnsel vm10, $0x2710, v7;
	s0 =	sadd.s32 s26, s24;
	s24 =	smulhi.u32 $0x68DB8BAD, s15;
	s15 =	sshra.s32 s15, $0x1F  }
0x24f: {  	v45 =	vld [tilespmem:s23+$0x3F];
	v31 =	vadd.s32 v4, v49;
	vm10 =	veq.s32 v4, $0x5F5E100;
	v5 =	vsel vm8, v46, v5;
	s30 =	sshrl.u32 s1, $0x1F;
	s26 =	sshra.s32 s2, $0xC;
	s2 =	sadd.s32 s22, s18  }
0x250: {  	vm11 =	vne.s32 v31, v17;
	v36 =	vsel vm10, $0x2710, v31;
	s1 =	sshra.s32 s1, $0xC;
	v26 =	vsel vm9, s29, v26;
	s29 =	sshra.s32 s6, $0xC;
	s15 =	smul.u32 $0x68DB8BAD, s15  }
0x251: {  	v55 =	vld [tilespmem:s23+$0x4F];
	v59 =	vadd.s32 v5, v27;
	v51 =	vsel vm3, s31, v25;
	v54 =	vmov s30;
	s31 =	sshrl.u32 s0, $0x1F;
	s30 =	smul.u32 $0x68DB8BAD, s3;
	s3 =	sadd.s32 s21, s19  }
0x252: {  	v5 =	vmul.u32 $0xFFFFD8F0, v59;
	vm9 =	vnez.u8 v48;
	s6 =	sadd.s32 s20, s16;
	v26 =	vsel vm6, s29, v26;
	s29 =	sshra.s32 s7, $0xC;
	s21 =	sshrl.u32 s3, $0x1F  }
0x253: {  	v38 =	vsel vm3, s26, v52;
	v32 =	vsel vm9, $0x2710, v13;
	v29 =	vsel vm7, s31, v54;
	s20 =	sadd.s32 s30, s28;
	s19 =	smulhi.u32 $0x68DB8BAD, s10;
	s10 =	sshra.s32 s10, $0x1F  }
0x254: {  	vm9 =	vne.s32 v4, v45;
	v4 =	vadd.s32 v28, v18;
	s7 =	sadd.s32 s12, s25;
	v40 =	vsel vm2, s21, v29;
	s21 =	sshrl.u32 s20, $0x1F;
	s31 =	smul.u32 $0x68DB8BAD, s10  }
0x255: {  	[tilespmem:s23+$0x2810] =	vst v13;
	v63 =	vadd.s32 v6, v5;
	v13 =	vcombine.low v38, v51;
	v45 =	vperm.xlane v22, v3;
	s16 =	smulhi.u32 $0x68DB8BAD, s8;
	s8 =	sshra.s32 s8, $0x1F;
	s11 =	spop (v2sf)  }
0x256: {  	v60 =	vmul.u32 $0xFFFFD8F0, v4;
	vm9 =	vmand vm9, vm11;
	vm11 =	vne.s32 v6, v55;
	s22 =	smul.u32 $0x68DB8BAD, s8;
	s8 =	sadd.s32 s15, s24;
	s4 =	spop (v2sf)  }
0x257: {  	v55 =	vmov s1;
	v62 =	vnsel vm9, $0x2710, v17;
	vm9 =	vne.s32 v63, v59;
	s15 =	smulhi.u32 $0x68DB8BAD, s14;
	s14 =	sshra.s32 s14, $0x1F;
	s5 =	spop (v2sf)  }
0x258: {  	v47 =	vperm.xlane v13, v2;
	v15 =	vsel vm8, v45, v15;
	s10 =	sadd.s32 s17, s13;
	v5 =	vadd.s32 v9, v60;
	s24 =	smul.u32 $0x68DB8BAD, s14;
	s25 =	spop (v2sf)  }
0x259: {  	s17 =	sshrl.u32 s2, $0x1F;
	vm10 =	vmand vm11, vm9;
	vm11 =	vcmask $0x704;
	v46 =	vmov s21;
	s30 =	smulhi.u32 $0x68DB8BAD, s25;
	s14 =	sshra.s32 s25, $0x1F  }
0x25a: {  	[tilespmem:s23+$0x5010] =	vst v12;
	vm13 =	vne.s32 v5, v4;
	v42 =	vsel vm3, s17, v40;
	v44 =	vnsel vm10, $0x2710, v59;
	s14 =	smul.u32 $0x68DB8BAD, s14  }
0x25b: {  	[tilespmem:s23+$0x5020] =	vst v8;
	s26 =	sshra.s32 s20, $0xC;
	vm10 =	veq.s32 v6, $0x5F5E100;
	vm9 =	vmand vm12, vm13;
	vm12 =	vcmask $0x3734;
	s18 =	sadd.s32 s31, s19;
	s31 =	sshrl.u32 s10, $0x1F  }
0x25c: {  	[tilespmem:s23+$0x2820] =	vst v16;
	vm13 =	vmmov vm0;
	vm0 =	vcmask $0x300;
	s19 =	smulhi.u32 $0x68DB8BAD, s11;
	s11 =	sshra.s32 s11, $0x1F;
	v39 =	vsel vm12, s9, v26;
	s9 =	sadd.s32 s14, s30  }
0x25d: {  	[tilespmem:s23+$0x5030] =	vst v7;
	v51 =	vsel vm10, $0x2710, v63;
	vm10 =	veq.s32 v9, $0x5F5E100;
	s10 =	sshra.s32 s10, $0xC;
	v27 =	vsel vm9, $0xFFFFFFFF, v37;
	s12 =	sadd.s32 s24, s15;
	s24 =	sshra.s32 s9, $0x1F  }
0x25e: {  	[tilespmem:s23+$0x7810] =	vst v24;
	vm9 =	vcmask $0xF0C;
	s13 =	sadd.s32 s22, s16;
	v43 =	vmov s31;
	s11 =	smul.u32 $0x68DB8BAD, s11;
	s22 =	sshrl.u32 s6, $0x1F;
	v48 =	vmov s24  }
0x25f: {  	[tilespmem:s23+$0x7820] =	vst v30;
	v22 =	vnsel vm0, $0x0, v46;
	s31 =	smulhi.u32 $0x68DB8BAD, s4;
	s4 =	sshra.s32 s4, $0x1F;
	v41 =	vsel vm1, s29, v39;
	s30 =	sshra.s32 s20, $0x1F;
	v13 =	vsel vm0, s26, v48  }
0x260: {  	[tilespmem:s23+$0xA020] =	vst v56;
	v56 =	vmov s10;
	s29 =	sshrl.u32 s18, $0x1F;
	v12 =	vperm.xlane v41, v3;
	s11 =	sadd.s32 s11, s19;
	s19 =	sshra.s32 s18, $0xC;
	v13 =	vsel vm11, s30, v13  }
0x261: {  	[tilespmem:s23+$0x2830] =	vst v23;
	v19 =	vsel vm7, s22, v43;
	s4 =	smul.u32 $0x68DB8BAD, s4;
	v49 =	vsel vm7, s29, v22;
	s18 =	sshra.s32 s18, $0x1F;
	s25 =	sshrl.u32 s8, $0x1F;
	v50 =	vsel vm7, s19, v13  }
0x262: {  	[tilespmem:s23+$0x5040] =	vst v17;
	s28 =	sshrl.u32 s7, $0x1F;
	s21 =	smulhi.u32 $0x68DB8BAD, s5;
	s22 =	sshra.s32 s13, $0xC;
	v8 =	vsel vm8, v12, v47;
	v54 =	vsel vm2, s25, v19;
	v12 =	vsel vm9, s18, v50  }
0x263: {  	[tilespmem:s23+$0xA030] =	vst v61;
	s5 =	sshra.s32 s5, $0x1F;
	v52 =	vadd.s32 v15, v8;
	v9 =	vsel vm3, s28, v54;
	s20 =	sshrl.u32 s13, $0x1F;
	s13 =	sshra.s32 s13, $0x1F;
	v53 =	vsel vm2, s22, v12  }
0x264: {  	[tilespmem:s23+$0x7830] =	vst v57;
	s5 =	smul.u32 $0x68DB8BAD, s5;
	v9 =	vcombine.low v9, v42;
	v6 =	vsel vm2, s20, v49;
	s24 =	sshrl.u32 s12, $0x1F;
	s26 =	sshra.s32 s12, $0xC;
	v8 =	vsel vm13, s13, v53  }
0x265: {  	[tilespmem:s23+$0x2840] =	vst v31;
	s4 =	sadd.s32 s4, s31;
	v58 =	vmul.u32 $0xFFFFD8F0, v52;
	s25 =	sshrl.u32 s11, $0x1F;
	v6 =	vsel vm3, s24, v6;
	s12 =	sshra.s32 s12, $0x1F;
	v8 =	vsel vm3, s26, v8  }
0x266: {  	[tilespmem:s23+$0xA040] =	vst v36;
	s29 =	sshra.s32 s11, $0xC;
	s28 =	sshrl.u32 s4, $0x1F;
	v9 =	vperm.xlane v9, v2;
	v6 =	vsel vm4, s25, v6;
	s30 =	sshra.s32 s6, $0xC;
	v8 =	vsel vm14, s12, v8  }
0x267: {  	[tilespmem:s23+$0x5050] =	vst v59;
	s0 =	sshra.s32 s0, $0xC;
	s31 =	sshra.s32 s11, $0x1F;
	s11 =	sshra.s32 s8, $0xC;
	v6 =	vsel vm5, s28, v6;
	v15 =	vsel vm7, s30, v56;
	v8 =	vsel vm4, s29, v8  }
0x268: {  	[tilespmem:$0x1FFE0] =	vst v27;
	s15 =	sshra.s32 s7, $0xC;
	s5 =	sadd.s32 s5, s21;
	v15 =	vsel vm2, s11, v15;
	v12 =	vsel vm7, s0, v55;
	s13 =	sshra.s32 s4, $0xC;
	v8 =	vsel vm15, s31, v8  }
0x269: {  	[tilespmem:s23+$0xA010] =	vst v32;
	s10 =	sshra.s32 s3, $0xC;
	v59 =	vld [tilespmem:$0x1FFE0];
	s17 =	sshra.s32 s4, $0x1F;
	s18 =	sshrl.u32 s5, $0x1F;
	v15 =	vsel vm3, s15, v15;
	vm13 =	vcmask $0x2F2C;
	v8 =	vsel vm5, s13, v8  }
0x26a: {  	[tilespmem:s23+$0x2850] =	vst v63;
	s14 =	sshra.s32 s2, $0xC;
	s19 =	sshra.s32 s5, $0xC;
	v6 =	vsel vm6, s18, v6;
	v12 =	vsel vm2, s10, v12;
	v8 =	vsel vm13, s17, v8  }
0x26b: {  	[tilespmem:s23+$0x5060] =	vst v4;
	s21 =	sshra.s32 s5, $0x1F;
	s20 =	sshrl.u32 s9, $0x1F;
	v12 =	vsel vm3, s14, v12;
	vm13 =	vcmask $0x3734;
	v8 =	vsel vm6, s19, v8  }
0x26c: {  	v57 =	vld [tilespmem:s23+$0x6F];
	[tilespmem:s23+$0x7840] =	vst v62;
	s22 =	sshra.s32 s9, $0xC;
	v6 =	vsel vm1, s20, v6;
	v12 =	vcombine.low v15, v12;
	v8 =	vsel vm13, s21, v8  }
0x26d: {  	[tilespmem:s23+$0x2860] =	vst v5;
	vm0 =	vmmov vm1;
	v6 =	vperm.xlane v6, v3;
	v8 =	vsel vm1, s22, v8  }
0x26e: {  	[tilespmem:s23+$0x7850] =	vst v44;
	v12 =	vperm.xlane v12, v2;
	vm1 =	vnez.u8 v59;
	v8 =	vperm.xlane v8, v3  }
0x26f: {  	[tilespmem:s23+$0xA050] =	vst v51;
	v5 =	vsel vm10, $0x2710, v5;
	v4 =	vnsel vm1, $0x2710, v4  }
0x270: {  	v61 =	vld [tilespmem:s23+$0x7F];
	v60 =	vadd.s32 v10, v58;
	[tilespmem:s23+$0x7860] =	vst v4;
	v4 =	vsel vm8, v6, v9;
	v8 =	vsel vm8, v8, v12  }
0x271: {  	[tilespmem:s23+$0xA060] =	vst v5;
	vm10 =	vne.s32 v60, v52;
	vm9 =	vne.s32 v10, v57;
	v4 =	vadd.s32 v4, v8  }
0x272: {  	[tilespmem:s23+$0x5070] =	vst v52;
	vm9 =	vmand vm9, vm10;
	v62 =	vmul.u32 $0xFFFFD8F0, v4  }
0x273: {  	[tilespmem:s23+$0x2870] =	vst v60;
	v5 =	vnsel vm9, $0x2710, v52;
	vm9 =	veq.s32 v10, $0x5F5E100  }
0x274: {  	[tilespmem:s23+$0x7870] =	vst v5;
	v5 =	vsel vm9, $0x2710, v60;
	v63 =	vadd.s32 v11, v62  }
0x275: {  	vm9 =	vne.s32 v11, v61;
	[tilespmem:s23+$0xA070] =	vst v5;
	vm10 =	vne.s32 v63, v4  }
0x276: {  	[tilespmem:s23+$0x5080] =	vst v4;
	vm9 =	vmand vm9, vm10  }
0x277: {  	[tilespmem:s23+$0x2880] =	vst v63;
	v5 =	vnsel vm9, $0x2710, v4;
	vm9 =	veq.s32 v11, $0x5F5E100  }
0x278: {  	s24 =	sadd.s32 $0xA010, s23;
	s25 =	simm.s32 $0x80;
	v4 =	vsel vm9, $0x2710, v63;
	[tilespmem:s23+$0x7880] =	vst v5  }
0x279: {  	s5 =	simm.s32 $0x1;
	s26 =	simm.s32 $0xC810;
	s12 =	rddreg [dreg:$0x1];
	[tilespmem:s23+$0xA080] =	vst v4  }
0x27a: {  	[spmem:s12] =	stream.indirect.scatter.add.f32 [tilespmem:s26], [sflag:$0x1], $0x10, s24, s25, $0xb8;
	[tilespmem:$0x14810] =	vst v63  }
0x27b: {  	s16 =	rddreg [dreg:$0x2];
	_ =	swait.ge [sflag:s5], $0x800  }
0x27c: {  	s28 =	simm.s32 $0xC810;
	s31 =	rddreg [dreg:$0xe]  }
0x27d: {  	s30 =	sadd.s32 $0x7810, s23;
	[sflag:s5] =	ssyncset.done $0x0;
	p0 =	sne.s32 s31, $0x9E00  }
.Ltmp2:
0x27e: {  	s29 =	simm.s32 $0x80;
	[sflag:s5] =	ssyncadd.s32 $0xFFFFF800;
	(pc) =	sbr.rel @p0 .LBB2_6-.Ltmp2, $4  }
0x27f: {  	[spmem:s16] =	stream.indirect.scatter.add.f32 [tilespmem:s28], [sflag:$0x1], $0x10, s30, s29, $0xb8;
	[tilespmem:$0x14810] =	vst v63  }
0x280: {  	_ =	swait.ge [sflag:s5], $0x800  }
0x281: {  	vm12 =	vmmov vm15;
	vm14 =	vmmov vm4;
	[sflag:s5] =	ssyncset.done $0x0  }
0x282: {  	vm15 =	vmmov vm6;
	vm10 =	vcmask $0x3734;
	vm9 =	vcmask $0x2F2C;
	s0 =	sadd.s32 $0x200, s31;
	[sflag:s5] =	ssyncadd.s32 $0xFFFFF800  }
0x283: {  	s8 =	simm.s32 $0x0;
	s0 =	rddreg [dreg:$0x7];
	s1 =	simm.s32 $0x2810  }
0x284: {  	[hbm4b:s0+s8] =	stream.linear.scatter [tilespmem:s1], [sflag:$0x1], $0x2800, $0x38;
	[tilespmem:$0x14810] =	vst v63  }
0x285: {  	_ =	swait.ge [sflag:s5], $0x2800  }
0x286: {  	[sflag:s5] =	ssyncset.done $0x0  }
0x287: {  	s23 =	simm.s32 $0x5010;
	s22 =	rddreg [dreg:$0x8];
	[sflag:s5] =	ssyncadd.s32 $0xFFFFD800  }
0x288: {  	[hbm4b:s22+s8] =	stream.linear.scatter [tilespmem:s23], [sflag:$0x1], $0x2800, $0x38;
	[tilespmem:$0x14810] =	vst v63  }
0x289: {  	_ =	swait.ge [sflag:s5], $0x2800  }
0x28a: {  	[sflag:s5] =	ssyncset.done $0x0  }
0x28b: {  	s25 =	simm.s32 $0x7810;
	s24 =	rddreg [dreg:$0x9];
	[sflag:s5] =	ssyncadd.s32 $0xFFFFD800  }
0x28c: {  	[hbm4b:s24+s8] =	stream.linear.scatter [tilespmem:s25], [sflag:$0x1], $0x2800, $0x38;
	[tilespmem:$0x14810] =	vst v63  }
0x28d: {  	_ =	swait.ge [sflag:s5], $0x2800  }
0x28e: {  	[sflag:s5] =	ssyncset.done $0x0  }
0x28f: {  	[sflag:s5] =	ssyncadd.s32 $0xFFFFD800  }
0x290: {  	s26 =	stileid.u32;
	[bflag:$0x0] =	sbarrier.arrive $0xFFFF  }
0x291: {  	s0 =	sshll.u32 s26, $0x6;
	s4 =	rddreg [dreg:$0x5]  }
0x292: {  	s0 =	sor.u32 $0x1C01, s0;
	s2 =	rddreg [dreg:$0xa];
	s28 =	sshrl.u32 s4, $0x3  }
0x293: {  	[hbm:s2], [sflag:s0] =	dma.local [spmem:s28], $0x500  }
0x294: {  	_ =	swait.ge [sflag:s5], $0x500  }
0x295: {  	[sflag:s5] =	ssyncset.done $0x0;
	s2 =	rddreg [dreg:$0x6]  }
0x296: {  	s3 =	rddreg [dreg:$0xb];
	[sflag:s5] =	ssyncadd.s32 $0xFFFFFB00;
	s29 =	sshrl.u32 s2, $0x3  }
0x297: {  	[hbm:s3], [sflag:s0] =	dma.local [spmem:s29], $0x500  }
0x298: {  	_ =	swait.ge [sflag:s5], $0x500  }
0x299: {  	s30 =	rddreg [dreg:$0xd]  }
0x29a: {  	s31 =	rddreg [dreg:$0xc];
	s1 =	sadd.s32 $0x1, s30  }
0x29b: {  	p0 =	sne.s32 s1, s31  }
.Ltmp3:
0x29c: {  	_ = 	snop;
	(pc) =	sbr.rel @p0 .LBB2_1-.Ltmp3, $3  }
0x29d: {  	_ =	sdelay $0x1  }
0x29e: {  	[sflag:s5] =	ssyncset.done $0x0  }
0x29f: {  	[sflag:s5] =	ssyncadd.s32 $0xFFFFFB00  }
0x2a0: {  	_ =	sfence.sel $0x180000  }
0x2a1: {  	[bflag:$0x0] =	sbarrier.arrive $0xFFFF  }
0x2a2: {  	_ =	strace $0x90000047  }
0x2a3: {  	s0 =	stileid.u32;
	[bflag:$0x2] =	sbarrier.arrive $0xFFFF  }
0x2a4: {  	p0 =	sne.s32 s0, $0x0;
	s0 =	rddreg [dreg:$0x3]  }
0x2a5: {  	s0 =	sadd.s32 @!p0 $0x100000, s0  }
0x2a6: {  	[sflag:s0] =	ssyncadd.tile.s32 @!p0 $0x1;
	_ =	shalt  }
.Lfunc_end2:
_tile_overlayer_lowered:
.L_overlay_start_2:
0x2a7: {  	(tag) =	ssettag $0x2  }
0x2a8: {  	s0 =	rddreg [dreg:$0x0];
	s2 =	stileid.u32  }
0x2a9: {  	s1 =	rddreg [dreg:$0x1];
	p0 =	sne.s32 s2, $0x0  }
0x2aa: {  	s3 =	rddreg [dreg:$0x2];
	[bflag:$0x3] =	sbarrier.arrive $0xFFFF;
	s2 =	simm.s32 @!p0 $0x1C01  }
0x2ab: {  	[timem:s3], [sflag:s2] =	dma.local @!p0 [hbm:s0], s1  }
0x2ac: {  	s0 =	simm.s32 @!p0 $0x1  }
0x2ad: {  	_ =	swait.ge @!p0 [sflag:s0], s1  }
0x2ae: {  	s1 =	ssub.s32 @!p0 $0x0, s1;
	[sflag:s0] =	ssyncset.done @!p0 $0x0  }
0x2af: {  	[sflag:s0] =	ssyncadd.s32 @!p0 s1  }
0x2b0: {  	[bflag:$0x3] =	sbarrier.arrive $0xFFFF  }
0x2b1: {  	_ =	shalt  }

// kernel: kernel.17.cloned.1.call-start
scs
__scs_entry_jumppad:
0x0: {  	(pc) =	sbr.rel $0x88, $3  }
0x1: {  	(tag) =	ssettag $0x0;
	lr =	simm.s32 $0x1  }
0x2: {  	[smem:$0x3F9A] =	sst lr;
	_ =	strace $0xD0000000  }
0x3: {  	_ = 	snop  }
0x4: {  	_ = 	snop  }
0x5: {  	_ = 	snop  }
0x6: {  	_ = 	snop  }
0x7: {  	_ = 	snop  }
__scs_overlays_trampoline_lowered:
0x8: {  	[smem:$0x3FA9] =	sst s0  }
0x9: {  	[smem:$0x3FAA] =	sst s1  }
0xa: {  	[smem:$0x3FAB] =	sst s2  }
0xb: {  	[smem:$0x3FAC] =	sst s3  }
0xc: {  	[smem:$0x3FAD] =	sst s4  }
0xd: {  	[smem:$0x3FAE] =	sst s5  }
0xe: {  	[smem:$0x3FAF] =	sst s6  }
0xf: {  	[smem:$0x3FB0] =	sst s7  }
0x10: {  	[smem:$0x3FB1] =	sst s8  }
0x11: {  	[smem:$0x3FB2] =	sst s9;
	s0 =	simm.s32 @!p0 $0x0  }
0x12: {  	s1 =	sld [smem:$0x3F98];
	s0 =	simm.s32 @p0 $0x1  }
0x13: {  	[smem:$0x3FB3] =	sst s0;
	s0 =	simm.s32 @!p1 $0x0  }
0x14: {  	s2 =	sld [smem:$0x3F97];
	s0 =	simm.s32 @p1 $0x1  }
0x15: {  	[smem:$0x3FB4] =	sst s0;
	s0 =	simm.s32 @!p2 $0x0  }
0x16: {  	s3 =	sld [smem:$0x3FDB];
	s0 =	simm.s32 @p2 $0x1  }
0x17: {  	s4 =	simm.s32 $0x1BF5;
	[smem:$0x3FB6] =	sst s0  }
0x18: {  	s0 =	sld [smem:$0x3F99];
	_ =	swait.ge [sflag:s4], $0x0  }
0x19: {  	s7 =	sld [smem:$0x3F9A]  }
0x1a: {  	s8 =	sadd.s32 $0xFFFFE003, lr  }
0x1b: {  	s9 =	sadd.s32 $0xFFFFFEF7, lr;
	s5 =	simm.s32 $0xFFFFFFFF;
	p2 =	slt.u32 s8, $0xFFFFF086  }
0x1c: {  	p1 =	slt.u32 s9, $0xF7A;
	s5 =	simm.s32 @!p2 $0x0  }
0x1d: {  	s5 =	simm.s32 @p1 $0x1;
	p0 =	seq.s32 s7, s2  }
0x1e: {  	s7 =	smul.u32 @!p0 $0xF7A, s2;
	p2 =	seq.s32 @!p0 s5, $0x0  }
0x1f: {  	s9 =	smul.u32 $0xF7A, s1;
	s8 =	simm.s32 @!p0 $0x1BF5;
	p2 =	por !p2, p0  }
0x20: {  	[sflag:s8] =	ssyncset.s32 @!p0 $0xFFFFF086;
	s6 =	sadd.s32 @!p0 s3, s7;
	s7 =	simm.s32 @!p0 $0x108  }
0x21: {  	s3 =	sadd.s32 s3, s9;
	s6 =	sadd.s32 @!p0 $0x88, s6;
	s7 =	simm.s32 @p2 $0x1082  }
0x22: {  	[simem:s7], [sflag:s8] =	dma.local @!p0 [hbm:s6], $0xF7A  }
0x23: {  	s9 =	sor.u32 $0xD0000000, s2;
	s6 =	simm.s32 $0x108;
	_ =	swait.ge @!p0 [sflag:s8], $0x0  }
0x24: {  	s3 =	sadd.s32 $0x88, s3;
	s6 =	simm.s32 @!p1 $0x1082;
	[sflag:s4] =	ssyncset.s32 $0xFFFFF086  }
0x25: {  	[simem:s6], [sflag:s4] =	dma.local [hbm:s3], $0xF7A  }
0x26: {  	[smem:$0x3F9A] =	sst s1;
	(tag) =	ssettag s2;
	_ =	strace s9  }
0x27: {  	s1 =	sld [smem:$0x3FAA]  }
0x28: {  	s2 =	sld [smem:$0x3FAB]  }
0x29: {  	s4 =	sld [smem:$0x3FAD]  }
0x2a: {  	p0 =	seq.s32 s5, $0x0;
	s5 =	sld [smem:$0x3FAE]  }
0x2b: {  	s6 =	sld [smem:$0x3FAF]  }
0x2c: {  	s7 =	sld [smem:$0x3FB0]  }
0x2d: {  	s3 =	simm.s32 $0x108;
	s8 =	sld [smem:$0x3FB1]  }
0x2e: {  	s3 =	simm.s32 @!p0 $0x1082;
	s9 =	sld [smem:$0x3FB2]  }
0x2f: {  	lr =	sadd.s32 s0, s3;
	s0 =	sld [smem:$0x3FA9]  }
0x30: {  	s3 =	sld [smem:$0x3FAC]  }
0x31: {  	[smem:$0x3FB5] =	sst s10  }
0x32: {  	s10 =	sld [smem:$0x3FB3];
	_ =	sdelay $0x3  }
0x33: {  	p0 =	seq.s32 s10, $0x1;
	s10 =	sld [smem:$0x3FB5];
	_ =	sdelay $0x3  }
0x34: {  	[smem:$0x3FB5] =	sst s10  }
0x35: {  	s10 =	sld [smem:$0x3FB4];
	_ =	sdelay $0x3  }
0x36: {  	p1 =	seq.s32 s10, $0x1;
	s10 =	sld [smem:$0x3FB5];
	_ =	sdelay $0x3  }
0x37: {  	[smem:$0x3FB5] =	sst s10  }
0x38: {  	s10 =	sld [smem:$0x3FB6]  }
0x39: {  	_ = 	snop;
	(pc) =	sbr.ind lr, $3  }
0x3a: {  	_ = 	snop  }
0x3b: {  	_ = 	snop  }
0x3c: {  	p2 =	seq.s32 s10, $0x1;
	s10 =	sld [smem:$0x3FB5]  }
0x3d: {  	_ =	shalt  }
0x3e: {  	_ =	shalt  }
0x3f: {  	_ =	shalt  }
0x40: {  	_ =	shalt  }
0x41: {  	_ =	shalt  }
0x42: {  	_ =	shalt  }
0x43: {  	_ =	shalt  }
0x44: {  	_ =	shalt  }
0x45: {  	_ =	shalt  }
0x46: {  	_ =	shalt  }
0x47: {  	_ =	shalt  }
0x48: {  	_ =	shalt  }
0x49: {  	_ =	shalt  }
0x4a: {  	_ =	shalt  }
0x4b: {  	_ =	shalt  }
0x4c: {  	_ =	shalt  }
0x4d: {  	_ =	shalt  }
0x4e: {  	_ =	shalt  }
0x4f: {  	_ =	shalt  }
0x50: {  	_ =	shalt  }
0x51: {  	_ =	shalt  }
0x52: {  	_ =	shalt  }
0x53: {  	_ =	shalt  }
0x54: {  	_ =	shalt  }
0x55: {  	_ =	shalt  }
0x56: {  	_ =	shalt  }
0x57: {  	_ =	shalt  }
0x58: {  	_ =	shalt  }
0x59: {  	_ =	shalt  }
0x5a: {  	_ =	shalt  }
0x5b: {  	_ =	shalt  }
0x5c: {  	_ =	shalt  }
0x5d: {  	_ =	shalt  }
0x5e: {  	_ =	shalt  }
0x5f: {  	_ =	shalt  }
0x60: {  	_ =	shalt  }
0x61: {  	_ =	shalt  }
0x62: {  	_ =	shalt  }
0x63: {  	_ =	shalt  }
0x64: {  	_ =	shalt  }
0x65: {  	_ =	shalt  }
0x66: {  	_ =	shalt  }
0x67: {  	_ =	shalt  }
0x68: {  	_ =	shalt  }
0x69: {  	_ =	shalt  }
0x6a: {  	_ =	shalt  }
0x6b: {  	_ =	shalt  }
0x6c: {  	_ =	shalt  }
0x6d: {  	_ =	shalt  }
0x6e: {  	_ =	shalt  }
0x6f: {  	_ =	shalt  }
0x70: {  	_ =	shalt  }
0x71: {  	_ =	shalt  }
0x72: {  	_ =	shalt  }
0x73: {  	_ =	shalt  }
0x74: {  	_ =	shalt  }
0x75: {  	_ =	shalt  }
0x76: {  	_ =	shalt  }
0x77: {  	_ =	shalt  }
0x78: {  	_ =	shalt  }
0x79: {  	_ =	shalt  }
0x7a: {  	_ =	shalt  }
0x7b: {  	_ =	shalt  }
0x7c: {  	_ =	shalt  }
0x7d: {  	_ =	shalt  }
0x7e: {  	_ =	shalt  }
0x7f: {  	_ =	shalt  }
0x80: {  	_ =	shalt  }
0x81: {  	_ =	shalt  }
0x82: {  	_ =	shalt  }
0x83: {  	_ =	shalt  }
0x84: {  	_ =	shalt  }
0x85: {  	_ =	shalt  }
0x86: {  	_ =	shalt  }
0x87: {  	_ =	shalt  }
.Lfunc_end0:
.L_simem_size_0:
called_computation.1_lowered:
.L_overlay_start_0:
0x88: {  	s2 =	sld [smem:$0x3FD9]  }
0x89: {  	s3 =	sld [smem:$0x3FFE];
	_ =	sdelay $0x1  }
0x8a: {  	s1 =	srdreg.scid  }
0x8b: {  	s0 =	sand.u32 $0x1, s1  }
0x8c: {  	s16 =	sshll.u32 s0, $0xA;
	s2 =	sadd.s32 s3, s2  }
0x8d: {  	s2 =	sadd.s32 s2, s16  }
0x8e: {  	[smem:$0x3FC1] =	sst s2  }
0x8f: {  	_ = 	snop  }
0x90: {  	(tm) =	ssettm $0x1  }
0x91: {  	s17 =	sld [smem:$0x3FFB];
	_ =	sdelay $0x3  }
0x92: {  	_ =	strace s17  }
0x93: {  	s2 =	sld [smem:$0x3FFC];
	_ =	sdelay $0x3  }
0x94: {  	_ =	strace s2  }
0x95: {  	s2 =	sld [smem:$0x3FFD];
	_ =	sdelay $0x3  }
0x96: {  	_ =	strace s2  }
0x97: {  	_ =	strace $0x8FFFFFFF  }
0x98: {  	s18 =	sld [smem:$0x3FDB];
	_ =	sdelay $0x1  }
0x99: {  	s19 =	simm.s32 $_scs_section_size  }
0x9a: {  	s4 =	simm.s32 $_size__tile_overlayer_lowered;
	s5 =	simm.s32 $_tile_overlayer_lowered  }
0x9b: {  	s22 =	simm.s32 $0x1BFF;
	s21 =	sshll.u32 s5, $0x1;
	s2 =	sadd.s32 s19, s18  }
0x9c: {  	s6 =	simm.s32 $0x0;
	s20 =	sshll.u32 s4, $0x1;
	s4 =	sadd.s32 s21, s2  }
0x9d: {  	[timem:s6], [sflag:s22] =	dma.local [hbm:s4], s20  }
0x9e: {  	_ =	swait.ge [sflag:s22], s20  }
0x9f: {  	s3 =	ssub.s32 $0x0, s20;
	[sflag:s22] =	ssyncset.done $0x0  }
0xa0: {  	[sflag:s22] =	ssyncadd.s32 s3;
	_ =	sdelay $0x1  }
0xa1: {  	s23 =	simm.s32 $0x1B8B  }
0xa2: {  	_ =	swait.ge [sflag:s23], $0x1  }
0xa3: {  	[sflag:s23] =	ssyncset.done $0x0  }
0xa4: {  	s25 =	simm.s32 $0x1B8E;
	s24 =	sld [smem:$0x3FFE];
	[sflag:s23] =	ssyncadd.s32 $0xFFFFFFFF  }
0xa5: {  	s26 =	simm.s32 $execute0_lowered;
	[smem:$0x3FD2] =	sst s25  }
0xa6: {  	s4 =	sshll.u32 s26, $0x1;
	_ =	strace $0x80000049;
	[dreg:$0x1] =	wrdreg $0xFFFFFFFF  }
0xa7: {  	s28 =	simm.s32 $_size_execute0_lowered;
	s2 =	sadd.s32 s2, s4;
	[dreg:$0x0] =	wrdreg $0x0  }
0xa8: {  	s4 =	sshll.u32 s28, $0x1;
	[dreg:$0x2] =	wrdreg s2  }
0xa9: {  	[dreg:$0x3] =	wrdreg s4  }
0xaa: {  	[dreg:$0x4] =	wrdreg $0xC0  }
0xab: {  	_ =	task [dreg:s6], $0x5FFFF  }
0xac: {  	[dreg:$0x1] =	wrdreg $0xFFFFFFFF  }
0xad: {  	[dreg:$0x0] =	wrdreg $0x60  }
0xae: {  	[dreg:$0x2] =	wrdreg s24  }
0xaf: {  	[dreg:$0x3] =	wrdreg $0x90000  }
0xb0: {  	[dreg:$0x4] =	wrdreg $0x9  }
0xb1: {  	_ =	task.clear_ibuf [dreg:s6], $0x5FFFF;
	_ =	strace $0x90000049  }
0xb2: {  	s29 =	simm.s32 $0x9;
	_ =	strace $0x8000004B  }
0xb3: {  	_ =	swait.ge [sflag:s29], $0x1  }
0xb4: {  	[sflag:s29] =	ssyncadd.s32 $0xFFFFFFFF  }
0xb5: {  	_ =	strace $0x9000004B  }
0xb6: {  	_ =	sfence  }
0xb7: {  	s30 =	sld [smem:$0x0];
	_ =	sdelay $0x2  }
0xb8: {  	s31 =	sshll.u32 s1, $0xD;
	s1 =	sshrl.u32 s1, $0x2  }
0xb9: {  	s3 =	sand.u32 $0x4000, s31;
	s1 =	sadd.s32 s1, s30  }
0xba: {  	s0 =	sor.u32 s3, s0;
	s1 =	sshll.u32 s1, $0x11  }
0xbb: {  	s0 =	sor.u32 s1, s0  }
0xbc: {  	s0 =	sadd.s32 $0x8F2B, s0  }
0xbd: {  	[sflag:s0] =	ssyncadd.remote.s32 $0x1  }
0xbe: {  	_ =	sfence.sel $0xFFFF  }
0xbf: {  	[dreg:$0x0] =	wrdreg $0xFFFFFFFF;
	(pc) =	sbr.abs _section_cstart, $3  }
0xc0: {  	[dreg:$0x1] =	wrdreg $0xFFFFFFFF  }
0xc1: {  	_ =	task.clear_ibuf [dreg:s6], $0x2FFFF;
	_ =	strace $0x9FFFFFFF  }
0xc2: {  	(tm) =	ssettm $0x7FFFFFFF  }
0xc3: {  	_ =	shalt  }
tec
execute0_lowered:
.L_overlay_start_1:
0x0: {  	(tag) =	ssettag $0x1  }
0x1: {  	s5 =	rddreg [dreg:$0x0]  }
0x2: {  	s2 =	rddreg [dreg:$0x1]  }
0x3: {  	s0 =	rddreg [dreg:$0x2];
	s4 =	srdreg.scid  }
0x4: {  	s1 =	stileid.u32;
	s3 =	simm.s32 $0x0;
	s14 =	simm.s32 $0x2  }
0x5: {  	s15 =	simm.s32 $0x2800;
	s16 =	simm.s32 $0x5000;
	s17 =	simm.s32 $0x80  }
0x6: {  	s18 =	simm.s32 $0x1;
	s21 =	simm.s32 $0x0;
	s7 =	smul.u32 $0x14000, s1  }
0x7: {  	s6 =	sand.u32 $0x1, s4;
	[smem:$0x7FF] =	sst s3;
	s10 =	smul.u32 $0x50000, s1  }
0x8: {  	s19 =	sshll.u32 s1, $0x6;
	s4 =	sshll.u32 s6, $0x4;
	s8 =	smul.u32 $0x140000, s6  }
0x9: {  	_ =	strace $0x8000004A;
	s6 =	ssub.s32 $0x2, s6;
	s19 =	sor.u32 $0x1C02, s19  }
0xa: {  	s9 =	sor.u32 s1, s4;
	s4 =	sadd.s32 $0x3F200, s5;
	s30 =	sshrl.u32 s6, $0x1  }
0xb: {  	s31 =	sshrl.u32 s10, $0x2;
	s9 =	smul.u32 $0x500, s9;
	s8 =	sadd.s32 s7, s8  }
0xc: {  	s13 =	ssub.s32 s6, s30;
	s7 =	sadd.s32 s7, s2;
	s11 =	sadd.s32 s31, s2  }
0xd: {  	s8 =	sshrl.u32 s8, $0x3;
	s10 =	sadd.s32 $0xC000, s11;
	s13 =	smax.u32 s13, $0x1  }
0xe: {  	s20 =	sshrl.u32 s7, $0x3;
	s9 =	sadd.s32 s9, s5;
	s12 =	sadd.s32 s8, s5  }
0xf: {  	s8 =	sadd.s32 $0x4000, s11;
	s5 =	sadd.s32 $0x2B200, s9;
	s6 =	sadd.s32 $0x21200, s9  }
0x10: {  	v0 =	vimm.f32 $0.0e+00;
	s9 =	sadd.s32 $0x8000, s11;
	s11 =	sadd.s32 $0x10000, s11;
	s12 =	sadd.s32 $0x8F200, s12  }
.LBB2_1:
0x11: {  	[tilespmem:s3], [sflag:$0x2] =	stream.linear.gather [hbm4b:s5+s3], $0x2800, $0x38;
	[tilespmem:$0x1D000] =	vst v63  }
0x12: {  	_ =	swait.ge [sflag:s14], $0x2800  }
0x13: {  	[sflag:s14] =	ssyncset.done $0x0  }
0x14: {  	[sflag:s14] =	ssyncadd.s32 $0xFFFFD800  }
0x15: {  	[tilespmem:s15], [sflag:$0x2] =	stream.linear.gather [hbm4b:s6+s3], $0x2800, $0x38;
	[tilespmem:$0x1D000] =	vst v63  }
0x16: {  	_ =	swait.ge [sflag:s14], $0x2800  }
0x17: {  	[sflag:s14] =	ssyncset.done $0x0  }
0x18: {  	s22 =	simm.s32 $0x0;
	s23 =	simm.s32 $0x200;
	[sflag:s14] =	ssyncadd.s32 $0xFFFFD800  }
.LBB2_2:
0x19: {  	p0 =	sne.s32 s23, $0xFE00;
	[tilespmem:s22+$0x5070] =	vst v0  }
0x1a: {  	[tilespmem:s22+$0x5000] =	vst v0  }
0x1b: {  	[tilespmem:s22+$0x5010] =	vst v0  }
.Ltmp0:
0x1c: {  	[tilespmem:s22+$0x5020] =	vst v0;
	(pc) =	sbr.rel @p0 .LBB2_2-.Ltmp0, $4  }
0x1d: {  	[tilespmem:s22+$0x5030] =	vst v0  }
0x1e: {  	[tilespmem:s22+$0x5040] =	vst v0  }
0x1f: {  	[tilespmem:s22+$0x5050] =	vst v0  }
0x20: {  	[tilespmem:s22+$0x5060] =	vst v0;
	s22 =	sshra.s32 s23, $0x2;
	s23 =	sadd.s32 $0x200, s23  }
0x21: {  	[tilespmem:s22+$0x5070] =	vst v0  }
0x22: {  	[tilespmem:s22+$0x5000] =	vst v0  }
0x23: {  	[tilespmem:s22+$0x5010] =	vst v0  }
0x24: {  	[tilespmem:s22+$0x5020] =	vst v0  }
0x25: {  	[tilespmem:s22+$0x5030] =	vst v0  }
0x26: {  	[tilespmem:s22+$0x5040] =	vst v0  }
0x27: {  	[tilespmem:s22+$0x5050] =	vst v0  }
0x28: {  	[tilespmem:s22+$0x5060] =	vst v0  }
0x29: {  	[spmem:s7] =	stream.linear.scatter [tilespmem:s16], [sflag:$0x2], $0x4000, $0x38;
	[tilespmem:$0x1D000] =	vst v63  }
0x2a: {  	_ =	swait.ge [sflag:s14], $0x4000  }
0x2b: {  	[sflag:s14] =	ssyncset.done $0x0  }
0x2c: {  	[sflag:s14] =	ssyncadd.s32 $0xFFFFC000  }
0x2d: {  	[spmem:s8] =	stream.linear.scatter [tilespmem:s16], [sflag:$0x2], $0x4000, $0x38;
	[tilespmem:$0x1D000] =	vst v63  }
0x2e: {  	_ =	swait.ge [sflag:s14], $0x4000  }
0x2f: {  	[sflag:s14] =	ssyncset.done $0x0  }
0x30: {  	[sflag:s14] =	ssyncadd.s32 $0xFFFFC000  }
0x31: {  	[spmem:s9] =	stream.linear.scatter [tilespmem:s16], [sflag:$0x2], $0x4000, $0x38;
	[tilespmem:$0x1D000] =	vst v63  }
0x32: {  	_ =	swait.ge [sflag:s14], $0x4000  }
0x33: {  	[sflag:s14] =	ssyncset.done $0x0  }
0x34: {  	[sflag:s14] =	ssyncadd.s32 $0xFFFFC000  }
0x35: {  	[spmem:s10] =	stream.linear.scatter [tilespmem:s16], [sflag:$0x2], $0x4000, $0x38;
	[tilespmem:$0x1D000] =	vst v63  }
0x36: {  	_ =	swait.ge [sflag:s14], $0x4000  }
0x37: {  	[sflag:s14] =	ssyncset.done $0x0  }
0x38: {  	[sflag:s14] =	ssyncadd.s32 $0xFFFFC000  }
0x39: {  	[spmem:s11] =	stream.linear.scatter [tilespmem:s16], [sflag:$0x2], $0x4000, $0x38;
	[tilespmem:$0x1D000] =	vst v63  }
0x3a: {  	_ =	swait.ge [sflag:s14], $0x4000  }
0x3b: {  	[sflag:s14] =	ssyncset.done $0x0  }
0x3c: {  	[sflag:s14] =	ssyncadd.s32 $0xFFFFC000  }
0x3d: {  	s30 =	simm.s32 $0x0;
	[bflag:$0x0] =	sbarrier.arrive $0xFFFF  }
0x3e: {  	[tilespmem:s16], [sflag:$0x1] =	stream.indirect.gather [hbm4b:s4+s17], $0x80, s30, s17, $0xb8;
	[tilespmem:$0x1D000] =	vst v63  }
0x3f: {  	_ =	swait.ge [sflag:s18], $0x4000  }
0x40: {  	[sflag:s18] =	ssyncset.done $0x0  }
0x41: {  	s31 =	simm.s32 $0x2800;
	[sflag:s18] =	ssyncadd.s32 $0xFFFFC000  }
0x42: {  	[spmem:s2] =	stream.indirect.scatter.add.f32 [tilespmem:s16], [sflag:$0x2], $0x80, s31, s17, $0xb8;
	[tilespmem:$0x1D000] =	vst v63  }
0x43: {  	_ =	swait.ge [sflag:s14], $0x4000  }
0x44: {  	s22 =	simm.s32 $0x200;
	s23 =	simm.s32 $0x400;
	[sflag:s14] =	ssyncset.done $0x0  }
.LBB2_4:
0x45: {  	s24 =	sshra.s32 s22, $0x2  }
0x46: {  	[sflag:s14] =	ssyncadd.s32 $0xFFFFC000;
	s22 =	smov.u32 s23;
	s25 =	sadd.s32 $0x200, s23  }
0x47: {  	[tilespmem:s16], [sflag:$0x1] =	stream.indirect.gather [hbm4b:s4+s17], $0x80, s24, s17, $0xb8;
	[tilespmem:$0x1D000] =	vst v63  }
0x48: {  	p0 =	sne.s32 s23, $0x9E00;
	_ =	swait.ge [sflag:s18], $0x4000  }
.Ltmp1:
0x49: {  	[sflag:s18] =	ssyncset.done $0x0;
	(pc) =	sbr.rel @p0 .LBB2_4-.Ltmp1, $4  }
0x4a: {  	s23 =	sadd.s32 $0x2800, s24;
	[sflag:s18] =	ssyncadd.s32 $0xFFFFC000  }
0x4b: {  	[spmem:s2] =	stream.indirect.scatter.add.f32 [tilespmem:s16], [sflag:$0x2], $0x80, s23, s17, $0xb8;
	[tilespmem:$0x1D000] =	vst v63  }
0x4c: {  	_ =	swait.ge [sflag:s14], $0x4000  }
0x4d: {  	s23 =	smov.u32 s25;
	[sflag:s14] =	ssyncset.done $0x0  }
0x4e: {  	s22 =	sshra.s32 s22, $0x2;
	[sflag:s14] =	ssyncadd.s32 $0xFFFFC000  }
0x4f: {  	[tilespmem:s16], [sflag:$0x1] =	stream.indirect.gather [hbm4b:s4+s17], $0x80, s22, s17, $0xb8;
	[tilespmem:$0x1D000] =	vst v63  }
0x50: {  	_ =	swait.ge [sflag:s18], $0x4000  }
0x51: {  	[sflag:s18] =	ssyncset.done $0x0  }
0x52: {  	s22 =	sadd.s32 $0x2800, s22;
	[sflag:s18] =	ssyncadd.s32 $0xFFFFC000  }
0x53: {  	[spmem:s2] =	stream.indirect.scatter.add.f32 [tilespmem:s16], [sflag:$0x2], $0x80, s22, s17, $0xb8;
	[tilespmem:$0x1D000] =	vst v63  }
0x54: {  	_ =	swait.ge [sflag:s14], $0x4000  }
0x55: {  	s21 =	sadd.s32 $0x1, s21;
	[sflag:s14] =	ssyncset.done $0x0  }
0x56: {  	p0 =	sne.s32 s21, s13;
	[sflag:s14] =	ssyncadd.s32 $0xFFFFC000  }
.Ltmp2:
0x57: {  	[bflag:$0x0] =	sbarrier.arrive $0xFFFF;
	(pc) =	sbr.rel @p0 .LBB2_1-.Ltmp2, $4  }
0x58: {  	[hbm:s12], [sflag:s19] =	dma.local [spmem:s20], $0x2800  }
0x59: {  	_ =	swait.ge [sflag:s14], $0x2800  }
0x5a: {  	[sflag:s14] =	ssyncset.done $0x0  }
0x5b: {  	[sflag:s14] =	ssyncadd.s32 $0xFFFFD800  }
0x5c: {  	_ =	sfence.sel $0x180000  }
0x5d: {  	[bflag:$0x0] =	sbarrier.arrive $0xFFFF  }
0x5e: {  	p0 =	sne.s32 s1, $0x0;
	_ =	strace $0x9000004A  }
0x5f: {  	s0 =	sadd.s32 @!p0 $0x100000, s0;
	[bflag:$0x2] =	sbarrier.arrive $0xFFFF  }
0x60: {  	[sflag:s0] =	ssyncadd.tile.s32 @!p0 $0x1;
	_ =	shalt  }
.Lfunc_end2:
_tile_overlayer_lowered:
.L_overlay_start_2:
0x61: {  	(tag) =	ssettag $0x2  }
0x62: {  	s0 =	rddreg [dreg:$0x0];
	s2 =	stileid.u32  }
0x63: {  	s1 =	rddreg [dreg:$0x1];
	p0 =	sne.s32 s2, $0x0  }
0x64: {  	s3 =	rddreg [dreg:$0x2];
	[bflag:$0x3] =	sbarrier.arrive $0xFFFF;
	s2 =	simm.s32 @!p0 $0x1C02  }
0x65: {  	[timem:s3], [sflag:s2] =	dma.local @!p0 [hbm:s0], s1  }
0x66: {  	s0 =	simm.s32 @!p0 $0x2  }
0x67: {  	_ =	swait.ge @!p0 [sflag:s0], s1  }
0x68: {  	s1 =	ssub.s32 @!p0 $0x0, s1;
	[sflag:s0] =	ssyncset.done @!p0 $0x0  }
0x69: {  	[sflag:s0] =	ssyncadd.s32 @!p0 s1  }
0x6a: {  	[bflag:$0x3] =	sbarrier.arrive $0xFFFF  }
0x6b: {  	_ =	shalt  }

// kernel: kernel.20.cloned.1.call-start
scs
__scs_entry_jumppad:
0x0: {  	(pc) =	sbr.rel $0x88, $3  }
0x1: {  	(tag) =	ssettag $0x0;
	lr =	simm.s32 $0x1  }
0x2: {  	[smem:$0x3F9A] =	sst lr;
	_ =	strace $0xD0000000  }
0x3: {  	_ = 	snop  }
0x4: {  	_ = 	snop  }
0x5: {  	_ = 	snop  }
0x6: {  	_ = 	snop  }
0x7: {  	_ = 	snop  }
__scs_overlays_trampoline_lowered:
0x8: {  	[smem:$0x3FA9] =	sst s0  }
0x9: {  	[smem:$0x3FAA] =	sst s1  }
0xa: {  	[smem:$0x3FAB] =	sst s2  }
0xb: {  	[smem:$0x3FAC] =	sst s3  }
0xc: {  	[smem:$0x3FAD] =	sst s4  }
0xd: {  	[smem:$0x3FAE] =	sst s5  }
0xe: {  	[smem:$0x3FAF] =	sst s6  }
0xf: {  	[smem:$0x3FB0] =	sst s7  }
0x10: {  	[smem:$0x3FB1] =	sst s8  }
0x11: {  	[smem:$0x3FB2] =	sst s9;
	s0 =	simm.s32 @!p0 $0x0  }
0x12: {  	s1 =	sld [smem:$0x3F98];
	s0 =	simm.s32 @p0 $0x1  }
0x13: {  	[smem:$0x3FB3] =	sst s0;
	s0 =	simm.s32 @!p1 $0x0  }
0x14: {  	s2 =	sld [smem:$0x3F97];
	s0 =	simm.s32 @p1 $0x1  }
0x15: {  	[smem:$0x3FB4] =	sst s0;
	s0 =	simm.s32 @!p2 $0x0  }
0x16: {  	s3 =	sld [smem:$0x3FDB];
	s0 =	simm.s32 @p2 $0x1  }
0x17: {  	s4 =	simm.s32 $0x1BF5;
	[smem:$0x3FB6] =	sst s0  }
0x18: {  	s0 =	sld [smem:$0x3F99];
	_ =	swait.ge [sflag:s4], $0x0  }
0x19: {  	s7 =	sld [smem:$0x3F9A]  }
0x1a: {  	s8 =	sadd.s32 $0xFFFFE003, lr  }
0x1b: {  	s9 =	sadd.s32 $0xFFFFFEF7, lr;
	s5 =	simm.s32 $0xFFFFFFFF;
	p2 =	slt.u32 s8, $0xFFFFF086  }
0x1c: {  	p1 =	slt.u32 s9, $0xF7A;
	s5 =	simm.s32 @!p2 $0x0  }
0x1d: {  	s5 =	simm.s32 @p1 $0x1;
	p0 =	seq.s32 s7, s2  }
0x1e: {  	s7 =	smul.u32 @!p0 $0xF7A, s2;
	p2 =	seq.s32 @!p0 s5, $0x0  }
0x1f: {  	s9 =	smul.u32 $0xF7A, s1;
	s8 =	simm.s32 @!p0 $0x1BF5;
	p2 =	por !p2, p0  }
0x20: {  	[sflag:s8] =	ssyncset.s32 @!p0 $0xFFFFF086;
	s6 =	sadd.s32 @!p0 s3, s7;
	s7 =	simm.s32 @!p0 $0x108  }
0x21: {  	s3 =	sadd.s32 s3, s9;
	s6 =	sadd.s32 @!p0 $0x88, s6;
	s7 =	simm.s32 @p2 $0x1082  }
0x22: {  	[simem:s7], [sflag:s8] =	dma.local @!p0 [hbm:s6], $0xF7A  }
0x23: {  	s9 =	sor.u32 $0xD0000000, s2;
	s6 =	simm.s32 $0x108;
	_ =	swait.ge @!p0 [sflag:s8], $0x0  }
0x24: {  	s3 =	sadd.s32 $0x88, s3;
	s6 =	simm.s32 @!p1 $0x1082;
	[sflag:s4] =	ssyncset.s32 $0xFFFFF086  }
0x25: {  	[simem:s6], [sflag:s4] =	dma.local [hbm:s3], $0xF7A  }
0x26: {  	[smem:$0x3F9A] =	sst s1;
	(tag) =	ssettag s2;
	_ =	strace s9  }
0x27: {  	s1 =	sld [smem:$0x3FAA]  }
0x28: {  	s2 =	sld [smem:$0x3FAB]  }
0x29: {  	s4 =	sld [smem:$0x3FAD]  }
0x2a: {  	p0 =	seq.s32 s5, $0x0;
	s5 =	sld [smem:$0x3FAE]  }
0x2b: {  	s6 =	sld [smem:$0x3FAF]  }
0x2c: {  	s7 =	sld [smem:$0x3FB0]  }
0x2d: {  	s3 =	simm.s32 $0x108;
	s8 =	sld [smem:$0x3FB1]  }
0x2e: {  	s3 =	simm.s32 @!p0 $0x1082;
	s9 =	sld [smem:$0x3FB2]  }
0x2f: {  	lr =	sadd.s32 s0, s3;
	s0 =	sld [smem:$0x3FA9]  }
0x30: {  	s3 =	sld [smem:$0x3FAC]  }
0x31: {  	[smem:$0x3FB5] =	sst s10  }
0x32: {  	s10 =	sld [smem:$0x3FB3];
	_ =	sdelay $0x3  }
0x33: {  	p0 =	seq.s32 s10, $0x1;
	s10 =	sld [smem:$0x3FB5];
	_ =	sdelay $0x3  }
0x34: {  	[smem:$0x3FB5] =	sst s10  }
0x35: {  	s10 =	sld [smem:$0x3FB4];
	_ =	sdelay $0x3  }
0x36: {  	p1 =	seq.s32 s10, $0x1;
	s10 =	sld [smem:$0x3FB5];
	_ =	sdelay $0x3  }
0x37: {  	[smem:$0x3FB5] =	sst s10  }
0x38: {  	s10 =	sld [smem:$0x3FB6]  }
0x39: {  	_ = 	snop;
	(pc) =	sbr.ind lr, $3  }
0x3a: {  	_ = 	snop  }
0x3b: {  	_ = 	snop  }
0x3c: {  	p2 =	seq.s32 s10, $0x1;
	s10 =	sld [smem:$0x3FB5]  }
0x3d: {  	_ =	shalt  }
0x3e: {  	_ =	shalt  }
0x3f: {  	_ =	shalt  }
0x40: {  	_ =	shalt  }
0x41: {  	_ =	shalt  }
0x42: {  	_ =	shalt  }
0x43: {  	_ =	shalt  }
0x44: {  	_ =	shalt  }
0x45: {  	_ =	shalt  }
0x46: {  	_ =	shalt  }
0x47: {  	_ =	shalt  }
0x48: {  	_ =	shalt  }
0x49: {  	_ =	shalt  }
0x4a: {  	_ =	shalt  }
0x4b: {  	_ =	shalt  }
0x4c: {  	_ =	shalt  }
0x4d: {  	_ =	shalt  }
0x4e: {  	_ =	shalt  }
0x4f: {  	_ =	shalt  }
0x50: {  	_ =	shalt  }
0x51: {  	_ =	shalt  }
0x52: {  	_ =	shalt  }
0x53: {  	_ =	shalt  }
0x54: {  	_ =	shalt  }
0x55: {  	_ =	shalt  }
0x56: {  	_ =	shalt  }
0x57: {  	_ =	shalt  }
0x58: {  	_ =	shalt  }
0x59: {  	_ =	shalt  }
0x5a: {  	_ =	shalt  }
0x5b: {  	_ =	shalt  }
0x5c: {  	_ =	shalt  }
0x5d: {  	_ =	shalt  }
0x5e: {  	_ =	shalt  }
0x5f: {  	_ =	shalt  }
0x60: {  	_ =	shalt  }
0x61: {  	_ =	shalt  }
0x62: {  	_ =	shalt  }
0x63: {  	_ =	shalt  }
0x64: {  	_ =	shalt  }
0x65: {  	_ =	shalt  }
0x66: {  	_ =	shalt  }
0x67: {  	_ =	shalt  }
0x68: {  	_ =	shalt  }
0x69: {  	_ =	shalt  }
0x6a: {  	_ =	shalt  }
0x6b: {  	_ =	shalt  }
0x6c: {  	_ =	shalt  }
0x6d: {  	_ =	shalt  }
0x6e: {  	_ =	shalt  }
0x6f: {  	_ =	shalt  }
0x70: {  	_ =	shalt  }
0x71: {  	_ =	shalt  }
0x72: {  	_ =	shalt  }
0x73: {  	_ =	shalt  }
0x74: {  	_ =	shalt  }
0x75: {  	_ =	shalt  }
0x76: {  	_ =	shalt  }
0x77: {  	_ =	shalt  }
0x78: {  	_ =	shalt  }
0x79: {  	_ =	shalt  }
0x7a: {  	_ =	shalt  }
0x7b: {  	_ =	shalt  }
0x7c: {  	_ =	shalt  }
0x7d: {  	_ =	shalt  }
0x7e: {  	_ =	shalt  }
0x7f: {  	_ =	shalt  }
0x80: {  	_ =	shalt  }
0x81: {  	_ =	shalt  }
0x82: {  	_ =	shalt  }
0x83: {  	_ =	shalt  }
0x84: {  	_ =	shalt  }
0x85: {  	_ =	shalt  }
0x86: {  	_ =	shalt  }
0x87: {  	_ =	shalt  }
.Lfunc_end0:
.L_simem_size_0:
called_computation.2_lowered:
.L_overlay_start_0:
0x88: {  	s2 =	sld [smem:$0x3FD9]  }
0x89: {  	s3 =	sld [smem:$0x3FFE];
	_ =	sdelay $0x1  }
0x8a: {  	s1 =	srdreg.scid  }
0x8b: {  	s0 =	sand.u32 $0x1, s1  }
0x8c: {  	s16 =	sshll.u32 s0, $0xA;
	s2 =	sadd.s32 s3, s2  }
0x8d: {  	s2 =	sadd.s32 s2, s16  }
0x8e: {  	[smem:$0x3FC1] =	sst s2  }
0x8f: {  	_ = 	snop  }
0x90: {  	(tm) =	ssettm $0x1  }
0x91: {  	s17 =	sld [smem:$0x3FFB];
	_ =	sdelay $0x3  }
0x92: {  	_ =	strace s17  }
0x93: {  	s2 =	sld [smem:$0x3FFC];
	_ =	sdelay $0x3  }
0x94: {  	_ =	strace s2  }
0x95: {  	s2 =	sld [smem:$0x3FFD];
	_ =	sdelay $0x3  }
0x96: {  	_ =	strace s2  }
0x97: {  	_ =	strace $0x8FFFFFFF  }
0x98: {  	s18 =	sld [smem:$0x3FDB];
	_ =	sdelay $0x1  }
0x99: {  	s19 =	simm.s32 $_scs_section_size  }
0x9a: {  	s4 =	simm.s32 $_size__tile_overlayer_lowered;
	s5 =	simm.s32 $_tile_overlayer_lowered  }
0x9b: {  	s22 =	simm.s32 $0x1BFF;
	s21 =	sshll.u32 s5, $0x1;
	s2 =	sadd.s32 s19, s18  }
0x9c: {  	s6 =	simm.s32 $0x0;
	s20 =	sshll.u32 s4, $0x1;
	s4 =	sadd.s32 s21, s2  }
0x9d: {  	[timem:s6], [sflag:s22] =	dma.local [hbm:s4], s20  }
0x9e: {  	_ =	swait.ge [sflag:s22], s20  }
0x9f: {  	s3 =	ssub.s32 $0x0, s20;
	[sflag:s22] =	ssyncset.done $0x0  }
0xa0: {  	[sflag:s22] =	ssyncadd.s32 s3;
	_ =	sdelay $0x1  }
0xa1: {  	s23 =	simm.s32 $0x1B8B  }
0xa2: {  	_ =	swait.ge [sflag:s23], $0x1  }
0xa3: {  	[sflag:s23] =	ssyncset.done $0x0  }
0xa4: {  	s25 =	simm.s32 $0x1B8E;
	s24 =	sld [smem:$0x3FFE];
	[sflag:s23] =	ssyncadd.s32 $0xFFFFFFFF  }
0xa5: {  	s26 =	simm.s32 $execute0_lowered;
	[smem:$0x3FD2] =	sst s25  }
0xa6: {  	s4 =	sshll.u32 s26, $0x1;
	_ =	strace $0x8000004C;
	[dreg:$0x1] =	wrdreg $0xFFFFFFFF  }
0xa7: {  	s28 =	simm.s32 $_size_execute0_lowered;
	s2 =	sadd.s32 s2, s4;
	[dreg:$0x0] =	wrdreg $0x0  }
0xa8: {  	s4 =	sshll.u32 s28, $0x1;
	[dreg:$0x2] =	wrdreg s2  }
0xa9: {  	[dreg:$0x3] =	wrdreg s4  }
0xaa: {  	[dreg:$0x4] =	wrdreg $0xC0  }
0xab: {  	_ =	task [dreg:s6], $0x5FFFF  }
0xac: {  	[dreg:$0x1] =	wrdreg $0xFFFFFFFF  }
0xad: {  	[dreg:$0x0] =	wrdreg $0x60  }
0xae: {  	[dreg:$0x2] =	wrdreg s24  }
0xaf: {  	[dreg:$0x3] =	wrdreg $0x98000  }
0xb0: {  	[dreg:$0x4] =	wrdreg $0x9  }
0xb1: {  	_ =	task.clear_ibuf [dreg:s6], $0x5FFFF;
	_ =	strace $0x9000004C  }
0xb2: {  	s29 =	simm.s32 $0x9;
	_ =	strace $0x8000004E  }
0xb3: {  	_ =	swait.ge [sflag:s29], $0x1  }
0xb4: {  	[sflag:s29] =	ssyncadd.s32 $0xFFFFFFFF  }
0xb5: {  	_ =	strace $0x9000004E  }
0xb6: {  	_ =	sfence  }
0xb7: {  	s30 =	sld [smem:$0x0];
	_ =	sdelay $0x2  }
0xb8: {  	s31 =	sshll.u32 s1, $0xD;
	s1 =	sshrl.u32 s1, $0x2  }
0xb9: {  	s3 =	sand.u32 $0x4000, s31;
	s1 =	sadd.s32 s1, s30  }
0xba: {  	s0 =	sor.u32 s3, s0;
	s1 =	sshll.u32 s1, $0x11  }
0xbb: {  	s0 =	sor.u32 s1, s0  }
0xbc: {  	s0 =	sadd.s32 $0x8F2B, s0  }
0xbd: {  	[sflag:s0] =	ssyncadd.remote.s32 $0x1  }
0xbe: {  	_ =	sfence.sel $0xFFFF  }
0xbf: {  	[dreg:$0x0] =	wrdreg $0xFFFFFFFF;
	(pc) =	sbr.abs _section_cstart, $3  }
0xc0: {  	[dreg:$0x1] =	wrdreg $0xFFFFFFFF  }
0xc1: {  	_ =	task.clear_ibuf [dreg:s6], $0x2FFFF;
	_ =	strace $0x9FFFFFFF  }
0xc2: {  	(tm) =	ssettm $0x7FFFFFFF  }
0xc3: {  	_ =	shalt  }
tec
execute0_lowered:
.L_overlay_start_1:
0x0: {  	(tag) =	ssettag $0x1  }
0x1: {  	s5 =	rddreg [dreg:$0x0]  }
0x2: {  	s2 =	rddreg [dreg:$0x1]  }
0x3: {  	s0 =	rddreg [dreg:$0x2];
	s4 =	srdreg.scid  }
0x4: {  	s1 =	stileid.u32;
	s3 =	simm.s32 $0x0;
	s14 =	simm.s32 $0x2  }
0x5: {  	s15 =	simm.s32 $0x2800;
	s16 =	simm.s32 $0x5000;
	s17 =	simm.s32 $0x80  }
0x6: {  	s18 =	simm.s32 $0x1;
	s21 =	simm.s32 $0x0;
	s7 =	smul.u32 $0x16800, s1  }
0x7: {  	s6 =	sand.u32 $0x1, s4;
	[smem:$0x7FF] =	sst s3;
	s10 =	smul.u32 $0x5A000, s1  }
0x8: {  	s19 =	sshll.u32 s1, $0x6;
	s4 =	sshll.u32 s6, $0x4;
	s8 =	smul.u32 $0x168000, s6  }
0x9: {  	_ =	strace $0x8000004D;
	s6 =	ssub.s32 $0x2, s6;
	s19 =	sor.u32 $0x1C02, s19  }
0xa: {  	s9 =	sor.u32 s1, s4;
	s4 =	sadd.s32 $0x8F200, s5;
	s30 =	sshrl.u32 s6, $0x1  }
0xb: {  	s31 =	sshrl.u32 s10, $0x2;
	s9 =	smul.u32 $0x500, s9;
	s8 =	sadd.s32 s7, s8  }
0xc: {  	s13 =	ssub.s32 s6, s30;
	s7 =	sadd.s32 s7, s2;
	s11 =	sadd.s32 s31, s2  }
0xd: {  	s8 =	sshrl.u32 s8, $0x3;
	s10 =	sadd.s32 $0xD800, s11;
	s13 =	smax.u32 s13, $0x1  }
0xe: {  	s20 =	sshrl.u32 s7, $0x3;
	s9 =	sadd.s32 s9, s5;
	s12 =	sadd.s32 s8, s5  }
0xf: {  	s8 =	sadd.s32 $0x4800, s11;
	s5 =	sadd.s32 $0x2B200, s9;
	s6 =	sadd.s32 $0x35200, s9  }
0x10: {  	v0 =	vimm.f32 $0.0e+00;
	s9 =	sadd.s32 $0x9000, s11;
	s11 =	sadd.s32 $0x12000, s11;
	s12 =	sadd.s32 $0x12F200, s12  }
.LBB2_1:
0x11: {  	[tilespmem:s3], [sflag:$0x2] =	stream.linear.gather [hbm4b:s5+s3], $0x2800, $0x38;
	v63 =	vld [tilespmem:$0x0]  }
0x12: {  	_ =	swait.ge [sflag:s14], $0x2800  }
0x13: {  	[sflag:s14] =	ssyncset.done $0x0  }
0x14: {  	[sflag:s14] =	ssyncadd.s32 $0xFFFFD800  }
0x15: {  	[tilespmem:s15], [sflag:$0x2] =	stream.linear.gather [hbm4b:s6+s3], $0x2800, $0x38;
	v63 =	vld [tilespmem:$0x0]  }
0x16: {  	_ =	swait.ge [sflag:s14], $0x2800  }
0x17: {  	[sflag:s14] =	ssyncset.done $0x0  }
0x18: {  	s22 =	simm.s32 $0x0;
	s23 =	simm.s32 $0x240;
	[sflag:s14] =	ssyncadd.s32 $0xFFFFD800  }
.LBB2_2:
0x19: {  	p0 =	sne.s32 s23, $0x11DC0;
	[tilespmem:s22+$0x5080] =	vst v0  }
0x1a: {  	[tilespmem:s22+$0x5000] =	vst v0  }
0x1b: {  	[tilespmem:s22+$0x5010] =	vst v0  }
0x1c: {  	[tilespmem:s22+$0x5020] =	vst v0  }
.Ltmp0:
0x1d: {  	[tilespmem:s22+$0x5030] =	vst v0;
	(pc) =	sbr.rel @p0 .LBB2_2-.Ltmp0, $4  }
0x1e: {  	[tilespmem:s22+$0x5040] =	vst v0  }
0x1f: {  	[tilespmem:s22+$0x5050] =	vst v0  }
0x20: {  	[tilespmem:s22+$0x5060] =	vst v0  }
0x21: {  	[tilespmem:s22+$0x5070] =	vst v0;
	s22 =	sshra.s32 s23, $0x2;
	s23 =	sadd.s32 $0x240, s23  }
0x22: {  	[tilespmem:s22+$0x5080] =	vst v0  }
0x23: {  	[tilespmem:s22+$0x5000] =	vst v0  }
0x24: {  	[tilespmem:s22+$0x5010] =	vst v0  }
0x25: {  	[tilespmem:s22+$0x5020] =	vst v0  }
0x26: {  	[tilespmem:s22+$0x5030] =	vst v0  }
0x27: {  	[tilespmem:s22+$0x5040] =	vst v0  }
0x28: {  	[tilespmem:s22+$0x5050] =	vst v0  }
0x29: {  	[tilespmem:s22+$0x5060] =	vst v0  }
0x2a: {  	[tilespmem:s22+$0x5070] =	vst v0  }
0x2b: {  	[spmem:s7] =	stream.linear.scatter [tilespmem:s16], [sflag:$0x2], $0x4800, $0x38;
	v63 =	vld [tilespmem:$0x0]  }
0x2c: {  	_ =	swait.ge [sflag:s14], $0x4800  }
0x2d: {  	[sflag:s14] =	ssyncset.done $0x0  }
0x2e: {  	[sflag:s14] =	ssyncadd.s32 $0xFFFFB800  }
0x2f: {  	[spmem:s8] =	stream.linear.scatter [tilespmem:s16], [sflag:$0x2], $0x4800, $0x38;
	v63 =	vld [tilespmem:$0x0]  }
0x30: {  	_ =	swait.ge [sflag:s14], $0x4800  }
0x31: {  	[sflag:s14] =	ssyncset.done $0x0  }
0x32: {  	[sflag:s14] =	ssyncadd.s32 $0xFFFFB800  }
0x33: {  	[spmem:s9] =	stream.linear.scatter [tilespmem:s16], [sflag:$0x2], $0x4800, $0x38;
	v63 =	vld [tilespmem:$0x0]  }
0x34: {  	_ =	swait.ge [sflag:s14], $0x4800  }
0x35: {  	[sflag:s14] =	ssyncset.done $0x0  }
0x36: {  	[sflag:s14] =	ssyncadd.s32 $0xFFFFB800  }
0x37: {  	[spmem:s10] =	stream.linear.scatter [tilespmem:s16], [sflag:$0x2], $0x4800, $0x38;
	v63 =	vld [tilespmem:$0x0]  }
0x38: {  	_ =	swait.ge [sflag:s14], $0x4800  }
0x39: {  	[sflag:s14] =	ssyncset.done $0x0  }
0x3a: {  	[sflag:s14] =	ssyncadd.s32 $0xFFFFB800  }
0x3b: {  	[spmem:s11] =	stream.linear.scatter [tilespmem:s16], [sflag:$0x2], $0x4800, $0x38;
	v63 =	vld [tilespmem:$0x0]  }
0x3c: {  	_ =	swait.ge [sflag:s14], $0x4800  }
0x3d: {  	[sflag:s14] =	ssyncset.done $0x0  }
0x3e: {  	[sflag:s14] =	ssyncadd.s32 $0xFFFFB800  }
0x3f: {  	s30 =	simm.s32 $0x0;
	[bflag:$0x0] =	sbarrier.arrive $0xFFFF  }
0x40: {  	[tilespmem:s16], [sflag:$0x1] =	stream.indirect.gather [hbm4b:s4+s17], $0x90, s30, s17, $0xb8;
	v63 =	vld [tilespmem:$0x0]  }
0x41: {  	_ =	swait.ge [sflag:s18], $0x4800  }
0x42: {  	[sflag:s18] =	ssyncset.done $0x0  }
0x43: {  	s31 =	simm.s32 $0x2800;
	[sflag:s18] =	ssyncadd.s32 $0xFFFFB800  }
0x44: {  	[spmem:s2] =	stream.indirect.scatter.add.f32 [tilespmem:s16], [sflag:$0x2], $0x90, s31, s17, $0xb8;
	v63 =	vld [tilespmem:$0x0]  }
0x45: {  	_ =	swait.ge [sflag:s14], $0x4800  }
0x46: {  	s22 =	simm.s32 $0x200;
	s23 =	simm.s32 $0x400;
	[sflag:s14] =	ssyncset.done $0x0  }
.LBB2_4:
0x47: {  	s24 =	sshra.s32 s22, $0x2  }
0x48: {  	[sflag:s14] =	ssyncadd.s32 $0xFFFFB800;
	s22 =	smov.u32 s23;
	s25 =	sadd.s32 $0x200, s23  }
0x49: {  	[tilespmem:s16], [sflag:$0x1] =	stream.indirect.gather [hbm4b:s4+s17], $0x90, s24, s17, $0xb8;
	v63 =	vld [tilespmem:$0x0]  }
0x4a: {  	p0 =	sne.s32 s23, $0x9E00;
	_ =	swait.ge [sflag:s18], $0x4800  }
.Ltmp1:
0x4b: {  	[sflag:s18] =	ssyncset.done $0x0;
	(pc) =	sbr.rel @p0 .LBB2_4-.Ltmp1, $4  }
0x4c: {  	s23 =	sadd.s32 $0x2800, s24;
	[sflag:s18] =	ssyncadd.s32 $0xFFFFB800  }
0x4d: {  	[spmem:s2] =	stream.indirect.scatter.add.f32 [tilespmem:s16], [sflag:$0x2], $0x90, s23, s17, $0xb8;
	v63 =	vld [tilespmem:$0x0]  }
0x4e: {  	_ =	swait.ge [sflag:s14], $0x4800  }
0x4f: {  	s23 =	smov.u32 s25;
	[sflag:s14] =	ssyncset.done $0x0  }
0x50: {  	s22 =	sshra.s32 s22, $0x2;
	[sflag:s14] =	ssyncadd.s32 $0xFFFFB800  }
0x51: {  	[tilespmem:s16], [sflag:$0x1] =	stream.indirect.gather [hbm4b:s4+s17], $0x90, s22, s17, $0xb8;
	v63 =	vld [tilespmem:$0x0]  }
0x52: {  	_ =	swait.ge [sflag:s18], $0x4800  }
0x53: {  	[sflag:s18] =	ssyncset.done $0x0  }
0x54: {  	s22 =	sadd.s32 $0x2800, s22;
	[sflag:s18] =	ssyncadd.s32 $0xFFFFB800  }
0x55: {  	[spmem:s2] =	stream.indirect.scatter.add.f32 [tilespmem:s16], [sflag:$0x2], $0x90, s22, s17, $0xb8;
	v63 =	vld [tilespmem:$0x0]  }
0x56: {  	_ =	swait.ge [sflag:s14], $0x4800  }
0x57: {  	s21 =	sadd.s32 $0x1, s21;
	[sflag:s14] =	ssyncset.done $0x0  }
0x58: {  	p0 =	sne.s32 s21, s13;
	[sflag:s14] =	ssyncadd.s32 $0xFFFFB800  }
.Ltmp2:
0x59: {  	[bflag:$0x0] =	sbarrier.arrive $0xFFFF;
	(pc) =	sbr.rel @p0 .LBB2_1-.Ltmp2, $4  }
0x5a: {  	[hbm:s12], [sflag:s19] =	dma.local [spmem:s20], $0x2D00  }
0x5b: {  	_ =	swait.ge [sflag:s14], $0x2D00  }
0x5c: {  	[sflag:s14] =	ssyncset.done $0x0  }
0x5d: {  	[sflag:s14] =	ssyncadd.s32 $0xFFFFD300  }
0x5e: {  	_ =	sfence.sel $0x180000  }
0x5f: {  	[bflag:$0x0] =	sbarrier.arrive $0xFFFF  }
0x60: {  	p0 =	sne.s32 s1, $0x0;
	_ =	strace $0x9000004D  }
0x61: {  	s0 =	sadd.s32 @!p0 $0x100000, s0;
	[bflag:$0x2] =	sbarrier.arrive $0xFFFF  }
0x62: {  	[sflag:s0] =	ssyncadd.tile.s32 @!p0 $0x1;
	_ =	shalt  }
.Lfunc_end2:
_tile_overlayer_lowered:
.L_overlay_start_2:
0x63: {  	(tag) =	ssettag $0x2  }
0x64: {  	s0 =	rddreg [dreg:$0x0];
	s2 =	stileid.u32  }
0x65: {  	s1 =	rddreg [dreg:$0x1];
	p0 =	sne.s32 s2, $0x0  }
0x66: {  	s3 =	rddreg [dreg:$0x2];
	[bflag:$0x3] =	sbarrier.arrive $0xFFFF;
	s2 =	simm.s32 @!p0 $0x1C02  }
0x67: {  	[timem:s3], [sflag:s2] =	dma.local @!p0 [hbm:s0], s1  }
0x68: {  	s0 =	simm.s32 @!p0 $0x2  }
0x69: {  	_ =	swait.ge @!p0 [sflag:s0], s1  }
0x6a: {  	s1 =	ssub.s32 @!p0 $0x0, s1;
	[sflag:s0] =	ssyncset.done @!p0 $0x0  }
0x6b: {  	[sflag:s0] =	ssyncadd.s32 @!p0 s1  }
0x6c: {  	[bflag:$0x3] =	sbarrier.arrive $0xFFFF  }
0x6d: {  	_ =	shalt  }

// kernel: kernel.23.cloned.1.call-start
scs
__scs_entry_jumppad:
0x0: {  	(pc) =	sbr.rel $0x88, $3  }
0x1: {  	(tag) =	ssettag $0x0;
	lr =	simm.s32 $0x1  }
0x2: {  	[smem:$0x3F9A] =	sst lr;
	_ =	strace $0xD0000000  }
0x3: {  	_ = 	snop  }
0x4: {  	_ = 	snop  }
0x5: {  	_ = 	snop  }
0x6: {  	_ = 	snop  }
0x7: {  	_ = 	snop  }
__scs_overlays_trampoline_lowered:
0x8: {  	[smem:$0x3FA9] =	sst s0  }
0x9: {  	[smem:$0x3FAA] =	sst s1  }
0xa: {  	[smem:$0x3FAB] =	sst s2  }
0xb: {  	[smem:$0x3FAC] =	sst s3  }
0xc: {  	[smem:$0x3FAD] =	sst s4  }
0xd: {  	[smem:$0x3FAE] =	sst s5  }
0xe: {  	[smem:$0x3FAF] =	sst s6  }
0xf: {  	[smem:$0x3FB0] =	sst s7  }
0x10: {  	[smem:$0x3FB1] =	sst s8  }
0x11: {  	[smem:$0x3FB2] =	sst s9;
	s0 =	simm.s32 @!p0 $0x0  }
0x12: {  	s1 =	sld [smem:$0x3F98];
	s0 =	simm.s32 @p0 $0x1  }
0x13: {  	[smem:$0x3FB3] =	sst s0;
	s0 =	simm.s32 @!p1 $0x0  }
0x14: {  	s2 =	sld [smem:$0x3F97];
	s0 =	simm.s32 @p1 $0x1  }
0x15: {  	[smem:$0x3FB4] =	sst s0;
	s0 =	simm.s32 @!p2 $0x0  }
0x16: {  	s3 =	sld [smem:$0x3FDB];
	s0 =	simm.s32 @p2 $0x1  }
0x17: {  	s4 =	simm.s32 $0x1BF5;
	[smem:$0x3FB6] =	sst s0  }
0x18: {  	s0 =	sld [smem:$0x3F99];
	_ =	swait.ge [sflag:s4], $0x0  }
0x19: {  	s7 =	sld [smem:$0x3F9A]  }
0x1a: {  	s8 =	sadd.s32 $0xFFFFE003, lr  }
0x1b: {  	s9 =	sadd.s32 $0xFFFFFEF7, lr;
	s5 =	simm.s32 $0xFFFFFFFF;
	p2 =	slt.u32 s8, $0xFFFFF086  }
0x1c: {  	p1 =	slt.u32 s9, $0xF7A;
	s5 =	simm.s32 @!p2 $0x0  }
0x1d: {  	s5 =	simm.s32 @p1 $0x1;
	p0 =	seq.s32 s7, s2  }
0x1e: {  	s7 =	smul.u32 @!p0 $0xF7A, s2;
	p2 =	seq.s32 @!p0 s5, $0x0  }
0x1f: {  	s9 =	smul.u32 $0xF7A, s1;
	s8 =	simm.s32 @!p0 $0x1BF5;
	p2 =	por !p2, p0  }
0x20: {  	[sflag:s8] =	ssyncset.s32 @!p0 $0xFFFFF086;
	s6 =	sadd.s32 @!p0 s3, s7;
	s7 =	simm.s32 @!p0 $0x108  }
0x21: {  	s3 =	sadd.s32 s3, s9;
	s6 =	sadd.s32 @!p0 $0x88, s6;
	s7 =	simm.s32 @p2 $0x1082  }
0x22: {  	[simem:s7], [sflag:s8] =	dma.local @!p0 [hbm:s6], $0xF7A  }
0x23: {  	s9 =	sor.u32 $0xD0000000, s2;
	s6 =	simm.s32 $0x108;
	_ =	swait.ge @!p0 [sflag:s8], $0x0  }
0x24: {  	s3 =	sadd.s32 $0x88, s3;
	s6 =	simm.s32 @!p1 $0x1082;
	[sflag:s4] =	ssyncset.s32 $0xFFFFF086  }
0x25: {  	[simem:s6], [sflag:s4] =	dma.local [hbm:s3], $0xF7A  }
0x26: {  	[smem:$0x3F9A] =	sst s1;
	(tag) =	ssettag s2;
	_ =	strace s9  }
0x27: {  	s1 =	sld [smem:$0x3FAA]  }
0x28: {  	s2 =	sld [smem:$0x3FAB]  }
0x29: {  	s4 =	sld [smem:$0x3FAD]  }
0x2a: {  	p0 =	seq.s32 s5, $0x0;
	s5 =	sld [smem:$0x3FAE]  }
0x2b: {  	s6 =	sld [smem:$0x3FAF]  }
0x2c: {  	s7 =	sld [smem:$0x3FB0]  }
0x2d: {  	s3 =	simm.s32 $0x108;
	s8 =	sld [smem:$0x3FB1]  }
0x2e: {  	s3 =	simm.s32 @!p0 $0x1082;
	s9 =	sld [smem:$0x3FB2]  }
0x2f: {  	lr =	sadd.s32 s0, s3;
	s0 =	sld [smem:$0x3FA9]  }
0x30: {  	s3 =	sld [smem:$0x3FAC]  }
0x31: {  	[smem:$0x3FB5] =	sst s10  }
0x32: {  	s10 =	sld [smem:$0x3FB3];
	_ =	sdelay $0x3  }
0x33: {  	p0 =	seq.s32 s10, $0x1;
	s10 =	sld [smem:$0x3FB5];
	_ =	sdelay $0x3  }
0x34: {  	[smem:$0x3FB5] =	sst s10  }
0x35: {  	s10 =	sld [smem:$0x3FB4];
	_ =	sdelay $0x3  }
0x36: {  	p1 =	seq.s32 s10, $0x1;
	s10 =	sld [smem:$0x3FB5];
	_ =	sdelay $0x3  }
0x37: {  	[smem:$0x3FB5] =	sst s10  }
0x38: {  	s10 =	sld [smem:$0x3FB6]  }
0x39: {  	_ = 	snop;
	(pc) =	sbr.ind lr, $3  }
0x3a: {  	_ = 	snop  }
0x3b: {  	_ = 	snop  }
0x3c: {  	p2 =	seq.s32 s10, $0x1;
	s10 =	sld [smem:$0x3FB5]  }
0x3d: {  	_ =	shalt  }
0x3e: {  	_ =	shalt  }
0x3f: {  	_ =	shalt  }
0x40: {  	_ =	shalt  }
0x41: {  	_ =	shalt  }
0x42: {  	_ =	shalt  }
0x43: {  	_ =	shalt  }
0x44: {  	_ =	shalt  }
0x45: {  	_ =	shalt  }
0x46: {  	_ =	shalt  }
0x47: {  	_ =	shalt  }
0x48: {  	_ =	shalt  }
0x49: {  	_ =	shalt  }
0x4a: {  	_ =	shalt  }
0x4b: {  	_ =	shalt  }
0x4c: {  	_ =	shalt  }
0x4d: {  	_ =	shalt  }
0x4e: {  	_ =	shalt  }
0x4f: {  	_ =	shalt  }
0x50: {  	_ =	shalt  }
0x51: {  	_ =	shalt  }
0x52: {  	_ =	shalt  }
0x53: {  	_ =	shalt  }
0x54: {  	_ =	shalt  }
0x55: {  	_ =	shalt  }
0x56: {  	_ =	shalt  }
0x57: {  	_ =	shalt  }
0x58: {  	_ =	shalt  }
0x59: {  	_ =	shalt  }
0x5a: {  	_ =	shalt  }
0x5b: {  	_ =	shalt  }
0x5c: {  	_ =	shalt  }
0x5d: {  	_ =	shalt  }
0x5e: {  	_ =	shalt  }
0x5f: {  	_ =	shalt  }
0x60: {  	_ =	shalt  }
0x61: {  	_ =	shalt  }
0x62: {  	_ =	shalt  }
0x63: {  	_ =	shalt  }
0x64: {  	_ =	shalt  }
0x65: {  	_ =	shalt  }
0x66: {  	_ =	shalt  }
0x67: {  	_ =	shalt  }
0x68: {  	_ =	shalt  }
0x69: {  	_ =	shalt  }
0x6a: {  	_ =	shalt  }
0x6b: {  	_ =	shalt  }
0x6c: {  	_ =	shalt  }
0x6d: {  	_ =	shalt  }
0x6e: {  	_ =	shalt  }
0x6f: {  	_ =	shalt  }
0x70: {  	_ =	shalt  }
0x71: {  	_ =	shalt  }
0x72: {  	_ =	shalt  }
0x73: {  	_ =	shalt  }
0x74: {  	_ =	shalt  }
0x75: {  	_ =	shalt  }
0x76: {  	_ =	shalt  }
0x77: {  	_ =	shalt  }
0x78: {  	_ =	shalt  }
0x79: {  	_ =	shalt  }
0x7a: {  	_ =	shalt  }
0x7b: {  	_ =	shalt  }
0x7c: {  	_ =	shalt  }
0x7d: {  	_ =	shalt  }
0x7e: {  	_ =	shalt  }
0x7f: {  	_ =	shalt  }
0x80: {  	_ =	shalt  }
0x81: {  	_ =	shalt  }
0x82: {  	_ =	shalt  }
0x83: {  	_ =	shalt  }
0x84: {  	_ =	shalt  }
0x85: {  	_ =	shalt  }
0x86: {  	_ =	shalt  }
0x87: {  	_ =	shalt  }
.Lfunc_end0:
.L_simem_size_0:
called_computation.3_lowered:
.L_overlay_start_0:
0x88: {  	s2 =	sld [smem:$0x3FD9]  }
0x89: {  	s3 =	sld [smem:$0x3FFE];
	_ =	sdelay $0x1  }
0x8a: {  	s1 =	srdreg.scid  }
0x8b: {  	s0 =	sand.u32 $0x1, s1  }
0x8c: {  	s17 =	sshll.u32 s0, $0xA;
	s2 =	sadd.s32 s3, s2  }
0x8d: {  	s2 =	sadd.s32 s2, s17  }
0x8e: {  	[smem:$0x3FC1] =	sst s2  }
0x8f: {  	_ = 	snop  }
0x90: {  	(tm) =	ssettm $0x1  }
0x91: {  	s18 =	sld [smem:$0x3FFB];
	_ =	sdelay $0x3  }
0x92: {  	_ =	strace s18  }
0x93: {  	s2 =	sld [smem:$0x3FFC];
	_ =	sdelay $0x3  }
0x94: {  	_ =	strace s2  }
0x95: {  	s2 =	sld [smem:$0x3FFD];
	_ =	sdelay $0x3  }
0x96: {  	_ =	strace s2  }
0x97: {  	_ =	strace $0x8FFFFFFF  }
0x98: {  	s19 =	sld [smem:$0x3FDB];
	_ =	sdelay $0x1  }
0x99: {  	s20 =	simm.s32 $_scs_section_size  }
0x9a: {  	s4 =	simm.s32 $_size__tile_overlayer_lowered;
	s5 =	simm.s32 $_tile_overlayer_lowered  }
0x9b: {  	s6 =	simm.s32 $0x1BFF;
	s21 =	sshll.u32 s5, $0x1;
	s3 =	sadd.s32 s20, s19  }
0x9c: {  	s22 =	simm.s32 $0x0;
	s4 =	sshll.u32 s4, $0x1;
	s5 =	sadd.s32 s21, s3  }
0x9d: {  	[timem:s22], [sflag:s6] =	dma.local [hbm:s5], s4  }
0x9e: {  	_ =	swait.ge [sflag:s6], s4  }
0x9f: {  	s4 =	ssub.s32 $0x0, s4;
	[sflag:s6] =	ssyncset.done $0x0  }
0xa0: {  	[sflag:s6] =	ssyncadd.s32 s4;
	_ =	sdelay $0x1  }
0xa1: {  	s23 =	simm.s32 $0x1B8B  }
0xa2: {  	_ =	swait.ge [sflag:s23], $0x1  }
0xa3: {  	[sflag:s23] =	ssyncset.done $0x0  }
0xa4: {  	[sflag:s23] =	ssyncadd.s32 $0xFFFFFFFF  }
0xa5: {  	s4 =	sld [smem:$0x0]  }
0xa6: {  	s5 =	sand.u32 $0xFFFFFFFE, s1  }
0xa7: {  	p0 =	sne.s32 s1, s5  }
0xa8: {  	s5 =	sshll.u32 @p0 s5, $0xE  }
0xa9: {  	s5 =	sadd.s32 @p0 $0x11B8D, s5;
	s6 =	sshll.u32 @p0 s4, $0x11  }
0xaa: {  	s5 =	sor.u32 @p0 s6, s5  }
0xab: {  	[sflag:s5] =	ssyncadd.remote.s32 @p0 $0x1;
	_ =	sdelay $0x1  }
0xac: {  	s5 =	simm.s32 @p0 $0x1B8D  }
0xad: {  	_ =	swait.eq @p0 [sflag:s5], $0x1  }
0xae: {  	[sflag:s5] =	ssyncadd.s32 @p0 $0xFFFFFFFF  }
0xaf: {  	s6 =	sshll.u32 @!p0 s1, $0xE  }
0xb0: {  	s6 =	sor.u32 @!p0 $0x4000, s6;
	s5 =	simm.s32 @!p0 $0x1B8D  }
0xb1: {  	s4 =	sshll.u32 @!p0 s4, $0x11;
	s6 =	sadd.s32 @!p0 $0x11B8D, s6;
	_ =	swait.eq @!p0 [sflag:s5], $0x1  }
0xb2: {  	s4 =	sor.u32 @!p0 s4, s6;
	[sflag:s5] =	ssyncadd.s32 @!p0 $0xFFFFFFFF  }
0xb3: {  	s25 =	simm.s32 $0x1B8E;
	s24 =	sld [smem:$0x3FFE];
	[sflag:s4] =	ssyncadd.remote.s32 @!p0 $0x1  }
0xb4: {  	s26 =	simm.s32 $execute0_lowered;
	[smem:$0x3FD2] =	sst s25  }
0xb5: {  	s5 =	sshll.u32 s26, $0x1;
	_ =	strace $0x8000004F;
	[dreg:$0x1] =	wrdreg $0xFFFFFFFF  }
0xb6: {  	s28 =	simm.s32 $_size_execute0_lowered;
	s3 =	sadd.s32 s3, s5;
	[dreg:$0x0] =	wrdreg $0x0  }
0xb7: {  	s5 =	sshll.u32 s28, $0x1;
	[dreg:$0x2] =	wrdreg s3  }
0xb8: {  	[dreg:$0x3] =	wrdreg s5  }
0xb9: {  	[dreg:$0x4] =	wrdreg $0xC0  }
0xba: {  	_ =	task [dreg:s22], $0x5FFFF  }
0xbb: {  	[dreg:$0x1] =	wrdreg $0xFFFFFFFF  }
0xbc: {  	[dreg:$0x0] =	wrdreg $0x60  }
0xbd: {  	[dreg:$0x2] =	wrdreg s24  }
0xbe: {  	[dreg:$0x3] =	wrdreg $0x90000  }
0xbf: {  	[dreg:$0x4] =	wrdreg $0xA  }
0xc0: {  	_ =	task.clear_ibuf [dreg:s22], $0x5FFFF;
	_ =	strace $0x9000004F  }
0xc1: {  	s29 =	simm.s32 $0xA;
	_ =	strace $0x80000051  }
0xc2: {  	_ =	swait.ge [sflag:s29], $0x1  }
0xc3: {  	[sflag:s29] =	ssyncadd.s32 $0xFFFFFFFF  }
0xc4: {  	_ =	strace $0x90000051  }
0xc5: {  	_ =	sfence  }
0xc6: {  	s30 =	sld [smem:$0x0];
	_ =	sdelay $0x2  }
0xc7: {  	s31 =	sshll.u32 s1, $0xD;
	s1 =	sshrl.u32 s1, $0x2  }
0xc8: {  	s4 =	sand.u32 $0x4000, s31;
	s1 =	sadd.s32 s1, s30  }
0xc9: {  	s0 =	sor.u32 s4, s0;
	s1 =	sshll.u32 s1, $0x11  }
0xca: {  	s0 =	sor.u32 s1, s0  }
0xcb: {  	s0 =	sadd.s32 $0x8F2B, s0  }
0xcc: {  	[sflag:s0] =	ssyncadd.remote.s32 $0x1  }
0xcd: {  	_ =	sfence.sel $0xFFFF  }
0xce: {  	[dreg:$0x0] =	wrdreg $0xFFFFFFFF;
	(pc) =	sbr.abs _section_cstart, $3  }
0xcf: {  	[dreg:$0x1] =	wrdreg $0xFFFFFFFF  }
0xd0: {  	_ =	task.clear_ibuf [dreg:s22], $0x2FFFF;
	_ =	strace $0x9FFFFFFF  }
0xd1: {  	(tm) =	ssettm $0x7FFFFFFF  }
tec
execute0_lowered:
.L_overlay_start_1:
0x0: {  	(tag) =	ssettag $0x1  }
0x1: {  	s5 =	rddreg [dreg:$0x0]  }
0x2: {  	s2 =	rddreg [dreg:$0x1]  }
0x3: {  	s0 =	rddreg [dreg:$0x2];
	s4 =	srdreg.scid  }
0x4: {  	s1 =	stileid.u32;
	s3 =	simm.s32 $0x0;
	s14 =	simm.s32 $0x2  }
0x5: {  	s15 =	simm.s32 $0x2800;
	s16 =	simm.s32 $0x5000;
	s17 =	simm.s32 $0x80  }
0x6: {  	s18 =	simm.s32 $0x1;
	s21 =	simm.s32 $0x0;
	s7 =	smul.u32 $0x14000, s1  }
0x7: {  	s6 =	sand.u32 $0x1, s4;
	[smem:$0x7FF] =	sst s3;
	s10 =	smul.u32 $0x50000, s1  }
0x8: {  	s19 =	sshll.u32 s1, $0x6;
	s4 =	sshll.u32 s6, $0x4;
	s8 =	smul.u32 $0x140000, s6  }
0x9: {  	_ =	strace $0x80000050;
	s6 =	ssub.s32 $0x2, s6;
	s19 =	sor.u32 $0x1C02, s19  }
0xa: {  	s9 =	sor.u32 s1, s4;
	s4 =	sadd.s32 $0x3F200, s5;
	s30 =	sshrl.u32 s6, $0x1  }
0xb: {  	s31 =	sshrl.u32 s10, $0x2;
	s9 =	smul.u32 $0x500, s9;
	s8 =	sadd.s32 s7, s8  }
0xc: {  	s13 =	ssub.s32 s6, s30;
	s7 =	sadd.s32 s7, s2;
	s11 =	sadd.s32 s31, s2  }
0xd: {  	s8 =	sshrl.u32 s8, $0x3;
	s10 =	sadd.s32 $0xC000, s11;
	s13 =	smax.u32 s13, $0x1  }
0xe: {  	s20 =	sshrl.u32 s7, $0x3;
	s9 =	sadd.s32 s9, s5;
	s12 =	sadd.s32 s8, s5  }
0xf: {  	s8 =	sadd.s32 $0x4000, s11;
	s5 =	sadd.s32 $0x2B200, s9;
	s6 =	sadd.s32 $0x21200, s9  }
0x10: {  	v0 =	vimm.f32 $0.0e+00;
	s9 =	sadd.s32 $0x8000, s11;
	s11 =	sadd.s32 $0x10000, s11;
	s12 =	sadd.s32 $0x189200, s12  }
.LBB2_1:
0x11: {  	[tilespmem:s3], [sflag:$0x2] =	stream.linear.gather [hbm4b:s5+s3], $0x2800, $0x38;
	[tilespmem:$0x1D000] =	vst v63  }
0x12: {  	_ =	swait.ge [sflag:s14], $0x2800  }
0x13: {  	[sflag:s14] =	ssyncset.done $0x0  }
0x14: {  	[sflag:s14] =	ssyncadd.s32 $0xFFFFD800  }
0x15: {  	[tilespmem:s15], [sflag:$0x2] =	stream.linear.gather [hbm4b:s6+s3], $0x2800, $0x38;
	[tilespmem:$0x1D000] =	vst v63  }
0x16: {  	_ =	swait.ge [sflag:s14], $0x2800  }
0x17: {  	[sflag:s14] =	ssyncset.done $0x0  }
0x18: {  	s22 =	simm.s32 $0x0;
	s23 =	simm.s32 $0x200;
	[sflag:s14] =	ssyncadd.s32 $0xFFFFD800  }
.LBB2_2:
0x19: {  	p0 =	sne.s32 s23, $0xFE00;
	[tilespmem:s22+$0x5070] =	vst v0  }
0x1a: {  	[tilespmem:s22+$0x5000] =	vst v0  }
0x1b: {  	[tilespmem:s22+$0x5010] =	vst v0  }
.Ltmp0:
0x1c: {  	[tilespmem:s22+$0x5020] =	vst v0;
	(pc) =	sbr.rel @p0 .LBB2_2-.Ltmp0, $4  }
0x1d: {  	[tilespmem:s22+$0x5030] =	vst v0  }
0x1e: {  	[tilespmem:s22+$0x5040] =	vst v0  }
0x1f: {  	[tilespmem:s22+$0x5050] =	vst v0  }
0x20: {  	[tilespmem:s22+$0x5060] =	vst v0;
	s22 =	sshra.s32 s23, $0x2;
	s23 =	sadd.s32 $0x200, s23  }
0x21: {  	[tilespmem:s22+$0x5070] =	vst v0  }
0x22: {  	[tilespmem:s22+$0x5000] =	vst v0  }
0x23: {  	[tilespmem:s22+$0x5010] =	vst v0  }
0x24: {  	[tilespmem:s22+$0x5020] =	vst v0  }
0x25: {  	[tilespmem:s22+$0x5030] =	vst v0  }
0x26: {  	[tilespmem:s22+$0x5040] =	vst v0  }
0x27: {  	[tilespmem:s22+$0x5050] =	vst v0  }
0x28: {  	[tilespmem:s22+$0x5060] =	vst v0  }
0x29: {  	[spmem:s7] =	stream.linear.scatter [tilespmem:s16], [sflag:$0x2], $0x4000, $0x38;
	[tilespmem:$0x1D000] =	vst v63  }
0x2a: {  	_ =	swait.ge [sflag:s14], $0x4000  }
0x2b: {  	[sflag:s14] =	ssyncset.done $0x0  }
0x2c: {  	[sflag:s14] =	ssyncadd.s32 $0xFFFFC000  }
0x2d: {  	[spmem:s8] =	stream.linear.scatter [tilespmem:s16], [sflag:$0x2], $0x4000, $0x38;
	[tilespmem:$0x1D000] =	vst v63  }
0x2e: {  	_ =	swait.ge [sflag:s14], $0x4000  }
0x2f: {  	[sflag:s14] =	ssyncset.done $0x0  }
0x30: {  	[sflag:s14] =	ssyncadd.s32 $0xFFFFC000  }
0x31: {  	[spmem:s9] =	stream.linear.scatter [tilespmem:s16], [sflag:$0x2], $0x4000, $0x38;
	[tilespmem:$0x1D000] =	vst v63  }
0x32: {  	_ =	swait.ge [sflag:s14], $0x4000  }
0x33: {  	[sflag:s14] =	ssyncset.done $0x0  }
0x34: {  	[sflag:s14] =	ssyncadd.s32 $0xFFFFC000  }
0x35: {  	[spmem:s10] =	stream.linear.scatter [tilespmem:s16], [sflag:$0x2], $0x4000, $0x38;
	[tilespmem:$0x1D000] =	vst v63  }
0x36: {  	_ =	swait.ge [sflag:s14], $0x4000  }
0x37: {  	[sflag:s14] =	ssyncset.done $0x0  }
0x38: {  	[sflag:s14] =	ssyncadd.s32 $0xFFFFC000  }
0x39: {  	[spmem:s11] =	stream.linear.scatter [tilespmem:s16], [sflag:$0x2], $0x4000, $0x38;
	[tilespmem:$0x1D000] =	vst v63  }
0x3a: {  	_ =	swait.ge [sflag:s14], $0x4000  }
0x3b: {  	[sflag:s14] =	ssyncset.done $0x0  }
0x3c: {  	[sflag:s14] =	ssyncadd.s32 $0xFFFFC000  }
0x3d: {  	s30 =	simm.s32 $0x0;
	[bflag:$0x0] =	sbarrier.arrive $0xFFFF  }
0x3e: {  	[tilespmem:s16], [sflag:$0x1] =	stream.indirect.gather [hbm4b:s4+s17], $0x80, s30, s17, $0xb8;
	[tilespmem:$0x1D000] =	vst v63  }
0x3f: {  	_ =	swait.ge [sflag:s18], $0x4000  }
0x40: {  	[sflag:s18] =	ssyncset.done $0x0  }
0x41: {  	s31 =	simm.s32 $0x2800;
	[sflag:s18] =	ssyncadd.s32 $0xFFFFC000  }
0x42: {  	[spmem:s2] =	stream.indirect.scatter.add.f32 [tilespmem:s16], [sflag:$0x2], $0x80, s31, s17, $0xb8;
	[tilespmem:$0x1D000] =	vst v63  }
0x43: {  	_ =	swait.ge [sflag:s14], $0x4000  }
0x44: {  	s22 =	simm.s32 $0x200;
	s23 =	simm.s32 $0x400;
	[sflag:s14] =	ssyncset.done $0x0  }
.LBB2_4:
0x45: {  	s24 =	sshra.s32 s22, $0x2  }
0x46: {  	[sflag:s14] =	ssyncadd.s32 $0xFFFFC000;
	s22 =	smov.u32 s23;
	s25 =	sadd.s32 $0x200, s23  }
0x47: {  	[tilespmem:s16], [sflag:$0x1] =	stream.indirect.gather [hbm4b:s4+s17], $0x80, s24, s17, $0xb8;
	[tilespmem:$0x1D000] =	vst v63  }
0x48: {  	p0 =	sne.s32 s23, $0x9E00;
	_ =	swait.ge [sflag:s18], $0x4000  }
.Ltmp1:
0x49: {  	[sflag:s18] =	ssyncset.done $0x0;
	(pc) =	sbr.rel @p0 .LBB2_4-.Ltmp1, $4  }
0x4a: {  	s23 =	sadd.s32 $0x2800, s24;
	[sflag:s18] =	ssyncadd.s32 $0xFFFFC000  }
0x4b: {  	[spmem:s2] =	stream.indirect.scatter.add.f32 [tilespmem:s16], [sflag:$0x2], $0x80, s23, s17, $0xb8;
	[tilespmem:$0x1D000] =	vst v63  }
0x4c: {  	_ =	swait.ge [sflag:s14], $0x4000  }
0x4d: {  	s23 =	smov.u32 s25;
	[sflag:s14] =	ssyncset.done $0x0  }
0x4e: {  	s22 =	sshra.s32 s22, $0x2;
	[sflag:s14] =	ssyncadd.s32 $0xFFFFC000  }
0x4f: {  	[tilespmem:s16], [sflag:$0x1] =	stream.indirect.gather [hbm4b:s4+s17], $0x80, s22, s17, $0xb8;
	[tilespmem:$0x1D000] =	vst v63  }
0x50: {  	_ =	swait.ge [sflag:s18], $0x4000  }
0x51: {  	[sflag:s18] =	ssyncset.done $0x0  }
0x52: {  	s22 =	sadd.s32 $0x2800, s22;
	[sflag:s18] =	ssyncadd.s32 $0xFFFFC000  }
0x53: {  	[spmem:s2] =	stream.indirect.scatter.add.f32 [tilespmem:s16], [sflag:$0x2], $0x80, s22, s17, $0xb8;
	[tilespmem:$0x1D000] =	vst v63  }
0x54: {  	_ =	swait.ge [sflag:s14], $0x4000  }
0x55: {  	s21 =	sadd.s32 $0x1, s21;
	[sflag:s14] =	ssyncset.done $0x0  }
0x56: {  	p0 =	sne.s32 s21, s13;
	[sflag:s14] =	ssyncadd.s32 $0xFFFFC000  }
.Ltmp2:
0x57: {  	[bflag:$0x0] =	sbarrier.arrive $0xFFFF;
	(pc) =	sbr.rel @p0 .LBB2_1-.Ltmp2, $4  }
0x58: {  	[hbm:s12], [sflag:s19] =	dma.local [spmem:s20], $0x2800  }
0x59: {  	_ =	swait.ge [sflag:s14], $0x2800  }
0x5a: {  	[sflag:s14] =	ssyncset.done $0x0  }
0x5b: {  	[sflag:s14] =	ssyncadd.s32 $0xFFFFD800  }
0x5c: {  	_ =	sfence.sel $0x180000  }
0x5d: {  	[bflag:$0x0] =	sbarrier.arrive $0xFFFF  }
0x5e: {  	p0 =	sne.s32 s1, $0x0;
	_ =	strace $0x90000050  }
0x5f: {  	s0 =	sadd.s32 @!p0 $0x100000, s0;
	[bflag:$0x2] =	sbarrier.arrive $0xFFFF  }
0x60: {  	[sflag:s0] =	ssyncadd.tile.s32 @!p0 $0x1;
	_ =	shalt  }
.Lfunc_end2:
_tile_overlayer_lowered:
.L_overlay_start_2:
0x61: {  	(tag) =	ssettag $0x2  }
0x62: {  	s0 =	rddreg [dreg:$0x0];
	s2 =	stileid.u32  }
0x63: {  	s1 =	rddreg [dreg:$0x1];
	p0 =	sne.s32 s2, $0x0  }
0x64: {  	s3 =	rddreg [dreg:$0x2];
	[bflag:$0x3] =	sbarrier.arrive $0xFFFF;
	s2 =	simm.s32 @!p0 $0x1C02  }
0x65: {  	[timem:s3], [sflag:s2] =	dma.local @!p0 [hbm:s0], s1  }
0x66: {  	s0 =	simm.s32 @!p0 $0x2  }
0x67: {  	_ =	swait.ge @!p0 [sflag:s0], s1  }
0x68: {  	s1 =	ssub.s32 @!p0 $0x0, s1;
	[sflag:s0] =	ssyncset.done @!p0 $0x0  }
0x69: {  	[sflag:s0] =	ssyncadd.s32 @!p0 s1  }
0x6a: {  	[bflag:$0x3] =	sbarrier.arrive $0xFFFF  }
0x6b: {  	_ =	shalt  }

// kernel: kernel.26.cloned.1.call-start
scs
__scs_entry_jumppad:
0x0: {  	(pc) =	sbr.rel $0x88, $3  }
0x1: {  	(tag) =	ssettag $0x0;
	lr =	simm.s32 $0x1  }
0x2: {  	[smem:$0x3F9A] =	sst lr;
	_ =	strace $0xD0000000  }
0x3: {  	_ = 	snop  }
0x4: {  	_ = 	snop  }
0x5: {  	_ = 	snop  }
0x6: {  	_ = 	snop  }
0x7: {  	_ = 	snop  }
__scs_overlays_trampoline_lowered:
0x8: {  	[smem:$0x3FA9] =	sst s0  }
0x9: {  	[smem:$0x3FAA] =	sst s1  }
0xa: {  	[smem:$0x3FAB] =	sst s2  }
0xb: {  	[smem:$0x3FAC] =	sst s3  }
0xc: {  	[smem:$0x3FAD] =	sst s4  }
0xd: {  	[smem:$0x3FAE] =	sst s5  }
0xe: {  	[smem:$0x3FAF] =	sst s6  }
0xf: {  	[smem:$0x3FB0] =	sst s7  }
0x10: {  	[smem:$0x3FB1] =	sst s8  }
0x11: {  	[smem:$0x3FB2] =	sst s9;
	s0 =	simm.s32 @!p0 $0x0  }
0x12: {  	s1 =	sld [smem:$0x3F98];
	s0 =	simm.s32 @p0 $0x1  }
0x13: {  	[smem:$0x3FB3] =	sst s0;
	s0 =	simm.s32 @!p1 $0x0  }
0x14: {  	s2 =	sld [smem:$0x3F97];
	s0 =	simm.s32 @p1 $0x1  }
0x15: {  	[smem:$0x3FB4] =	sst s0;
	s0 =	simm.s32 @!p2 $0x0  }
0x16: {  	s3 =	sld [smem:$0x3FDB];
	s0 =	simm.s32 @p2 $0x1  }
0x17: {  	s4 =	simm.s32 $0x1BF5;
	[smem:$0x3FB6] =	sst s0  }
0x18: {  	s0 =	sld [smem:$0x3F99];
	_ =	swait.ge [sflag:s4], $0x0  }
0x19: {  	s7 =	sld [smem:$0x3F9A]  }
0x1a: {  	s8 =	sadd.s32 $0xFFFFE003, lr  }
0x1b: {  	s9 =	sadd.s32 $0xFFFFFEF7, lr;
	s5 =	simm.s32 $0xFFFFFFFF;
	p2 =	slt.u32 s8, $0xFFFFF086  }
0x1c: {  	p1 =	slt.u32 s9, $0xF7A;
	s5 =	simm.s32 @!p2 $0x0  }
0x1d: {  	s5 =	simm.s32 @p1 $0x1;
	p0 =	seq.s32 s7, s2  }
0x1e: {  	s7 =	smul.u32 @!p0 $0xF7A, s2;
	p2 =	seq.s32 @!p0 s5, $0x0  }
0x1f: {  	s9 =	smul.u32 $0xF7A, s1;
	s8 =	simm.s32 @!p0 $0x1BF5;
	p2 =	por !p2, p0  }
0x20: {  	[sflag:s8] =	ssyncset.s32 @!p0 $0xFFFFF086;
	s6 =	sadd.s32 @!p0 s3, s7;
	s7 =	simm.s32 @!p0 $0x108  }
0x21: {  	s3 =	sadd.s32 s3, s9;
	s6 =	sadd.s32 @!p0 $0x88, s6;
	s7 =	simm.s32 @p2 $0x1082  }
0x22: {  	[simem:s7], [sflag:s8] =	dma.local @!p0 [hbm:s6], $0xF7A  }
0x23: {  	s9 =	sor.u32 $0xD0000000, s2;
	s6 =	simm.s32 $0x108;
	_ =	swait.ge @!p0 [sflag:s8], $0x0  }
0x24: {  	s3 =	sadd.s32 $0x88, s3;
	s6 =	simm.s32 @!p1 $0x1082;
	[sflag:s4] =	ssyncset.s32 $0xFFFFF086  }
0x25: {  	[simem:s6], [sflag:s4] =	dma.local [hbm:s3], $0xF7A  }
0x26: {  	[smem:$0x3F9A] =	sst s1;
	(tag) =	ssettag s2;
	_ =	strace s9  }
0x27: {  	s1 =	sld [smem:$0x3FAA]  }
0x28: {  	s2 =	sld [smem:$0x3FAB]  }
0x29: {  	s4 =	sld [smem:$0x3FAD]  }
0x2a: {  	p0 =	seq.s32 s5, $0x0;
	s5 =	sld [smem:$0x3FAE]  }
0x2b: {  	s6 =	sld [smem:$0x3FAF]  }
0x2c: {  	s7 =	sld [smem:$0x3FB0]  }
0x2d: {  	s3 =	simm.s32 $0x108;
	s8 =	sld [smem:$0x3FB1]  }
0x2e: {  	s3 =	simm.s32 @!p0 $0x1082;
	s9 =	sld [smem:$0x3FB2]  }
0x2f: {  	lr =	sadd.s32 s0, s3;
	s0 =	sld [smem:$0x3FA9]  }
0x30: {  	s3 =	sld [smem:$0x3FAC]  }
0x31: {  	[smem:$0x3FB5] =	sst s10  }
0x32: {  	s10 =	sld [smem:$0x3FB3];
	_ =	sdelay $0x3  }
0x33: {  	p0 =	seq.s32 s10, $0x1;
	s10 =	sld [smem:$0x3FB5];
	_ =	sdelay $0x3  }
0x34: {  	[smem:$0x3FB5] =	sst s10  }
0x35: {  	s10 =	sld [smem:$0x3FB4];
	_ =	sdelay $0x3  }
0x36: {  	p1 =	seq.s32 s10, $0x1;
	s10 =	sld [smem:$0x3FB5];
	_ =	sdelay $0x3  }
0x37: {  	[smem:$0x3FB5] =	sst s10  }
0x38: {  	s10 =	sld [smem:$0x3FB6]  }
0x39: {  	_ = 	snop;
	(pc) =	sbr.ind lr, $3  }
0x3a: {  	_ = 	snop  }
0x3b: {  	_ = 	snop  }
0x3c: {  	p2 =	seq.s32 s10, $0x1;
	s10 =	sld [smem:$0x3FB5]  }
0x3d: {  	_ =	shalt  }
0x3e: {  	_ =	shalt  }
0x3f: {  	_ =	shalt  }
0x40: {  	_ =	shalt  }
0x41: {  	_ =	shalt  }
0x42: {  	_ =	shalt  }
0x43: {  	_ =	shalt  }
0x44: {  	_ =	shalt  }
0x45: {  	_ =	shalt  }
0x46: {  	_ =	shalt  }
0x47: {  	_ =	shalt  }
0x48: {  	_ =	shalt  }
0x49: {  	_ =	shalt  }
0x4a: {  	_ =	shalt  }
0x4b: {  	_ =	shalt  }
0x4c: {  	_ =	shalt  }
0x4d: {  	_ =	shalt  }
0x4e: {  	_ =	shalt  }
0x4f: {  	_ =	shalt  }
0x50: {  	_ =	shalt  }
0x51: {  	_ =	shalt  }
0x52: {  	_ =	shalt  }
0x53: {  	_ =	shalt  }
0x54: {  	_ =	shalt  }
0x55: {  	_ =	shalt  }
0x56: {  	_ =	shalt  }
0x57: {  	_ =	shalt  }
0x58: {  	_ =	shalt  }
0x59: {  	_ =	shalt  }
0x5a: {  	_ =	shalt  }
0x5b: {  	_ =	shalt  }
0x5c: {  	_ =	shalt  }
0x5d: {  	_ =	shalt  }
0x5e: {  	_ =	shalt  }
0x5f: {  	_ =	shalt  }
0x60: {  	_ =	shalt  }
0x61: {  	_ =	shalt  }
0x62: {  	_ =	shalt  }
0x63: {  	_ =	shalt  }
0x64: {  	_ =	shalt  }
0x65: {  	_ =	shalt  }
0x66: {  	_ =	shalt  }
0x67: {  	_ =	shalt  }
0x68: {  	_ =	shalt  }
0x69: {  	_ =	shalt  }
0x6a: {  	_ =	shalt  }
0x6b: {  	_ =	shalt  }
0x6c: {  	_ =	shalt  }
0x6d: {  	_ =	shalt  }
0x6e: {  	_ =	shalt  }
0x6f: {  	_ =	shalt  }
0x70: {  	_ =	shalt  }
0x71: {  	_ =	shalt  }
0x72: {  	_ =	shalt  }
0x73: {  	_ =	shalt  }
0x74: {  	_ =	shalt  }
0x75: {  	_ =	shalt  }
0x76: {  	_ =	shalt  }
0x77: {  	_ =	shalt  }
0x78: {  	_ =	shalt  }
0x79: {  	_ =	shalt  }
0x7a: {  	_ =	shalt  }
0x7b: {  	_ =	shalt  }
0x7c: {  	_ =	shalt  }
0x7d: {  	_ =	shalt  }
0x7e: {  	_ =	shalt  }
0x7f: {  	_ =	shalt  }
0x80: {  	_ =	shalt  }
0x81: {  	_ =	shalt  }
0x82: {  	_ =	shalt  }
0x83: {  	_ =	shalt  }
0x84: {  	_ =	shalt  }
0x85: {  	_ =	shalt  }
0x86: {  	_ =	shalt  }
0x87: {  	_ =	shalt  }
.Lfunc_end0:
.L_simem_size_0:
called_computation.4_lowered:
.L_overlay_start_0:
0x88: {  	s2 =	sld [smem:$0x3FD9]  }
0x89: {  	s3 =	sld [smem:$0x3FFE];
	_ =	sdelay $0x1  }
0x8a: {  	s1 =	srdreg.scid  }
0x8b: {  	s0 =	sand.u32 $0x1, s1  }
0x8c: {  	s16 =	sshll.u32 s0, $0xA;
	s2 =	sadd.s32 s3, s2  }
0x8d: {  	s2 =	sadd.s32 s2, s16  }
0x8e: {  	[smem:$0x3FC1] =	sst s2  }
0x8f: {  	_ = 	snop  }
0x90: {  	(tm) =	ssettm $0x1  }
0x91: {  	s17 =	sld [smem:$0x3FFB];
	_ =	sdelay $0x3  }
0x92: {  	_ =	strace s17  }
0x93: {  	s2 =	sld [smem:$0x3FFC];
	_ =	sdelay $0x3  }
0x94: {  	_ =	strace s2  }
0x95: {  	s2 =	sld [smem:$0x3FFD];
	_ =	sdelay $0x3  }
0x96: {  	_ =	strace s2  }
0x97: {  	_ =	strace $0x8FFFFFFF  }
0x98: {  	s18 =	sld [smem:$0x3FDB];
	_ =	sdelay $0x1  }
0x99: {  	s19 =	simm.s32 $_scs_section_size  }
0x9a: {  	s4 =	simm.s32 $_size__tile_overlayer_lowered;
	s5 =	simm.s32 $_tile_overlayer_lowered  }
0x9b: {  	s22 =	simm.s32 $0x1BFF;
	s21 =	sshll.u32 s5, $0x1;
	s2 =	sadd.s32 s19, s18  }
0x9c: {  	s6 =	simm.s32 $0x0;
	s20 =	sshll.u32 s4, $0x1;
	s4 =	sadd.s32 s21, s2  }
0x9d: {  	[timem:s6], [sflag:s22] =	dma.local [hbm:s4], s20  }
0x9e: {  	_ =	swait.ge [sflag:s22], s20  }
0x9f: {  	s3 =	ssub.s32 $0x0, s20;
	[sflag:s22] =	ssyncset.done $0x0  }
0xa0: {  	[sflag:s22] =	ssyncadd.s32 s3;
	_ =	sdelay $0x1  }
0xa1: {  	s23 =	simm.s32 $0x1B8B  }
0xa2: {  	_ =	swait.ge [sflag:s23], $0x1  }
0xa3: {  	[sflag:s23] =	ssyncset.done $0x0  }
0xa4: {  	s25 =	simm.s32 $0x1B8E;
	s24 =	sld [smem:$0x3FFE];
	[sflag:s23] =	ssyncadd.s32 $0xFFFFFFFF  }
0xa5: {  	s26 =	simm.s32 $execute0_lowered;
	[smem:$0x3FD2] =	sst s25  }
0xa6: {  	s4 =	sshll.u32 s26, $0x1;
	_ =	strace $0x80000052;
	[dreg:$0x1] =	wrdreg $0xFFFFFFFF  }
0xa7: {  	s28 =	simm.s32 $_size_execute0_lowered;
	s2 =	sadd.s32 s2, s4;
	[dreg:$0x0] =	wrdreg $0x0  }
0xa8: {  	s4 =	sshll.u32 s28, $0x1;
	[dreg:$0x2] =	wrdreg s2  }
0xa9: {  	[dreg:$0x3] =	wrdreg s4  }
0xaa: {  	[dreg:$0x4] =	wrdreg $0xC0  }
0xab: {  	_ =	task [dreg:s6], $0x5FFFF  }
0xac: {  	[dreg:$0x1] =	wrdreg $0xFFFFFFFF  }
0xad: {  	[dreg:$0x0] =	wrdreg $0x60  }
0xae: {  	[dreg:$0x2] =	wrdreg s24  }
0xaf: {  	[dreg:$0x3] =	wrdreg $0x98000  }
0xb0: {  	[dreg:$0x4] =	wrdreg $0x9  }
0xb1: {  	_ =	task.clear_ibuf [dreg:s6], $0x5FFFF;
	_ =	strace $0x90000052  }
0xb2: {  	s29 =	simm.s32 $0x9;
	_ =	strace $0x80000054  }
0xb3: {  	_ =	swait.ge [sflag:s29], $0x1  }
0xb4: {  	[sflag:s29] =	ssyncadd.s32 $0xFFFFFFFF  }
0xb5: {  	_ =	strace $0x90000054  }
0xb6: {  	_ =	sfence  }
0xb7: {  	s30 =	sld [smem:$0x0];
	_ =	sdelay $0x2  }
0xb8: {  	s31 =	sshll.u32 s1, $0xD;
	s1 =	sshrl.u32 s1, $0x2  }
0xb9: {  	s3 =	sand.u32 $0x4000, s31;
	s1 =	sadd.s32 s1, s30  }
0xba: {  	s0 =	sor.u32 s3, s0;
	s1 =	sshll.u32 s1, $0x11  }
0xbb: {  	s0 =	sor.u32 s1, s0  }
0xbc: {  	s0 =	sadd.s32 $0x8F2B, s0  }
0xbd: {  	[sflag:s0] =	ssyncadd.remote.s32 $0x1  }
0xbe: {  	_ =	sfence.sel $0xFFFF  }
0xbf: {  	[dreg:$0x0] =	wrdreg $0xFFFFFFFF;
	(pc) =	sbr.abs _section_cstart, $3  }
0xc0: {  	[dreg:$0x1] =	wrdreg $0xFFFFFFFF  }
0xc1: {  	_ =	task.clear_ibuf [dreg:s6], $0x2FFFF;
	_ =	strace $0x9FFFFFFF  }
0xc2: {  	(tm) =	ssettm $0x7FFFFFFF  }
0xc3: {  	_ =	shalt  }
tec
execute0_lowered:
.L_overlay_start_1:
0x0: {  	(tag) =	ssettag $0x1  }
0x1: {  	s5 =	rddreg [dreg:$0x0]  }
0x2: {  	s2 =	rddreg [dreg:$0x1]  }
0x3: {  	s0 =	rddreg [dreg:$0x2];
	s4 =	srdreg.scid  }
0x4: {  	s1 =	stileid.u32;
	s3 =	simm.s32 $0x0;
	s14 =	simm.s32 $0x2  }
0x5: {  	s15 =	simm.s32 $0x2800;
	s16 =	simm.s32 $0x5000;
	s17 =	simm.s32 $0x80  }
0x6: {  	s18 =	simm.s32 $0x1;
	s21 =	simm.s32 $0x0;
	s7 =	smul.u32 $0x16800, s1  }
0x7: {  	s6 =	sand.u32 $0x1, s4;
	[smem:$0x7FF] =	sst s3;
	s10 =	smul.u32 $0x5A000, s1  }
0x8: {  	s19 =	sshll.u32 s1, $0x6;
	s4 =	sshll.u32 s6, $0x4;
	s8 =	smul.u32 $0x168000, s6  }
0x9: {  	_ =	strace $0x80000053;
	s6 =	ssub.s32 $0x2, s6;
	s19 =	sor.u32 $0x1C02, s19  }
0xa: {  	s9 =	sor.u32 s1, s4;
	s4 =	sadd.s32 $0x8F200, s5;
	s30 =	sshrl.u32 s6, $0x1  }
0xb: {  	s31 =	sshrl.u32 s10, $0x2;
	s9 =	smul.u32 $0x500, s9;
	s8 =	sadd.s32 s7, s8  }
0xc: {  	s13 =	ssub.s32 s6, s30;
	s7 =	sadd.s32 s7, s2;
	s11 =	sadd.s32 s31, s2  }
0xd: {  	s8 =	sshrl.u32 s8, $0x3;
	s10 =	sadd.s32 $0xD800, s11;
	s13 =	smax.u32 s13, $0x1  }
0xe: {  	s20 =	sshrl.u32 s7, $0x3;
	s9 =	sadd.s32 s9, s5;
	s12 =	sadd.s32 s8, s5  }
0xf: {  	s8 =	sadd.s32 $0x4800, s11;
	s5 =	sadd.s32 $0x2B200, s9;
	s6 =	sadd.s32 $0x35200, s9  }
0x10: {  	v0 =	vimm.f32 $0.0e+00;
	s9 =	sadd.s32 $0x9000, s11;
	s11 =	sadd.s32 $0x12000, s11;
	s12 =	sadd.s32 $0x17F600, s12  }
.LBB2_1:
0x11: {  	[tilespmem:s3], [sflag:$0x2] =	stream.linear.gather [hbm4b:s5+s3], $0x2800, $0x38;
	v63 =	vld [tilespmem:$0x0]  }
0x12: {  	_ =	swait.ge [sflag:s14], $0x2800  }
0x13: {  	[sflag:s14] =	ssyncset.done $0x0  }
0x14: {  	[sflag:s14] =	ssyncadd.s32 $0xFFFFD800  }
0x15: {  	[tilespmem:s15], [sflag:$0x2] =	stream.linear.gather [hbm4b:s6+s3], $0x2800, $0x38;
	v63 =	vld [tilespmem:$0x0]  }
0x16: {  	_ =	swait.ge [sflag:s14], $0x2800  }
0x17: {  	[sflag:s14] =	ssyncset.done $0x0  }
0x18: {  	s22 =	simm.s32 $0x0;
	s23 =	simm.s32 $0x240;
	[sflag:s14] =	ssyncadd.s32 $0xFFFFD800  }
.LBB2_2:
0x19: {  	p0 =	sne.s32 s23, $0x11DC0;
	[tilespmem:s22+$0x5080] =	vst v0  }
0x1a: {  	[tilespmem:s22+$0x5000] =	vst v0  }
0x1b: {  	[tilespmem:s22+$0x5010] =	vst v0  }
0x1c: {  	[tilespmem:s22+$0x5020] =	vst v0  }
.Ltmp0:
0x1d: {  	[tilespmem:s22+$0x5030] =	vst v0;
	(pc) =	sbr.rel @p0 .LBB2_2-.Ltmp0, $4  }
0x1e: {  	[tilespmem:s22+$0x5040] =	vst v0  }
0x1f: {  	[tilespmem:s22+$0x5050] =	vst v0  }
0x20: {  	[tilespmem:s22+$0x5060] =	vst v0  }
0x21: {  	[tilespmem:s22+$0x5070] =	vst v0;
	s22 =	sshra.s32 s23, $0x2;
	s23 =	sadd.s32 $0x240, s23  }
0x22: {  	[tilespmem:s22+$0x5080] =	vst v0  }
0x23: {  	[tilespmem:s22+$0x5000] =	vst v0  }
0x24: {  	[tilespmem:s22+$0x5010] =	vst v0  }
0x25: {  	[tilespmem:s22+$0x5020] =	vst v0  }
0x26: {  	[tilespmem:s22+$0x5030] =	vst v0  }
0x27: {  	[tilespmem:s22+$0x5040] =	vst v0  }
0x28: {  	[tilespmem:s22+$0x5050] =	vst v0  }
0x29: {  	[tilespmem:s22+$0x5060] =	vst v0  }
0x2a: {  	[tilespmem:s22+$0x5070] =	vst v0  }
0x2b: {  	[spmem:s7] =	stream.linear.scatter [tilespmem:s16], [sflag:$0x2], $0x4800, $0x38;
	v63 =	vld [tilespmem:$0x0]  }
0x2c: {  	_ =	swait.ge [sflag:s14], $0x4800  }
0x2d: {  	[sflag:s14] =	ssyncset.done $0x0  }
0x2e: {  	[sflag:s14] =	ssyncadd.s32 $0xFFFFB800  }
0x2f: {  	[spmem:s8] =	stream.linear.scatter [tilespmem:s16], [sflag:$0x2], $0x4800, $0x38;
	v63 =	vld [tilespmem:$0x0]  }
0x30: {  	_ =	swait.ge [sflag:s14], $0x4800  }
0x31: {  	[sflag:s14] =	ssyncset.done $0x0  }
0x32: {  	[sflag:s14] =	ssyncadd.s32 $0xFFFFB800  }
0x33: {  	[spmem:s9] =	stream.linear.scatter [tilespmem:s16], [sflag:$0x2], $0x4800, $0x38;
	v63 =	vld [tilespmem:$0x0]  }
0x34: {  	_ =	swait.ge [sflag:s14], $0x4800  }
0x35: {  	[sflag:s14] =	ssyncset.done $0x0  }
0x36: {  	[sflag:s14] =	ssyncadd.s32 $0xFFFFB800  }
0x37: {  	[spmem:s10] =	stream.linear.scatter [tilespmem:s16], [sflag:$0x2], $0x4800, $0x38;
	v63 =	vld [tilespmem:$0x0]  }
0x38: {  	_ =	swait.ge [sflag:s14], $0x4800  }
0x39: {  	[sflag:s14] =	ssyncset.done $0x0  }
0x3a: {  	[sflag:s14] =	ssyncadd.s32 $0xFFFFB800  }
0x3b: {  	[spmem:s11] =	stream.linear.scatter [tilespmem:s16], [sflag:$0x2], $0x4800, $0x38;
	v63 =	vld [tilespmem:$0x0]  }
0x3c: {  	_ =	swait.ge [sflag:s14], $0x4800  }
0x3d: {  	[sflag:s14] =	ssyncset.done $0x0  }
0x3e: {  	[sflag:s14] =	ssyncadd.s32 $0xFFFFB800  }
0x3f: {  	s30 =	simm.s32 $0x0;
	[bflag:$0x0] =	sbarrier.arrive $0xFFFF  }
0x40: {  	[tilespmem:s16], [sflag:$0x1] =	stream.indirect.gather [hbm4b:s4+s17], $0x90, s30, s17, $0xb8;
	v63 =	vld [tilespmem:$0x0]  }
0x41: {  	_ =	swait.ge [sflag:s18], $0x4800  }
0x42: {  	[sflag:s18] =	ssyncset.done $0x0  }
0x43: {  	s31 =	simm.s32 $0x2800;
	[sflag:s18] =	ssyncadd.s32 $0xFFFFB800  }
0x44: {  	[spmem:s2] =	stream.indirect.scatter.add.f32 [tilespmem:s16], [sflag:$0x2], $0x90, s31, s17, $0xb8;
	v63 =	vld [tilespmem:$0x0]  }
0x45: {  	_ =	swait.ge [sflag:s14], $0x4800  }
0x46: {  	s22 =	simm.s32 $0x200;
	s23 =	simm.s32 $0x400;
	[sflag:s14] =	ssyncset.done $0x0  }
.LBB2_4:
0x47: {  	s24 =	sshra.s32 s22, $0x2  }
0x48: {  	[sflag:s14] =	ssyncadd.s32 $0xFFFFB800;
	s22 =	smov.u32 s23;
	s25 =	sadd.s32 $0x200, s23  }
0x49: {  	[tilespmem:s16], [sflag:$0x1] =	stream.indirect.gather [hbm4b:s4+s17], $0x90, s24, s17, $0xb8;
	v63 =	vld [tilespmem:$0x0]  }
0x4a: {  	p0 =	sne.s32 s23, $0x9E00;
	_ =	swait.ge [sflag:s18], $0x4800  }
.Ltmp1:
0x4b: {  	[sflag:s18] =	ssyncset.done $0x0;
	(pc) =	sbr.rel @p0 .LBB2_4-.Ltmp1, $4  }
0x4c: {  	s23 =	sadd.s32 $0x2800, s24;
	[sflag:s18] =	ssyncadd.s32 $0xFFFFB800  }
0x4d: {  	[spmem:s2] =	stream.indirect.scatter.add.f32 [tilespmem:s16], [sflag:$0x2], $0x90, s23, s17, $0xb8;
	v63 =	vld [tilespmem:$0x0]  }
0x4e: {  	_ =	swait.ge [sflag:s14], $0x4800  }
0x4f: {  	s23 =	smov.u32 s25;
	[sflag:s14] =	ssyncset.done $0x0  }
0x50: {  	s22 =	sshra.s32 s22, $0x2;
	[sflag:s14] =	ssyncadd.s32 $0xFFFFB800  }
0x51: {  	[tilespmem:s16], [sflag:$0x1] =	stream.indirect.gather [hbm4b:s4+s17], $0x90, s22, s17, $0xb8;
	v63 =	vld [tilespmem:$0x0]  }
0x52: {  	_ =	swait.ge [sflag:s18], $0x4800  }
0x53: {  	[sflag:s18] =	ssyncset.done $0x0  }
0x54: {  	s22 =	sadd.s32 $0x2800, s22;
	[sflag:s18] =	ssyncadd.s32 $0xFFFFB800  }
0x55: {  	[spmem:s2] =	stream.indirect.scatter.add.f32 [tilespmem:s16], [sflag:$0x2], $0x90, s22, s17, $0xb8;
	v63 =	vld [tilespmem:$0x0]  }
0x56: {  	_ =	swait.ge [sflag:s14], $0x4800  }
0x57: {  	s21 =	sadd.s32 $0x1, s21;
	[sflag:s14] =	ssyncset.done $0x0  }
0x58: {  	p0 =	sne.s32 s21, s13;
	[sflag:s14] =	ssyncadd.s32 $0xFFFFB800  }
.Ltmp2:
0x59: {  	[bflag:$0x0] =	sbarrier.arrive $0xFFFF;
	(pc) =	sbr.rel @p0 .LBB2_1-.Ltmp2, $4  }
0x5a: {  	[hbm:s12], [sflag:s19] =	dma.local [spmem:s20], $0x2D00  }
0x5b: {  	_ =	swait.ge [sflag:s14], $0x2D00  }
0x5c: {  	[sflag:s14] =	ssyncset.done $0x0  }
0x5d: {  	[sflag:s14] =	ssyncadd.s32 $0xFFFFD300  }
0x5e: {  	_ =	sfence.sel $0x180000  }
0x5f: {  	[bflag:$0x0] =	sbarrier.arrive $0xFFFF  }
0x60: {  	p0 =	sne.s32 s1, $0x0;
	_ =	strace $0x90000053  }
0x61: {  	s0 =	sadd.s32 @!p0 $0x100000, s0;
	[bflag:$0x2] =	sbarrier.arrive $0xFFFF  }
0x62: {  	[sflag:s0] =	ssyncadd.tile.s32 @!p0 $0x1;
	_ =	shalt  }
.Lfunc_end2:
_tile_overlayer_lowered:
.L_overlay_start_2:
0x63: {  	(tag) =	ssettag $0x2  }
0x64: {  	s0 =	rddreg [dreg:$0x0];
	s2 =	stileid.u32  }
0x65: {  	s1 =	rddreg [dreg:$0x1];
	p0 =	sne.s32 s2, $0x0  }
0x66: {  	s3 =	rddreg [dreg:$0x2];
	[bflag:$0x3] =	sbarrier.arrive $0xFFFF;
	s2 =	simm.s32 @!p0 $0x1C02  }
0x67: {  	[timem:s3], [sflag:s2] =	dma.local @!p0 [hbm:s0], s1  }
0x68: {  	s0 =	simm.s32 @!p0 $0x2  }
0x69: {  	_ =	swait.ge @!p0 [sflag:s0], s1  }
0x6a: {  	s1 =	ssub.s32 @!p0 $0x0, s1;
	[sflag:s0] =	ssyncset.done @!p0 $0x0  }
0x6b: {  	[sflag:s0] =	ssyncadd.s32 @!p0 s1  }
0x6c: {  	[bflag:$0x3] =	sbarrier.arrive $0xFFFF  }
0x6d: {  	_ =	shalt  }

// kernel: kernel.29.cloned.1.call-start
scs
__scs_entry_jumppad:
0x0: {  	(pc) =	sbr.rel $0x88, $3  }
0x1: {  	(tag) =	ssettag $0x0;
	lr =	simm.s32 $0x1  }
0x2: {  	[smem:$0x3F9A] =	sst lr;
	_ =	strace $0xD0000000  }
0x3: {  	_ = 	snop  }
0x4: {  	_ = 	snop  }
0x5: {  	_ = 	snop  }
0x6: {  	_ = 	snop  }
0x7: {  	_ = 	snop  }
__scs_overlays_trampoline_lowered:
0x8: {  	[smem:$0x3FA9] =	sst s0  }
0x9: {  	[smem:$0x3FAA] =	sst s1  }
0xa: {  	[smem:$0x3FAB] =	sst s2  }
0xb: {  	[smem:$0x3FAC] =	sst s3  }
0xc: {  	[smem:$0x3FAD] =	sst s4  }
0xd: {  	[smem:$0x3FAE] =	sst s5  }
0xe: {  	[smem:$0x3FAF] =	sst s6  }
0xf: {  	[smem:$0x3FB0] =	sst s7  }
0x10: {  	[smem:$0x3FB1] =	sst s8  }
0x11: {  	[smem:$0x3FB2] =	sst s9;
	s0 =	simm.s32 @!p0 $0x0  }
0x12: {  	s1 =	sld [smem:$0x3F98];
	s0 =	simm.s32 @p0 $0x1  }
0x13: {  	[smem:$0x3FB3] =	sst s0;
	s0 =	simm.s32 @!p1 $0x0  }
0x14: {  	s2 =	sld [smem:$0x3F97];
	s0 =	simm.s32 @p1 $0x1  }
0x15: {  	[smem:$0x3FB4] =	sst s0;
	s0 =	simm.s32 @!p2 $0x0  }
0x16: {  	s3 =	sld [smem:$0x3FDB];
	s0 =	simm.s32 @p2 $0x1  }
0x17: {  	s4 =	simm.s32 $0x1BF5;
	[smem:$0x3FB6] =	sst s0  }
0x18: {  	s0 =	sld [smem:$0x3F99];
	_ =	swait.ge [sflag:s4], $0x0  }
0x19: {  	s7 =	sld [smem:$0x3F9A]  }
0x1a: {  	s8 =	sadd.s32 $0xFFFFE003, lr  }
0x1b: {  	s9 =	sadd.s32 $0xFFFFFEF7, lr;
	s5 =	simm.s32 $0xFFFFFFFF;
	p2 =	slt.u32 s8, $0xFFFFF086  }
0x1c: {  	p1 =	slt.u32 s9, $0xF7A;
	s5 =	simm.s32 @!p2 $0x0  }
0x1d: {  	s5 =	simm.s32 @p1 $0x1;
	p0 =	seq.s32 s7, s2  }
0x1e: {  	s7 =	smul.u32 @!p0 $0xF7A, s2;
	p2 =	seq.s32 @!p0 s5, $0x0  }
0x1f: {  	s9 =	smul.u32 $0xF7A, s1;
	s8 =	simm.s32 @!p0 $0x1BF5;
	p2 =	por !p2, p0  }
0x20: {  	[sflag:s8] =	ssyncset.s32 @!p0 $0xFFFFF086;
	s6 =	sadd.s32 @!p0 s3, s7;
	s7 =	simm.s32 @!p0 $0x108  }
0x21: {  	s3 =	sadd.s32 s3, s9;
	s6 =	sadd.s32 @!p0 $0x88, s6;
	s7 =	simm.s32 @p2 $0x1082  }
0x22: {  	[simem:s7], [sflag:s8] =	dma.local @!p0 [hbm:s6], $0xF7A  }
0x23: {  	s9 =	sor.u32 $0xD0000000, s2;
	s6 =	simm.s32 $0x108;
	_ =	swait.ge @!p0 [sflag:s8], $0x0  }
0x24: {  	s3 =	sadd.s32 $0x88, s3;
	s6 =	simm.s32 @!p1 $0x1082;
	[sflag:s4] =	ssyncset.s32 $0xFFFFF086  }
0x25: {  	[simem:s6], [sflag:s4] =	dma.local [hbm:s3], $0xF7A  }
0x26: {  	[smem:$0x3F9A] =	sst s1;
	(tag) =	ssettag s2;
	_ =	strace s9  }
0x27: {  	s1 =	sld [smem:$0x3FAA]  }
0x28: {  	s2 =	sld [smem:$0x3FAB]  }
0x29: {  	s4 =	sld [smem:$0x3FAD]  }
0x2a: {  	p0 =	seq.s32 s5, $0x0;
	s5 =	sld [smem:$0x3FAE]  }
0x2b: {  	s6 =	sld [smem:$0x3FAF]  }
0x2c: {  	s7 =	sld [smem:$0x3FB0]  }
0x2d: {  	s3 =	simm.s32 $0x108;
	s8 =	sld [smem:$0x3FB1]  }
0x2e: {  	s3 =	simm.s32 @!p0 $0x1082;
	s9 =	sld [smem:$0x3FB2]  }
0x2f: {  	lr =	sadd.s32 s0, s3;
	s0 =	sld [smem:$0x3FA9]  }
0x30: {  	s3 =	sld [smem:$0x3FAC]  }
0x31: {  	[smem:$0x3FB5] =	sst s10  }
0x32: {  	s10 =	sld [smem:$0x3FB3];
	_ =	sdelay $0x3  }
0x33: {  	p0 =	seq.s32 s10, $0x1;
	s10 =	sld [smem:$0x3FB5];
	_ =	sdelay $0x3  }
0x34: {  	[smem:$0x3FB5] =	sst s10  }
0x35: {  	s10 =	sld [smem:$0x3FB4];
	_ =	sdelay $0x3  }
0x36: {  	p1 =	seq.s32 s10, $0x1;
	s10 =	sld [smem:$0x3FB5];
	_ =	sdelay $0x3  }
0x37: {  	[smem:$0x3FB5] =	sst s10  }
0x38: {  	s10 =	sld [smem:$0x3FB6]  }
0x39: {  	_ = 	snop;
	(pc) =	sbr.ind lr, $3  }
0x3a: {  	_ = 	snop  }
0x3b: {  	_ = 	snop  }
0x3c: {  	p2 =	seq.s32 s10, $0x1;
	s10 =	sld [smem:$0x3FB5]  }
0x3d: {  	_ =	shalt  }
0x3e: {  	_ =	shalt  }
0x3f: {  	_ =	shalt  }
0x40: {  	_ =	shalt  }
0x41: {  	_ =	shalt  }
0x42: {  	_ =	shalt  }
0x43: {  	_ =	shalt  }
0x44: {  	_ =	shalt  }
0x45: {  	_ =	shalt  }
0x46: {  	_ =	shalt  }
0x47: {  	_ =	shalt  }
0x48: {  	_ =	shalt  }
0x49: {  	_ =	shalt  }
0x4a: {  	_ =	shalt  }
0x4b: {  	_ =	shalt  }
0x4c: {  	_ =	shalt  }
0x4d: {  	_ =	shalt  }
0x4e: {  	_ =	shalt  }
0x4f: {  	_ =	shalt  }
0x50: {  	_ =	shalt  }
0x51: {  	_ =	shalt  }
0x52: {  	_ =	shalt  }
0x53: {  	_ =	shalt  }
0x54: {  	_ =	shalt  }
0x55: {  	_ =	shalt  }
0x56: {  	_ =	shalt  }
0x57: {  	_ =	shalt  }
0x58: {  	_ =	shalt  }
0x59: {  	_ =	shalt  }
0x5a: {  	_ =	shalt  }
0x5b: {  	_ =	shalt  }
0x5c: {  	_ =	shalt  }
0x5d: {  	_ =	shalt  }
0x5e: {  	_ =	shalt  }
0x5f: {  	_ =	shalt  }
0x60: {  	_ =	shalt  }
0x61: {  	_ =	shalt  }
0x62: {  	_ =	shalt  }
0x63: {  	_ =	shalt  }
0x64: {  	_ =	shalt  }
0x65: {  	_ =	shalt  }
0x66: {  	_ =	shalt  }
0x67: {  	_ =	shalt  }
0x68: {  	_ =	shalt  }
0x69: {  	_ =	shalt  }
0x6a: {  	_ =	shalt  }
0x6b: {  	_ =	shalt  }
0x6c: {  	_ =	shalt  }
0x6d: {  	_ =	shalt  }
0x6e: {  	_ =	shalt  }
0x6f: {  	_ =	shalt  }
0x70: {  	_ =	shalt  }
0x71: {  	_ =	shalt  }
0x72: {  	_ =	shalt  }
0x73: {  	_ =	shalt  }
0x74: {  	_ =	shalt  }
0x75: {  	_ =	shalt  }
0x76: {  	_ =	shalt  }
0x77: {  	_ =	shalt  }
0x78: {  	_ =	shalt  }
0x79: {  	_ =	shalt  }
0x7a: {  	_ =	shalt  }
0x7b: {  	_ =	shalt  }
0x7c: {  	_ =	shalt  }
0x7d: {  	_ =	shalt  }
0x7e: {  	_ =	shalt  }
0x7f: {  	_ =	shalt  }
0x80: {  	_ =	shalt  }
0x81: {  	_ =	shalt  }
0x82: {  	_ =	shalt  }
0x83: {  	_ =	shalt  }
0x84: {  	_ =	shalt  }
0x85: {  	_ =	shalt  }
0x86: {  	_ =	shalt  }
0x87: {  	_ =	shalt  }
.Lfunc_end0:
.L_simem_size_0:
called_computation.5_lowered:
.L_overlay_start_0:
0x88: {  	s2 =	sld [smem:$0x3FD9]  }
0x89: {  	s3 =	sld [smem:$0x3FFE];
	_ =	sdelay $0x1  }
0x8a: {  	s1 =	srdreg.scid  }
0x8b: {  	s0 =	sand.u32 $0x1, s1  }
0x8c: {  	s17 =	sshll.u32 s0, $0xA;
	s2 =	sadd.s32 s3, s2  }
0x8d: {  	s2 =	sadd.s32 s2, s17  }
0x8e: {  	[smem:$0x3FC1] =	sst s2  }
0x8f: {  	_ = 	snop  }
0x90: {  	(tm) =	ssettm $0x1  }
0x91: {  	s18 =	sld [smem:$0x3FFB];
	_ =	sdelay $0x3  }
0x92: {  	_ =	strace s18  }
0x93: {  	s2 =	sld [smem:$0x3FFC];
	_ =	sdelay $0x3  }
0x94: {  	_ =	strace s2  }
0x95: {  	s2 =	sld [smem:$0x3FFD];
	_ =	sdelay $0x3  }
0x96: {  	_ =	strace s2  }
0x97: {  	_ =	strace $0x8FFFFFFF  }
0x98: {  	s19 =	sld [smem:$0x3FDB];
	_ =	sdelay $0x1  }
0x99: {  	s20 =	simm.s32 $_scs_section_size  }
0x9a: {  	s4 =	simm.s32 $_size__tile_overlayer_lowered;
	s5 =	simm.s32 $_tile_overlayer_lowered  }
0x9b: {  	s6 =	simm.s32 $0x1BFF;
	s21 =	sshll.u32 s5, $0x1;
	s3 =	sadd.s32 s20, s19  }
0x9c: {  	s22 =	simm.s32 $0x0;
	s4 =	sshll.u32 s4, $0x1;
	s5 =	sadd.s32 s21, s3  }
0x9d: {  	[timem:s22], [sflag:s6] =	dma.local [hbm:s5], s4  }
0x9e: {  	_ =	swait.ge [sflag:s6], s4  }
0x9f: {  	s4 =	ssub.s32 $0x0, s4;
	[sflag:s6] =	ssyncset.done $0x0  }
0xa0: {  	[sflag:s6] =	ssyncadd.s32 s4;
	_ =	sdelay $0x1  }
0xa1: {  	s23 =	simm.s32 $0x1B8B  }
0xa2: {  	_ =	swait.ge [sflag:s23], $0x1  }
0xa3: {  	[sflag:s23] =	ssyncset.done $0x0  }
0xa4: {  	[sflag:s23] =	ssyncadd.s32 $0xFFFFFFFF  }
0xa5: {  	s4 =	sld [smem:$0x0]  }
0xa6: {  	s5 =	sand.u32 $0xFFFFFFFE, s1  }
0xa7: {  	p0 =	sne.s32 s1, s5  }
0xa8: {  	s5 =	sshll.u32 @p0 s5, $0xE  }
0xa9: {  	s5 =	sadd.s32 @p0 $0x11B8D, s5;
	s6 =	sshll.u32 @p0 s4, $0x11  }
0xaa: {  	s5 =	sor.u32 @p0 s6, s5  }
0xab: {  	[sflag:s5] =	ssyncadd.remote.s32 @p0 $0x1;
	_ =	sdelay $0x1  }
0xac: {  	s5 =	simm.s32 @p0 $0x1B8D  }
0xad: {  	_ =	swait.eq @p0 [sflag:s5], $0x1  }
0xae: {  	[sflag:s5] =	ssyncadd.s32 @p0 $0xFFFFFFFF  }
0xaf: {  	s6 =	sshll.u32 @!p0 s1, $0xE  }
0xb0: {  	s6 =	sor.u32 @!p0 $0x4000, s6;
	s5 =	simm.s32 @!p0 $0x1B8D  }
0xb1: {  	s4 =	sshll.u32 @!p0 s4, $0x11;
	s6 =	sadd.s32 @!p0 $0x11B8D, s6;
	_ =	swait.eq @!p0 [sflag:s5], $0x1  }
0xb2: {  	s4 =	sor.u32 @!p0 s4, s6;
	[sflag:s5] =	ssyncadd.s32 @!p0 $0xFFFFFFFF  }
0xb3: {  	s25 =	simm.s32 $0x1B8E;
	s24 =	sld [smem:$0x3FFE];
	[sflag:s4] =	ssyncadd.remote.s32 @!p0 $0x1  }
0xb4: {  	s26 =	simm.s32 $execute0_lowered;
	[smem:$0x3FD2] =	sst s25  }
0xb5: {  	s5 =	sshll.u32 s26, $0x1;
	_ =	strace $0x80000055;
	[dreg:$0x1] =	wrdreg $0xFFFFFFFF  }
0xb6: {  	s28 =	simm.s32 $_size_execute0_lowered;
	s3 =	sadd.s32 s3, s5;
	[dreg:$0x0] =	wrdreg $0x0  }
0xb7: {  	s5 =	sshll.u32 s28, $0x1;
	[dreg:$0x2] =	wrdreg s3  }
0xb8: {  	[dreg:$0x3] =	wrdreg s5  }
0xb9: {  	[dreg:$0x4] =	wrdreg $0xC0  }
0xba: {  	_ =	task [dreg:s22], $0x5FFFF  }
0xbb: {  	[dreg:$0x1] =	wrdreg $0xFFFFFFFF  }
0xbc: {  	[dreg:$0x0] =	wrdreg $0x60  }
0xbd: {  	[dreg:$0x2] =	wrdreg s24  }
0xbe: {  	[dreg:$0x3] =	wrdreg $0x90000  }
0xbf: {  	[dreg:$0x4] =	wrdreg $0xA  }
0xc0: {  	_ =	task.clear_ibuf [dreg:s22], $0x5FFFF;
	_ =	strace $0x90000055  }
0xc1: {  	s29 =	simm.s32 $0xA;
	_ =	strace $0x80000057  }
0xc2: {  	_ =	swait.ge [sflag:s29], $0x1  }
0xc3: {  	[sflag:s29] =	ssyncadd.s32 $0xFFFFFFFF  }
0xc4: {  	_ =	strace $0x90000057  }
0xc5: {  	_ =	sfence  }
0xc6: {  	s30 =	sld [smem:$0x0];
	_ =	sdelay $0x2  }
0xc7: {  	s31 =	sshll.u32 s1, $0xD;
	s1 =	sshrl.u32 s1, $0x2  }
0xc8: {  	s4 =	sand.u32 $0x4000, s31;
	s1 =	sadd.s32 s1, s30  }
0xc9: {  	s0 =	sor.u32 s4, s0;
	s1 =	sshll.u32 s1, $0x11  }
0xca: {  	s0 =	sor.u32 s1, s0  }
0xcb: {  	s0 =	sadd.s32 $0x8F2B, s0  }
0xcc: {  	[sflag:s0] =	ssyncadd.remote.s32 $0x1  }
0xcd: {  	_ =	sfence.sel $0xFFFF  }
0xce: {  	[dreg:$0x0] =	wrdreg $0xFFFFFFFF;
	(pc) =	sbr.abs _section_cstart, $3  }
0xcf: {  	[dreg:$0x1] =	wrdreg $0xFFFFFFFF  }
0xd0: {  	_ =	task.clear_ibuf [dreg:s22], $0x2FFFF;
	_ =	strace $0x9FFFFFFF  }
0xd1: {  	(tm) =	ssettm $0x7FFFFFFF  }
tec
execute0_lowered:
.L_overlay_start_1:
0x0: {  	(tag) =	ssettag $0x1  }
0x1: {  	s5 =	rddreg [dreg:$0x0]  }
0x2: {  	s2 =	rddreg [dreg:$0x1]  }
0x3: {  	s0 =	rddreg [dreg:$0x2];
	s4 =	srdreg.scid  }
0x4: {  	s1 =	stileid.u32;
	s3 =	simm.s32 $0x0;
	s14 =	simm.s32 $0x2  }
0x5: {  	s15 =	simm.s32 $0x2800;
	s16 =	simm.s32 $0x5000;
	s17 =	simm.s32 $0x80  }
0x6: {  	s18 =	simm.s32 $0x1;
	s21 =	simm.s32 $0x0;
	s7 =	smul.u32 $0x14000, s1  }
0x7: {  	s6 =	sand.u32 $0x1, s4;
	[smem:$0x7FF] =	sst s3;
	s10 =	smul.u32 $0x50000, s1  }
0x8: {  	s19 =	sshll.u32 s1, $0x6;
	s4 =	sshll.u32 s6, $0x4;
	s8 =	smul.u32 $0x140000, s6  }
0x9: {  	_ =	strace $0x80000056;
	s6 =	ssub.s32 $0x2, s6;
	s19 =	sor.u32 $0x1C02, s19  }
0xa: {  	s9 =	sor.u32 s1, s4;
	s4 =	sadd.s32 $0x3F200, s5;
	s30 =	sshrl.u32 s6, $0x1  }
0xb: {  	s31 =	sshrl.u32 s10, $0x2;
	s9 =	smul.u32 $0x500, s9;
	s8 =	sadd.s32 s7, s8  }
0xc: {  	s13 =	ssub.s32 s6, s30;
	s7 =	sadd.s32 s7, s2;
	s11 =	sadd.s32 s31, s2  }
0xd: {  	s8 =	sshrl.u32 s8, $0x3;
	s10 =	sadd.s32 $0xC000, s11;
	s13 =	smax.u32 s13, $0x1  }
0xe: {  	s20 =	sshrl.u32 s7, $0x3;
	s9 =	sadd.s32 s9, s5;
	s12 =	sadd.s32 s8, s5  }
0xf: {  	s8 =	sadd.s32 $0x4000, s11;
	s5 =	sadd.s32 $0x2B200, s9;
	s6 =	sadd.s32 $0x21200, s9  }
0x10: {  	v0 =	vimm.f32 $0.0e+00;
	s9 =	sadd.s32 $0x8000, s11;
	s11 =	sadd.s32 $0x10000, s11;
	s12 =	sadd.s32 $0x12F200, s12  }
.LBB2_1:
0x11: {  	[tilespmem:s3], [sflag:$0x2] =	stream.linear.gather [hbm4b:s5+s3], $0x2800, $0x38;
	[tilespmem:$0x1D000] =	vst v63  }
0x12: {  	_ =	swait.ge [sflag:s14], $0x2800  }
0x13: {  	[sflag:s14] =	ssyncset.done $0x0  }
0x14: {  	[sflag:s14] =	ssyncadd.s32 $0xFFFFD800  }
0x15: {  	[tilespmem:s15], [sflag:$0x2] =	stream.linear.gather [hbm4b:s6+s3], $0x2800, $0x38;
	[tilespmem:$0x1D000] =	vst v63  }
0x16: {  	_ =	swait.ge [sflag:s14], $0x2800  }
0x17: {  	[sflag:s14] =	ssyncset.done $0x0  }
0x18: {  	s22 =	simm.s32 $0x0;
	s23 =	simm.s32 $0x200;
	[sflag:s14] =	ssyncadd.s32 $0xFFFFD800  }
.LBB2_2:
0x19: {  	p0 =	sne.s32 s23, $0xFE00;
	[tilespmem:s22+$0x5070] =	vst v0  }
0x1a: {  	[tilespmem:s22+$0x5000] =	vst v0  }
0x1b: {  	[tilespmem:s22+$0x5010] =	vst v0  }
.Ltmp0:
0x1c: {  	[tilespmem:s22+$0x5020] =	vst v0;
	(pc) =	sbr.rel @p0 .LBB2_2-.Ltmp0, $4  }
0x1d: {  	[tilespmem:s22+$0x5030] =	vst v0  }
0x1e: {  	[tilespmem:s22+$0x5040] =	vst v0  }
0x1f: {  	[tilespmem:s22+$0x5050] =	vst v0  }
0x20: {  	[tilespmem:s22+$0x5060] =	vst v0;
	s22 =	sshra.s32 s23, $0x2;
	s23 =	sadd.s32 $0x200, s23  }
0x21: {  	[tilespmem:s22+$0x5070] =	vst v0  }
0x22: {  	[tilespmem:s22+$0x5000] =	vst v0  }
0x23: {  	[tilespmem:s22+$0x5010] =	vst v0  }
0x24: {  	[tilespmem:s22+$0x5020] =	vst v0  }
0x25: {  	[tilespmem:s22+$0x5030] =	vst v0  }
0x26: {  	[tilespmem:s22+$0x5040] =	vst v0  }
0x27: {  	[tilespmem:s22+$0x5050] =	vst v0  }
0x28: {  	[tilespmem:s22+$0x5060] =	vst v0  }
0x29: {  	[spmem:s7] =	stream.linear.scatter [tilespmem:s16], [sflag:$0x2], $0x4000, $0x38;
	[tilespmem:$0x1D000] =	vst v63  }
0x2a: {  	_ =	swait.ge [sflag:s14], $0x4000  }
0x2b: {  	[sflag:s14] =	ssyncset.done $0x0  }
0x2c: {  	[sflag:s14] =	ssyncadd.s32 $0xFFFFC000  }
0x2d: {  	[spmem:s8] =	stream.linear.scatter [tilespmem:s16], [sflag:$0x2], $0x4000, $0x38;
	[tilespmem:$0x1D000] =	vst v63  }
0x2e: {  	_ =	swait.ge [sflag:s14], $0x4000  }
0x2f: {  	[sflag:s14] =	ssyncset.done $0x0  }
0x30: {  	[sflag:s14] =	ssyncadd.s32 $0xFFFFC000  }
0x31: {  	[spmem:s9] =	stream.linear.scatter [tilespmem:s16], [sflag:$0x2], $0x4000, $0x38;
	[tilespmem:$0x1D000] =	vst v63  }
0x32: {  	_ =	swait.ge [sflag:s14], $0x4000  }
0x33: {  	[sflag:s14] =	ssyncset.done $0x0  }
0x34: {  	[sflag:s14] =	ssyncadd.s32 $0xFFFFC000  }
0x35: {  	[spmem:s10] =	stream.linear.scatter [tilespmem:s16], [sflag:$0x2], $0x4000, $0x38;
	[tilespmem:$0x1D000] =	vst v63  }
0x36: {  	_ =	swait.ge [sflag:s14], $0x4000  }
0x37: {  	[sflag:s14] =	ssyncset.done $0x0  }
0x38: {  	[sflag:s14] =	ssyncadd.s32 $0xFFFFC000  }
0x39: {  	[spmem:s11] =	stream.linear.scatter [tilespmem:s16], [sflag:$0x2], $0x4000, $0x38;
	[tilespmem:$0x1D000] =	vst v63  }
0x3a: {  	_ =	swait.ge [sflag:s14], $0x4000  }
0x3b: {  	[sflag:s14] =	ssyncset.done $0x0  }
0x3c: {  	[sflag:s14] =	ssyncadd.s32 $0xFFFFC000  }
0x3d: {  	s30 =	simm.s32 $0x0;
	[bflag:$0x0] =	sbarrier.arrive $0xFFFF  }
0x3e: {  	[tilespmem:s16], [sflag:$0x1] =	stream.indirect.gather [hbm4b:s4+s17], $0x80, s30, s17, $0xb8;
	[tilespmem:$0x1D000] =	vst v63  }
0x3f: {  	_ =	swait.ge [sflag:s18], $0x4000  }
0x40: {  	[sflag:s18] =	ssyncset.done $0x0  }
0x41: {  	s31 =	simm.s32 $0x2800;
	[sflag:s18] =	ssyncadd.s32 $0xFFFFC000  }
0x42: {  	[spmem:s2] =	stream.indirect.scatter.add.f32 [tilespmem:s16], [sflag:$0x2], $0x80, s31, s17, $0xb8;
	[tilespmem:$0x1D000] =	vst v63  }
0x43: {  	_ =	swait.ge [sflag:s14], $0x4000  }
0x44: {  	s22 =	simm.s32 $0x200;
	s23 =	simm.s32 $0x400;
	[sflag:s14] =	ssyncset.done $0x0  }
.LBB2_4:
0x45: {  	s24 =	sshra.s32 s22, $0x2  }
0x46: {  	[sflag:s14] =	ssyncadd.s32 $0xFFFFC000;
	s22 =	smov.u32 s23;
	s25 =	sadd.s32 $0x200, s23  }
0x47: {  	[tilespmem:s16], [sflag:$0x1] =	stream.indirect.gather [hbm4b:s4+s17], $0x80, s24, s17, $0xb8;
	[tilespmem:$0x1D000] =	vst v63  }
0x48: {  	p0 =	sne.s32 s23, $0x9E00;
	_ =	swait.ge [sflag:s18], $0x4000  }
.Ltmp1:
0x49: {  	[sflag:s18] =	ssyncset.done $0x0;
	(pc) =	sbr.rel @p0 .LBB2_4-.Ltmp1, $4  }
0x4a: {  	s23 =	sadd.s32 $0x2800, s24;
	[sflag:s18] =	ssyncadd.s32 $0xFFFFC000  }
0x4b: {  	[spmem:s2] =	stream.indirect.scatter.add.f32 [tilespmem:s16], [sflag:$0x2], $0x80, s23, s17, $0xb8;
	[tilespmem:$0x1D000] =	vst v63  }
0x4c: {  	_ =	swait.ge [sflag:s14], $0x4000  }
0x4d: {  	s23 =	smov.u32 s25;
	[sflag:s14] =	ssyncset.done $0x0  }
0x4e: {  	s22 =	sshra.s32 s22, $0x2;
	[sflag:s14] =	ssyncadd.s32 $0xFFFFC000  }
0x4f: {  	[tilespmem:s16], [sflag:$0x1] =	stream.indirect.gather [hbm4b:s4+s17], $0x80, s22, s17, $0xb8;
	[tilespmem:$0x1D000] =	vst v63  }
0x50: {  	_ =	swait.ge [sflag:s18], $0x4000  }
0x51: {  	[sflag:s18] =	ssyncset.done $0x0  }
0x52: {  	s22 =	sadd.s32 $0x2800, s22;
	[sflag:s18] =	ssyncadd.s32 $0xFFFFC000  }
0x53: {  	[spmem:s2] =	stream.indirect.scatter.add.f32 [tilespmem:s16], [sflag:$0x2], $0x80, s22, s17, $0xb8;
	[tilespmem:$0x1D000] =	vst v63  }
0x54: {  	_ =	swait.ge [sflag:s14], $0x4000  }
0x55: {  	s21 =	sadd.s32 $0x1, s21;
	[sflag:s14] =	ssyncset.done $0x0  }
0x56: {  	p0 =	sne.s32 s21, s13;
	[sflag:s14] =	ssyncadd.s32 $0xFFFFC000  }
.Ltmp2:
0x57: {  	[bflag:$0x0] =	sbarrier.arrive $0xFFFF;
	(pc) =	sbr.rel @p0 .LBB2_1-.Ltmp2, $4  }
0x58: {  	[hbm:s12], [sflag:s19] =	dma.local [spmem:s20], $0x2800  }
0x59: {  	_ =	swait.ge [sflag:s14], $0x2800  }
0x5a: {  	[sflag:s14] =	ssyncset.done $0x0  }
0x5b: {  	[sflag:s14] =	ssyncadd.s32 $0xFFFFD800  }
0x5c: {  	_ =	sfence.sel $0x180000  }
0x5d: {  	[bflag:$0x0] =	sbarrier.arrive $0xFFFF  }
0x5e: {  	p0 =	sne.s32 s1, $0x0;
	_ =	strace $0x90000056  }
0x5f: {  	s0 =	sadd.s32 @!p0 $0x100000, s0;
	[bflag:$0x2] =	sbarrier.arrive $0xFFFF  }
0x60: {  	[sflag:s0] =	ssyncadd.tile.s32 @!p0 $0x1;
	_ =	shalt  }
.Lfunc_end2:
_tile_overlayer_lowered:
.L_overlay_start_2:
0x61: {  	(tag) =	ssettag $0x2  }
0x62: {  	s0 =	rddreg [dreg:$0x0];
	s2 =	stileid.u32  }
0x63: {  	s1 =	rddreg [dreg:$0x1];
	p0 =	sne.s32 s2, $0x0  }
0x64: {  	s3 =	rddreg [dreg:$0x2];
	[bflag:$0x3] =	sbarrier.arrive $0xFFFF;
	s2 =	simm.s32 @!p0 $0x1C02  }
0x65: {  	[timem:s3], [sflag:s2] =	dma.local @!p0 [hbm:s0], s1  }
0x66: {  	s0 =	simm.s32 @!p0 $0x2  }
0x67: {  	_ =	swait.ge @!p0 [sflag:s0], s1  }
0x68: {  	s1 =	ssub.s32 @!p0 $0x0, s1;
	[sflag:s0] =	ssyncset.done @!p0 $0x0  }
0x69: {  	[sflag:s0] =	ssyncadd.s32 @!p0 s1  }
0x6a: {  	[bflag:$0x3] =	sbarrier.arrive $0xFFFF  }
0x6b: {  	_ =	shalt  }

// kernel: kernel.32.cloned.1.call-start
scs
__scs_entry_jumppad:
0x0: {  	(pc) =	sbr.rel $0x88, $3  }
0x1: {  	(tag) =	ssettag $0x0;
	lr =	simm.s32 $0x1  }
0x2: {  	[smem:$0x3F9A] =	sst lr;
	_ =	strace $0xD0000000  }
0x3: {  	_ = 	snop  }
0x4: {  	_ = 	snop  }
0x5: {  	_ = 	snop  }
0x6: {  	_ = 	snop  }
0x7: {  	_ = 	snop  }
__scs_overlays_trampoline_lowered:
0x8: {  	[smem:$0x3FA9] =	sst s0  }
0x9: {  	[smem:$0x3FAA] =	sst s1  }
0xa: {  	[smem:$0x3FAB] =	sst s2  }
0xb: {  	[smem:$0x3FAC] =	sst s3  }
0xc: {  	[smem:$0x3FAD] =	sst s4  }
0xd: {  	[smem:$0x3FAE] =	sst s5  }
0xe: {  	[smem:$0x3FAF] =	sst s6  }
0xf: {  	[smem:$0x3FB0] =	sst s7  }
0x10: {  	[smem:$0x3FB1] =	sst s8  }
0x11: {  	[smem:$0x3FB2] =	sst s9;
	s0 =	simm.s32 @!p0 $0x0  }
0x12: {  	s1 =	sld [smem:$0x3F98];
	s0 =	simm.s32 @p0 $0x1  }
0x13: {  	[smem:$0x3FB3] =	sst s0;
	s0 =	simm.s32 @!p1 $0x0  }
0x14: {  	s2 =	sld [smem:$0x3F97];
	s0 =	simm.s32 @p1 $0x1  }
0x15: {  	[smem:$0x3FB4] =	sst s0;
	s0 =	simm.s32 @!p2 $0x0  }
0x16: {  	s3 =	sld [smem:$0x3FDB];
	s0 =	simm.s32 @p2 $0x1  }
0x17: {  	s4 =	simm.s32 $0x1BF5;
	[smem:$0x3FB6] =	sst s0  }
0x18: {  	s0 =	sld [smem:$0x3F99];
	_ =	swait.ge [sflag:s4], $0x0  }
0x19: {  	s7 =	sld [smem:$0x3F9A]  }
0x1a: {  	s8 =	sadd.s32 $0xFFFFE003, lr  }
0x1b: {  	s9 =	sadd.s32 $0xFFFFFEF7, lr;
	s5 =	simm.s32 $0xFFFFFFFF;
	p2 =	slt.u32 s8, $0xFFFFF086  }
0x1c: {  	p1 =	slt.u32 s9, $0xF7A;
	s5 =	simm.s32 @!p2 $0x0  }
0x1d: {  	s5 =	simm.s32 @p1 $0x1;
	p0 =	seq.s32 s7, s2  }
0x1e: {  	s7 =	smul.u32 @!p0 $0xF7A, s2;
	p2 =	seq.s32 @!p0 s5, $0x0  }
0x1f: {  	s9 =	smul.u32 $0xF7A, s1;
	s8 =	simm.s32 @!p0 $0x1BF5;
	p2 =	por !p2, p0  }
0x20: {  	[sflag:s8] =	ssyncset.s32 @!p0 $0xFFFFF086;
	s6 =	sadd.s32 @!p0 s3, s7;
	s7 =	simm.s32 @!p0 $0x108  }
0x21: {  	s3 =	sadd.s32 s3, s9;
	s6 =	sadd.s32 @!p0 $0x88, s6;
	s7 =	simm.s32 @p2 $0x1082  }
0x22: {  	[simem:s7], [sflag:s8] =	dma.local @!p0 [hbm:s6], $0xF7A  }
0x23: {  	s9 =	sor.u32 $0xD0000000, s2;
	s6 =	simm.s32 $0x108;
	_ =	swait.ge @!p0 [sflag:s8], $0x0  }
0x24: {  	s3 =	sadd.s32 $0x88, s3;
	s6 =	simm.s32 @!p1 $0x1082;
	[sflag:s4] =	ssyncset.s32 $0xFFFFF086  }
0x25: {  	[simem:s6], [sflag:s4] =	dma.local [hbm:s3], $0xF7A  }
0x26: {  	[smem:$0x3F9A] =	sst s1;
	(tag) =	ssettag s2;
	_ =	strace s9  }
0x27: {  	s1 =	sld [smem:$0x3FAA]  }
0x28: {  	s2 =	sld [smem:$0x3FAB]  }
0x29: {  	s4 =	sld [smem:$0x3FAD]  }
0x2a: {  	p0 =	seq.s32 s5, $0x0;
	s5 =	sld [smem:$0x3FAE]  }
0x2b: {  	s6 =	sld [smem:$0x3FAF]  }
0x2c: {  	s7 =	sld [smem:$0x3FB0]  }
0x2d: {  	s3 =	simm.s32 $0x108;
	s8 =	sld [smem:$0x3FB1]  }
0x2e: {  	s3 =	simm.s32 @!p0 $0x1082;
	s9 =	sld [smem:$0x3FB2]  }
0x2f: {  	lr =	sadd.s32 s0, s3;
	s0 =	sld [smem:$0x3FA9]  }
0x30: {  	s3 =	sld [smem:$0x3FAC]  }
0x31: {  	[smem:$0x3FB5] =	sst s10  }
0x32: {  	s10 =	sld [smem:$0x3FB3];
	_ =	sdelay $0x3  }
0x33: {  	p0 =	seq.s32 s10, $0x1;
	s10 =	sld [smem:$0x3FB5];
	_ =	sdelay $0x3  }
0x34: {  	[smem:$0x3FB5] =	sst s10  }
0x35: {  	s10 =	sld [smem:$0x3FB4];
	_ =	sdelay $0x3  }
0x36: {  	p1 =	seq.s32 s10, $0x1;
	s10 =	sld [smem:$0x3FB5];
	_ =	sdelay $0x3  }
0x37: {  	[smem:$0x3FB5] =	sst s10  }
0x38: {  	s10 =	sld [smem:$0x3FB6]  }
0x39: {  	_ = 	snop;
	(pc) =	sbr.ind lr, $3  }
0x3a: {  	_ = 	snop  }
0x3b: {  	_ = 	snop  }
0x3c: {  	p2 =	seq.s32 s10, $0x1;
	s10 =	sld [smem:$0x3FB5]  }
0x3d: {  	_ =	shalt  }
0x3e: {  	_ =	shalt  }
0x3f: {  	_ =	shalt  }
0x40: {  	_ =	shalt  }
0x41: {  	_ =	shalt  }
0x42: {  	_ =	shalt  }
0x43: {  	_ =	shalt  }
0x44: {  	_ =	shalt  }
0x45: {  	_ =	shalt  }
0x46: {  	_ =	shalt  }
0x47: {  	_ =	shalt  }
0x48: {  	_ =	shalt  }
0x49: {  	_ =	shalt  }
0x4a: {  	_ =	shalt  }
0x4b: {  	_ =	shalt  }
0x4c: {  	_ =	shalt  }
0x4d: {  	_ =	shalt  }
0x4e: {  	_ =	shalt  }
0x4f: {  	_ =	shalt  }
0x50: {  	_ =	shalt  }
0x51: {  	_ =	shalt  }
0x52: {  	_ =	shalt  }
0x53: {  	_ =	shalt  }
0x54: {  	_ =	shalt  }
0x55: {  	_ =	shalt  }
0x56: {  	_ =	shalt  }
0x57: {  	_ =	shalt  }
0x58: {  	_ =	shalt  }
0x59: {  	_ =	shalt  }
0x5a: {  	_ =	shalt  }
0x5b: {  	_ =	shalt  }
0x5c: {  	_ =	shalt  }
0x5d: {  	_ =	shalt  }
0x5e: {  	_ =	shalt  }
0x5f: {  	_ =	shalt  }
0x60: {  	_ =	shalt  }
0x61: {  	_ =	shalt  }
0x62: {  	_ =	shalt  }
0x63: {  	_ =	shalt  }
0x64: {  	_ =	shalt  }
0x65: {  	_ =	shalt  }
0x66: {  	_ =	shalt  }
0x67: {  	_ =	shalt  }
0x68: {  	_ =	shalt  }
0x69: {  	_ =	shalt  }
0x6a: {  	_ =	shalt  }
0x6b: {  	_ =	shalt  }
0x6c: {  	_ =	shalt  }
0x6d: {  	_ =	shalt  }
0x6e: {  	_ =	shalt  }
0x6f: {  	_ =	shalt  }
0x70: {  	_ =	shalt  }
0x71: {  	_ =	shalt  }
0x72: {  	_ =	shalt  }
0x73: {  	_ =	shalt  }
0x74: {  	_ =	shalt  }
0x75: {  	_ =	shalt  }
0x76: {  	_ =	shalt  }
0x77: {  	_ =	shalt  }
0x78: {  	_ =	shalt  }
0x79: {  	_ =	shalt  }
0x7a: {  	_ =	shalt  }
0x7b: {  	_ =	shalt  }
0x7c: {  	_ =	shalt  }
0x7d: {  	_ =	shalt  }
0x7e: {  	_ =	shalt  }
0x7f: {  	_ =	shalt  }
0x80: {  	_ =	shalt  }
0x81: {  	_ =	shalt  }
0x82: {  	_ =	shalt  }
0x83: {  	_ =	shalt  }
0x84: {  	_ =	shalt  }
0x85: {  	_ =	shalt  }
0x86: {  	_ =	shalt  }
0x87: {  	_ =	shalt  }
.Lfunc_end0:
.L_simem_size_0:
called_computation.6_lowered:
.L_overlay_start_0:
0x88: {  	s2 =	sld [smem:$0x3FD9]  }
0x89: {  	s3 =	sld [smem:$0x3FFE];
	_ =	sdelay $0x1  }
0x8a: {  	s1 =	srdreg.scid  }
0x8b: {  	s0 =	sand.u32 $0x1, s1  }
0x8c: {  	s16 =	sshll.u32 s0, $0xA;
	s2 =	sadd.s32 s3, s2  }
0x8d: {  	s2 =	sadd.s32 s2, s16  }
0x8e: {  	[smem:$0x3FC1] =	sst s2  }
0x8f: {  	_ = 	snop  }
0x90: {  	(tm) =	ssettm $0x1  }
0x91: {  	s17 =	sld [smem:$0x3FFB];
	_ =	sdelay $0x3  }
0x92: {  	_ =	strace s17  }
0x93: {  	s2 =	sld [smem:$0x3FFC];
	_ =	sdelay $0x3  }
0x94: {  	_ =	strace s2  }
0x95: {  	s2 =	sld [smem:$0x3FFD];
	_ =	sdelay $0x3  }
0x96: {  	_ =	strace s2  }
0x97: {  	_ =	strace $0x8FFFFFFF  }
0x98: {  	s18 =	sld [smem:$0x3FDB];
	_ =	sdelay $0x1  }
0x99: {  	s19 =	simm.s32 $_scs_section_size  }
0x9a: {  	s4 =	simm.s32 $_size__tile_overlayer_lowered;
	s5 =	simm.s32 $_tile_overlayer_lowered  }
0x9b: {  	s22 =	simm.s32 $0x1BFF;
	s21 =	sshll.u32 s5, $0x1;
	s2 =	sadd.s32 s19, s18  }
0x9c: {  	s6 =	simm.s32 $0x0;
	s20 =	sshll.u32 s4, $0x1;
	s4 =	sadd.s32 s21, s2  }
0x9d: {  	[timem:s6], [sflag:s22] =	dma.local [hbm:s4], s20  }
0x9e: {  	_ =	swait.ge [sflag:s22], s20  }
0x9f: {  	s3 =	ssub.s32 $0x0, s20;
	[sflag:s22] =	ssyncset.done $0x0  }
0xa0: {  	[sflag:s22] =	ssyncadd.s32 s3;
	_ =	sdelay $0x1  }
0xa1: {  	s23 =	simm.s32 $0x1B8B  }
0xa2: {  	_ =	swait.ge [sflag:s23], $0x1  }
0xa3: {  	[sflag:s23] =	ssyncset.done $0x0  }
0xa4: {  	s25 =	simm.s32 $0x1B8E;
	s24 =	sld [smem:$0x3FFE];
	[sflag:s23] =	ssyncadd.s32 $0xFFFFFFFF  }
0xa5: {  	s26 =	simm.s32 $execute0_lowered;
	[smem:$0x3FD2] =	sst s25  }
0xa6: {  	s4 =	sshll.u32 s26, $0x1;
	_ =	strace $0x80000058;
	[dreg:$0x1] =	wrdreg $0xFFFFFFFF  }
0xa7: {  	s28 =	simm.s32 $_size_execute0_lowered;
	s2 =	sadd.s32 s2, s4;
	[dreg:$0x0] =	wrdreg $0x0  }
0xa8: {  	s4 =	sshll.u32 s28, $0x1;
	[dreg:$0x2] =	wrdreg s2  }
0xa9: {  	[dreg:$0x3] =	wrdreg s4  }
0xaa: {  	[dreg:$0x4] =	wrdreg $0xC0  }
0xab: {  	_ =	task [dreg:s6], $0x5FFFF  }
0xac: {  	[dreg:$0x1] =	wrdreg $0xFFFFFFFF  }
0xad: {  	[dreg:$0x0] =	wrdreg $0x60  }
0xae: {  	[dreg:$0x2] =	wrdreg s24  }
0xaf: {  	[dreg:$0x3] =	wrdreg $0x98000  }
0xb0: {  	[dreg:$0x4] =	wrdreg $0x9  }
0xb1: {  	_ =	task.clear_ibuf [dreg:s6], $0x5FFFF;
	_ =	strace $0x90000058  }
0xb2: {  	s29 =	simm.s32 $0x9;
	_ =	strace $0x8000005A  }
0xb3: {  	_ =	swait.ge [sflag:s29], $0x1  }
0xb4: {  	[sflag:s29] =	ssyncadd.s32 $0xFFFFFFFF  }
0xb5: {  	_ =	strace $0x9000005A  }
0xb6: {  	_ =	sfence  }
0xb7: {  	s30 =	sld [smem:$0x0];
	_ =	sdelay $0x2  }
0xb8: {  	s31 =	sshll.u32 s1, $0xD;
	s1 =	sshrl.u32 s1, $0x2  }
0xb9: {  	s3 =	sand.u32 $0x4000, s31;
	s1 =	sadd.s32 s1, s30  }
0xba: {  	s0 =	sor.u32 s3, s0;
	s1 =	sshll.u32 s1, $0x11  }
0xbb: {  	s0 =	sor.u32 s1, s0  }
0xbc: {  	s0 =	sadd.s32 $0x8F2B, s0  }
0xbd: {  	[sflag:s0] =	ssyncadd.remote.s32 $0x1  }
0xbe: {  	_ =	sfence.sel $0xFFFF  }
0xbf: {  	[dreg:$0x0] =	wrdreg $0xFFFFFFFF;
	(pc) =	sbr.abs _section_cstart, $3  }
0xc0: {  	[dreg:$0x1] =	wrdreg $0xFFFFFFFF  }
0xc1: {  	_ =	task.clear_ibuf [dreg:s6], $0x2FFFF;
	_ =	strace $0x9FFFFFFF  }
0xc2: {  	(tm) =	ssettm $0x7FFFFFFF  }
0xc3: {  	_ =	shalt  }
tec
execute0_lowered:
.L_overlay_start_1:
0x0: {  	(tag) =	ssettag $0x1  }
0x1: {  	s5 =	rddreg [dreg:$0x0]  }
0x2: {  	s2 =	rddreg [dreg:$0x1]  }
0x3: {  	s0 =	rddreg [dreg:$0x2];
	s4 =	srdreg.scid  }
0x4: {  	s1 =	stileid.u32;
	s3 =	simm.s32 $0x0;
	s14 =	simm.s32 $0x2  }
0x5: {  	s15 =	simm.s32 $0x2800;
	s16 =	simm.s32 $0x5000;
	s17 =	simm.s32 $0x80  }
0x6: {  	s18 =	simm.s32 $0x1;
	s21 =	simm.s32 $0x0;
	s7 =	smul.u32 $0x16800, s1  }
0x7: {  	s6 =	sand.u32 $0x1, s4;
	[smem:$0x7FF] =	sst s3;
	s10 =	smul.u32 $0x5A000, s1  }
0x8: {  	s19 =	sshll.u32 s1, $0x6;
	s4 =	sshll.u32 s6, $0x4;
	s8 =	smul.u32 $0x168000, s6  }
0x9: {  	_ =	strace $0x80000059;
	s6 =	ssub.s32 $0x2, s6;
	s19 =	sor.u32 $0x1C02, s19  }
0xa: {  	s9 =	sor.u32 s1, s4;
	s4 =	sadd.s32 $0x3F200, s5;
	s30 =	sshrl.u32 s6, $0x1  }
0xb: {  	s31 =	sshrl.u32 s10, $0x2;
	s9 =	smul.u32 $0x500, s9;
	s8 =	sadd.s32 s7, s8  }
0xc: {  	s13 =	ssub.s32 s6, s30;
	s7 =	sadd.s32 s7, s2;
	s11 =	sadd.s32 s31, s2  }
0xd: {  	s8 =	sshrl.u32 s8, $0x3;
	s10 =	sadd.s32 $0xD800, s11;
	s13 =	smax.u32 s13, $0x1  }
0xe: {  	s20 =	sshrl.u32 s7, $0x3;
	s9 =	sadd.s32 s9, s5;
	s12 =	sadd.s32 s8, s5  }
0xf: {  	s8 =	sadd.s32 $0x4800, s11;
	s5 =	sadd.s32 $0x2B200, s9;
	s6 =	sadd.s32 $0x35200, s9  }
0x10: {  	v0 =	vimm.f32 $0.0e+00;
	s9 =	sadd.s32 $0x9000, s11;
	s11 =	sadd.s32 $0x12000, s11;
	s12 =	sadd.s32 $0x6C200, s12  }
.LBB2_1:
0x11: {  	[tilespmem:s3], [sflag:$0x2] =	stream.linear.gather [hbm4b:s5+s3], $0x2800, $0x38;
	v63 =	vld [tilespmem:$0x0]  }
0x12: {  	_ =	swait.ge [sflag:s14], $0x2800  }
0x13: {  	[sflag:s14] =	ssyncset.done $0x0  }
0x14: {  	[sflag:s14] =	ssyncadd.s32 $0xFFFFD800  }
0x15: {  	[tilespmem:s15], [sflag:$0x2] =	stream.linear.gather [hbm4b:s6+s3], $0x2800, $0x38;
	v63 =	vld [tilespmem:$0x0]  }
0x16: {  	_ =	swait.ge [sflag:s14], $0x2800  }
0x17: {  	[sflag:s14] =	ssyncset.done $0x0  }
0x18: {  	s22 =	simm.s32 $0x0;
	s23 =	simm.s32 $0x240;
	[sflag:s14] =	ssyncadd.s32 $0xFFFFD800  }
.LBB2_2:
0x19: {  	p0 =	sne.s32 s23, $0x11DC0;
	[tilespmem:s22+$0x5080] =	vst v0  }
0x1a: {  	[tilespmem:s22+$0x5000] =	vst v0  }
0x1b: {  	[tilespmem:s22+$0x5010] =	vst v0  }
0x1c: {  	[tilespmem:s22+$0x5020] =	vst v0  }
.Ltmp0:
0x1d: {  	[tilespmem:s22+$0x5030] =	vst v0;
	(pc) =	sbr.rel @p0 .LBB2_2-.Ltmp0, $4  }
0x1e: {  	[tilespmem:s22+$0x5040] =	vst v0  }
0x1f: {  	[tilespmem:s22+$0x5050] =	vst v0  }
0x20: {  	[tilespmem:s22+$0x5060] =	vst v0  }
0x21: {  	[tilespmem:s22+$0x5070] =	vst v0;
	s22 =	sshra.s32 s23, $0x2;
	s23 =	sadd.s32 $0x240, s23  }
0x22: {  	[tilespmem:s22+$0x5080] =	vst v0  }
0x23: {  	[tilespmem:s22+$0x5000] =	vst v0  }
0x24: {  	[tilespmem:s22+$0x5010] =	vst v0  }
0x25: {  	[tilespmem:s22+$0x5020] =	vst v0  }
0x26: {  	[tilespmem:s22+$0x5030] =	vst v0  }
0x27: {  	[tilespmem:s22+$0x5040] =	vst v0  }
0x28: {  	[tilespmem:s22+$0x5050] =	vst v0  }
0x29: {  	[tilespmem:s22+$0x5060] =	vst v0  }
0x2a: {  	[tilespmem:s22+$0x5070] =	vst v0  }
0x2b: {  	[spmem:s7] =	stream.linear.scatter [tilespmem:s16], [sflag:$0x2], $0x4800, $0x38;
	v63 =	vld [tilespmem:$0x0]  }
0x2c: {  	_ =	swait.ge [sflag:s14], $0x4800  }
0x2d: {  	[sflag:s14] =	ssyncset.done $0x0  }
0x2e: {  	[sflag:s14] =	ssyncadd.s32 $0xFFFFB800  }
0x2f: {  	[spmem:s8] =	stream.linear.scatter [tilespmem:s16], [sflag:$0x2], $0x4800, $0x38;
	v63 =	vld [tilespmem:$0x0]  }
0x30: {  	_ =	swait.ge [sflag:s14], $0x4800  }
0x31: {  	[sflag:s14] =	ssyncset.done $0x0  }
0x32: {  	[sflag:s14] =	ssyncadd.s32 $0xFFFFB800  }
0x33: {  	[spmem:s9] =	stream.linear.scatter [tilespmem:s16], [sflag:$0x2], $0x4800, $0x38;
	v63 =	vld [tilespmem:$0x0]  }
0x34: {  	_ =	swait.ge [sflag:s14], $0x4800  }
0x35: {  	[sflag:s14] =	ssyncset.done $0x0  }
0x36: {  	[sflag:s14] =	ssyncadd.s32 $0xFFFFB800  }
0x37: {  	[spmem:s10] =	stream.linear.scatter [tilespmem:s16], [sflag:$0x2], $0x4800, $0x38;
	v63 =	vld [tilespmem:$0x0]  }
0x38: {  	_ =	swait.ge [sflag:s14], $0x4800  }
0x39: {  	[sflag:s14] =	ssyncset.done $0x0  }
0x3a: {  	[sflag:s14] =	ssyncadd.s32 $0xFFFFB800  }
0x3b: {  	[spmem:s11] =	stream.linear.scatter [tilespmem:s16], [sflag:$0x2], $0x4800, $0x38;
	v63 =	vld [tilespmem:$0x0]  }
0x3c: {  	_ =	swait.ge [sflag:s14], $0x4800  }
0x3d: {  	[sflag:s14] =	ssyncset.done $0x0  }
0x3e: {  	[sflag:s14] =	ssyncadd.s32 $0xFFFFB800  }
0x3f: {  	s30 =	simm.s32 $0x0;
	[bflag:$0x0] =	sbarrier.arrive $0xFFFF  }
0x40: {  	[tilespmem:s16], [sflag:$0x1] =	stream.indirect.gather [hbm4b:s4+s17], $0x90, s30, s17, $0xb8;
	v63 =	vld [tilespmem:$0x0]  }
0x41: {  	_ =	swait.ge [sflag:s18], $0x4800  }
0x42: {  	[sflag:s18] =	ssyncset.done $0x0  }
0x43: {  	s31 =	simm.s32 $0x2800;
	[sflag:s18] =	ssyncadd.s32 $0xFFFFB800  }
0x44: {  	[spmem:s2] =	stream.indirect.scatter.add.f32 [tilespmem:s16], [sflag:$0x2], $0x90, s31, s17, $0xb8;
	v63 =	vld [tilespmem:$0x0]  }
0x45: {  	_ =	swait.ge [sflag:s14], $0x4800  }
0x46: {  	s22 =	simm.s32 $0x200;
	s23 =	simm.s32 $0x400;
	[sflag:s14] =	ssyncset.done $0x0  }
.LBB2_4:
0x47: {  	s24 =	sshra.s32 s22, $0x2  }
0x48: {  	[sflag:s14] =	ssyncadd.s32 $0xFFFFB800;
	s22 =	smov.u32 s23;
	s25 =	sadd.s32 $0x200, s23  }
0x49: {  	[tilespmem:s16], [sflag:$0x1] =	stream.indirect.gather [hbm4b:s4+s17], $0x90, s24, s17, $0xb8;
	v63 =	vld [tilespmem:$0x0]  }
0x4a: {  	p0 =	sne.s32 s23, $0x9E00;
	_ =	swait.ge [sflag:s18], $0x4800  }
.Ltmp1:
0x4b: {  	[sflag:s18] =	ssyncset.done $0x0;
	(pc) =	sbr.rel @p0 .LBB2_4-.Ltmp1, $4  }
0x4c: {  	s23 =	sadd.s32 $0x2800, s24;
	[sflag:s18] =	ssyncadd.s32 $0xFFFFB800  }
0x4d: {  	[spmem:s2] =	stream.indirect.scatter.add.f32 [tilespmem:s16], [sflag:$0x2], $0x90, s23, s17, $0xb8;
	v63 =	vld [tilespmem:$0x0]  }
0x4e: {  	_ =	swait.ge [sflag:s14], $0x4800  }
0x4f: {  	s23 =	smov.u32 s25;
	[sflag:s14] =	ssyncset.done $0x0  }
0x50: {  	s22 =	sshra.s32 s22, $0x2;
	[sflag:s14] =	ssyncadd.s32 $0xFFFFB800  }
0x51: {  	[tilespmem:s16], [sflag:$0x1] =	stream.indirect.gather [hbm4b:s4+s17], $0x90, s22, s17, $0xb8;
	v63 =	vld [tilespmem:$0x0]  }
0x52: {  	_ =	swait.ge [sflag:s18], $0x4800  }
0x53: {  	[sflag:s18] =	ssyncset.done $0x0  }
0x54: {  	s22 =	sadd.s32 $0x2800, s22;
	[sflag:s18] =	ssyncadd.s32 $0xFFFFB800  }
0x55: {  	[spmem:s2] =	stream.indirect.scatter.add.f32 [tilespmem:s16], [sflag:$0x2], $0x90, s22, s17, $0xb8;
	v63 =	vld [tilespmem:$0x0]  }
0x56: {  	_ =	swait.ge [sflag:s14], $0x4800  }
0x57: {  	s21 =	sadd.s32 $0x1, s21;
	[sflag:s14] =	ssyncset.done $0x0  }
0x58: {  	p0 =	sne.s32 s21, s13;
	[sflag:s14] =	ssyncadd.s32 $0xFFFFB800  }
.Ltmp2:
0x59: {  	[bflag:$0x0] =	sbarrier.arrive $0xFFFF;
	(pc) =	sbr.rel @p0 .LBB2_1-.Ltmp2, $4  }
0x5a: {  	[hbm:s12], [sflag:s19] =	dma.local [spmem:s20], $0x2D00  }
0x5b: {  	_ =	swait.ge [sflag:s14], $0x2D00  }
0x5c: {  	[sflag:s14] =	ssyncset.done $0x0  }
0x5d: {  	[sflag:s14] =	ssyncadd.s32 $0xFFFFD300  }
0x5e: {  	_ =	sfence.sel $0x180000  }
0x5f: {  	[bflag:$0x0] =	sbarrier.arrive $0xFFFF  }
0x60: {  	p0 =	sne.s32 s1, $0x0;
	_ =	strace $0x90000059  }
0x61: {  	s0 =	sadd.s32 @!p0 $0x100000, s0;
	[bflag:$0x2] =	sbarrier.arrive $0xFFFF  }
0x62: {  	[sflag:s0] =	ssyncadd.tile.s32 @!p0 $0x1;
	_ =	shalt  }
.Lfunc_end2:
_tile_overlayer_lowered:
.L_overlay_start_2:
0x63: {  	(tag) =	ssettag $0x2  }
0x64: {  	s0 =	rddreg [dreg:$0x0];
	s2 =	stileid.u32  }
0x65: {  	s1 =	rddreg [dreg:$0x1];
	p0 =	sne.s32 s2, $0x0  }
0x66: {  	s3 =	rddreg [dreg:$0x2];
	[bflag:$0x3] =	sbarrier.arrive $0xFFFF;
	s2 =	simm.s32 @!p0 $0x1C02  }
0x67: {  	[timem:s3], [sflag:s2] =	dma.local @!p0 [hbm:s0], s1  }
0x68: {  	s0 =	simm.s32 @!p0 $0x2  }
0x69: {  	_ =	swait.ge @!p0 [sflag:s0], s1  }
0x6a: {  	s1 =	ssub.s32 @!p0 $0x0, s1;
	[sflag:s0] =	ssyncset.done @!p0 $0x0  }
0x6b: {  	[sflag:s0] =	ssyncadd.s32 @!p0 s1  }
0x6c: {  	[bflag:$0x3] =	sbarrier.arrive $0xFFFF  }
0x6d: {  	_ =	shalt  }

</sc_bundles>
